<compile_context>
chip_gen: v7x
topology: tpu7x:2x2x1
jax: 0.10.2.dev20260603
libtpu: 0.0.44.dev20260713+nightly
codegen_flags: <defaults>
</compile_context>

<pallas_src>
import functools

import jax
import jax.numpy as jnp
import numpy as np
from jax import lax
from jax.experimental import pallas as pl
from jax.experimental.pallas import tpu as pltpu
from jax.experimental.pallas import tpu_sc as plsc

_N = 10000
_E = 160000
_TW = 25
_NV = 2
_D = 128
_L = 4

_NP = 10240
_EP = 163840
_NB = 1280
_EB = 2048
_CH = 128
_NC = 2
_NS = 16
_NWORK = _NC * _NS
_CPW = _EP // (_NWORK * _CH)
_RPT = _NP // _NS
_DUMP = _N

_HIGH = lax.Precision.DEFAULT


def _silu(x):
    return x * (1.0 / (1.0 + jnp.exp(-x)))


def _dot(a, b, precision=_HIGH):
    return lax.dot_general(a, b, (((1,), (0,)), ((), ())),
                           precision=precision,
                           preferred_element_type=jnp.float32)



def _enc_body(u_ref, pos_ref, var_ref, w1u, w1p, w1v, b1, w2, b2, x_out):
    h = _dot(u_ref[...], w1u[...]) + _dot(pos_ref[...], w1p[...]) \
        + _dot(var_ref[...], w1v[...]) + b1[...]
    h = _silu(h)
    x_out[...] = _silu(_dot(h, w2[...]) + b2[...])


def _encoder(u, pos, var, w1u, w1p, w1v, b1, w2, b2):
    g = _NP // _NB
    row = lambda c: pl.BlockSpec((_NB, c), lambda i: (i, 0))
    full = lambda r, c: pl.BlockSpec((r, c), lambda i: (0, 0))
    return pl.pallas_call(
        _enc_body,
        grid=(g,),
        in_specs=[row(_TW), row(1), row(_NV), full(_TW, _D), full(1, _D),
                  full(_NV, _D), full(1, _D), full(_D, _D), full(1, _D)],
        out_specs=row(_D),
        out_shape=jax.ShapeDtypeStruct((_NP, _D), jnp.float32),
    )(u, pos, var, w1u, w1p, w1v, b1, w2, b2)


def _pack2(a):
    ah = a[:, :64].astype(jnp.bfloat16)
    al = a[:, 64:].astype(jnp.bfloat16)
    hu = lax.bitcast_convert_type(ah, jnp.uint16).astype(jnp.uint32)
    lu = lax.bitcast_convert_type(al, jnp.uint16).astype(jnp.uint32)
    return lax.bitcast_convert_type((hu << 16) | lu, jnp.float32)


def _unpack2(w):
    u = lax.bitcast_convert_type(w, jnp.uint32)
    hi = lax.bitcast_convert_type((u >> 16).astype(jnp.uint16), jnp.bfloat16)
    lo = lax.bitcast_convert_type(u.astype(jnp.uint16), jnp.bfloat16)
    return jnp.concatenate([hi, lo], axis=1).astype(jnp.float32)


def _pre_body_norm(y_ref, st_ref, u_ref, pos_ref, var_ref,
                   wxi, wxj, wdu, wdp, wvar, bm, xn_out, tab_out):
    mean = st_ref[0:1, :] * (1.0 / _N)
    ex2 = st_ref[1:2, :] * (1.0 / _N)
    rstd = lax.rsqrt(ex2 - mean * mean + 1e-5)
    xn = (y_ref[...] - mean) * rstd
    t = _dot(u_ref[...], wdu[...]) + _dot(pos_ref[...], wdp[...])
    xn_out[...] = xn
    tab_out[0] = _pack2(_dot(xn, wxi[...]) + t + _dot(var_ref[...], wvar[...])
                        + bm[...])
    tab_out[1] = _pack2(_dot(xn, wxj[...]) - t)


def _pre_body_raw(y_ref, u_ref, pos_ref, var_ref,
                  wxi, wxj, wdu, wdp, wvar, bm, xn_out, tab_out):
    xn = y_ref[...]
    t = _dot(u_ref[...], wdu[...]) + _dot(pos_ref[...], wdp[...])
    xn_out[...] = xn
    tab_out[0] = _pack2(_dot(xn, wxi[...]) + t + _dot(var_ref[...], wvar[...])
                        + bm[...])
    tab_out[1] = _pack2(_dot(xn, wxj[...]) - t)


def _pre(y, stats, u, pos, var, wxi, wxj, wdu, wdp, wvar, bm):
    g = _NP // _NB
    row = lambda c: pl.BlockSpec((_NB, c), lambda i: (i, 0))
    full = lambda r, c: pl.BlockSpec((r, c), lambda i: (0, 0))
    outs = (jax.ShapeDtypeStruct((_NP, _D), jnp.float32),
            jax.ShapeDtypeStruct((_NC, _NP, _D // 2), jnp.float32))
    out_specs = (row(_D),
                 pl.BlockSpec((_NC, _NB, _D // 2), lambda i: (0, i, 0)))
    common = [row(_TW), row(1), row(_NV), full(_D, _D), full(_D, _D),
              full(_TW, _D), full(1, _D), full(_NV, _D), full(1, _D)]
    if stats is None:
        return pl.pallas_call(
            _pre_body_raw, grid=(g,),
            in_specs=[row(_D)] + common,
            out_specs=out_specs, out_shape=outs,
        )(y, u, pos, var, wxi, wxj, wdu, wdp, wvar, bm)
    return pl.pallas_call(
        _pre_body_norm, grid=(g,),
        in_specs=[row(_D), full(8, _D)] + common,
        out_specs=out_specs, out_shape=outs,
    )(y, stats, u, pos, var, wxi, wxj, wdu, wdp, wvar, bm)


def _edge_body(ma_ref, mb_ref, w, b, out_ref):
    h = _silu(_unpack2(ma_ref[0]) + _unpack2(mb_ref[0]))
    out_ref[...] = _silu(_dot(h, w[...], precision=lax.Precision.DEFAULT) + b[...])


def _edge_mlp(mpab, w, b):
    g = _EP // _EB
    return pl.pallas_call(
        _edge_body, grid=(g,),
        in_specs=[pl.BlockSpec((1, _EB, _D // 2), lambda i: (0, i, 0)),
                  pl.BlockSpec((1, _EB, _D // 2), lambda i: (1, i, 0)),
                  pl.BlockSpec((_D, _D), lambda i: (0, 0)),
                  pl.BlockSpec((1, _D), lambda i: (0, 0))],
        out_specs=pl.BlockSpec((_EB, _D), lambda i: (i, 0)),
        out_shape=jax.ShapeDtypeStruct((_EP, _D), jnp.float32),
    )(mpab, mpab, w, b)


def _upd_body(xn_ref, a0_ref, a1_ref, d0_ref, d1_ref, var_ref,
              wux, wua, wuv, bu1, wu2, bu2, y_out, st_out):
    i = pl.program_id(0)
    deg = jnp.clip(d0_ref[0, :, 0:1] + d1_ref[0, :, 0:1], 1.0, None)
    agg = (a0_ref[0] + a1_ref[0]) / deg
    xn = xn_ref[...]
    h = _silu(_dot(xn, wux[...]) + _dot(agg, wua[...])
              + _dot(var_ref[...], wuv[...]) + bu1[...])
    y = xn + _silu(_dot(h, wu2[...]) + bu2[...])
    y_out[...] = y
    rows = i * _NB + lax.broadcasted_iota(jnp.int32, (_NB, 1), 0)
    ym = jnp.where(rows < _N, y, 0.0)
    s = jnp.sum(ym, axis=0, keepdims=True)
    ss = jnp.sum(ym * ym, axis=0, keepdims=True)
    blk = jnp.concatenate([s, ss, jnp.zeros((6, _D), jnp.float32)], axis=0)

    @pl.when(i == 0)
    def _():
        st_out[...] = blk

    @pl.when(i != 0)
    def _():
        st_out[...] = st_out[...] + blk


def _update(xn, aggp, degp, var, wux, wua, wuv, bu1, wu2, bu2):
    g = _NP // _NB
    row = lambda c: pl.BlockSpec((_NB, c), lambda i: (i, 0))
    full = lambda r, c: pl.BlockSpec((r, c), lambda i: (0, 0))
    part = lambda c, s: pl.BlockSpec((1, _NB, c), lambda i, _s=s: (_s, i, 0))
    return pl.pallas_call(
        _upd_body, grid=(g,),
        in_specs=[row(_D), part(_D, 0), part(_D, 1), part(8, 0), part(8, 1),
                  row(_NV),
                  full(_D, _D), full(_D, _D), full(_NV, _D), full(1, _D),
                  full(_D, _D), full(1, _D)],
        out_specs=(row(_D), full(8, _D)),
        out_shape=(jax.ShapeDtypeStruct((_NP, _D), jnp.float32),
                   jax.ShapeDtypeStruct((8, _D), jnp.float32)),
    )(xn, aggp, aggp, degp, degp, var, wux, wua, wuv, bu1, wu2, bu2)


def _dec_body(y_ref, st_ref, u_ref, dt_ref, w1m, b1f, w2m, b2, out_ref):
    mean = st_ref[0:1, :] * (1.0 / _N)
    ex2 = st_ref[1:2, :] * (1.0 / _N)
    rstd = lax.rsqrt(ex2 - mean * mean + 1e-5)
    xn = (y_ref[...] - mean) * rstd
    h1 = _silu(_dot(xn, w1m[...]) + b1f[...])
    diff = _dot(h1, w2m[...]) + b2[0, 0]
    tgrid = lax.broadcasted_iota(jnp.int32, (1, _TW), 1).astype(jnp.float32) + 1.0
    dtv = tgrid * dt_ref[0, 0]
    out_ref[...] = u_ref[:, _TW - 1:_TW] + dtv * diff


def _decoder(y, stats, u, dt, w1m, b1f, w2m, b2):
    g = _NP // _NB
    row = lambda c: pl.BlockSpec((_NB, c), lambda i: (i, 0))
    full = lambda r, c: pl.BlockSpec((r, c), lambda i: (0, 0))
    return pl.pallas_call(
        _dec_body, grid=(g,),
        in_specs=[row(_D), full(8, _D), row(_TW), full(1, 1),
                  full(_D, 304), full(1, 304), full(304, _TW), full(1, 1)],
        out_specs=row(_TW),
        out_shape=jax.ShapeDtypeStruct((_NP, _TW), jnp.float32),
    )(y, stats, u, dt, w1m, b1f, w2m, b2)



_MESH = plsc.VectorSubcoreMesh(core_axis_name="c", subcore_axis_name="s")


_HD = _D // 2
_CPT = _EP // _CH // _NS


def _sc_gather(idx3, tabs):

    @functools.partial(
        pl.kernel,
        out_type=jax.ShapeDtypeStruct((_NC, _EP, _HD), jnp.float32),
        mesh=_MESH,
        scratch_types=[
            pltpu.VMEM((_CPT, _CH), jnp.int32),
            pltpu.VMEM((_CH, _HD), jnp.float32),
            pltpu.VMEM((_CH, _HD), jnp.float32),
            pltpu.VMEM_SHARED((_NP, _HD), jnp.float32),
            pltpu.SemaphoreType.DMA,
            pltpu.SemaphoreType.DMA,
        ],
    )
    def k(idx_hbm, tab_hbm, out_hbm, idxb, r0b, r1b, table, sw0, sw1):
        rbufs, sws = (r0b, r1b), (sw0, sw1)
        cid = lax.axis_index("c")
        sid = lax.axis_index("s")
        c0 = sid * _CPT
        pltpu.sync_copy(idx_hbm.at[cid, pl.ds(c0, _CPT)], idxb)
        pltpu.sync_copy(tab_hbm.at[cid, pl.ds(sid * _RPT, _RPT)],
                        table.at[pl.ds(sid * _RPT, _RPT)])
        plsc.subcore_barrier()

        def outer(g, _):
            for b in range(2):
                j = g * 2 + b
                rows = rbufs[b]

                @pl.when(j >= 2)
                def _():
                    pltpu.make_async_copy(out_hbm.at[cid, pl.ds(0, _CH)],
                                          rows, sws[b]).wait()

                pltpu.sync_copy(table.at[idxb.at[j]], rows)
                pltpu.async_copy(
                    rows, out_hbm.at[cid, pl.ds((c0 + j) * _CH, _CH)], sws[b])
            return 0

        lax.fori_loop(0, _CPT // 2, outer, 0)
        for b in range(2):
            pltpu.make_async_copy(out_hbm.at[cid, pl.ds(0, _CH)], rbufs[b],
                                  sws[b]).wait()

    return k(idx3, tabs)


def _zero_vmem(ref, rows, cols):
    z = jnp.zeros((16,), jnp.float32)

    def zr(r, _):
        for q in range(cols // 16):
            ref[r, pl.ds(q * 16, 16)] = z
        return 0

    lax.fori_loop(0, rows, zr, 0)


def _sc_scatter(m2, dst2):

    @functools.partial(
        pl.kernel,
        out_type=jax.ShapeDtypeStruct((_NC, _NP, _D), jnp.float32),
        mesh=_MESH,
        scratch_types=[
            pltpu.VMEM((_CPW, _CH), jnp.int32),
            pltpu.VMEM((_CH, _D), jnp.float32),
            pltpu.VMEM((_CH, _D), jnp.float32),
            pltpu.VMEM_SHARED((_NP, _D), jnp.float32),
            pltpu.SemaphoreType.DMA,
            pltpu.SemaphoreType.DMA,
            pltpu.SemaphoreType.DMA,
            pltpu.SemaphoreType.DMA,
        ],
    )
    def k(m2_hbm, dst_hbm, agg_hbm, idxb, r0buf, r1buf, acc, sl0, sl1, ss0, ss1):
        rbufs, sls, sss = (r0buf, r1buf), (sl0, sl1), (ss0, ss1)
        cid = lax.axis_index("c")
        sid = lax.axis_index("s")
        wid = sid * _NC + cid
        c0 = wid * _CPW
        r0 = sid * _RPT
        pltpu.sync_copy(dst_hbm.at[pl.ds(c0, _CPW)], idxb)
        _zero_vmem(r0buf, _CH, _D)
        for t in range(_RPT // _CH):
            pltpu.sync_copy(r0buf, acc.at[pl.ds(r0 + t * _CH, _CH)])
        plsc.subcore_barrier()
        pltpu.async_copy(m2_hbm.at[pl.ds(c0 * _CH, _CH)], rbufs[0], sls[0])

        def outer(g, _):
            for b in range(2):
                j = g * 2 + b
                ob = 1 - b
                rows = rbufs[b]
                pltpu.make_async_copy(m2_hbm.at[pl.ds(0, _CH)], rows,
                                      sls[b]).wait()
                pltpu.async_copy(rows, acc.at[idxb.at[j]], sss[b], add=True)

                @pl.when(j >= 1)
                def _():
                    pltpu.make_async_copy(acc.at[pl.ds(0, _CH)], rbufs[ob],
                                          sss[ob]).wait()

                @pl.when(j + 1 < _CPW)
                def _():
                    pltpu.async_copy(m2_hbm.at[pl.ds((c0 + j + 1) * _CH, _CH)],
                                     rbufs[ob], sls[ob])

            return 0

        lax.fori_loop(0, _CPW // 2, outer, 0)
        pltpu.make_async_copy(acc.at[pl.ds(0, _CH)], rbufs[(_CPW - 1) % 2],
                              sss[(_CPW - 1) % 2]).wait()
        plsc.subcore_barrier()
        pltpu.sync_copy(acc.at[pl.ds(r0, _RPT)], agg_hbm.at[cid, pl.ds(r0, _RPT)])

    return k(m2, dst2)


def _sc_degree(dst2, ones_c, zeros_c):

    @functools.partial(
        pl.kernel,
        out_type=jax.ShapeDtypeStruct((_NC, _NP, 8), jnp.float32),
        mesh=_MESH,
        scratch_types=[
            pltpu.VMEM((_CPW, _CH), jnp.int32),
            pltpu.VMEM((_CH, 8), jnp.float32),
            pltpu.VMEM_SHARED((_NP, 8), jnp.float32),
        ],
    )
    def k(dst_hbm, ones_hbm, zeros_hbm, deg_hbm, idxb, ones, dacc):
        cid = lax.axis_index("c")
        sid = lax.axis_index("s")
        wid = sid * _NC + cid
        c0 = wid * _CPW
        r0 = sid * _RPT
        pltpu.sync_copy(dst_hbm.at[pl.ds(c0, _CPW)], idxb)
        pltpu.sync_copy(ones_hbm, ones)
        pltpu.sync_copy(zeros_hbm, dacc.at[pl.ds(r0, _RPT)])
        plsc.subcore_barrier()

        def body(j, _):
            pltpu.sync_copy(ones, dacc.at[idxb.at[j]], add=True)
            return 0

        lax.fori_loop(0, _CPW, body, 0)
        plsc.subcore_barrier()
        pltpu.sync_copy(dacc.at[pl.ds(r0, _RPT)], deg_hbm.at[cid, pl.ds(r0, _RPT)])

    return k(dst2, ones_c, zeros_c)



_M1 = (np.arange(128)[:, None, None]
       == 3 * np.arange(38)[None, :, None] + np.arange(16)[None, None, :]
       ).astype(np.float32)
_M2 = (np.arange(38)[:, None, None]
       == np.arange(25)[None, :, None] + np.arange(14)[None, None, :]
       ).astype(np.float32)


def kernel(u, pos, variables, edge_index, dt, enc_W1, enc_b1, enc_W2, enc_b2,
           Wm1, bm1, Wm2, bm2, Wu1, bu1, Wu2, bu2, dec_W1, dec_b1, dec_W2, dec_b2):
    padn = _NP - _N
    u_p = jnp.pad(u, ((0, padn), (0, 0)))
    pos_p = jnp.pad(pos, ((0, padn), (0, 0)))
    var_p = jnp.pad(variables, ((0, padn), (0, 0)))

    src = edge_index[0].astype(jnp.int32)
    dst = edge_index[1].astype(jnp.int32)
    pade = _EP - _E
    fillv = jnp.full((pade,), _DUMP, jnp.int32)
    src2 = jnp.concatenate([src, fillv]).reshape(_EP // _CH, _CH)
    dst2 = jnp.concatenate([dst, fillv]).reshape(_EP // _CH, _CH)
    idx3 = jnp.stack([dst2, src2])

    w1u, w1p, w1v = enc_W1[:_TW], enc_W1[_TW:_TW + 1], enc_W1[_TW + 1:]
    b1 = enc_b1.reshape(1, _D)
    b2 = enc_b2.reshape(1, _D)

    x = _encoder(u_p, pos_p, var_p, w1u, w1p, w1v, b1, enc_W2, b2)

    w1m = jnp.einsum('hjk,ok->hoj', jnp.asarray(_M1), dec_W1[:, 0, :]).reshape(_D, 304)
    b1f = jnp.repeat(dec_b1, 38).reshape(1, 304)
    w2m = jnp.einsum('pjk,ok->opj', jnp.asarray(_M2), dec_W2[0]).reshape(304, _TW)

    stats = None
    degp = None
    y = x
    for i in range(_L):
        W = Wm1[i]
        wxi, wxj = W[:_D], W[_D:2 * _D]
        wdu = W[2 * _D:2 * _D + _TW]
        wdp = W[2 * _D + _TW:2 * _D + _TW + 1]
        wvar = W[2 * _D + _TW + 1:]
        bm = bm1[i].reshape(1, _D)
        xn, tabs = _pre(y, stats, u_p, pos_p, var_p,
                        wxi, wxj, wdu, wdp, wvar, bm)
        mpab = _sc_gather(idx3, tabs)
        m2 = _edge_mlp(mpab, Wm2[i], bm2[i].reshape(1, _D))
        aggp = _sc_scatter(m2, dst2)
        if i == 0:
            degp = _sc_degree(dst2, jnp.ones((_CH, 8), jnp.float32),
                              jnp.zeros((_RPT, 8), jnp.float32))
        Wu = Wu1[i]
        y, stats = _update(xn, aggp, degp, var_p,
                           Wu[:_D], Wu[_D:2 * _D], Wu[2 * _D:],
                           bu1[i].reshape(1, _D), Wu2[i], bu2[i].reshape(1, _D))

    out = _decoder(y, stats, u_p, dt.reshape(1, 1), w1m, b1f, w2m,
                   dec_b2.reshape(1, 1))
    return out[:_N][..., None]

# --- scband reference (transcript-rebuilt; emitter-appended) ---
"""Pipeline reference for scband-gnn-54211077210195 (READ-ONLY COPY).

The authoritative reference and input builder live on the scoring server;
editing this copy changes nothing except your own understanding.
"""

import jax, jax.numpy as jnp
import numpy as np

N = 10000
E = 160000
TW = 25
NV = 2
D = 128
L = 4

def silu(x):
    return x * jax.nn.sigmoid(x)

def setup_inputs(seed: int = 0):
    key = jax.random.key(seed)
    ks = jax.random.split(key, 16)
    s = 0.05
    d = {}
    d["u"] = jax.random.normal(ks[0], (N, TW), jnp.float32)
    d["pos"] = jax.random.uniform(ks[1], (N, 1), jnp.float32)
    d["variables"] = jax.random.normal(ks[2], (N, NV), jnp.float32)
    d["edge_index"] = jax.random.randint(ks[3], (2, E), 0, N)
    d["dt"] = jnp.array([0.01], jnp.float32)
    d["enc_W1"] = jax.random.normal(ks[4], (TW + NV + 1, D), jnp.float32) * s
    d["enc_b1"] = jnp.zeros((D,), jnp.float32)
    d["enc_W2"] = jax.random.normal(ks[5], (D, D), jnp.float32) * s
    d["enc_b2"] = jnp.zeros((D,), jnp.float32)
    d["Wm1"] = jax.random.normal(ks[6], (L, 2 * D + TW + 1 + NV, D), jnp.float32) * s
    d["bm1"] = jnp.zeros((L, D), jnp.float32)
    d["Wm2"] = jax.random.normal(ks[7], (L, D, D), jnp.float32) * s
    d["bm2"] = jnp.zeros((L, D), jnp.float32)
    d["Wu1"] = jax.random.normal(ks[8], (L, 2 * D + NV, D), jnp.float32) * s
    d["bu1"] = jnp.zeros((L, D), jnp.float32)
    d["Wu2"] = jax.random.normal(ks[9], (L, D, D), jnp.float32) * s
    d["bu2"] = jnp.zeros((L, D), jnp.float32)
    d["dec_W1"] = jax.random.normal(ks[10], (8, 1, 16), jnp.float32) * s
    d["dec_b1"] = jnp.zeros((8,), jnp.float32)
    d["dec_W2"] = jax.random.normal(ks[11], (1, 8, 14), jnp.float32) * s
    d["dec_b2"] = jnp.zeros((1,), jnp.float32)
    return d

def _forward(u, pos, variables, dt, enc_W1, enc_b1, enc_W2, enc_b2, Wm1, bm1, Wm2, bm2, Wu1, bu1, Wu2, bu2, dec_W1, dec_b1, dec_W2, dec_b2, edge_index):
    n = u.shape[0]
    src = edge_index[0]
    dst = edge_index[1]
    inp = jnp.concatenate([u, pos, variables], axis=-1)
    x = silu(silu(inp @ enc_W1 + enc_b1) @ enc_W2 + enc_b2)
    ones = jnp.ones((src.shape[0], 1), jnp.float32)
    deg = jnp.clip(jax.ops.segment_sum(ones, dst, num_segments=n), 1.0, None)
    du = u[dst] - u[src]
    dp = pos[dst] - pos[src]
    var_i = variables[dst]
    for i in range(L):
        x_i = x[dst]
        x_j = x[src]
        m = jnp.concatenate([x_i, x_j, du, dp, var_i], axis=-1)
        m = silu(m @ Wm1[i] + bm1[i])
        m = silu(m @ Wm2[i] + bm2[i])
        agg = jax.ops.segment_sum(m, dst, num_segments=n) / deg
        upd = jnp.concatenate([x, agg, variables], axis=-1)
        upd = silu(upd @ Wu1[i] + bu1[i])
        upd = silu(upd @ Wu2[i] + bu2[i])
        x = x + upd
        mean = jnp.mean(x, axis=0, keepdims=True)
        var = jnp.var(x, axis=0, keepdims=True)
        x = (x - mean) / jnp.sqrt(var + 1e-5)
    h = x[:, None, :]
    dn = ("NCH", "OIH", "NCH")
    h = jax.lax.conv_general_dilated(h, dec_W1, window_strides=(3,), padding="VALID", dimension_numbers=dn) + dec_b1[None, :, None]
    h = silu(h)
    h = jax.lax.conv_general_dilated(h, dec_W2, window_strides=(1,), padding="VALID", dimension_numbers=dn) + dec_b2[None, :, None]
    diff = h[:, 0, :]
    dtv = jnp.cumsum(jnp.ones((1, TW), jnp.float32) * dt[0], axis=1)
    out = jnp.tile(u[:, -1:], (1, TW)) + dtv * diff
    return out[..., None]

def reference(u, pos, variables, edge_index, dt, enc_W1, enc_b1, enc_W2, enc_b2, Wm1, bm1, Wm2, bm2, Wu1, bu1, Wu2, bu2, dec_W1, dec_b1, dec_W2, dec_b2):
    return _forward(u, pos, variables, dt, enc_W1, enc_b1, enc_W2, enc_b2, Wm1, bm1, Wm2, bm2, Wu1, bu1, Wu2, bu2, dec_W1, dec_b1, dec_W2, dec_b2, edge_index)

if __name__ == "__main__":
    import jax
    _d = setup_inputs()
    print(jax.jit(kernel)(*tuple(_d.values())))

</pallas_src>

<mosaic_0001>
#map = affine_map<(d0, d1) -> (0, 0, 0)>
module attributes {stable_mosaic.version = 14 : i64} {
  func.func @k(%arg0: i32, %arg1: i32, %arg2: memref<2x1280x128xi32, #tpu.memory_space<hbm>>, %arg3: memref<2x10240x64xf32, #tpu.memory_space<hbm>>, %arg4: memref<2x163840x64xf32, #tpu.memory_space<hbm>>, %arg5: memref<80x128xi32, #tpu.memory_space<vmem>>, %arg6: memref<128x64xf32, #tpu.memory_space<vmem>>, %arg7: memref<128x64xf32, #tpu.memory_space<vmem>>, %arg8: memref<10240x64xf32, #tpu.memory_space<vmem_shared>>, %arg9: memref<!tpu.dma_semaphore, #tpu.memory_space<semaphore_mem>>, %arg10: memref<!tpu.dma_semaphore, #tpu.memory_space<semaphore_mem>>) attributes {dimension_semantics = [#tpu.dimension_semantics<core_parallel>, #tpu.dimension_semantics<subcore_parallel>], iteration_bounds = array<i64: 2, 16>, scalar_prefetch = 0 : i64, scratch_operands = 6 : i64, tpu.core_type = #tpu.core_type<sc_vector_subcore>, window_params = [{transform_indices = #map}, {transform_indices = #map}, {transform_indices = #map}]} {
    %mul3A = arith.constant 80 : i32
    %mul3A_0 = arith.muli %arg1, %mul3A : i32
    "tpu.region"() ({
      %run_scoped3A = tpu.sem_alloc : memref<!tpu.dma_semaphore, #tpu.memory_space<semaphore_mem>>
      %dma_start3A = arith.constant 0 : i32
      %dma_start3A_26 = tpu.memref_slice %arg2[%arg0, %mul3A_0, %dma_start3A] : memref<2x1280x128xi32, #tpu.memory_space<hbm>> -> memref<1x80x128xi32, #tpu.memory_space<hbm>>
      %dma_start3A_27 = tpu.memref_squeeze %dma_start3A_26 : memref<1x80x128xi32, #tpu.memory_space<hbm>> -> memref<80x128xi32, #tpu.memory_space<hbm>>
      %dma_start3A_28 = arith.constant 0 : i32
      %dma_start3A_29 = tpu.memref_slice %arg2[%arg0, %mul3A_0, %dma_start3A_28] : memref<2x1280x128xi32, #tpu.memory_space<hbm>> -> memref<1x80x128xi32, #tpu.memory_space<hbm>>
      %dma_start3A_30 = tpu.memref_squeeze %dma_start3A_29 : memref<1x80x128xi32, #tpu.memory_space<hbm>> -> memref<80x128xi32, #tpu.memory_space<hbm>>
      tpu.enqueue_dma source(%dma_start3A_30 : memref<80x128xi32, #tpu.memory_space<hbm>>) target(%arg5 : memref<80x128xi32, #tpu.memory_space<vmem>>) target_semaphore(%run_scoped3A : memref<!tpu.dma_semaphore, #tpu.memory_space<semaphore_mem>>)
      %dma_wait3A_31 = arith.constant 0 : i32
      %dma_wait3A_32 = tpu.memref_slice %arg2[%arg0, %mul3A_0, %dma_wait3A_31] : memref<2x1280x128xi32, #tpu.memory_space<hbm>> -> memref<1x80x128xi32, #tpu.memory_space<hbm>>
      %dma_wait3A_33 = tpu.memref_squeeze %dma_wait3A_32 : memref<1x80x128xi32, #tpu.memory_space<hbm>> -> memref<80x128xi32, #tpu.memory_space<hbm>>
      %dma_wait3A_34 = arith.constant 0 : i32
      %dma_wait3A_35 = tpu.memref_slice %arg2[%arg0, %mul3A_0, %dma_wait3A_34] : memref<2x1280x128xi32, #tpu.memory_space<hbm>> -> memref<1x80x128xi32, #tpu.memory_space<hbm>>
      %dma_wait3A_36 = tpu.memref_squeeze %dma_wait3A_35 : memref<1x80x128xi32, #tpu.memory_space<hbm>> -> memref<80x128xi32, #tpu.memory_space<hbm>>
      tpu.wait_dma2 semaphore(%run_scoped3A : memref<!tpu.dma_semaphore, #tpu.memory_space<semaphore_mem>>) src(%dma_wait3A_36 : memref<80x128xi32, #tpu.memory_space<hbm>>) dst(%arg5 : memref<80x128xi32, #tpu.memory_space<vmem>>)
      tpu.yield
    }) : () -> ()
    %mul3A_1 = arith.constant 640 : i32
    %mul3A_2 = arith.muli %arg1, %mul3A_1 : i32
    %mul3A_3 = arith.constant 640 : i32
    %mul3A_4 = arith.muli %arg1, %mul3A_3 : i32
    "tpu.region"() ({
      %run_scoped3A = tpu.sem_alloc : memref<!tpu.dma_semaphore, #tpu.memory_space<semaphore_mem>>
      %dma_start3A = arith.constant 0 : i32
      %dma_start3A_26 = tpu.memref_slice %arg8[%mul3A_4, %dma_start3A] : memref<10240x64xf32, #tpu.memory_space<vmem_shared>> -> memref<640x64xf32, #tpu.memory_space<vmem_shared>>
      %dma_start3A_27 = arith.constant 0 : i32
      %dma_start3A_28 = tpu.memref_slice %arg3[%arg0, %mul3A_2, %dma_start3A_27] : memref<2x10240x64xf32, #tpu.memory_space<hbm>> -> memref<1x640x64xf32, #tpu.memory_space<hbm>>
      %dma_start3A_29 = tpu.memref_squeeze %dma_start3A_28 : memref<1x640x64xf32, #tpu.memory_space<hbm>> -> memref<640x64xf32, #tpu.memory_space<hbm>>
      tpu.enqueue_dma source(%dma_start3A_29 : memref<640x64xf32, #tpu.memory_space<hbm>>) target(%dma_start3A_26 : memref<640x64xf32, #tpu.memory_space<vmem_shared>>) target_semaphore(%run_scoped3A : memref<!tpu.dma_semaphore, #tpu.memory_space<semaphore_mem>>)
      %dma_wait3A_30 = arith.constant 0 : i32
      %dma_wait3A_31 = tpu.memref_slice %arg8[%mul3A_4, %dma_wait3A_30] : memref<10240x64xf32, #tpu.memory_space<vmem_shared>> -> memref<640x64xf32, #tpu.memory_space<vmem_shared>>
      %dma_wait3A_32 = arith.constant 0 : i32
      %dma_wait3A_33 = tpu.memref_slice %arg3[%arg0, %mul3A_2, %dma_wait3A_32] : memref<2x10240x64xf32, #tpu.memory_space<hbm>> -> memref<1x640x64xf32, #tpu.memory_space<hbm>>
      %dma_wait3A_34 = tpu.memref_squeeze %dma_wait3A_33 : memref<1x640x64xf32, #tpu.memory_space<hbm>> -> memref<640x64xf32, #tpu.memory_space<hbm>>
      tpu.wait_dma2 semaphore(%run_scoped3A : memref<!tpu.dma_semaphore, #tpu.memory_space<semaphore_mem>>) src(%dma_wait3A_34 : memref<640x64xf32, #tpu.memory_space<hbm>>) dst(%dma_wait3A_31 : memref<640x64xf32, #tpu.memory_space<vmem_shared>>)
      tpu.yield
    }) : () -> ()
    %barrier3A = arith.constant 0 : index
    tpu.barrier barrier_id(%barrier3A)
    %scan3A = arith.constant 0 : i32
    %scan3A_5 = arith.constant 0 : i32
    %scan3A_6 = arith.constant 40 : i32
    %scan3A_7 = arith.addi %scan3A_5, %scan3A_6 : i32
    %scan3A_8 = arith.constant 1 : i32
    %scan3A_9 = scf.for %scan3A_26 = %scan3A_5 to %scan3A_7 step %scan3A_8 iter_args(%scan3A_27 = %scan3A) -> (i32)  : i32 {
      %mul3A_28 = arith.constant 2 : i32
      %mul3A_29 = arith.muli %scan3A_26, %mul3A_28 : i32
      %add3A = arith.constant 0 : i32
      %add3A_30 = arith.addi %mul3A_29, %add3A : i32
      %ge3A = arith.constant 2 : i32
      %ge3A_31 = arith.cmpi sge, %add3A_30, %ge3A : i32
      %convert_element_type3A = arith.extui %ge3A_31 : i1 to i32
      %cond3A = arith.constant 0 : i32
      %cond3A_32 = arith.cmpi ne, %convert_element_type3A, %cond3A : i32
      scf.if %cond3A_32 {
        %dma_wait3A_60 = arith.constant 0 : i32
        %dma_wait3A_61 = arith.constant 0 : i32
        %dma_wait3A_62 = tpu.memref_slice %arg4[%arg0, %dma_wait3A_60, %dma_wait3A_61] : memref<2x163840x64xf32, #tpu.memory_space<hbm>> -> memref<1x128x64xf32, #tpu.memory_space<hbm>>
        %dma_wait3A_63 = tpu.memref_squeeze %dma_wait3A_62 : memref<1x128x64xf32, #tpu.memory_space<hbm>> -> memref<128x64xf32, #tpu.memory_space<hbm>>
        %dma_wait3A_64 = arith.constant 0 : i32
        %dma_wait3A_65 = arith.constant 0 : i32
        %dma_wait3A_66 = tpu.memref_slice %arg4[%arg0, %dma_wait3A_64, %dma_wait3A_65] : memref<2x163840x64xf32, #tpu.memory_space<hbm>> -> memref<1x128x64xf32, #tpu.memory_space<hbm>>
        %dma_wait3A_67 = tpu.memref_squeeze %dma_wait3A_66 : memref<1x128x64xf32, #tpu.memory_space<hbm>> -> memref<128x64xf32, #tpu.memory_space<hbm>>
        tpu.wait_dma2 semaphore(%arg9 : memref<!tpu.dma_semaphore, #tpu.memory_space<semaphore_mem>>) src(%dma_wait3A_67 : memref<128x64xf32, #tpu.memory_space<hbm>>) dst(%arg6 : memref<128x64xf32, #tpu.memory_space<vmem>>)
      } else {
      }
      "tpu.region"() ({
        %run_scoped3A = tpu.sem_alloc : memref<!tpu.dma_semaphore, #tpu.memory_space<semaphore_mem>>
        %dma_start3A_60 = arith.constant 0 : i32
        %dma_start3A_61 = tpu.memref_slice %arg5[%add3A_30, %dma_start3A_60] : memref<80x128xi32, #tpu.memory_space<vmem>> -> memref<1x128xi32, #tpu.memory_space<vmem>>
        %dma_start3A_62 = tpu.memref_squeeze %dma_start3A_61 : memref<1x128xi32, #tpu.memory_space<vmem>> -> memref<128xi32, #tpu.memory_space<vmem>>
        %dma_start3A_63 = arith.constant 0 : i32
        %dma_start3A_64 = arith.constant 0 : i32
        %dma_start3A_65 = tpu.memref_slice %arg8[%dma_start3A_63, %dma_start3A_64] : memref<10240x64xf32, #tpu.memory_space<vmem_shared>> -> memref<10240x64xf32, #tpu.memory_space<vmem_shared>>
        tpu.enqueue_indirect_dma source(%dma_start3A_65 : memref<10240x64xf32, #tpu.memory_space<vmem_shared>>) target(%arg6 : memref<128x64xf32, #tpu.memory_space<vmem>>) offsets(%dma_start3A_62 : memref<128xi32, #tpu.memory_space<vmem>>) semaphore(%run_scoped3A : memref<!tpu.dma_semaphore, #tpu.memory_space<semaphore_mem>>)
        %dma_wait3A_66 = arith.constant 0 : i32
        %dma_wait3A_67 = tpu.memref_slice %arg5[%add3A_30, %dma_wait3A_66] : memref<80x128xi32, #tpu.memory_space<vmem>> -> memref<1x128xi32, #tpu.memory_space<vmem>>
        %dma_wait3A_68 = tpu.memref_squeeze %dma_wait3A_67 : memref<1x128xi32, #tpu.memory_space<vmem>> -> memref<128xi32, #tpu.memory_space<vmem>>
        %dma_wait3A_69 = arith.constant 0 : i32
        %dma_wait3A_70 = arith.constant 0 : i32
        %dma_wait3A_71 = tpu.memref_slice %arg8[%dma_wait3A_69, %dma_wait3A_70] : memref<10240x64xf32, #tpu.memory_space<vmem_shared>> -> memref<10240x64xf32, #tpu.memory_space<vmem_shared>>
        tpu.wait_indirect_dma semaphore(%run_scoped3A : memref<!tpu.dma_semaphore, #tpu.memory_space<semaphore_mem>>) src(%dma_wait3A_71 : memref<10240x64xf32, #tpu.memory_space<vmem_shared>>) dst(%arg6 : memref<128x64xf32, #tpu.memory_space<vmem>>)
        tpu.yield
      }) : () -> ()
      %add3A_33 = arith.addi %mul3A_0, %add3A_30 : i32
      %mul3A_34 = arith.constant 128 : i32
      %mul3A_35 = arith.muli %add3A_33, %mul3A_34 : i32
      %dma_start3A = arith.constant 0 : i32
      %dma_start3A_36 = tpu.memref_slice %arg4[%arg0, %mul3A_35, %dma_start3A] : memref<2x163840x64xf32, #tpu.memory_space<hbm>> -> memref<1x128x64xf32, #tpu.memory_space<hbm>>
      %dma_start3A_37 = tpu.memref_squeeze %dma_start3A_36 : memref<1x128x64xf32, #tpu.memory_space<hbm>> -> memref<128x64xf32, #tpu.memory_space<hbm>>
      %dma_start3A_38 = arith.constant 0 : i32
      %dma_start3A_39 = tpu.memref_slice %arg4[%arg0, %mul3A_35, %dma_start3A_38] : memref<2x163840x64xf32, #tpu.memory_space<hbm>> -> memref<1x128x64xf32, #tpu.memory_space<hbm>>
      %dma_start3A_40 = tpu.memref_squeeze %dma_start3A_39 : memref<1x128x64xf32, #tpu.memory_space<hbm>> -> memref<128x64xf32, #tpu.memory_space<hbm>>
      tpu.enqueue_dma source(%arg6 : memref<128x64xf32, #tpu.memory_space<vmem>>) target(%dma_start3A_40 : memref<128x64xf32, #tpu.memory_space<hbm>>) target_semaphore(%arg9 : memref<!tpu.dma_semaphore, #tpu.memory_space<semaphore_mem>>)
      %mul3A_41 = arith.constant 2 : i32
      %mul3A_42 = arith.muli %scan3A_26, %mul3A_41 : i32
      %add3A_43 = arith.constant 1 : i32
      %add3A_44 = arith.addi %mul3A_42, %add3A_43 : i32
      %ge3A_45 = arith.constant 2 : i32
      %ge3A_46 = arith.cmpi sge, %add3A_44, %ge3A_45 : i32
      %convert_element_type3A_47 = arith.extui %ge3A_46 : i1 to i32
      %cond3A_48 = arith.constant 0 : i32
      %cond3A_49 = arith.cmpi ne, %convert_element_type3A_47, %cond3A_48 : i32
      scf.if %cond3A_49 {
        %dma_wait3A_60 = arith.constant 0 : i32
        %dma_wait3A_61 = arith.constant 0 : i32
        %dma_wait3A_62 = tpu.memref_slice %arg4[%arg0, %dma_wait3A_60, %dma_wait3A_61] : memref<2x163840x64xf32, #tpu.memory_space<hbm>> -> memref<1x128x64xf32, #tpu.memory_space<hbm>>
        %dma_wait3A_63 = tpu.memref_squeeze %dma_wait3A_62 : memref<1x128x64xf32, #tpu.memory_space<hbm>> -> memref<128x64xf32, #tpu.memory_space<hbm>>
        %dma_wait3A_64 = arith.constant 0 : i32
        %dma_wait3A_65 = arith.constant 0 : i32
        %dma_wait3A_66 = tpu.memref_slice %arg4[%arg0, %dma_wait3A_64, %dma_wait3A_65] : memref<2x163840x64xf32, #tpu.memory_space<hbm>> -> memref<1x128x64xf32, #tpu.memory_space<hbm>>
        %dma_wait3A_67 = tpu.memref_squeeze %dma_wait3A_66 : memref<1x128x64xf32, #tpu.memory_space<hbm>> -> memref<128x64xf32, #tpu.memory_space<hbm>>
        tpu.wait_dma2 semaphore(%arg10 : memref<!tpu.dma_semaphore, #tpu.memory_space<semaphore_mem>>) src(%dma_wait3A_67 : memref<128x64xf32, #tpu.memory_space<hbm>>) dst(%arg7 : memref<128x64xf32, #tpu.memory_space<vmem>>)
      } else {
      }
      "tpu.region"() ({
        %run_scoped3A = tpu.sem_alloc : memref<!tpu.dma_semaphore, #tpu.memory_space<semaphore_mem>>
        %dma_start3A_60 = arith.constant 0 : i32
        %dma_start3A_61 = tpu.memref_slice %arg5[%add3A_44, %dma_start3A_60] : memref<80x128xi32, #tpu.memory_space<vmem>> -> memref<1x128xi32, #tpu.memory_space<vmem>>
        %dma_start3A_62 = tpu.memref_squeeze %dma_start3A_61 : memref<1x128xi32, #tpu.memory_space<vmem>> -> memref<128xi32, #tpu.memory_space<vmem>>
        %dma_start3A_63 = arith.constant 0 : i32
        %dma_start3A_64 = arith.constant 0 : i32
        %dma_start3A_65 = tpu.memref_slice %arg8[%dma_start3A_63, %dma_start3A_64] : memref<10240x64xf32, #tpu.memory_space<vmem_shared>> -> memref<10240x64xf32, #tpu.memory_space<vmem_shared>>
        tpu.enqueue_indirect_dma source(%dma_start3A_65 : memref<10240x64xf32, #tpu.memory_space<vmem_shared>>) target(%arg7 : memref<128x64xf32, #tpu.memory_space<vmem>>) offsets(%dma_start3A_62 : memref<128xi32, #tpu.memory_space<vmem>>) semaphore(%run_scoped3A : memref<!tpu.dma_semaphore, #tpu.memory_space<semaphore_mem>>)
        %dma_wait3A_66 = arith.constant 0 : i32
        %dma_wait3A_67 = tpu.memref_slice %arg5[%add3A_44, %dma_wait3A_66] : memref<80x128xi32, #tpu.memory_space<vmem>> -> memref<1x128xi32, #tpu.memory_space<vmem>>
        %dma_wait3A_68 = tpu.memref_squeeze %dma_wait3A_67 : memref<1x128xi32, #tpu.memory_space<vmem>> -> memref<128xi32, #tpu.memory_space<vmem>>
        %dma_wait3A_69 = arith.constant 0 : i32
        %dma_wait3A_70 = arith.constant 0 : i32
        %dma_wait3A_71 = tpu.memref_slice %arg8[%dma_wait3A_69, %dma_wait3A_70] : memref<10240x64xf32, #tpu.memory_space<vmem_shared>> -> memref<10240x64xf32, #tpu.memory_space<vmem_shared>>
        tpu.wait_indirect_dma semaphore(%run_scoped3A : memref<!tpu.dma_semaphore, #tpu.memory_space<semaphore_mem>>) src(%dma_wait3A_71 : memref<10240x64xf32, #tpu.memory_space<vmem_shared>>) dst(%arg7 : memref<128x64xf32, #tpu.memory_space<vmem>>)
        tpu.yield
      }) : () -> ()
      %add3A_50 = arith.addi %mul3A_0, %add3A_44 : i32
      %mul3A_51 = arith.constant 128 : i32
      %mul3A_52 = arith.muli %add3A_50, %mul3A_51 : i32
      %dma_start3A_53 = arith.constant 0 : i32
      %dma_start3A_54 = tpu.memref_slice %arg4[%arg0, %mul3A_52, %dma_start3A_53] : memref<2x163840x64xf32, #tpu.memory_space<hbm>> -> memref<1x128x64xf32, #tpu.memory_space<hbm>>
      %dma_start3A_55 = tpu.memref_squeeze %dma_start3A_54 : memref<1x128x64xf32, #tpu.memory_space<hbm>> -> memref<128x64xf32, #tpu.memory_space<hbm>>
      %dma_start3A_56 = arith.constant 0 : i32
      %dma_start3A_57 = tpu.memref_slice %arg4[%arg0, %mul3A_52, %dma_start3A_56] : memref<2x163840x64xf32, #tpu.memory_space<hbm>> -> memref<1x128x64xf32, #tpu.memory_space<hbm>>
      %dma_start3A_58 = tpu.memref_squeeze %dma_start3A_57 : memref<1x128x64xf32, #tpu.memory_space<hbm>> -> memref<128x64xf32, #tpu.memory_space<hbm>>
      tpu.enqueue_dma source(%arg7 : memref<128x64xf32, #tpu.memory_space<vmem>>) target(%dma_start3A_58 : memref<128x64xf32, #tpu.memory_space<hbm>>) target_semaphore(%arg10 : memref<!tpu.dma_semaphore, #tpu.memory_space<semaphore_mem>>)
      %scan3A_59 = arith.constant 0 : i32
      scf.yield %scan3A_59 : i32
    }
    %scan3A_10 = arith.constant 40 : i32
    %dma_wait3A = arith.constant 0 : i32
    %dma_wait3A_11 = arith.constant 0 : i32
    %dma_wait3A_12 = tpu.memref_slice %arg4[%arg0, %dma_wait3A, %dma_wait3A_11] : memref<2x163840x64xf32, #tpu.memory_space<hbm>> -> memref<1x128x64xf32, #tpu.memory_space<hbm>>
    %dma_wait3A_13 = tpu.memref_squeeze %dma_wait3A_12 : memref<1x128x64xf32, #tpu.memory_space<hbm>> -> memref<128x64xf32, #tpu.memory_space<hbm>>
    %dma_wait3A_14 = arith.constant 0 : i32
    %dma_wait3A_15 = arith.constant 0 : i32
    %dma_wait3A_16 = tpu.memref_slice %arg4[%arg0, %dma_wait3A_14, %dma_wait3A_15] : memref<2x163840x64xf32, #tpu.memory_space<hbm>> -> memref<1x128x64xf32, #tpu.memory_space<hbm>>
    %dma_wait3A_17 = tpu.memref_squeeze %dma_wait3A_16 : memref<1x128x64xf32, #tpu.memory_space<hbm>> -> memref<128x64xf32, #tpu.memory_space<hbm>>
    tpu.wait_dma2 semaphore(%arg9 : memref<!tpu.dma_semaphore, #tpu.memory_space<semaphore_mem>>) src(%dma_wait3A_17 : memref<128x64xf32, #tpu.memory_space<hbm>>) dst(%arg6 : memref<128x64xf32, #tpu.memory_space<vmem>>)
    %dma_wait3A_18 = arith.constant 0 : i32
    %dma_wait3A_19 = arith.constant 0 : i32
    %dma_wait3A_20 = tpu.memref_slice %arg4[%arg0, %dma_wait3A_18, %dma_wait3A_19] : memref<2x163840x64xf32, #tpu.memory_space<hbm>> -> memref<1x128x64xf32, #tpu.memory_space<hbm>>
    %dma_wait3A_21 = tpu.memref_squeeze %dma_wait3A_20 : memref<1x128x64xf32, #tpu.memory_space<hbm>> -> memref<128x64xf32, #tpu.memory_space<hbm>>
    %dma_wait3A_22 = arith.constant 0 : i32
    %dma_wait3A_23 = arith.constant 0 : i32
    %dma_wait3A_24 = tpu.memref_slice %arg4[%arg0, %dma_wait3A_22, %dma_wait3A_23] : memref<2x163840x64xf32, #tpu.memory_space<hbm>> -> memref<1x128x64xf32, #tpu.memory_space<hbm>>
    %dma_wait3A_25 = tpu.memref_squeeze %dma_wait3A_24 : memref<1x128x64xf32, #tpu.memory_space<hbm>> -> memref<128x64xf32, #tpu.memory_space<hbm>>
    tpu.wait_dma2 semaphore(%arg10 : memref<!tpu.dma_semaphore, #tpu.memory_space<semaphore_mem>>) src(%dma_wait3A_25 : memref<128x64xf32, #tpu.memory_space<hbm>>) dst(%arg7 : memref<128x64xf32, #tpu.memory_space<vmem>>)
    return
  }
}

#map = affine_map<(d0, d1) -> (0, 0)>
#map1 = affine_map<(d0, d1) -> (0, 0, 0)>
module attributes {stable_mosaic.version = 14 : i64} {
  func.func @k(%arg0: i32, %arg1: i32, %arg2: memref<1280x128xi32, #tpu.memory_space<hbm>>, %arg3: memref<128x8xf32, #tpu.memory_space<hbm>>, %arg4: memref<640x8xf32, #tpu.memory_space<hbm>>, %arg5: memref<2x10240x8xf32, #tpu.memory_space<hbm>>, %arg6: memref<40x128xi32, #tpu.memory_space<vmem>>, %arg7: memref<128x8xf32, #tpu.memory_space<vmem>>, %arg8: memref<10240x8xf32, #tpu.memory_space<vmem_shared>>) attributes {dimension_semantics = [#tpu.dimension_semantics<core_parallel>, #tpu.dimension_semantics<subcore_parallel>], iteration_bounds = array<i64: 2, 16>, scalar_prefetch = 0 : i64, scratch_operands = 3 : i64, tpu.core_type = #tpu.core_type<sc_vector_subcore>, window_params = [{transform_indices = #map}, {transform_indices = #map}, {transform_indices = #map}, {transform_indices = #map1}]} {
    %mul3A = arith.constant 2 : i32
    %mul3A_0 = arith.muli %arg1, %mul3A : i32
    %add3A = arith.addi %mul3A_0, %arg0 : i32
    %mul3A_1 = arith.constant 40 : i32
    %mul3A_2 = arith.muli %add3A, %mul3A_1 : i32
    %mul3A_3 = arith.constant 640 : i32
    %mul3A_4 = arith.muli %arg1, %mul3A_3 : i32
    "tpu.region"() ({
      %run_scoped3A = tpu.sem_alloc : memref<!tpu.dma_semaphore, #tpu.memory_space<semaphore_mem>>
      %dma_start3A = arith.constant 0 : i32
      %dma_start3A_12 = tpu.memref_slice %arg2[%mul3A_2, %dma_start3A] : memref<1280x128xi32, #tpu.memory_space<hbm>> -> memref<40x128xi32, #tpu.memory_space<hbm>>
      %dma_start3A_13 = arith.constant 0 : i32
      %dma_start3A_14 = tpu.memref_slice %arg2[%mul3A_2, %dma_start3A_13] : memref<1280x128xi32, #tpu.memory_space<hbm>> -> memref<40x128xi32, #tpu.memory_space<hbm>>
      tpu.enqueue_dma source(%dma_start3A_14 : memref<40x128xi32, #tpu.memory_space<hbm>>) target(%arg6 : memref<40x128xi32, #tpu.memory_space<vmem>>) target_semaphore(%run_scoped3A : memref<!tpu.dma_semaphore, #tpu.memory_space<semaphore_mem>>)
      %dma_wait3A = arith.constant 0 : i32
      %dma_wait3A_15 = tpu.memref_slice %arg2[%mul3A_2, %dma_wait3A] : memref<1280x128xi32, #tpu.memory_space<hbm>> -> memref<40x128xi32, #tpu.memory_space<hbm>>
      %dma_wait3A_16 = arith.constant 0 : i32
      %dma_wait3A_17 = tpu.memref_slice %arg2[%mul3A_2, %dma_wait3A_16] : memref<1280x128xi32, #tpu.memory_space<hbm>> -> memref<40x128xi32, #tpu.memory_space<hbm>>
      tpu.wait_dma2 semaphore(%run_scoped3A : memref<!tpu.dma_semaphore, #tpu.memory_space<semaphore_mem>>) src(%dma_wait3A_17 : memref<40x128xi32, #tpu.memory_space<hbm>>) dst(%arg6 : memref<40x128xi32, #tpu.memory_space<vmem>>)
      tpu.yield
    }) : () -> ()
    "tpu.region"() ({
      %run_scoped3A = tpu.sem_alloc : memref<!tpu.dma_semaphore, #tpu.memory_space<semaphore_mem>>
      tpu.enqueue_dma source(%arg3 : memref<128x8xf32, #tpu.memory_space<hbm>>) target(%arg7 : memref<128x8xf32, #tpu.memory_space<vmem>>) target_semaphore(%run_scoped3A : memref<!tpu.dma_semaphore, #tpu.memory_space<semaphore_mem>>)
      tpu.wait_dma2 semaphore(%run_scoped3A : memref<!tpu.dma_semaphore, #tpu.memory_space<semaphore_mem>>) src(%arg3 : memref<128x8xf32, #tpu.memory_space<hbm>>) dst(%arg7 : memref<128x8xf32, #tpu.memory_space<vmem>>)
      tpu.yield
    }) : () -> ()
    "tpu.region"() ({
      %run_scoped3A = tpu.sem_alloc : memref<!tpu.dma_semaphore, #tpu.memory_space<semaphore_mem>>
      %dma_start3A = arith.constant 0 : i32
      %dma_start3A_12 = tpu.memref_slice %arg8[%mul3A_4, %dma_start3A] : memref<10240x8xf32, #tpu.memory_space<vmem_shared>> -> memref<640x8xf32, #tpu.memory_space<vmem_shared>>
      tpu.enqueue_dma source(%arg4 : memref<640x8xf32, #tpu.memory_space<hbm>>) target(%dma_start3A_12 : memref<640x8xf32, #tpu.memory_space<vmem_shared>>) target_semaphore(%run_scoped3A : memref<!tpu.dma_semaphore, #tpu.memory_space<semaphore_mem>>)
      %dma_wait3A = arith.constant 0 : i32
      %dma_wait3A_13 = tpu.memref_slice %arg8[%mul3A_4, %dma_wait3A] : memref<10240x8xf32, #tpu.memory_space<vmem_shared>> -> memref<640x8xf32, #tpu.memory_space<vmem_shared>>
      tpu.wait_dma2 semaphore(%run_scoped3A : memref<!tpu.dma_semaphore, #tpu.memory_space<semaphore_mem>>) src(%arg4 : memref<640x8xf32, #tpu.memory_space<hbm>>) dst(%dma_wait3A_13 : memref<640x8xf32, #tpu.memory_space<vmem_shared>>)
      tpu.yield
    }) : () -> ()
    %barrier3A = arith.constant 0 : index
    tpu.barrier barrier_id(%barrier3A)
    %scan3A = arith.constant 0 : i32
    %scan3A_5 = arith.constant 0 : i32
    %scan3A_6 = arith.constant 40 : i32
    %scan3A_7 = arith.addi %scan3A_5, %scan3A_6 : i32
    %scan3A_8 = arith.constant 1 : i32
    %scan3A_9 = scf.for %scan3A_12 = %scan3A_5 to %scan3A_7 step %scan3A_8 iter_args(%scan3A_13 = %scan3A) -> (i32)  : i32 {
      "tpu.region"() ({
        %run_scoped3A = tpu.sem_alloc : memref<!tpu.dma_semaphore, #tpu.memory_space<semaphore_mem>>
        %dma_start3A = arith.constant 0 : i32
        %dma_start3A_15 = tpu.memref_slice %arg6[%scan3A_12, %dma_start3A] : memref<40x128xi32, #tpu.memory_space<vmem>> -> memref<1x128xi32, #tpu.memory_space<vmem>>
        %dma_start3A_16 = tpu.memref_squeeze %dma_start3A_15 : memref<1x128xi32, #tpu.memory_space<vmem>> -> memref<128xi32, #tpu.memory_space<vmem>>
        %dma_start3A_17 = arith.constant 0 : i32
        %dma_start3A_18 = arith.constant 0 : i32
        %dma_start3A_19 = tpu.memref_slice %arg8[%dma_start3A_17, %dma_start3A_18] : memref<10240x8xf32, #tpu.memory_space<vmem_shared>> -> memref<10240x8xf32, #tpu.memory_space<vmem_shared>>
        tpu.enqueue_indirect_dma source(%arg7 : memref<128x8xf32, #tpu.memory_space<vmem>>) target(%dma_start3A_19 : memref<10240x8xf32, #tpu.memory_space<vmem_shared>>) offsets(%dma_start3A_16 : memref<128xi32, #tpu.memory_space<vmem>>) semaphore(%run_scoped3A : memref<!tpu.dma_semaphore, #tpu.memory_space<semaphore_mem>>) {add = true}
        %dma_wait3A = arith.constant 0 : i32
        %dma_wait3A_20 = tpu.memref_slice %arg6[%scan3A_12, %dma_wait3A] : memref<40x128xi32, #tpu.memory_space<vmem>> -> memref<1x128xi32, #tpu.memory_space<vmem>>
        %dma_wait3A_21 = tpu.memref_squeeze %dma_wait3A_20 : memref<1x128xi32, #tpu.memory_space<vmem>> -> memref<128xi32, #tpu.memory_space<vmem>>
        %dma_wait3A_22 = arith.constant 0 : i32
        %dma_wait3A_23 = arith.constant 0 : i32
        %dma_wait3A_24 = tpu.memref_slice %arg8[%dma_wait3A_22, %dma_wait3A_23] : memref<10240x8xf32, #tpu.memory_space<vmem_shared>> -> memref<10240x8xf32, #tpu.memory_space<vmem_shared>>
        tpu.wait_indirect_dma semaphore(%run_scoped3A : memref<!tpu.dma_semaphore, #tpu.memory_space<semaphore_mem>>) src(%arg7 : memref<128x8xf32, #tpu.memory_space<vmem>>) dst(%dma_wait3A_24 : memref<10240x8xf32, #tpu.memory_space<vmem_shared>>)
        tpu.yield
      }) : () -> ()
      %scan3A_14 = arith.constant 0 : i32
      scf.yield %scan3A_14 : i32
    }
    %scan3A_10 = arith.constant 40 : i32
    %barrier3A_11 = arith.constant 0 : index
    tpu.barrier barrier_id(%barrier3A_11)
    "tpu.region"() ({
      %run_scoped3A = tpu.sem_alloc : memref<!tpu.dma_semaphore, #tpu.memory_space<semaphore_mem>>
      %dma_start3A = arith.constant 0 : i32
      %dma_start3A_12 = tpu.memref_slice %arg5[%arg0, %mul3A_4, %dma_start3A] : memref<2x10240x8xf32, #tpu.memory_space<hbm>> -> memref<1x640x8xf32, #tpu.memory_space<hbm>>
      %dma_start3A_13 = tpu.memref_squeeze %dma_start3A_12 : memref<1x640x8xf32, #tpu.memory_space<hbm>> -> memref<640x8xf32, #tpu.memory_space<hbm>>
      %dma_start3A_14 = arith.constant 0 : i32
      %dma_start3A_15 = tpu.memref_slice %arg8[%mul3A_4, %dma_start3A_14] : memref<10240x8xf32, #tpu.memory_space<vmem_shared>> -> memref<640x8xf32, #tpu.memory_space<vmem_shared>>
      tpu.enqueue_dma source(%dma_start3A_15 : memref<640x8xf32, #tpu.memory_space<vmem_shared>>) target(%dma_start3A_13 : memref<640x8xf32, #tpu.memory_space<hbm>>) target_semaphore(%run_scoped3A : memref<!tpu.dma_semaphore, #tpu.memory_space<semaphore_mem>>)
      %dma_wait3A = arith.constant 0 : i32
      %dma_wait3A_16 = tpu.memref_slice %arg5[%arg0, %mul3A_4, %dma_wait3A] : memref<2x10240x8xf32, #tpu.memory_space<hbm>> -> memref<1x640x8xf32, #tpu.memory_space<hbm>>
      %dma_wait3A_17 = tpu.memref_squeeze %dma_wait3A_16 : memref<1x640x8xf32, #tpu.memory_space<hbm>> -> memref<640x8xf32, #tpu.memory_space<hbm>>
      %dma_wait3A_18 = arith.constant 0 : i32
      %dma_wait3A_19 = tpu.memref_slice %arg8[%mul3A_4, %dma_wait3A_18] : memref<10240x8xf32, #tpu.memory_space<vmem_shared>> -> memref<640x8xf32, #tpu.memory_space<vmem_shared>>
      tpu.wait_dma2 semaphore(%run_scoped3A : memref<!tpu.dma_semaphore, #tpu.memory_space<semaphore_mem>>) src(%dma_wait3A_19 : memref<640x8xf32, #tpu.memory_space<vmem_shared>>) dst(%dma_wait3A_17 : memref<640x8xf32, #tpu.memory_space<hbm>>)
      tpu.yield
    }) : () -> ()
    return
  }
}

#map = affine_map<(d0, d1) -> (0, 0, 0)>
module attributes {stable_mosaic.version = 14 : i64} {
  func.func @k(%arg0: i32, %arg1: i32, %arg2: memref<2x1280x128xi32, #tpu.memory_space<hbm>>, %arg3: memref<2x10240x64xf32, #tpu.memory_space<hbm>>, %arg4: memref<2x163840x64xf32, #tpu.memory_space<hbm>>, %arg5: memref<80x128xi32, #tpu.memory_space<vmem>>, %arg6: memref<128x64xf32, #tpu.memory_space<vmem>>, %arg7: memref<128x64xf32, #tpu.memory_space<vmem>>, %arg8: memref<10240x64xf32, #tpu.memory_space<vmem_shared>>, %arg9: memref<!tpu.dma_semaphore, #tpu.memory_space<semaphore_mem>>, %arg10: memref<!tpu.dma_semaphore, #tpu.memory_space<semaphore_mem>>) attributes {dimension_semantics = [#tpu.dimension_semantics<core_parallel>, #tpu.dimension_semantics<subcore_parallel>], iteration_bounds = array<i64: 2, 16>, scalar_prefetch = 0 : i64, scratch_operands = 6 : i64, tpu.core_type = #tpu.core_type<sc_vector_subcore>, window_params = [{transform_indices = #map}, {transform_indices = #map}, {transform_indices = #map}]} {
    %mul3A = arith.constant 80 : i32
    %mul3A_0 = arith.muli %arg1, %mul3A : i32
    "tpu.region"() ({
      %run_scoped3A = tpu.sem_alloc : memref<!tpu.dma_semaphore, #tpu.memory_space<semaphore_mem>>
      %dma_start3A = arith.constant 0 : i32
      %dma_start3A_26 = tpu.memref_slice %arg2[%arg0, %mul3A_0, %dma_start3A] : memref<2x1280x128xi32, #tpu.memory_space<hbm>> -> memref<1x80x128xi32, #tpu.memory_space<hbm>>
      %dma_start3A_27 = tpu.memref_squeeze %dma_start3A_26 : memref<1x80x128xi32, #tpu.memory_space<hbm>> -> memref<80x128xi32, #tpu.memory_space<hbm>>
      %dma_start3A_28 = arith.constant 0 : i32
      %dma_start3A_29 = tpu.memref_slice %arg2[%arg0, %mul3A_0, %dma_start3A_28] : memref<2x1280x128xi32, #tpu.memory_space<hbm>> -> memref<1x80x128xi32, #tpu.memory_space<hbm>>
      %dma_start3A_30 = tpu.memref_squeeze %dma_start3A_29 : memref<1x80x128xi32, #tpu.memory_space<hbm>> -> memref<80x128xi32, #tpu.memory_space<hbm>>
      tpu.enqueue_dma source(%dma_start3A_30 : memref<80x128xi32, #tpu.memory_space<hbm>>) target(%arg5 : memref<80x128xi32, #tpu.memory_space<vmem>>) target_semaphore(%run_scoped3A : memref<!tpu.dma_semaphore, #tpu.memory_space<semaphore_mem>>)
      %dma_wait3A_31 = arith.constant 0 : i32
      %dma_wait3A_32 = tpu.memref_slice %arg2[%arg0, %mul3A_0, %dma_wait3A_31] : memref<2x1280x128xi32, #tpu.memory_space<hbm>> -> memref<1x80x128xi32, #tpu.memory_space<hbm>>
      %dma_wait3A_33 = tpu.memref_squeeze %dma_wait3A_32 : memref<1x80x128xi32, #tpu.memory_space<hbm>> -> memref<80x128xi32, #tpu.memory_space<hbm>>
      %dma_wait3A_34 = arith.constant 0 : i32
      %dma_wait3A_35 = tpu.memref_slice %arg2[%arg0, %mul3A_0, %dma_wait3A_34] : memref<2x1280x128xi32, #tpu.memory_space<hbm>> -> memref<1x80x128xi32, #tpu.memory_space<hbm>>
      %dma_wait3A_36 = tpu.memref_squeeze %dma_wait3A_35 : memref<1x80x128xi32, #tpu.memory_space<hbm>> -> memref<80x128xi32, #tpu.memory_space<hbm>>
      tpu.wait_dma2 semaphore(%run_scoped3A : memref<!tpu.dma_semaphore, #tpu.memory_space<semaphore_mem>>) src(%dma_wait3A_36 : memref<80x128xi32, #tpu.memory_space<hbm>>) dst(%arg5 : memref<80x128xi32, #tpu.memory_space<vmem>>)
      tpu.yield
    }) : () -> ()
    %mul3A_1 = arith.constant 640 : i32
    %mul3A_2 = arith.muli %arg1, %mul3A_1 : i32
    %mul3A_3 = arith.constant 640 : i32
    %mul3A_4 = arith.muli %arg1, %mul3A_3 : i32
    "tpu.region"() ({
      %run_scoped3A = tpu.sem_alloc : memref<!tpu.dma_semaphore, #tpu.memory_space<semaphore_mem>>
      %dma_start3A = arith.constant 0 : i32
      %dma_start3A_26 = tpu.memref_slice %arg8[%mul3A_4, %dma_start3A] : memref<10240x64xf32, #tpu.memory_space<vmem_shared>> -> memref<640x64xf32, #tpu.memory_space<vmem_shared>>
      %dma_start3A_27 = arith.constant 0 : i32
      %dma_start3A_28 = tpu.memref_slice %arg3[%arg0, %mul3A_2, %dma_start3A_27] : memref<2x10240x64xf32, #tpu.memory_space<hbm>> -> memref<1x640x64xf32, #tpu.memory_space<hbm>>
      %dma_start3A_29 = tpu.memref_squeeze %dma_start3A_28 : memref<1x640x64xf32, #tpu.memory_space<hbm>> -> memref<640x64xf32, #tpu.memory_space<hbm>>
      tpu.enqueue_dma source(%dma_start3A_29 : memref<640x64xf32, #tpu.memory_space<hbm>>) target(%dma_start3A_26 : memref<640x64xf32, #tpu.memory_space<vmem_shared>>) target_semaphore(%run_scoped3A : memref<!tpu.dma_semaphore, #tpu.memory_space<semaphore_mem>>)
      %dma_wait3A_30 = arith.constant 0 : i32
      %dma_wait3A_31 = tpu.memref_slice %arg8[%mul3A_4, %dma_wait3A_30] : memref<10240x64xf32, #tpu.memory_space<vmem_shared>> -> memref<640x64xf32, #tpu.memory_space<vmem_shared>>
      %dma_wait3A_32 = arith.constant 0 : i32
      %dma_wait3A_33 = tpu.memref_slice %arg3[%arg0, %mul3A_2, %dma_wait3A_32] : memref<2x10240x64xf32, #tpu.memory_space<hbm>> -> memref<1x640x64xf32, #tpu.memory_space<hbm>>
      %dma_wait3A_34 = tpu.memref_squeeze %dma_wait3A_33 : memref<1x640x64xf32, #tpu.memory_space<hbm>> -> memref<640x64xf32, #tpu.memory_space<hbm>>
      tpu.wait_dma2 semaphore(%run_scoped3A : memref<!tpu.dma_semaphore, #tpu.memory_space<semaphore_mem>>) src(%dma_wait3A_34 : memref<640x64xf32, #tpu.memory_space<hbm>>) dst(%dma_wait3A_31 : memref<640x64xf32, #tpu.memory_space<vmem_shared>>)
      tpu.yield
    }) : () -> ()
    %barrier3A = arith.constant 0 : index
    tpu.barrier barrier_id(%barrier3A)
    %scan3A = arith.constant 0 : i32
    %scan3A_5 = arith.constant 0 : i32
    %scan3A_6 = arith.constant 40 : i32
    %scan3A_7 = arith.addi %scan3A_5, %scan3A_6 : i32
    %scan3A_8 = arith.constant 1 : i32
    %scan3A_9 = scf.for %scan3A_26 = %scan3A_5 to %scan3A_7 step %scan3A_8 iter_args(%scan3A_27 = %scan3A) -> (i32)  : i32 {
      %mul3A_28 = arith.constant 2 : i32
      %mul3A_29 = arith.muli %scan3A_26, %mul3A_28 : i32
      %add3A = arith.constant 0 : i32
      %add3A_30 = arith.addi %mul3A_29, %add3A : i32
      %ge3A = arith.constant 2 : i32
      %ge3A_31 = arith.cmpi sge, %add3A_30, %ge3A : i32
      %convert_element_type3A = arith.extui %ge3A_31 : i1 to i32
      %cond3A = arith.constant 0 : i32
      %cond3A_32 = arith.cmpi ne, %convert_element_type3A, %cond3A : i32
      scf.if %cond3A_32 {
        %dma_wait3A_60 = arith.constant 0 : i32
        %dma_wait3A_61 = arith.constant 0 : i32
        %dma_wait3A_62 = tpu.memref_slice %arg4[%arg0, %dma_wait3A_60, %dma_wait3A_61] : memref<2x163840x64xf32, #tpu.memory_space<hbm>> -> memref<1x128x64xf32, #tpu.memory_space<hbm>>
        %dma_wait3A_63 = tpu.memref_squeeze %dma_wait3A_62 : memref<1x128x64xf32, #tpu.memory_space<hbm>> -> memref<128x64xf32, #tpu.memory_space<hbm>>
        %dma_wait3A_64 = arith.constant 0 : i32
        %dma_wait3A_65 = arith.constant 0 : i32
        %dma_wait3A_66 = tpu.memref_slice %arg4[%arg0, %dma_wait3A_64, %dma_wait3A_65] : memref<2x163840x64xf32, #tpu.memory_space<hbm>> -> memref<1x128x64xf32, #tpu.memory_space<hbm>>
        %dma_wait3A_67 = tpu.memref_squeeze %dma_wait3A_66 : memref<1x128x64xf32, #tpu.memory_space<hbm>> -> memref<128x64xf32, #tpu.memory_space<hbm>>
        tpu.wait_dma2 semaphore(%arg9 : memref<!tpu.dma_semaphore, #tpu.memory_space<semaphore_mem>>) src(%dma_wait3A_67 : memref<128x64xf32, #tpu.memory_space<hbm>>) dst(%arg6 : memref<128x64xf32, #tpu.memory_space<vmem>>)
      } else {
      }
      "tpu.region"() ({
        %run_scoped3A = tpu.sem_alloc : memref<!tpu.dma_semaphore, #tpu.memory_space<semaphore_mem>>
        %dma_start3A_60 = arith.constant 0 : i32
        %dma_start3A_61 = tpu.memref_slice %arg5[%add3A_30, %dma_start3A_60] : memref<80x128xi32, #tpu.memory_space<vmem>> -> memref<1x128xi32, #tpu.memory_space<vmem>>
        %dma_start3A_62 = tpu.memref_squeeze %dma_start3A_61 : memref<1x128xi32, #tpu.memory_space<vmem>> -> memref<128xi32, #tpu.memory_space<vmem>>
        %dma_start3A_63 = arith.constant 0 : i32
        %dma_start3A_64 = arith.constant 0 : i32
        %dma_start3A_65 = tpu.memref_slice %arg8[%dma_start3A_63, %dma_start3A_64] : memref<10240x64xf32, #tpu.memory_space<vmem_shared>> -> memref<10240x64xf32, #tpu.memory_space<vmem_shared>>
        tpu.enqueue_indirect_dma source(%dma_start3A_65 : memref<10240x64xf32, #tpu.memory_space<vmem_shared>>) target(%arg6 : memref<128x64xf32, #tpu.memory_space<vmem>>) offsets(%dma_start3A_62 : memref<128xi32, #tpu.memory_space<vmem>>) semaphore(%run_scoped3A : memref<!tpu.dma_semaphore, #tpu.memory_space<semaphore_mem>>)
        %dma_wait3A_66 = arith.constant 0 : i32
        %dma_wait3A_67 = tpu.memref_slice %arg5[%add3A_30, %dma_wait3A_66] : memref<80x128xi32, #tpu.memory_space<vmem>> -> memref<1x128xi32, #tpu.memory_space<vmem>>
        %dma_wait3A_68 = tpu.memref_squeeze %dma_wait3A_67 : memref<1x128xi32, #tpu.memory_space<vmem>> -> memref<128xi32, #tpu.memory_space<vmem>>
        %dma_wait3A_69 = arith.constant 0 : i32
        %dma_wait3A_70 = arith.constant 0 : i32
        %dma_wait3A_71 = tpu.memref_slice %arg8[%dma_wait3A_69, %dma_wait3A_70] : memref<10240x64xf32, #tpu.memory_space<vmem_shared>> -> memref<10240x64xf32, #tpu.memory_space<vmem_shared>>
        tpu.wait_indirect_dma semaphore(%run_scoped3A : memref<!tpu.dma_semaphore, #tpu.memory_space<semaphore_mem>>) src(%dma_wait3A_71 : memref<10240x64xf32, #tpu.memory_space<vmem_shared>>) dst(%arg6 : memref<128x64xf32, #tpu.memory_space<vmem>>)
        tpu.yield
      }) : () -> ()
      %add3A_33 = arith.addi %mul3A_0, %add3A_30 : i32
      %mul3A_34 = arith.constant 128 : i32
      %mul3A_35 = arith.muli %add3A_33, %mul3A_34 : i32
      %dma_start3A = arith.constant 0 : i32
      %dma_start3A_36 = tpu.memref_slice %arg4[%arg0, %mul3A_35, %dma_start3A] : memref<2x163840x64xf32, #tpu.memory_space<hbm>> -> memref<1x128x64xf32, #tpu.memory_space<hbm>>
      %dma_start3A_37 = tpu.memref_squeeze %dma_start3A_36 : memref<1x128x64xf32, #tpu.memory_space<hbm>> -> memref<128x64xf32, #tpu.memory_space<hbm>>
      %dma_start3A_38 = arith.constant 0 : i32
      %dma_start3A_39 = tpu.memref_slice %arg4[%arg0, %mul3A_35, %dma_start3A_38] : memref<2x163840x64xf32, #tpu.memory_space<hbm>> -> memref<1x128x64xf32, #tpu.memory_space<hbm>>
      %dma_start3A_40 = tpu.memref_squeeze %dma_start3A_39 : memref<1x128x64xf32, #tpu.memory_space<hbm>> -> memref<128x64xf32, #tpu.memory_space<hbm>>
      tpu.enqueue_dma source(%arg6 : memref<128x64xf32, #tpu.memory_space<vmem>>) target(%dma_start3A_40 : memref<128x64xf32, #tpu.memory_space<hbm>>) target_semaphore(%arg9 : memref<!tpu.dma_semaphore, #tpu.memory_space<semaphore_mem>>)
      %mul3A_41 = arith.constant 2 : i32
      %mul3A_42 = arith.muli %scan3A_26, %mul3A_41 : i32
      %add3A_43 = arith.constant 1 : i32
      %add3A_44 = arith.addi %mul3A_42, %add3A_43 : i32
      %ge3A_45 = arith.constant 2 : i32
      %ge3A_46 = arith.cmpi sge, %add3A_44, %ge3A_45 : i32
      %convert_element_type3A_47 = arith.extui %ge3A_46 : i1 to i32
      %cond3A_48 = arith.constant 0 : i32
      %cond3A_49 = arith.cmpi ne, %convert_element_type3A_47, %cond3A_48 : i32
      scf.if %cond3A_49 {
        %dma_wait3A_60 = arith.constant 0 : i32
        %dma_wait3A_61 = arith.constant 0 : i32
        %dma_wait3A_62 = tpu.memref_slice %arg4[%arg0, %dma_wait3A_60, %dma_wait3A_61] : memref<2x163840x64xf32, #tpu.memory_space<hbm>> -> memref<1x128x64xf32, #tpu.memory_space<hbm>>
        %dma_wait3A_63 = tpu.memref_squeeze %dma_wait3A_62 : memref<1x128x64xf32, #tpu.memory_space<hbm>> -> memref<128x64xf32, #tpu.memory_space<hbm>>
        %dma_wait3A_64 = arith.constant 0 : i32
        %dma_wait3A_65 = arith.constant 0 : i32
        %dma_wait3A_66 = tpu.memref_slice %arg4[%arg0, %dma_wait3A_64, %dma_wait3A_65] : memref<2x163840x64xf32, #tpu.memory_space<hbm>> -> memref<1x128x64xf32, #tpu.memory_space<hbm>>
        %dma_wait3A_67 = tpu.memref_squeeze %dma_wait3A_66 : memref<1x128x64xf32, #tpu.memory_space<hbm>> -> memref<128x64xf32, #tpu.memory_space<hbm>>
        tpu.wait_dma2 semaphore(%arg10 : memref<!tpu.dma_semaphore, #tpu.memory_space<semaphore_mem>>) src(%dma_wait3A_67 : memref<128x64xf32, #tpu.memory_space<hbm>>) dst(%arg7 : memref<128x64xf32, #tpu.memory_space<vmem>>)
      } else {
      }
      "tpu.region"() ({
        %run_scoped3A = tpu.sem_alloc : memref<!tpu.dma_semaphore, #tpu.memory_space<semaphore_mem>>
        %dma_start3A_60 = arith.constant 0 : i32
        %dma_start3A_61 = tpu.memref_slice %arg5[%add3A_44, %dma_start3A_60] : memref<80x128xi32, #tpu.memory_space<vmem>> -> memref<1x128xi32, #tpu.memory_space<vmem>>
        %dma_start3A_62 = tpu.memref_squeeze %dma_start3A_61 : memref<1x128xi32, #tpu.memory_space<vmem>> -> memref<128xi32, #tpu.memory_space<vmem>>
        %dma_start3A_63 = arith.constant 0 : i32
        %dma_start3A_64 = arith.constant 0 : i32
        %dma_start3A_65 = tpu.memref_slice %arg8[%dma_start3A_63, %dma_start3A_64] : memref<10240x64xf32, #tpu.memory_space<vmem_shared>> -> memref<10240x64xf32, #tpu.memory_space<vmem_shared>>
        tpu.enqueue_indirect_dma source(%dma_start3A_65 : memref<10240x64xf32, #tpu.memory_space<vmem_shared>>) target(%arg7 : memref<128x64xf32, #tpu.memory_space<vmem>>) offsets(%dma_start3A_62 : memref<128xi32, #tpu.memory_space<vmem>>) semaphore(%run_scoped3A : memref<!tpu.dma_semaphore, #tpu.memory_space<semaphore_mem>>)
        %dma_wait3A_66 = arith.constant 0 : i32
        %dma_wait3A_67 = tpu.memref_slice %arg5[%add3A_44, %dma_wait3A_66] : memref<80x128xi32, #tpu.memory_space<vmem>> -> memref<1x128xi32, #tpu.memory_space<vmem>>
        %dma_wait3A_68 = tpu.memref_squeeze %dma_wait3A_67 : memref<1x128xi32, #tpu.memory_space<vmem>> -> memref<128xi32, #tpu.memory_space<vmem>>
        %dma_wait3A_69 = arith.constant 0 : i32
        %dma_wait3A_70 = arith.constant 0 : i32
        %dma_wait3A_71 = tpu.memref_slice %arg8[%dma_wait3A_69, %dma_wait3A_70] : memref<10240x64xf32, #tpu.memory_space<vmem_shared>> -> memref<10240x64xf32, #tpu.memory_space<vmem_shared>>
        tpu.wait_indirect_dma semaphore(%run_scoped3A : memref<!tpu.dma_semaphore, #tpu.memory_space<semaphore_mem>>) src(%dma_wait3A_71 : memref<10240x64xf32, #tpu.memory_space<vmem_shared>>) dst(%arg7 : memref<128x64xf32, #tpu.memory_space<vmem>>)
        tpu.yield
      }) : () -> ()
      %add3A_50 = arith.addi %mul3A_0, %add3A_44 : i32
      %mul3A_51 = arith.constant 128 : i32
      %mul3A_52 = arith.muli %add3A_50, %mul3A_51 : i32
      %dma_start3A_53 = arith.constant 0 : i32
      %dma_start3A_54 = tpu.memref_slice %arg4[%arg0, %mul3A_52, %dma_start3A_53] : memref<2x163840x64xf32, #tpu.memory_space<hbm>> -> memref<1x128x64xf32, #tpu.memory_space<hbm>>
      %dma_start3A_55 = tpu.memref_squeeze %dma_start3A_54 : memref<1x128x64xf32, #tpu.memory_space<hbm>> -> memref<128x64xf32, #tpu.memory_space<hbm>>
      %dma_start3A_56 = arith.constant 0 : i32
      %dma_start3A_57 = tpu.memref_slice %arg4[%arg0, %mul3A_52, %dma_start3A_56] : memref<2x163840x64xf32, #tpu.memory_space<hbm>> -> memref<1x128x64xf32, #tpu.memory_space<hbm>>
      %dma_start3A_58 = tpu.memref_squeeze %dma_start3A_57 : memref<1x128x64xf32, #tpu.memory_space<hbm>> -> memref<128x64xf32, #tpu.memory_space<hbm>>
      tpu.enqueue_dma source(%arg7 : memref<128x64xf32, #tpu.memory_space<vmem>>) target(%dma_start3A_58 : memref<128x64xf32, #tpu.memory_space<hbm>>) target_semaphore(%arg10 : memref<!tpu.dma_semaphore, #tpu.memory_space<semaphore_mem>>)
      %scan3A_59 = arith.constant 0 : i32
      scf.yield %scan3A_59 : i32
    }
    %scan3A_10 = arith.constant 40 : i32
    %dma_wait3A = arith.constant 0 : i32
    %dma_wait3A_11 = arith.constant 0 : i32
    %dma_wait3A_12 = tpu.memref_slice %arg4[%arg0, %dma_wait3A, %dma_wait3A_11] : memref<2x163840x64xf32, #tpu.memory_space<hbm>> -> memref<1x128x64xf32, #tpu.memory_space<hbm>>
    %dma_wait3A_13 = tpu.memref_squeeze %dma_wait3A_12 : memref<1x128x64xf32, #tpu.memory_space<hbm>> -> memref<128x64xf32, #tpu.memory_space<hbm>>
    %dma_wait3A_14 = arith.constant 0 : i32
    %dma_wait3A_15 = arith.constant 0 : i32
    %dma_wait3A_16 = tpu.memref_slice %arg4[%arg0, %dma_wait3A_14, %dma_wait3A_15] : memref<2x163840x64xf32, #tpu.memory_space<hbm>> -> memref<1x128x64xf32, #tpu.memory_space<hbm>>
    %dma_wait3A_17 = tpu.memref_squeeze %dma_wait3A_16 : memref<1x128x64xf32, #tpu.memory_space<hbm>> -> memref<128x64xf32, #tpu.memory_space<hbm>>
    tpu.wait_dma2 semaphore(%arg9 : memref<!tpu.dma_semaphore, #tpu.memory_space<semaphore_mem>>) src(%dma_wait3A_17 : memref<128x64xf32, #tpu.memory_space<hbm>>) dst(%arg6 : memref<128x64xf32, #tpu.memory_space<vmem>>)
    %dma_wait3A_18 = arith.constant 0 : i32
    %dma_wait3A_19 = arith.constant 0 : i32
    %dma_wait3A_20 = tpu.memref_slice %arg4[%arg0, %dma_wait3A_18, %dma_wait3A_19] : memref<2x163840x64xf32, #tpu.memory_space<hbm>> -> memref<1x128x64xf32, #tpu.memory_space<hbm>>
    %dma_wait3A_21 = tpu.memref_squeeze %dma_wait3A_20 : memref<1x128x64xf32, #tpu.memory_space<hbm>> -> memref<128x64xf32, #tpu.memory_space<hbm>>
    %dma_wait3A_22 = arith.constant 0 : i32
    %dma_wait3A_23 = arith.constant 0 : i32
    %dma_wait3A_24 = tpu.memref_slice %arg4[%arg0, %dma_wait3A_22, %dma_wait3A_23] : memref<2x163840x64xf32, #tpu.memory_space<hbm>> -> memref<1x128x64xf32, #tpu.memory_space<hbm>>
    %dma_wait3A_25 = tpu.memref_squeeze %dma_wait3A_24 : memref<1x128x64xf32, #tpu.memory_space<hbm>> -> memref<128x64xf32, #tpu.memory_space<hbm>>
    tpu.wait_dma2 semaphore(%arg10 : memref<!tpu.dma_semaphore, #tpu.memory_space<semaphore_mem>>) src(%dma_wait3A_25 : memref<128x64xf32, #tpu.memory_space<hbm>>) dst(%arg7 : memref<128x64xf32, #tpu.memory_space<vmem>>)
    return
  }
}

#map = affine_map<(d0, d1) -> (0, 0)>
#map1 = affine_map<(d0, d1) -> (0, 0, 0)>
module attributes {stable_mosaic.version = 14 : i64} {
  func.func @k(%arg0: i32, %arg1: i32, %arg2: memref<163840x128xf32, #tpu.memory_space<hbm>>, %arg3: memref<1280x128xi32, #tpu.memory_space<hbm>>, %arg4: memref<2x10240x128xf32, #tpu.memory_space<hbm>>, %arg5: memref<40x128xi32, #tpu.memory_space<vmem>>, %arg6: memref<128x128xf32, #tpu.memory_space<vmem>>, %arg7: memref<128x128xf32, #tpu.memory_space<vmem>>, %arg8: memref<10240x128xf32, #tpu.memory_space<vmem_shared>>, %arg9: memref<!tpu.dma_semaphore, #tpu.memory_space<semaphore_mem>>, %arg10: memref<!tpu.dma_semaphore, #tpu.memory_space<semaphore_mem>>, %arg11: memref<!tpu.dma_semaphore, #tpu.memory_space<semaphore_mem>>, %arg12: memref<!tpu.dma_semaphore, #tpu.memory_space<semaphore_mem>>) attributes {dimension_semantics = [#tpu.dimension_semantics<core_parallel>, #tpu.dimension_semantics<subcore_parallel>], iteration_bounds = array<i64: 2, 16>, scalar_prefetch = 0 : i64, scratch_operands = 8 : i64, tpu.core_type = #tpu.core_type<sc_vector_subcore>, window_params = [{transform_indices = #map}, {transform_indices = #map}, {transform_indices = #map1}]} {
    %mul3A = arith.constant 2 : i32
    %mul3A_0 = arith.muli %arg1, %mul3A : i32
    %add3A = arith.addi %mul3A_0, %arg0 : i32
    %mul3A_1 = arith.constant 40 : i32
    %mul3A_2 = arith.muli %add3A, %mul3A_1 : i32
    %mul3A_3 = arith.constant 640 : i32
    %mul3A_4 = arith.muli %arg1, %mul3A_3 : i32
    "tpu.region"() ({
      %run_scoped3A = tpu.sem_alloc : memref<!tpu.dma_semaphore, #tpu.memory_space<semaphore_mem>>
      %dma_start3A_40 = arith.constant 0 : i32
      %dma_start3A_41 = tpu.memref_slice %arg3[%mul3A_2, %dma_start3A_40] : memref<1280x128xi32, #tpu.memory_space<hbm>> -> memref<40x128xi32, #tpu.memory_space<hbm>>
      %dma_start3A_42 = arith.constant 0 : i32
      %dma_start3A_43 = tpu.memref_slice %arg3[%mul3A_2, %dma_start3A_42] : memref<1280x128xi32, #tpu.memory_space<hbm>> -> memref<40x128xi32, #tpu.memory_space<hbm>>
      tpu.enqueue_dma source(%dma_start3A_43 : memref<40x128xi32, #tpu.memory_space<hbm>>) target(%arg5 : memref<40x128xi32, #tpu.memory_space<vmem>>) target_semaphore(%run_scoped3A : memref<!tpu.dma_semaphore, #tpu.memory_space<semaphore_mem>>)
      %dma_wait3A_44 = arith.constant 0 : i32
      %dma_wait3A_45 = tpu.memref_slice %arg3[%mul3A_2, %dma_wait3A_44] : memref<1280x128xi32, #tpu.memory_space<hbm>> -> memref<40x128xi32, #tpu.memory_space<hbm>>
      %dma_wait3A_46 = arith.constant 0 : i32
      %dma_wait3A_47 = tpu.memref_slice %arg3[%mul3A_2, %dma_wait3A_46] : memref<1280x128xi32, #tpu.memory_space<hbm>> -> memref<40x128xi32, #tpu.memory_space<hbm>>
      tpu.wait_dma2 semaphore(%run_scoped3A : memref<!tpu.dma_semaphore, #tpu.memory_space<semaphore_mem>>) src(%dma_wait3A_47 : memref<40x128xi32, #tpu.memory_space<hbm>>) dst(%arg5 : memref<40x128xi32, #tpu.memory_space<vmem>>)
      tpu.yield
    }) : () -> ()
    %broadcast_in_dim3A = arith.constant 0.000000e+00 : f32
    %broadcast_in_dim3A_5 = vector.broadcast %broadcast_in_dim3A : f32 to vector<16xf32>
    %scan3A = arith.constant 0 : i32
    %scan3A_6 = arith.constant 0 : i32
    %scan3A_7 = arith.constant 128 : i32
    %scan3A_8 = arith.addi %scan3A_6, %scan3A_7 : i32
    %scan3A_9 = arith.constant 1 : i32
    %scan3A_10 = scf.for %scan3A_40 = %scan3A_6 to %scan3A_8 step %scan3A_9 iter_args(%scan3A_41 = %scan3A) -> (i32)  : i32 {
      %swap3A = arith.index_cast %scan3A_40 : i32 to index
      %swap3A_42 = arith.constant 0 : index
      %swap3A_43 = tpu.vector_load %arg6[%swap3A, %swap3A_42] {strides = array<i32>} : memref<128x128xf32, #tpu.memory_space<vmem>>, vector<1x16xf32>,
      %swap3A_44 = vector.shape_cast %swap3A_43 : vector<1x16xf32> to vector<16xf32>
      %swap3A_45 = vector.shape_cast %broadcast_in_dim3A_5 : vector<16xf32> to vector<1x16xf32>
      tpu.vector_store %arg6[%swap3A, %swap3A_42], %swap3A_45 {strides = array<i32>} : memref<128x128xf32, #tpu.memory_space<vmem>>, vector<1x16xf32>,
      %swap3A_46 = arith.index_cast %scan3A_40 : i32 to index
      %swap3A_47 = arith.constant 16 : index
      %swap3A_48 = tpu.vector_load %arg6[%swap3A_46, %swap3A_47] {strides = array<i32>} : memref<128x128xf32, #tpu.memory_space<vmem>>, vector<1x16xf32>,
      %swap3A_49 = vector.shape_cast %swap3A_48 : vector<1x16xf32> to vector<16xf32>
      %swap3A_50 = vector.shape_cast %broadcast_in_dim3A_5 : vector<16xf32> to vector<1x16xf32>
      tpu.vector_store %arg6[%swap3A_46, %swap3A_47], %swap3A_50 {strides = array<i32>} : memref<128x128xf32, #tpu.memory_space<vmem>>, vector<1x16xf32>,
      %swap3A_51 = arith.index_cast %scan3A_40 : i32 to index
      %swap3A_52 = arith.constant 32 : index
      %swap3A_53 = tpu.vector_load %arg6[%swap3A_51, %swap3A_52] {strides = array<i32>} : memref<128x128xf32, #tpu.memory_space<vmem>>, vector<1x16xf32>,
      %swap3A_54 = vector.shape_cast %swap3A_53 : vector<1x16xf32> to vector<16xf32>
      %swap3A_55 = vector.shape_cast %broadcast_in_dim3A_5 : vector<16xf32> to vector<1x16xf32>
      tpu.vector_store %arg6[%swap3A_51, %swap3A_52], %swap3A_55 {strides = array<i32>} : memref<128x128xf32, #tpu.memory_space<vmem>>, vector<1x16xf32>,
      %swap3A_56 = arith.index_cast %scan3A_40 : i32 to index
      %swap3A_57 = arith.constant 48 : index
      %swap3A_58 = tpu.vector_load %arg6[%swap3A_56, %swap3A_57] {strides = array<i32>} : memref<128x128xf32, #tpu.memory_space<vmem>>, vector<1x16xf32>,
      %swap3A_59 = vector.shape_cast %swap3A_58 : vector<1x16xf32> to vector<16xf32>
      %swap3A_60 = vector.shape_cast %broadcast_in_dim3A_5 : vector<16xf32> to vector<1x16xf32>
      tpu.vector_store %arg6[%swap3A_56, %swap3A_57], %swap3A_60 {strides = array<i32>} : memref<128x128xf32, #tpu.memory_space<vmem>>, vector<1x16xf32>,
      %swap3A_61 = arith.index_cast %scan3A_40 : i32 to index
      %swap3A_62 = arith.constant 64 : index
      %swap3A_63 = tpu.vector_load %arg6[%swap3A_61, %swap3A_62] {strides = array<i32>} : memref<128x128xf32, #tpu.memory_space<vmem>>, vector<1x16xf32>,
      %swap3A_64 = vector.shape_cast %swap3A_63 : vector<1x16xf32> to vector<16xf32>
      %swap3A_65 = vector.shape_cast %broadcast_in_dim3A_5 : vector<16xf32> to vector<1x16xf32>
      tpu.vector_store %arg6[%swap3A_61, %swap3A_62], %swap3A_65 {strides = array<i32>} : memref<128x128xf32, #tpu.memory_space<vmem>>, vector<1x16xf32>,
      %swap3A_66 = arith.index_cast %scan3A_40 : i32 to index
      %swap3A_67 = arith.constant 80 : index
      %swap3A_68 = tpu.vector_load %arg6[%swap3A_66, %swap3A_67] {strides = array<i32>} : memref<128x128xf32, #tpu.memory_space<vmem>>, vector<1x16xf32>,
      %swap3A_69 = vector.shape_cast %swap3A_68 : vector<1x16xf32> to vector<16xf32>
      %swap3A_70 = vector.shape_cast %broadcast_in_dim3A_5 : vector<16xf32> to vector<1x16xf32>
      tpu.vector_store %arg6[%swap3A_66, %swap3A_67], %swap3A_70 {strides = array<i32>} : memref<128x128xf32, #tpu.memory_space<vmem>>, vector<1x16xf32>,
      %swap3A_71 = arith.index_cast %scan3A_40 : i32 to index
      %swap3A_72 = arith.constant 96 : index
      %swap3A_73 = tpu.vector_load %arg6[%swap3A_71, %swap3A_72] {strides = array<i32>} : memref<128x128xf32, #tpu.memory_space<vmem>>, vector<1x16xf32>,
      %swap3A_74 = vector.shape_cast %swap3A_73 : vector<1x16xf32> to vector<16xf32>
      %swap3A_75 = vector.shape_cast %broadcast_in_dim3A_5 : vector<16xf32> to vector<1x16xf32>
      tpu.vector_store %arg6[%swap3A_71, %swap3A_72], %swap3A_75 {strides = array<i32>} : memref<128x128xf32, #tpu.memory_space<vmem>>, vector<1x16xf32>,
      %swap3A_76 = arith.index_cast %scan3A_40 : i32 to index
      %swap3A_77 = arith.constant 112 : index
      %swap3A_78 = tpu.vector_load %arg6[%swap3A_76, %swap3A_77] {strides = array<i32>} : memref<128x128xf32, #tpu.memory_space<vmem>>, vector<1x16xf32>,
      %swap3A_79 = vector.shape_cast %swap3A_78 : vector<1x16xf32> to vector<16xf32>
      %swap3A_80 = vector.shape_cast %broadcast_in_dim3A_5 : vector<16xf32> to vector<1x16xf32>
      tpu.vector_store %arg6[%swap3A_76, %swap3A_77], %swap3A_80 {strides = array<i32>} : memref<128x128xf32, #tpu.memory_space<vmem>>, vector<1x16xf32>,
      %scan3A_81 = arith.constant 0 : i32
      scf.yield %scan3A_81 : i32
    }
    %scan3A_11 = arith.constant 128 : i32
    %add3A_12 = arith.constant 0 : i32
    %add3A_13 = arith.addi %mul3A_4, %add3A_12 : i32
    "tpu.region"() ({
      %run_scoped3A = tpu.sem_alloc : memref<!tpu.dma_semaphore, #tpu.memory_space<semaphore_mem>>
      %dma_start3A_40 = arith.constant 0 : i32
      %dma_start3A_41 = tpu.memref_slice %arg8[%add3A_13, %dma_start3A_40] : memref<10240x128xf32, #tpu.memory_space<vmem_shared>> -> memref<128x128xf32, #tpu.memory_space<vmem_shared>>
      %dma_start3A_42 = arith.constant 0 : i32
      %dma_start3A_43 = tpu.memref_slice %arg8[%add3A_13, %dma_start3A_42] : memref<10240x128xf32, #tpu.memory_space<vmem_shared>> -> memref<128x128xf32, #tpu.memory_space<vmem_shared>>
      tpu.enqueue_dma source(%arg6 : memref<128x128xf32, #tpu.memory_space<vmem>>) target(%dma_start3A_43 : memref<128x128xf32, #tpu.memory_space<vmem_shared>>) target_semaphore(%run_scoped3A : memref<!tpu.dma_semaphore, #tpu.memory_space<semaphore_mem>>)
      %dma_wait3A_44 = arith.constant 0 : i32
      %dma_wait3A_45 = tpu.memref_slice %arg8[%add3A_13, %dma_wait3A_44] : memref<10240x128xf32, #tpu.memory_space<vmem_shared>> -> memref<128x128xf32, #tpu.memory_space<vmem_shared>>
      %dma_wait3A_46 = arith.constant 0 : i32
      %dma_wait3A_47 = tpu.memref_slice %arg8[%add3A_13, %dma_wait3A_46] : memref<10240x128xf32, #tpu.memory_space<vmem_shared>> -> memref<128x128xf32, #tpu.memory_space<vmem_shared>>
      tpu.wait_dma2 semaphore(%run_scoped3A : memref<!tpu.dma_semaphore, #tpu.memory_space<semaphore_mem>>) src(%arg6 : memref<128x128xf32, #tpu.memory_space<vmem>>) dst(%dma_wait3A_47 : memref<128x128xf32, #tpu.memory_space<vmem_shared>>)
      tpu.yield
    }) : () -> ()
    %add3A_14 = arith.constant 128 : i32
    %add3A_15 = arith.addi %mul3A_4, %add3A_14 : i32
    "tpu.region"() ({
      %run_scoped3A = tpu.sem_alloc : memref<!tpu.dma_semaphore, #tpu.memory_space<semaphore_mem>>
      %dma_start3A_40 = arith.constant 0 : i32
      %dma_start3A_41 = tpu.memref_slice %arg8[%add3A_15, %dma_start3A_40] : memref<10240x128xf32, #tpu.memory_space<vmem_shared>> -> memref<128x128xf32, #tpu.memory_space<vmem_shared>>
      %dma_start3A_42 = arith.constant 0 : i32
      %dma_start3A_43 = tpu.memref_slice %arg8[%add3A_15, %dma_start3A_42] : memref<10240x128xf32, #tpu.memory_space<vmem_shared>> -> memref<128x128xf32, #tpu.memory_space<vmem_shared>>
      tpu.enqueue_dma source(%arg6 : memref<128x128xf32, #tpu.memory_space<vmem>>) target(%dma_start3A_43 : memref<128x128xf32, #tpu.memory_space<vmem_shared>>) target_semaphore(%run_scoped3A : memref<!tpu.dma_semaphore, #tpu.memory_space<semaphore_mem>>)
      %dma_wait3A_44 = arith.constant 0 : i32
      %dma_wait3A_45 = tpu.memref_slice %arg8[%add3A_15, %dma_wait3A_44] : memref<10240x128xf32, #tpu.memory_space<vmem_shared>> -> memref<128x128xf32, #tpu.memory_space<vmem_shared>>
      %dma_wait3A_46 = arith.constant 0 : i32
      %dma_wait3A_47 = tpu.memref_slice %arg8[%add3A_15, %dma_wait3A_46] : memref<10240x128xf32, #tpu.memory_space<vmem_shared>> -> memref<128x128xf32, #tpu.memory_space<vmem_shared>>
      tpu.wait_dma2 semaphore(%run_scoped3A : memref<!tpu.dma_semaphore, #tpu.memory_space<semaphore_mem>>) src(%arg6 : memref<128x128xf32, #tpu.memory_space<vmem>>) dst(%dma_wait3A_47 : memref<128x128xf32, #tpu.memory_space<vmem_shared>>)
      tpu.yield
    }) : () -> ()
    %add3A_16 = arith.constant 256 : i32
    %add3A_17 = arith.addi %mul3A_4, %add3A_16 : i32
    "tpu.region"() ({
      %run_scoped3A = tpu.sem_alloc : memref<!tpu.dma_semaphore, #tpu.memory_space<semaphore_mem>>
      %dma_start3A_40 = arith.constant 0 : i32
      %dma_start3A_41 = tpu.memref_slice %arg8[%add3A_17, %dma_start3A_40] : memref<10240x128xf32, #tpu.memory_space<vmem_shared>> -> memref<128x128xf32, #tpu.memory_space<vmem_shared>>
      %dma_start3A_42 = arith.constant 0 : i32
      %dma_start3A_43 = tpu.memref_slice %arg8[%add3A_17, %dma_start3A_42] : memref<10240x128xf32, #tpu.memory_space<vmem_shared>> -> memref<128x128xf32, #tpu.memory_space<vmem_shared>>
      tpu.enqueue_dma source(%arg6 : memref<128x128xf32, #tpu.memory_space<vmem>>) target(%dma_start3A_43 : memref<128x128xf32, #tpu.memory_space<vmem_shared>>) target_semaphore(%run_scoped3A : memref<!tpu.dma_semaphore, #tpu.memory_space<semaphore_mem>>)
      %dma_wait3A_44 = arith.constant 0 : i32
      %dma_wait3A_45 = tpu.memref_slice %arg8[%add3A_17, %dma_wait3A_44] : memref<10240x128xf32, #tpu.memory_space<vmem_shared>> -> memref<128x128xf32, #tpu.memory_space<vmem_shared>>
      %dma_wait3A_46 = arith.constant 0 : i32
      %dma_wait3A_47 = tpu.memref_slice %arg8[%add3A_17, %dma_wait3A_46] : memref<10240x128xf32, #tpu.memory_space<vmem_shared>> -> memref<128x128xf32, #tpu.memory_space<vmem_shared>>
      tpu.wait_dma2 semaphore(%run_scoped3A : memref<!tpu.dma_semaphore, #tpu.memory_space<semaphore_mem>>) src(%arg6 : memref<128x128xf32, #tpu.memory_space<vmem>>) dst(%dma_wait3A_47 : memref<128x128xf32, #tpu.memory_space<vmem_shared>>)
      tpu.yield
    }) : () -> ()
    %add3A_18 = arith.constant 384 : i32
    %add3A_19 = arith.addi %mul3A_4, %add3A_18 : i32
    "tpu.region"() ({
      %run_scoped3A = tpu.sem_alloc : memref<!tpu.dma_semaphore, #tpu.memory_space<semaphore_mem>>
      %dma_start3A_40 = arith.constant 0 : i32
      %dma_start3A_41 = tpu.memref_slice %arg8[%add3A_19, %dma_start3A_40] : memref<10240x128xf32, #tpu.memory_space<vmem_shared>> -> memref<128x128xf32, #tpu.memory_space<vmem_shared>>
      %dma_start3A_42 = arith.constant 0 : i32
      %dma_start3A_43 = tpu.memref_slice %arg8[%add3A_19, %dma_start3A_42] : memref<10240x128xf32, #tpu.memory_space<vmem_shared>> -> memref<128x128xf32, #tpu.memory_space<vmem_shared>>
      tpu.enqueue_dma source(%arg6 : memref<128x128xf32, #tpu.memory_space<vmem>>) target(%dma_start3A_43 : memref<128x128xf32, #tpu.memory_space<vmem_shared>>) target_semaphore(%run_scoped3A : memref<!tpu.dma_semaphore, #tpu.memory_space<semaphore_mem>>)
      %dma_wait3A_44 = arith.constant 0 : i32
      %dma_wait3A_45 = tpu.memref_slice %arg8[%add3A_19, %dma_wait3A_44] : memref<10240x128xf32, #tpu.memory_space<vmem_shared>> -> memref<128x128xf32, #tpu.memory_space<vmem_shared>>
      %dma_wait3A_46 = arith.constant 0 : i32
      %dma_wait3A_47 = tpu.memref_slice %arg8[%add3A_19, %dma_wait3A_46] : memref<10240x128xf32, #tpu.memory_space<vmem_shared>> -> memref<128x128xf32, #tpu.memory_space<vmem_shared>>
      tpu.wait_dma2 semaphore(%run_scoped3A : memref<!tpu.dma_semaphore, #tpu.memory_space<semaphore_mem>>) src(%arg6 : memref<128x128xf32, #tpu.memory_space<vmem>>) dst(%dma_wait3A_47 : memref<128x128xf32, #tpu.memory_space<vmem_shared>>)
      tpu.yield
    }) : () -> ()
    %add3A_20 = arith.constant 512 : i32
    %add3A_21 = arith.addi %mul3A_4, %add3A_20 : i32
    "tpu.region"() ({
      %run_scoped3A = tpu.sem_alloc : memref<!tpu.dma_semaphore, #tpu.memory_space<semaphore_mem>>
      %dma_start3A_40 = arith.constant 0 : i32
      %dma_start3A_41 = tpu.memref_slice %arg8[%add3A_21, %dma_start3A_40] : memref<10240x128xf32, #tpu.memory_space<vmem_shared>> -> memref<128x128xf32, #tpu.memory_space<vmem_shared>>
      %dma_start3A_42 = arith.constant 0 : i32
      %dma_start3A_43 = tpu.memref_slice %arg8[%add3A_21, %dma_start3A_42] : memref<10240x128xf32, #tpu.memory_space<vmem_shared>> -> memref<128x128xf32, #tpu.memory_space<vmem_shared>>
      tpu.enqueue_dma source(%arg6 : memref<128x128xf32, #tpu.memory_space<vmem>>) target(%dma_start3A_43 : memref<128x128xf32, #tpu.memory_space<vmem_shared>>) target_semaphore(%run_scoped3A : memref<!tpu.dma_semaphore, #tpu.memory_space<semaphore_mem>>)
      %dma_wait3A_44 = arith.constant 0 : i32
      %dma_wait3A_45 = tpu.memref_slice %arg8[%add3A_21, %dma_wait3A_44] : memref<10240x128xf32, #tpu.memory_space<vmem_shared>> -> memref<128x128xf32, #tpu.memory_space<vmem_shared>>
      %dma_wait3A_46 = arith.constant 0 : i32
      %dma_wait3A_47 = tpu.memref_slice %arg8[%add3A_21, %dma_wait3A_46] : memref<10240x128xf32, #tpu.memory_space<vmem_shared>> -> memref<128x128xf32, #tpu.memory_space<vmem_shared>>
      tpu.wait_dma2 semaphore(%run_scoped3A : memref<!tpu.dma_semaphore, #tpu.memory_space<semaphore_mem>>) src(%arg6 : memref<128x128xf32, #tpu.memory_space<vmem>>) dst(%dma_wait3A_47 : memref<128x128xf32, #tpu.memory_space<vmem_shared>>)
      tpu.yield
    }) : () -> ()
    %barrier3A = arith.constant 0 : index
    tpu.barrier barrier_id(%barrier3A)
    %mul3A_22 = arith.constant 128 : i32
    %mul3A_23 = arith.muli %mul3A_2, %mul3A_22 : i32
    %dma_start3A = arith.constant 0 : i32
    %dma_start3A_24 = tpu.memref_slice %arg2[%mul3A_23, %dma_start3A] : memref<163840x128xf32, #tpu.memory_space<hbm>> -> memref<128x128xf32, #tpu.memory_space<hbm>>
    %dma_start3A_25 = arith.constant 0 : i32
    %dma_start3A_26 = tpu.memref_slice %arg2[%mul3A_23, %dma_start3A_25] : memref<163840x128xf32, #tpu.memory_space<hbm>> -> memref<128x128xf32, #tpu.memory_space<hbm>>
    tpu.enqueue_dma source(%dma_start3A_26 : memref<128x128xf32, #tpu.memory_space<hbm>>) target(%arg6 : memref<128x128xf32, #tpu.memory_space<vmem>>) target_semaphore(%arg9 : memref<!tpu.dma_semaphore, #tpu.memory_space<semaphore_mem>>)
    %scan3A_27 = arith.constant 0 : i32
    %scan3A_28 = arith.constant 0 : i32
    %scan3A_29 = arith.constant 20 : i32
    %scan3A_30 = arith.addi %scan3A_28, %scan3A_29 : i32
    %scan3A_31 = arith.constant 1 : i32
    %scan3A_32 = scf.for %scan3A_40 = %scan3A_28 to %scan3A_30 step %scan3A_31 iter_args(%scan3A_41 = %scan3A_27) -> (i32)  : i32 {
      %mul3A_42 = arith.constant 2 : i32
      %mul3A_43 = arith.muli %scan3A_40, %mul3A_42 : i32
      %add3A_44 = arith.constant 0 : i32
      %add3A_45 = arith.addi %mul3A_43, %add3A_44 : i32
      %dma_wait3A_46 = arith.constant 0 : i32
      %dma_wait3A_47 = arith.constant 0 : i32
      %dma_wait3A_48 = tpu.memref_slice %arg2[%dma_wait3A_46, %dma_wait3A_47] : memref<163840x128xf32, #tpu.memory_space<hbm>> -> memref<128x128xf32, #tpu.memory_space<hbm>>
      %dma_wait3A_49 = arith.constant 0 : i32
      %dma_wait3A_50 = arith.constant 0 : i32
      %dma_wait3A_51 = tpu.memref_slice %arg2[%dma_wait3A_49, %dma_wait3A_50] : memref<163840x128xf32, #tpu.memory_space<hbm>> -> memref<128x128xf32, #tpu.memory_space<hbm>>
      tpu.wait_dma2 semaphore(%arg9 : memref<!tpu.dma_semaphore, #tpu.memory_space<semaphore_mem>>) src(%dma_wait3A_51 : memref<128x128xf32, #tpu.memory_space<hbm>>) dst(%arg6 : memref<128x128xf32, #tpu.memory_space<vmem>>)
      %dma_start3A_52 = arith.constant 0 : i32
      %dma_start3A_53 = tpu.memref_slice %arg5[%add3A_45, %dma_start3A_52] : memref<40x128xi32, #tpu.memory_space<vmem>> -> memref<1x128xi32, #tpu.memory_space<vmem>>
      %dma_start3A_54 = tpu.memref_squeeze %dma_start3A_53 : memref<1x128xi32, #tpu.memory_space<vmem>> -> memref<128xi32, #tpu.memory_space<vmem>>
      %dma_start3A_55 = arith.constant 0 : i32
      %dma_start3A_56 = arith.constant 0 : i32
      %dma_start3A_57 = tpu.memref_slice %arg8[%dma_start3A_55, %dma_start3A_56] : memref<10240x128xf32, #tpu.memory_space<vmem_shared>> -> memref<10240x128xf32, #tpu.memory_space<vmem_shared>>
      tpu.enqueue_indirect_dma source(%arg6 : memref<128x128xf32, #tpu.memory_space<vmem>>) target(%dma_start3A_57 : memref<10240x128xf32, #tpu.memory_space<vmem_shared>>) offsets(%dma_start3A_54 : memref<128xi32, #tpu.memory_space<vmem>>) semaphore(%arg11 : memref<!tpu.dma_semaphore, #tpu.memory_space<semaphore_mem>>) {add = true}
      %ge3A = arith.constant 1 : i32
      %ge3A_58 = arith.cmpi sge, %add3A_45, %ge3A : i32
      %convert_element_type3A = arith.extui %ge3A_58 : i1 to i32
      %cond3A = arith.constant 0 : i32
      %cond3A_59 = arith.cmpi ne, %convert_element_type3A, %cond3A : i32
      scf.if %cond3A_59 {
        %dma_wait3A_95 = arith.constant 0 : i32
        %dma_wait3A_96 = arith.constant 0 : i32
        %dma_wait3A_97 = tpu.memref_slice %arg8[%dma_wait3A_95, %dma_wait3A_96] : memref<10240x128xf32, #tpu.memory_space<vmem_shared>> -> memref<128x128xf32, #tpu.memory_space<vmem_shared>>
        %dma_wait3A_98 = arith.constant 0 : i32
        %dma_wait3A_99 = arith.constant 0 : i32
        %dma_wait3A_100 = tpu.memref_slice %arg8[%dma_wait3A_98, %dma_wait3A_99] : memref<10240x128xf32, #tpu.memory_space<vmem_shared>> -> memref<128x128xf32, #tpu.memory_space<vmem_shared>>
        tpu.wait_dma2 semaphore(%arg12 : memref<!tpu.dma_semaphore, #tpu.memory_space<semaphore_mem>>) src(%dma_wait3A_100 : memref<128x128xf32, #tpu.memory_space<vmem_shared>>) dst(%arg7 : memref<128x128xf32, #tpu.memory_space<vmem>>)
      } else {
      }
      %add3A_60 = arith.constant 1 : i32
      %add3A_61 = arith.addi %add3A_45, %add3A_60 : i32
      %lt3A = arith.constant 40 : i32
      %lt3A_62 = arith.cmpi slt, %add3A_61, %lt3A : i32
      %convert_element_type3A_63 = arith.extui %lt3A_62 : i1 to i32
      %cond3A_64 = arith.constant 0 : i32
      %cond3A_65 = arith.cmpi ne, %convert_element_type3A_63, %cond3A_64 : i32
      scf.if %cond3A_65 {
        %add3A_95 = arith.addi %mul3A_2, %add3A_45 : i32
        %add3A_96 = arith.constant 1 : i32
        %add3A_97 = arith.addi %add3A_95, %add3A_96 : i32
        %mul3A_98 = arith.constant 128 : i32
        %mul3A_99 = arith.muli %add3A_97, %mul3A_98 : i32
        %dma_start3A_100 = arith.constant 0 : i32
        %dma_start3A_101 = tpu.memref_slice %arg2[%mul3A_99, %dma_start3A_100] : memref<163840x128xf32, #tpu.memory_space<hbm>> -> memref<128x128xf32, #tpu.memory_space<hbm>>
        %dma_start3A_102 = arith.constant 0 : i32
        %dma_start3A_103 = tpu.memref_slice %arg2[%mul3A_99, %dma_start3A_102] : memref<163840x128xf32, #tpu.memory_space<hbm>> -> memref<128x128xf32, #tpu.memory_space<hbm>>
        tpu.enqueue_dma source(%dma_start3A_103 : memref<128x128xf32, #tpu.memory_space<hbm>>) target(%arg7 : memref<128x128xf32, #tpu.memory_space<vmem>>) target_semaphore(%arg10 : memref<!tpu.dma_semaphore, #tpu.memory_space<semaphore_mem>>)
      } else {
      }
      %mul3A_66 = arith.constant 2 : i32
      %mul3A_67 = arith.muli %scan3A_40, %mul3A_66 : i32
      %add3A_68 = arith.constant 1 : i32
      %add3A_69 = arith.addi %mul3A_67, %add3A_68 : i32
      %dma_wait3A_70 = arith.constant 0 : i32
      %dma_wait3A_71 = arith.constant 0 : i32
      %dma_wait3A_72 = tpu.memref_slice %arg2[%dma_wait3A_70, %dma_wait3A_71] : memref<163840x128xf32, #tpu.memory_space<hbm>> -> memref<128x128xf32, #tpu.memory_space<hbm>>
      %dma_wait3A_73 = arith.constant 0 : i32
      %dma_wait3A_74 = arith.constant 0 : i32
      %dma_wait3A_75 = tpu.memref_slice %arg2[%dma_wait3A_73, %dma_wait3A_74] : memref<163840x128xf32, #tpu.memory_space<hbm>> -> memref<128x128xf32, #tpu.memory_space<hbm>>
      tpu.wait_dma2 semaphore(%arg10 : memref<!tpu.dma_semaphore, #tpu.memory_space<semaphore_mem>>) src(%dma_wait3A_75 : memref<128x128xf32, #tpu.memory_space<hbm>>) dst(%arg7 : memref<128x128xf32, #tpu.memory_space<vmem>>)
      %dma_start3A_76 = arith.constant 0 : i32
      %dma_start3A_77 = tpu.memref_slice %arg5[%add3A_69, %dma_start3A_76] : memref<40x128xi32, #tpu.memory_space<vmem>> -> memref<1x128xi32, #tpu.memory_space<vmem>>
      %dma_start3A_78 = tpu.memref_squeeze %dma_start3A_77 : memref<1x128xi32, #tpu.memory_space<vmem>> -> memref<128xi32, #tpu.memory_space<vmem>>
      %dma_start3A_79 = arith.constant 0 : i32
      %dma_start3A_80 = arith.constant 0 : i32
      %dma_start3A_81 = tpu.memref_slice %arg8[%dma_start3A_79, %dma_start3A_80] : memref<10240x128xf32, #tpu.memory_space<vmem_shared>> -> memref<10240x128xf32, #tpu.memory_space<vmem_shared>>
      tpu.enqueue_indirect_dma source(%arg7 : memref<128x128xf32, #tpu.memory_space<vmem>>) target(%dma_start3A_81 : memref<10240x128xf32, #tpu.memory_space<vmem_shared>>) offsets(%dma_start3A_78 : memref<128xi32, #tpu.memory_space<vmem>>) semaphore(%arg12 : memref<!tpu.dma_semaphore, #tpu.memory_space<semaphore_mem>>) {add = true}
      %ge3A_82 = arith.constant 1 : i32
      %ge3A_83 = arith.cmpi sge, %add3A_69, %ge3A_82 : i32
      %convert_element_type3A_84 = arith.extui %ge3A_83 : i1 to i32
      %cond3A_85 = arith.constant 0 : i32
      %cond3A_86 = arith.cmpi ne, %convert_element_type3A_84, %cond3A_85 : i32
      scf.if %cond3A_86 {
        %dma_wait3A_95 = arith.constant 0 : i32
        %dma_wait3A_96 = arith.constant 0 : i32
        %dma_wait3A_97 = tpu.memref_slice %arg8[%dma_wait3A_95, %dma_wait3A_96] : memref<10240x128xf32, #tpu.memory_space<vmem_shared>> -> memref<128x128xf32, #tpu.memory_space<vmem_shared>>
        %dma_wait3A_98 = arith.constant 0 : i32
        %dma_wait3A_99 = arith.constant 0 : i32
        %dma_wait3A_100 = tpu.memref_slice %arg8[%dma_wait3A_98, %dma_wait3A_99] : memref<10240x128xf32, #tpu.memory_space<vmem_shared>> -> memref<128x128xf32, #tpu.memory_space<vmem_shared>>
        tpu.wait_dma2 semaphore(%arg11 : memref<!tpu.dma_semaphore, #tpu.memory_space<semaphore_mem>>) src(%dma_wait3A_100 : memref<128x128xf32, #tpu.memory_space<vmem_shared>>) dst(%arg6 : memref<128x128xf32, #tpu.memory_space<vmem>>)
      } else {
      }
      %add3A_87 = arith.constant 1 : i32
      %add3A_88 = arith.addi %add3A_69, %add3A_87 : i32
      %lt3A_89 = arith.constant 40 : i32
      %lt3A_90 = arith.cmpi slt, %add3A_88, %lt3A_89 : i32
      %convert_element_type3A_91 = arith.extui %lt3A_90 : i1 to i32
      %cond3A_92 = arith.constant 0 : i32
      %cond3A_93 = arith.cmpi ne, %convert_element_type3A_91, %cond3A_92 : i32
      scf.if %cond3A_93 {
        %add3A_95 = arith.addi %mul3A_2, %add3A_69 : i32
        %add3A_96 = arith.constant 1 : i32
        %add3A_97 = arith.addi %add3A_95, %add3A_96 : i32
        %mul3A_98 = arith.constant 128 : i32
        %mul3A_99 = arith.muli %add3A_97, %mul3A_98 : i32
        %dma_start3A_100 = arith.constant 0 : i32
        %dma_start3A_101 = tpu.memref_slice %arg2[%mul3A_99, %dma_start3A_100] : memref<163840x128xf32, #tpu.memory_space<hbm>> -> memref<128x128xf32, #tpu.memory_space<hbm>>
        %dma_start3A_102 = arith.constant 0 : i32
        %dma_start3A_103 = tpu.memref_slice %arg2[%mul3A_99, %dma_start3A_102] : memref<163840x128xf32, #tpu.memory_space<hbm>> -> memref<128x128xf32, #tpu.memory_space<hbm>>
        tpu.enqueue_dma source(%dma_start3A_103 : memref<128x128xf32, #tpu.memory_space<hbm>>) target(%arg6 : memref<128x128xf32, #tpu.memory_space<vmem>>) target_semaphore(%arg9 : memref<!tpu.dma_semaphore, #tpu.memory_space<semaphore_mem>>)
      } else {
      }
      %scan3A_94 = arith.constant 0 : i32
      scf.yield %scan3A_94 : i32
    }
    %scan3A_33 = arith.constant 20 : i32
    %dma_wait3A = arith.constant 0 : i32
    %dma_wait3A_34 = arith.constant 0 : i32
    %dma_wait3A_35 = tpu.memref_slice %arg8[%dma_wait3A, %dma_wait3A_34] : memref<10240x128xf32, #tpu.memory_space<vmem_shared>> -> memref<128x128xf32, #tpu.memory_space<vmem_shared>>
    %dma_wait3A_36 = arith.constant 0 : i32
    %dma_wait3A_37 = arith.constant 0 : i32
    %dma_wait3A_38 = tpu.memref_slice %arg8[%dma_wait3A_36, %dma_wait3A_37] : memref<10240x128xf32, #tpu.memory_space<vmem_shared>> -> memref<128x128xf32, #tpu.memory_space<vmem_shared>>
    tpu.wait_dma2 semaphore(%arg12 : memref<!tpu.dma_semaphore, #tpu.memory_space<semaphore_mem>>) src(%dma_wait3A_38 : memref<128x128xf32, #tpu.memory_space<vmem_shared>>) dst(%arg7 : memref<128x128xf32, #tpu.memory_space<vmem>>)
    %barrier3A_39 = arith.constant 0 : index
    tpu.barrier barrier_id(%barrier3A_39)
    "tpu.region"() ({
      %run_scoped3A = tpu.sem_alloc : memref<!tpu.dma_semaphore, #tpu.memory_space<semaphore_mem>>
      %dma_start3A_40 = arith.constant 0 : i32
      %dma_start3A_41 = tpu.memref_slice %arg4[%arg0, %mul3A_4, %dma_start3A_40] : memref<2x10240x128xf32, #tpu.memory_space<hbm>> -> memref<1x640x128xf32, #tpu.memory_space<hbm>>
      %dma_start3A_42 = tpu.memref_squeeze %dma_start3A_41 : memref<1x640x128xf32, #tpu.memory_space<hbm>> -> memref<640x128xf32, #tpu.memory_space<hbm>>
      %dma_start3A_43 = arith.constant 0 : i32
      %dma_start3A_44 = tpu.memref_slice %arg8[%mul3A_4, %dma_start3A_43] : memref<10240x128xf32, #tpu.memory_space<vmem_shared>> -> memref<640x128xf32, #tpu.memory_space<vmem_shared>>
      tpu.enqueue_dma source(%dma_start3A_44 : memref<640x128xf32, #tpu.memory_space<vmem_shared>>) target(%dma_start3A_42 : memref<640x128xf32, #tpu.memory_space<hbm>>) target_semaphore(%run_scoped3A : memref<!tpu.dma_semaphore, #tpu.memory_space<semaphore_mem>>)
      %dma_wait3A_45 = arith.constant 0 : i32
      %dma_wait3A_46 = tpu.memref_slice %arg4[%arg0, %mul3A_4, %dma_wait3A_45] : memref<2x10240x128xf32, #tpu.memory_space<hbm>> -> memref<1x640x128xf32, #tpu.memory_space<hbm>>
      %dma_wait3A_47 = tpu.memref_squeeze %dma_wait3A_46 : memref<1x640x128xf32, #tpu.memory_space<hbm>> -> memref<640x128xf32, #tpu.memory_space<hbm>>
      %dma_wait3A_48 = arith.constant 0 : i32
      %dma_wait3A_49 = tpu.memref_slice %arg8[%mul3A_4, %dma_wait3A_48] : memref<10240x128xf32, #tpu.memory_space<vmem_shared>> -> memref<640x128xf32, #tpu.memory_space<vmem_shared>>
      tpu.wait_dma2 semaphore(%run_scoped3A : memref<!tpu.dma_semaphore, #tpu.memory_space<semaphore_mem>>) src(%dma_wait3A_49 : memref<640x128xf32, #tpu.memory_space<vmem_shared>>) dst(%dma_wait3A_47 : memref<640x128xf32, #tpu.memory_space<hbm>>)
      tpu.yield
    }) : () -> ()
    return
  }
}

#map = affine_map<(d0, d1) -> (0, 0)>
#map1 = affine_map<(d0, d1) -> (0, 0, 0)>
module attributes {stable_mosaic.version = 14 : i64} {
  func.func @k(%arg0: i32, %arg1: i32, %arg2: memref<163840x128xf32, #tpu.memory_space<hbm>>, %arg3: memref<1280x128xi32, #tpu.memory_space<hbm>>, %arg4: memref<2x10240x128xf32, #tpu.memory_space<hbm>>, %arg5: memref<40x128xi32, #tpu.memory_space<vmem>>, %arg6: memref<128x128xf32, #tpu.memory_space<vmem>>, %arg7: memref<128x128xf32, #tpu.memory_space<vmem>>, %arg8: memref<10240x128xf32, #tpu.memory_space<vmem_shared>>, %arg9: memref<!tpu.dma_semaphore, #tpu.memory_space<semaphore_mem>>, %arg10: memref<!tpu.dma_semaphore, #tpu.memory_space<semaphore_mem>>, %arg11: memref<!tpu.dma_semaphore, #tpu.memory_space<semaphore_mem>>, %arg12: memref<!tpu.dma_semaphore, #tpu.memory_space<semaphore_mem>>) attributes {dimension_semantics = [#tpu.dimension_semantics<core_parallel>, #tpu.dimension_semantics<subcore_parallel>], iteration_bounds = array<i64: 2, 16>, scalar_prefetch = 0 : i64, scratch_operands = 8 : i64, tpu.core_type = #tpu.core_type<sc_vector_subcore>, window_params = [{transform_indices = #map}, {transform_indices = #map}, {transform_indices = #map1}]} {
    %mul3A = arith.constant 2 : i32
    %mul3A_0 = arith.muli %arg1, %mul3A : i32
    %add3A = arith.addi %mul3A_0, %arg0 : i32
    %mul3A_1 = arith.constant 40 : i32
    %mul3A_2 = arith.muli %add3A, %mul3A_1 : i32
    %mul3A_3 = arith.constant 640 : i32
    %mul3A_4 = arith.muli %arg1, %mul3A_3 : i32
    "tpu.region"() ({
      %run_scoped3A = tpu.sem_alloc : memref<!tpu.dma_semaphore, #tpu.memory_space<semaphore_mem>>
      %dma_start3A_40 = arith.constant 0 : i32
      %dma_start3A_41 = tpu.memref_slice %arg3[%mul3A_2, %dma_start3A_40] : memref<1280x128xi32, #tpu.memory_space<hbm>> -> memref<40x128xi32, #tpu.memory_space<hbm>>
      %dma_start3A_42 = arith.constant 0 : i32
      %dma_start3A_43 = tpu.memref_slice %arg3[%mul3A_2, %dma_start3A_42] : memref<1280x128xi32, #tpu.memory_space<hbm>> -> memref<40x128xi32, #tpu.memory_space<hbm>>
      tpu.enqueue_dma source(%dma_start3A_43 : memref<40x128xi32, #tpu.memory_space<hbm>>) target(%arg5 : memref<40x128xi32, #tpu.memory_space<vmem>>) target_semaphore(%run_scoped3A : memref<!tpu.dma_semaphore, #tpu.memory_space<semaphore_mem>>)
      %dma_wait3A_44 = arith.constant 0 : i32
      %dma_wait3A_45 = tpu.memref_slice %arg3[%mul3A_2, %dma_wait3A_44] : memref<1280x128xi32, #tpu.memory_space<hbm>> -> memref<40x128xi32, #tpu.memory_space<hbm>>
      %dma_wait3A_46 = arith.constant 0 : i32
      %dma_wait3A_47 = tpu.memref_slice %arg3[%mul3A_2, %dma_wait3A_46] : memref<1280x128xi32, #tpu.memory_space<hbm>> -> memref<40x128xi32, #tpu.memory_space<hbm>>
      tpu.wait_dma2 semaphore(%run_scoped3A : memref<!tpu.dma_semaphore, #tpu.memory_space<semaphore_mem>>) src(%dma_wait3A_47 : memref<40x128xi32, #tpu.memory_space<hbm>>) dst(%arg5 : memref<40x128xi32, #tpu.memory_space<vmem>>)
      tpu.yield
    }) : () -> ()
    %broadcast_in_dim3A = arith.constant 0.000000e+00 : f32
    %broadcast_in_dim3A_5 = vector.broadcast %broadcast_in_dim3A : f32 to vector<16xf32>
    %scan3A = arith.constant 0 : i32
    %scan3A_6 = arith.constant 0 : i32
    %scan3A_7 = arith.constant 128 : i32
    %scan3A_8 = arith.addi %scan3A_6, %scan3A_7 : i32
    %scan3A_9 = arith.constant 1 : i32
    %scan3A_10 = scf.for %scan3A_40 = %scan3A_6 to %scan3A_8 step %scan3A_9 iter_args(%scan3A_41 = %scan3A) -> (i32)  : i32 {
      %swap3A = arith.index_cast %scan3A_40 : i32 to index
      %swap3A_42 = arith.constant 0 : index
      %swap3A_43 = tpu.vector_load %arg6[%swap3A, %swap3A_42] {strides = array<i32>} : memref<128x128xf32, #tpu.memory_space<vmem>>, vector<1x16xf32>,
      %swap3A_44 = vector.shape_cast %swap3A_43 : vector<1x16xf32> to vector<16xf32>
      %swap3A_45 = vector.shape_cast %broadcast_in_dim3A_5 : vector<16xf32> to vector<1x16xf32>
      tpu.vector_store %arg6[%swap3A, %swap3A_42], %swap3A_45 {strides = array<i32>} : memref<128x128xf32, #tpu.memory_space<vmem>>, vector<1x16xf32>,
      %swap3A_46 = arith.index_cast %scan3A_40 : i32 to index
      %swap3A_47 = arith.constant 16 : index
      %swap3A_48 = tpu.vector_load %arg6[%swap3A_46, %swap3A_47] {strides = array<i32>} : memref<128x128xf32, #tpu.memory_space<vmem>>, vector<1x16xf32>,
      %swap3A_49 = vector.shape_cast %swap3A_48 : vector<1x16xf32> to vector<16xf32>
      %swap3A_50 = vector.shape_cast %broadcast_in_dim3A_5 : vector<16xf32> to vector<1x16xf32>
      tpu.vector_store %arg6[%swap3A_46, %swap3A_47], %swap3A_50 {strides = array<i32>} : memref<128x128xf32, #tpu.memory_space<vmem>>, vector<1x16xf32>,
      %swap3A_51 = arith.index_cast %scan3A_40 : i32 to index
      %swap3A_52 = arith.constant 32 : index
      %swap3A_53 = tpu.vector_load %arg6[%swap3A_51, %swap3A_52] {strides = array<i32>} : memref<128x128xf32, #tpu.memory_space<vmem>>, vector<1x16xf32>,
      %swap3A_54 = vector.shape_cast %swap3A_53 : vector<1x16xf32> to vector<16xf32>
      %swap3A_55 = vector.shape_cast %broadcast_in_dim3A_5 : vector<16xf32> to vector<1x16xf32>
      tpu.vector_store %arg6[%swap3A_51, %swap3A_52], %swap3A_55 {strides = array<i32>} : memref<128x128xf32, #tpu.memory_space<vmem>>, vector<1x16xf32>,
      %swap3A_56 = arith.index_cast %scan3A_40 : i32 to index
      %swap3A_57 = arith.constant 48 : index
      %swap3A_58 = tpu.vector_load %arg6[%swap3A_56, %swap3A_57] {strides = array<i32>} : memref<128x128xf32, #tpu.memory_space<vmem>>, vector<1x16xf32>,
      %swap3A_59 = vector.shape_cast %swap3A_58 : vector<1x16xf32> to vector<16xf32>
      %swap3A_60 = vector.shape_cast %broadcast_in_dim3A_5 : vector<16xf32> to vector<1x16xf32>
      tpu.vector_store %arg6[%swap3A_56, %swap3A_57], %swap3A_60 {strides = array<i32>} : memref<128x128xf32, #tpu.memory_space<vmem>>, vector<1x16xf32>,
      %swap3A_61 = arith.index_cast %scan3A_40 : i32 to index
      %swap3A_62 = arith.constant 64 : index
      %swap3A_63 = tpu.vector_load %arg6[%swap3A_61, %swap3A_62] {strides = array<i32>} : memref<128x128xf32, #tpu.memory_space<vmem>>, vector<1x16xf32>,
      %swap3A_64 = vector.shape_cast %swap3A_63 : vector<1x16xf32> to vector<16xf32>
      %swap3A_65 = vector.shape_cast %broadcast_in_dim3A_5 : vector<16xf32> to vector<1x16xf32>
      tpu.vector_store %arg6[%swap3A_61, %swap3A_62], %swap3A_65 {strides = array<i32>} : memref<128x128xf32, #tpu.memory_space<vmem>>, vector<1x16xf32>,
      %swap3A_66 = arith.index_cast %scan3A_40 : i32 to index
      %swap3A_67 = arith.constant 80 : index
      %swap3A_68 = tpu.vector_load %arg6[%swap3A_66, %swap3A_67] {strides = array<i32>} : memref<128x128xf32, #tpu.memory_space<vmem>>, vector<1x16xf32>,
      %swap3A_69 = vector.shape_cast %swap3A_68 : vector<1x16xf32> to vector<16xf32>
      %swap3A_70 = vector.shape_cast %broadcast_in_dim3A_5 : vector<16xf32> to vector<1x16xf32>
      tpu.vector_store %arg6[%swap3A_66, %swap3A_67], %swap3A_70 {strides = array<i32>} : memref<128x128xf32, #tpu.memory_space<vmem>>, vector<1x16xf32>,
      %swap3A_71 = arith.index_cast %scan3A_40 : i32 to index
      %swap3A_72 = arith.constant 96 : index
      %swap3A_73 = tpu.vector_load %arg6[%swap3A_71, %swap3A_72] {strides = array<i32>} : memref<128x128xf32, #tpu.memory_space<vmem>>, vector<1x16xf32>,
      %swap3A_74 = vector.shape_cast %swap3A_73 : vector<1x16xf32> to vector<16xf32>
      %swap3A_75 = vector.shape_cast %broadcast_in_dim3A_5 : vector<16xf32> to vector<1x16xf32>
      tpu.vector_store %arg6[%swap3A_71, %swap3A_72], %swap3A_75 {strides = array<i32>} : memref<128x128xf32, #tpu.memory_space<vmem>>, vector<1x16xf32>,
      %swap3A_76 = arith.index_cast %scan3A_40 : i32 to index
      %swap3A_77 = arith.constant 112 : index
      %swap3A_78 = tpu.vector_load %arg6[%swap3A_76, %swap3A_77] {strides = array<i32>} : memref<128x128xf32, #tpu.memory_space<vmem>>, vector<1x16xf32>,
      %swap3A_79 = vector.shape_cast %swap3A_78 : vector<1x16xf32> to vector<16xf32>
      %swap3A_80 = vector.shape_cast %broadcast_in_dim3A_5 : vector<16xf32> to vector<1x16xf32>
      tpu.vector_store %arg6[%swap3A_76, %swap3A_77], %swap3A_80 {strides = array<i32>} : memref<128x128xf32, #tpu.memory_space<vmem>>, vector<1x16xf32>,
      %scan3A_81 = arith.constant 0 : i32
      scf.yield %scan3A_81 : i32
    }
    %scan3A_11 = arith.constant 128 : i32
    %add3A_12 = arith.constant 0 : i32
    %add3A_13 = arith.addi %mul3A_4, %add3A_12 : i32
    "tpu.region"() ({
      %run_scoped3A = tpu.sem_alloc : memref<!tpu.dma_semaphore, #tpu.memory_space<semaphore_mem>>
      %dma_start3A_40 = arith.constant 0 : i32
      %dma_start3A_41 = tpu.memref_slice %arg8[%add3A_13, %dma_start3A_40] : memref<10240x128xf32, #tpu.memory_space<vmem_shared>> -> memref<128x128xf32, #tpu.memory_space<vmem_shared>>
      %dma_start3A_42 = arith.constant 0 : i32
      %dma_start3A_43 = tpu.memref_slice %arg8[%add3A_13, %dma_start3A_42] : memref<10240x128xf32, #tpu.memory_space<vmem_shared>> -> memref<128x128xf32, #tpu.memory_space<vmem_shared>>
      tpu.enqueue_dma source(%arg6 : memref<128x128xf32, #tpu.memory_space<vmem>>) target(%dma_start3A_43 : memref<128x128xf32, #tpu.memory_space<vmem_shared>>) target_semaphore(%run_scoped3A : memref<!tpu.dma_semaphore, #tpu.memory_space<semaphore_mem>>)
      %dma_wait3A_44 = arith.constant 0 : i32
      %dma_wait3A_45 = tpu.memref_slice %arg8[%add3A_13, %dma_wait3A_44] : memref<10240x128xf32, #tpu.memory_space<vmem_shared>> -> memref<128x128xf32, #tpu.memory_space<vmem_shared>>
      %dma_wait3A_46 = arith.constant 0 : i32
      %dma_wait3A_47 = tpu.memref_slice %arg8[%add3A_13, %dma_wait3A_46] : memref<10240x128xf32, #tpu.memory_space<vmem_shared>> -> memref<128x128xf32, #tpu.memory_space<vmem_shared>>
      tpu.wait_dma2 semaphore(%run_scoped3A : memref<!tpu.dma_semaphore, #tpu.memory_space<semaphore_mem>>) src(%arg6 : memref<128x128xf32, #tpu.memory_space<vmem>>) dst(%dma_wait3A_47 : memref<128x128xf32, #tpu.memory_space<vmem_shared>>)
      tpu.yield
    }) : () -> ()
    %add3A_14 = arith.constant 128 : i32
    %add3A_15 = arith.addi %mul3A_4, %add3A_14 : i32
    "tpu.region"() ({
      %run_scoped3A = tpu.sem_alloc : memref<!tpu.dma_semaphore, #tpu.memory_space<semaphore_mem>>
      %dma_start3A_40 = arith.constant 0 : i32
      %dma_start3A_41 = tpu.memref_slice %arg8[%add3A_15, %dma_start3A_40] : memref<10240x128xf32, #tpu.memory_space<vmem_shared>> -> memref<128x128xf32, #tpu.memory_space<vmem_shared>>
      %dma_start3A_42 = arith.constant 0 : i32
      %dma_start3A_43 = tpu.memref_slice %arg8[%add3A_15, %dma_start3A_42] : memref<10240x128xf32, #tpu.memory_space<vmem_shared>> -> memref<128x128xf32, #tpu.memory_space<vmem_shared>>
      tpu.enqueue_dma source(%arg6 : memref<128x128xf32, #tpu.memory_space<vmem>>) target(%dma_start3A_43 : memref<128x128xf32, #tpu.memory_space<vmem_shared>>) target_semaphore(%run_scoped3A : memref<!tpu.dma_semaphore, #tpu.memory_space<semaphore_mem>>)
      %dma_wait3A_44 = arith.constant 0 : i32
      %dma_wait3A_45 = tpu.memref_slice %arg8[%add3A_15, %dma_wait3A_44] : memref<10240x128xf32, #tpu.memory_space<vmem_shared>> -> memref<128x128xf32, #tpu.memory_space<vmem_shared>>
      %dma_wait3A_46 = arith.constant 0 : i32
      %dma_wait3A_47 = tpu.memref_slice %arg8[%add3A_15, %dma_wait3A_46] : memref<10240x128xf32, #tpu.memory_space<vmem_shared>> -> memref<128x128xf32, #tpu.memory_space<vmem_shared>>
      tpu.wait_dma2 semaphore(%run_scoped3A : memref<!tpu.dma_semaphore, #tpu.memory_space<semaphore_mem>>) src(%arg6 : memref<128x128xf32, #tpu.memory_space<vmem>>) dst(%dma_wait3A_47 : memref<128x128xf32, #tpu.memory_space<vmem_shared>>)
      tpu.yield
    }) : () -> ()
    %add3A_16 = arith.constant 256 : i32
    %add3A_17 = arith.addi %mul3A_4, %add3A_16 : i32
    "tpu.region"() ({
      %run_scoped3A = tpu.sem_alloc : memref<!tpu.dma_semaphore, #tpu.memory_space<semaphore_mem>>
      %dma_start3A_40 = arith.constant 0 : i32
      %dma_start3A_41 = tpu.memref_slice %arg8[%add3A_17, %dma_start3A_40] : memref<10240x128xf32, #tpu.memory_space<vmem_shared>> -> memref<128x128xf32, #tpu.memory_space<vmem_shared>>
      %dma_start3A_42 = arith.constant 0 : i32
      %dma_start3A_43 = tpu.memref_slice %arg8[%add3A_17, %dma_start3A_42] : memref<10240x128xf32, #tpu.memory_space<vmem_shared>> -> memref<128x128xf32, #tpu.memory_space<vmem_shared>>
      tpu.enqueue_dma source(%arg6 : memref<128x128xf32, #tpu.memory_space<vmem>>) target(%dma_start3A_43 : memref<128x128xf32, #tpu.memory_space<vmem_shared>>) target_semaphore(%run_scoped3A : memref<!tpu.dma_semaphore, #tpu.memory_space<semaphore_mem>>)
      %dma_wait3A_44 = arith.constant 0 : i32
      %dma_wait3A_45 = tpu.memref_slice %arg8[%add3A_17, %dma_wait3A_44] : memref<10240x128xf32, #tpu.memory_space<vmem_shared>> -> memref<128x128xf32, #tpu.memory_space<vmem_shared>>
      %dma_wait3A_46 = arith.constant 0 : i32
      %dma_wait3A_47 = tpu.memref_slice %arg8[%add3A_17, %dma_wait3A_46] : memref<10240x128xf32, #tpu.memory_space<vmem_shared>> -> memref<128x128xf32, #tpu.memory_space<vmem_shared>>
      tpu.wait_dma2 semaphore(%run_scoped3A : memref<!tpu.dma_semaphore, #tpu.memory_space<semaphore_mem>>) src(%arg6 : memref<128x128xf32, #tpu.memory_space<vmem>>) dst(%dma_wait3A_47 : memref<128x128xf32, #tpu.memory_space<vmem_shared>>)
      tpu.yield
    }) : () -> ()
    %add3A_18 = arith.constant 384 : i32
    %add3A_19 = arith.addi %mul3A_4, %add3A_18 : i32
    "tpu.region"() ({
      %run_scoped3A = tpu.sem_alloc : memref<!tpu.dma_semaphore, #tpu.memory_space<semaphore_mem>>
      %dma_start3A_40 = arith.constant 0 : i32
      %dma_start3A_41 = tpu.memref_slice %arg8[%add3A_19, %dma_start3A_40] : memref<10240x128xf32, #tpu.memory_space<vmem_shared>> -> memref<128x128xf32, #tpu.memory_space<vmem_shared>>
      %dma_start3A_42 = arith.constant 0 : i32
      %dma_start3A_43 = tpu.memref_slice %arg8[%add3A_19, %dma_start3A_42] : memref<10240x128xf32, #tpu.memory_space<vmem_shared>> -> memref<128x128xf32, #tpu.memory_space<vmem_shared>>
      tpu.enqueue_dma source(%arg6 : memref<128x128xf32, #tpu.memory_space<vmem>>) target(%dma_start3A_43 : memref<128x128xf32, #tpu.memory_space<vmem_shared>>) target_semaphore(%run_scoped3A : memref<!tpu.dma_semaphore, #tpu.memory_space<semaphore_mem>>)
      %dma_wait3A_44 = arith.constant 0 : i32
      %dma_wait3A_45 = tpu.memref_slice %arg8[%add3A_19, %dma_wait3A_44] : memref<10240x128xf32, #tpu.memory_space<vmem_shared>> -> memref<128x128xf32, #tpu.memory_space<vmem_shared>>
      %dma_wait3A_46 = arith.constant 0 : i32
      %dma_wait3A_47 = tpu.memref_slice %arg8[%add3A_19, %dma_wait3A_46] : memref<10240x128xf32, #tpu.memory_space<vmem_shared>> -> memref<128x128xf32, #tpu.memory_space<vmem_shared>>
      tpu.wait_dma2 semaphore(%run_scoped3A : memref<!tpu.dma_semaphore, #tpu.memory_space<semaphore_mem>>) src(%arg6 : memref<128x128xf32, #tpu.memory_space<vmem>>) dst(%dma_wait3A_47 : memref<128x128xf32, #tpu.memory_space<vmem_shared>>)
      tpu.yield
    }) : () -> ()
    %add3A_20 = arith.constant 512 : i32
    %add3A_21 = arith.addi %mul3A_4, %add3A_20 : i32
    "tpu.region"() ({
      %run_scoped3A = tpu.sem_alloc : memref<!tpu.dma_semaphore, #tpu.memory_space<semaphore_mem>>
      %dma_start3A_40 = arith.constant 0 : i32
      %dma_start3A_41 = tpu.memref_slice %arg8[%add3A_21, %dma_start3A_40] : memref<10240x128xf32, #tpu.memory_space<vmem_shared>> -> memref<128x128xf32, #tpu.memory_space<vmem_shared>>
      %dma_start3A_42 = arith.constant 0 : i32
      %dma_start3A_43 = tpu.memref_slice %arg8[%add3A_21, %dma_start3A_42] : memref<10240x128xf32, #tpu.memory_space<vmem_shared>> -> memref<128x128xf32, #tpu.memory_space<vmem_shared>>
      tpu.enqueue_dma source(%arg6 : memref<128x128xf32, #tpu.memory_space<vmem>>) target(%dma_start3A_43 : memref<128x128xf32, #tpu.memory_space<vmem_shared>>) target_semaphore(%run_scoped3A : memref<!tpu.dma_semaphore, #tpu.memory_space<semaphore_mem>>)
      %dma_wait3A_44 = arith.constant 0 : i32
      %dma_wait3A_45 = tpu.memref_slice %arg8[%add3A_21, %dma_wait3A_44] : memref<10240x128xf32, #tpu.memory_space<vmem_shared>> -> memref<128x128xf32, #tpu.memory_space<vmem_shared>>
      %dma_wait3A_46 = arith.constant 0 : i32
      %dma_wait3A_47 = tpu.memref_slice %arg8[%add3A_21, %dma_wait3A_46] : memref<10240x128xf32, #tpu.memory_space<vmem_shared>> -> memref<128x128xf32, #tpu.memory_space<vmem_shared>>
      tpu.wait_dma2 semaphore(%run_scoped3A : memref<!tpu.dma_semaphore, #tpu.memory_space<semaphore_mem>>) src(%arg6 : memref<128x128xf32, #tpu.memory_space<vmem>>) dst(%dma_wait3A_47 : memref<128x128xf32, #tpu.memory_space<vmem_shared>>)
      tpu.yield
    }) : () -> ()
    %barrier3A = arith.constant 0 : index
    tpu.barrier barrier_id(%barrier3A)
    %mul3A_22 = arith.constant 128 : i32
    %mul3A_23 = arith.muli %mul3A_2, %mul3A_22 : i32
    %dma_start3A = arith.constant 0 : i32
    %dma_start3A_24 = tpu.memref_slice %arg2[%mul3A_23, %dma_start3A] : memref<163840x128xf32, #tpu.memory_space<hbm>> -> memref<128x128xf32, #tpu.memory_space<hbm>>
    %dma_start3A_25 = arith.constant 0 : i32
    %dma_start3A_26 = tpu.memref_slice %arg2[%mul3A_23, %dma_start3A_25] : memref<163840x128xf32, #tpu.memory_space<hbm>> -> memref<128x128xf32, #tpu.memory_space<hbm>>
    tpu.enqueue_dma source(%dma_start3A_26 : memref<128x128xf32, #tpu.memory_space<hbm>>) target(%arg6 : memref<128x128xf32, #tpu.memory_space<vmem>>) target_semaphore(%arg9 : memref<!tpu.dma_semaphore, #tpu.memory_space<semaphore_mem>>)
    %scan3A_27 = arith.constant 0 : i32
    %scan3A_28 = arith.constant 0 : i32
    %scan3A_29 = arith.constant 20 : i32
    %scan3A_30 = arith.addi %scan3A_28, %scan3A_29 : i32
    %scan3A_31 = arith.constant 1 : i32
    %scan3A_32 = scf.for %scan3A_40 = %scan3A_28 to %scan3A_30 step %scan3A_31 iter_args(%scan3A_41 = %scan3A_27) -> (i32)  : i32 {
      %mul3A_42 = arith.constant 2 : i32
      %mul3A_43 = arith.muli %scan3A_40, %mul3A_42 : i32
      %add3A_44 = arith.constant 0 : i32
      %add3A_45 = arith.addi %mul3A_43, %add3A_44 : i32
      %dma_wait3A_46 = arith.constant 0 : i32
      %dma_wait3A_47 = arith.constant 0 : i32
      %dma_wait3A_48 = tpu.memref_slice %arg2[%dma_wait3A_46, %dma_wait3A_47] : memref<163840x128xf32, #tpu.memory_space<hbm>> -> memref<128x128xf32, #tpu.memory_space<hbm>>
      %dma_wait3A_49 = arith.constant 0 : i32
      %dma_wait3A_50 = arith.constant 0 : i32
      %dma_wait3A_51 = tpu.memref_slice %arg2[%dma_wait3A_49, %dma_wait3A_50] : memref<163840x128xf32, #tpu.memory_space<hbm>> -> memref<128x128xf32, #tpu.memory_space<hbm>>
      tpu.wait_dma2 semaphore(%arg9 : memref<!tpu.dma_semaphore, #tpu.memory_space<semaphore_mem>>) src(%dma_wait3A_51 : memref<128x128xf32, #tpu.memory_space<hbm>>) dst(%arg6 : memref<128x128xf32, #tpu.memory_space<vmem>>)
      %dma_start3A_52 = arith.constant 0 : i32
      %dma_start3A_53 = tpu.memref_slice %arg5[%add3A_45, %dma_start3A_52] : memref<40x128xi32, #tpu.memory_space<vmem>> -> memref<1x128xi32, #tpu.memory_space<vmem>>
      %dma_start3A_54 = tpu.memref_squeeze %dma_start3A_53 : memref<1x128xi32, #tpu.memory_space<vmem>> -> memref<128xi32, #tpu.memory_space<vmem>>
      %dma_start3A_55 = arith.constant 0 : i32
      %dma_start3A_56 = arith.constant 0 : i32
      %dma_start3A_57 = tpu.memref_slice %arg8[%dma_start3A_55, %dma_start3A_56] : memref<10240x128xf32, #tpu.memory_space<vmem_shared>> -> memref<10240x128xf32, #tpu.memory_space<vmem_shared>>
      tpu.enqueue_indirect_dma source(%arg6 : memref<128x128xf32, #tpu.memory_space<vmem>>) target(%dma_start3A_57 : memref<10240x128xf32, #tpu.memory_space<vmem_shared>>) offsets(%dma_start3A_54 : memref<128xi32, #tpu.memory_space<vmem>>) semaphore(%arg11 : memref<!tpu.dma_semaphore, #tpu.memory_space<semaphore_mem>>) {add = true}
      %ge3A = arith.constant 1 : i32
      %ge3A_58 = arith.cmpi sge, %add3A_45, %ge3A : i32
      %convert_element_type3A = arith.extui %ge3A_58 : i1 to i32
      %cond3A = arith.constant 0 : i32
      %cond3A_59 = arith.cmpi ne, %convert_element_type3A, %cond3A : i32
      scf.if %cond3A_59 {
        %dma_wait3A_95 = arith.constant 0 : i32
        %dma_wait3A_96 = arith.constant 0 : i32
        %dma_wait3A_97 = tpu.memref_slice %arg8[%dma_wait3A_95, %dma_wait3A_96] : memref<10240x128xf32, #tpu.memory_space<vmem_shared>> -> memref<128x128xf32, #tpu.memory_space<vmem_shared>>
        %dma_wait3A_98 = arith.constant 0 : i32
        %dma_wait3A_99 = arith.constant 0 : i32
        %dma_wait3A_100 = tpu.memref_slice %arg8[%dma_wait3A_98, %dma_wait3A_99] : memref<10240x128xf32, #tpu.memory_space<vmem_shared>> -> memref<128x128xf32, #tpu.memory_space<vmem_shared>>
        tpu.wait_dma2 semaphore(%arg12 : memref<!tpu.dma_semaphore, #tpu.memory_space<semaphore_mem>>) src(%dma_wait3A_100 : memref<128x128xf32, #tpu.memory_space<vmem_shared>>) dst(%arg7 : memref<128x128xf32, #tpu.memory_space<vmem>>)
      } else {
      }
      %add3A_60 = arith.constant 1 : i32
      %add3A_61 = arith.addi %add3A_45, %add3A_60 : i32
      %lt3A = arith.constant 40 : i32
      %lt3A_62 = arith.cmpi slt, %add3A_61, %lt3A : i32
      %convert_element_type3A_63 = arith.extui %lt3A_62 : i1 to i32
      %cond3A_64 = arith.constant 0 : i32
      %cond3A_65 = arith.cmpi ne, %convert_element_type3A_63, %cond3A_64 : i32
      scf.if %cond3A_65 {
        %add3A_95 = arith.addi %mul3A_2, %add3A_45 : i32
        %add3A_96 = arith.constant 1 : i32
        %add3A_97 = arith.addi %add3A_95, %add3A_96 : i32
        %mul3A_98 = arith.constant 128 : i32
        %mul3A_99 = arith.muli %add3A_97, %mul3A_98 : i32
        %dma_start3A_100 = arith.constant 0 : i32
        %dma_start3A_101 = tpu.memref_slice %arg2[%mul3A_99, %dma_start3A_100] : memref<163840x128xf32, #tpu.memory_space<hbm>> -> memref<128x128xf32, #tpu.memory_space<hbm>>
        %dma_start3A_102 = arith.constant 0 : i32
        %dma_start3A_103 = tpu.memref_slice %arg2[%mul3A_99, %dma_start3A_102] : memref<163840x128xf32, #tpu.memory_space<hbm>> -> memref<128x128xf32, #tpu.memory_space<hbm>>
        tpu.enqueue_dma source(%dma_start3A_103 : memref<128x128xf32, #tpu.memory_space<hbm>>) target(%arg7 : memref<128x128xf32, #tpu.memory_space<vmem>>) target_semaphore(%arg10 : memref<!tpu.dma_semaphore, #tpu.memory_space<semaphore_mem>>)
      } else {
      }
      %mul3A_66 = arith.constant 2 : i32
      %mul3A_67 = arith.muli %scan3A_40, %mul3A_66 : i32
      %add3A_68 = arith.constant 1 : i32
      %add3A_69 = arith.addi %mul3A_67, %add3A_68 : i32
      %dma_wait3A_70 = arith.constant 0 : i32
      %dma_wait3A_71 = arith.constant 0 : i32
      %dma_wait3A_72 = tpu.memref_slice %arg2[%dma_wait3A_70, %dma_wait3A_71] : memref<163840x128xf32, #tpu.memory_space<hbm>> -> memref<128x128xf32, #tpu.memory_space<hbm>>
      %dma_wait3A_73 = arith.constant 0 : i32
      %dma_wait3A_74 = arith.constant 0 : i32
      %dma_wait3A_75 = tpu.memref_slice %arg2[%dma_wait3A_73, %dma_wait3A_74] : memref<163840x128xf32, #tpu.memory_space<hbm>> -> memref<128x128xf32, #tpu.memory_space<hbm>>
      tpu.wait_dma2 semaphore(%arg10 : memref<!tpu.dma_semaphore, #tpu.memory_space<semaphore_mem>>) src(%dma_wait3A_75 : memref<128x128xf32, #tpu.memory_space<hbm>>) dst(%arg7 : memref<128x128xf32, #tpu.memory_space<vmem>>)
      %dma_start3A_76 = arith.constant 0 : i32
      %dma_start3A_77 = tpu.memref_slice %arg5[%add3A_69, %dma_start3A_76] : memref<40x128xi32, #tpu.memory_space<vmem>> -> memref<1x128xi32, #tpu.memory_space<vmem>>
      %dma_start3A_78 = tpu.memref_squeeze %dma_start3A_77 : memref<1x128xi32, #tpu.memory_space<vmem>> -> memref<128xi32, #tpu.memory_space<vmem>>
      %dma_start3A_79 = arith.constant 0 : i32
      %dma_start3A_80 = arith.constant 0 : i32
      %dma_start3A_81 = tpu.memref_slice %arg8[%dma_start3A_79, %dma_start3A_80] : memref<10240x128xf32, #tpu.memory_space<vmem_shared>> -> memref<10240x128xf32, #tpu.memory_space<vmem_shared>>
      tpu.enqueue_indirect_dma source(%arg7 : memref<128x128xf32, #tpu.memory_space<vmem>>) target(%dma_start3A_81 : memref<10240x128xf32, #tpu.memory_space<vmem_shared>>) offsets(%dma_start3A_78 : memref<128xi32, #tpu.memory_space<vmem>>) semaphore(%arg12 : memref<!tpu.dma_semaphore, #tpu.memory_space<semaphore_mem>>) {add = true}
      %ge3A_82 = arith.constant 1 : i32
      %ge3A_83 = arith.cmpi sge, %add3A_69, %ge3A_82 : i32
      %convert_element_type3A_84 = arith.extui %ge3A_83 : i1 to i32
      %cond3A_85 = arith.constant 0 : i32
      %cond3A_86 = arith.cmpi ne, %convert_element_type3A_84, %cond3A_85 : i32
      scf.if %cond3A_86 {
        %dma_wait3A_95 = arith.constant 0 : i32
        %dma_wait3A_96 = arith.constant 0 : i32
        %dma_wait3A_97 = tpu.memref_slice %arg8[%dma_wait3A_95, %dma_wait3A_96] : memref<10240x128xf32, #tpu.memory_space<vmem_shared>> -> memref<128x128xf32, #tpu.memory_space<vmem_shared>>
        %dma_wait3A_98 = arith.constant 0 : i32
        %dma_wait3A_99 = arith.constant 0 : i32
        %dma_wait3A_100 = tpu.memref_slice %arg8[%dma_wait3A_98, %dma_wait3A_99] : memref<10240x128xf32, #tpu.memory_space<vmem_shared>> -> memref<128x128xf32, #tpu.memory_space<vmem_shared>>
        tpu.wait_dma2 semaphore(%arg11 : memref<!tpu.dma_semaphore, #tpu.memory_space<semaphore_mem>>) src(%dma_wait3A_100 : memref<128x128xf32, #tpu.memory_space<vmem_shared>>) dst(%arg6 : memref<128x128xf32, #tpu.memory_space<vmem>>)
      } else {
      }
      %add3A_87 = arith.constant 1 : i32
      %add3A_88 = arith.addi %add3A_69, %add3A_87 : i32
      %lt3A_89 = arith.constant 40 : i32
      %lt3A_90 = arith.cmpi slt, %add3A_88, %lt3A_89 : i32
      %convert_element_type3A_91 = arith.extui %lt3A_90 : i1 to i32
      %cond3A_92 = arith.constant 0 : i32
      %cond3A_93 = arith.cmpi ne, %convert_element_type3A_91, %cond3A_92 : i32
      scf.if %cond3A_93 {
        %add3A_95 = arith.addi %mul3A_2, %add3A_69 : i32
        %add3A_96 = arith.constant 1 : i32
        %add3A_97 = arith.addi %add3A_95, %add3A_96 : i32
        %mul3A_98 = arith.constant 128 : i32
        %mul3A_99 = arith.muli %add3A_97, %mul3A_98 : i32
        %dma_start3A_100 = arith.constant 0 : i32
        %dma_start3A_101 = tpu.memref_slice %arg2[%mul3A_99, %dma_start3A_100] : memref<163840x128xf32, #tpu.memory_space<hbm>> -> memref<128x128xf32, #tpu.memory_space<hbm>>
        %dma_start3A_102 = arith.constant 0 : i32
        %dma_start3A_103 = tpu.memref_slice %arg2[%mul3A_99, %dma_start3A_102] : memref<163840x128xf32, #tpu.memory_space<hbm>> -> memref<128x128xf32, #tpu.memory_space<hbm>>
        tpu.enqueue_dma source(%dma_start3A_103 : memref<128x128xf32, #tpu.memory_space<hbm>>) target(%arg6 : memref<128x128xf32, #tpu.memory_space<vmem>>) target_semaphore(%arg9 : memref<!tpu.dma_semaphore, #tpu.memory_space<semaphore_mem>>)
      } else {
      }
      %scan3A_94 = arith.constant 0 : i32
      scf.yield %scan3A_94 : i32
    }
    %scan3A_33 = arith.constant 20 : i32
    %dma_wait3A = arith.constant 0 : i32
    %dma_wait3A_34 = arith.constant 0 : i32
    %dma_wait3A_35 = tpu.memref_slice %arg8[%dma_wait3A, %dma_wait3A_34] : memref<10240x128xf32, #tpu.memory_space<vmem_shared>> -> memref<128x128xf32, #tpu.memory_space<vmem_shared>>
    %dma_wait3A_36 = arith.constant 0 : i32
    %dma_wait3A_37 = arith.constant 0 : i32
    %dma_wait3A_38 = tpu.memref_slice %arg8[%dma_wait3A_36, %dma_wait3A_37] : memref<10240x128xf32, #tpu.memory_space<vmem_shared>> -> memref<128x128xf32, #tpu.memory_space<vmem_shared>>
    tpu.wait_dma2 semaphore(%arg12 : memref<!tpu.dma_semaphore, #tpu.memory_space<semaphore_mem>>) src(%dma_wait3A_38 : memref<128x128xf32, #tpu.memory_space<vmem_shared>>) dst(%arg7 : memref<128x128xf32, #tpu.memory_space<vmem>>)
    %barrier3A_39 = arith.constant 0 : index
    tpu.barrier barrier_id(%barrier3A_39)
    "tpu.region"() ({
      %run_scoped3A = tpu.sem_alloc : memref<!tpu.dma_semaphore, #tpu.memory_space<semaphore_mem>>
      %dma_start3A_40 = arith.constant 0 : i32
      %dma_start3A_41 = tpu.memref_slice %arg4[%arg0, %mul3A_4, %dma_start3A_40] : memref<2x10240x128xf32, #tpu.memory_space<hbm>> -> memref<1x640x128xf32, #tpu.memory_space<hbm>>
      %dma_start3A_42 = tpu.memref_squeeze %dma_start3A_41 : memref<1x640x128xf32, #tpu.memory_space<hbm>> -> memref<640x128xf32, #tpu.memory_space<hbm>>
      %dma_start3A_43 = arith.constant 0 : i32
      %dma_start3A_44 = tpu.memref_slice %arg8[%mul3A_4, %dma_start3A_43] : memref<10240x128xf32, #tpu.memory_space<vmem_shared>> -> memref<640x128xf32, #tpu.memory_space<vmem_shared>>
      tpu.enqueue_dma source(%dma_start3A_44 : memref<640x128xf32, #tpu.memory_space<vmem_shared>>) target(%dma_start3A_42 : memref<640x128xf32, #tpu.memory_space<hbm>>) target_semaphore(%run_scoped3A : memref<!tpu.dma_semaphore, #tpu.memory_space<semaphore_mem>>)
      %dma_wait3A_45 = arith.constant 0 : i32
      %dma_wait3A_46 = tpu.memref_slice %arg4[%arg0, %mul3A_4, %dma_wait3A_45] : memref<2x10240x128xf32, #tpu.memory_space<hbm>> -> memref<1x640x128xf32, #tpu.memory_space<hbm>>
      %dma_wait3A_47 = tpu.memref_squeeze %dma_wait3A_46 : memref<1x640x128xf32, #tpu.memory_space<hbm>> -> memref<640x128xf32, #tpu.memory_space<hbm>>
      %dma_wait3A_48 = arith.constant 0 : i32
      %dma_wait3A_49 = tpu.memref_slice %arg8[%mul3A_4, %dma_wait3A_48] : memref<10240x128xf32, #tpu.memory_space<vmem_shared>> -> memref<640x128xf32, #tpu.memory_space<vmem_shared>>
      tpu.wait_dma2 semaphore(%run_scoped3A : memref<!tpu.dma_semaphore, #tpu.memory_space<semaphore_mem>>) src(%dma_wait3A_49 : memref<640x128xf32, #tpu.memory_space<vmem_shared>>) dst(%dma_wait3A_47 : memref<640x128xf32, #tpu.memory_space<hbm>>)
      tpu.yield
    }) : () -> ()
    return
  }
}

#map = affine_map<(d0, d1) -> (0, 0, 0)>
module attributes {stable_mosaic.version = 14 : i64} {
  func.func @k(%arg0: i32, %arg1: i32, %arg2: memref<2x1280x128xi32, #tpu.memory_space<hbm>>, %arg3: memref<2x10240x64xf32, #tpu.memory_space<hbm>>, %arg4: memref<2x163840x64xf32, #tpu.memory_space<hbm>>, %arg5: memref<80x128xi32, #tpu.memory_space<vmem>>, %arg6: memref<128x64xf32, #tpu.memory_space<vmem>>, %arg7: memref<128x64xf32, #tpu.memory_space<vmem>>, %arg8: memref<10240x64xf32, #tpu.memory_space<vmem_shared>>, %arg9: memref<!tpu.dma_semaphore, #tpu.memory_space<semaphore_mem>>, %arg10: memref<!tpu.dma_semaphore, #tpu.memory_space<semaphore_mem>>) attributes {dimension_semantics = [#tpu.dimension_semantics<core_parallel>, #tpu.dimension_semantics<subcore_parallel>], iteration_bounds = array<i64: 2, 16>, scalar_prefetch = 0 : i64, scratch_operands = 6 : i64, tpu.core_type = #tpu.core_type<sc_vector_subcore>, window_params = [{transform_indices = #map}, {transform_indices = #map}, {transform_indices = #map}]} {
    %mul3A = arith.constant 80 : i32
    %mul3A_0 = arith.muli %arg1, %mul3A : i32
    "tpu.region"() ({
      %run_scoped3A = tpu.sem_alloc : memref<!tpu.dma_semaphore, #tpu.memory_space<semaphore_mem>>
      %dma_start3A = arith.constant 0 : i32
      %dma_start3A_26 = tpu.memref_slice %arg2[%arg0, %mul3A_0, %dma_start3A] : memref<2x1280x128xi32, #tpu.memory_space<hbm>> -> memref<1x80x128xi32, #tpu.memory_space<hbm>>
      %dma_start3A_27 = tpu.memref_squeeze %dma_start3A_26 : memref<1x80x128xi32, #tpu.memory_space<hbm>> -> memref<80x128xi32, #tpu.memory_space<hbm>>
      %dma_start3A_28 = arith.constant 0 : i32
      %dma_start3A_29 = tpu.memref_slice %arg2[%arg0, %mul3A_0, %dma_start3A_28] : memref<2x1280x128xi32, #tpu.memory_space<hbm>> -> memref<1x80x128xi32, #tpu.memory_space<hbm>>
      %dma_start3A_30 = tpu.memref_squeeze %dma_start3A_29 : memref<1x80x128xi32, #tpu.memory_space<hbm>> -> memref<80x128xi32, #tpu.memory_space<hbm>>
      tpu.enqueue_dma source(%dma_start3A_30 : memref<80x128xi32, #tpu.memory_space<hbm>>) target(%arg5 : memref<80x128xi32, #tpu.memory_space<vmem>>) target_semaphore(%run_scoped3A : memref<!tpu.dma_semaphore, #tpu.memory_space<semaphore_mem>>)
      %dma_wait3A_31 = arith.constant 0 : i32
      %dma_wait3A_32 = tpu.memref_slice %arg2[%arg0, %mul3A_0, %dma_wait3A_31] : memref<2x1280x128xi32, #tpu.memory_space<hbm>> -> memref<1x80x128xi32, #tpu.memory_space<hbm>>
      %dma_wait3A_33 = tpu.memref_squeeze %dma_wait3A_32 : memref<1x80x128xi32, #tpu.memory_space<hbm>> -> memref<80x128xi32, #tpu.memory_space<hbm>>
      %dma_wait3A_34 = arith.constant 0 : i32
      %dma_wait3A_35 = tpu.memref_slice %arg2[%arg0, %mul3A_0, %dma_wait3A_34] : memref<2x1280x128xi32, #tpu.memory_space<hbm>> -> memref<1x80x128xi32, #tpu.memory_space<hbm>>
      %dma_wait3A_36 = tpu.memref_squeeze %dma_wait3A_35 : memref<1x80x128xi32, #tpu.memory_space<hbm>> -> memref<80x128xi32, #tpu.memory_space<hbm>>
      tpu.wait_dma2 semaphore(%run_scoped3A : memref<!tpu.dma_semaphore, #tpu.memory_space<semaphore_mem>>) src(%dma_wait3A_36 : memref<80x128xi32, #tpu.memory_space<hbm>>) dst(%arg5 : memref<80x128xi32, #tpu.memory_space<vmem>>)
      tpu.yield
    }) : () -> ()
    %mul3A_1 = arith.constant 640 : i32
    %mul3A_2 = arith.muli %arg1, %mul3A_1 : i32
    %mul3A_3 = arith.constant 640 : i32
    %mul3A_4 = arith.muli %arg1, %mul3A_3 : i32
    "tpu.region"() ({
      %run_scoped3A = tpu.sem_alloc : memref<!tpu.dma_semaphore, #tpu.memory_space<semaphore_mem>>
      %dma_start3A = arith.constant 0 : i32
      %dma_start3A_26 = tpu.memref_slice %arg8[%mul3A_4, %dma_start3A] : memref<10240x64xf32, #tpu.memory_space<vmem_shared>> -> memref<640x64xf32, #tpu.memory_space<vmem_shared>>
      %dma_start3A_27 = arith.constant 0 : i32
      %dma_start3A_28 = tpu.memref_slice %arg3[%arg0, %mul3A_2, %dma_start3A_27] : memref<2x10240x64xf32, #tpu.memory_space<hbm>> -> memref<1x640x64xf32, #tpu.memory_space<hbm>>
      %dma_start3A_29 = tpu.memref_squeeze %dma_start3A_28 : memref<1x640x64xf32, #tpu.memory_space<hbm>> -> memref<640x64xf32, #tpu.memory_space<hbm>>
      tpu.enqueue_dma source(%dma_start3A_29 : memref<640x64xf32, #tpu.memory_space<hbm>>) target(%dma_start3A_26 : memref<640x64xf32, #tpu.memory_space<vmem_shared>>) target_semaphore(%run_scoped3A : memref<!tpu.dma_semaphore, #tpu.memory_space<semaphore_mem>>)
      %dma_wait3A_30 = arith.constant 0 : i32
      %dma_wait3A_31 = tpu.memref_slice %arg8[%mul3A_4, %dma_wait3A_30] : memref<10240x64xf32, #tpu.memory_space<vmem_shared>> -> memref<640x64xf32, #tpu.memory_space<vmem_shared>>
      %dma_wait3A_32 = arith.constant 0 : i32
      %dma_wait3A_33 = tpu.memref_slice %arg3[%arg0, %mul3A_2, %dma_wait3A_32] : memref<2x10240x64xf32, #tpu.memory_space<hbm>> -> memref<1x640x64xf32, #tpu.memory_space<hbm>>
      %dma_wait3A_34 = tpu.memref_squeeze %dma_wait3A_33 : memref<1x640x64xf32, #tpu.memory_space<hbm>> -> memref<640x64xf32, #tpu.memory_space<hbm>>
      tpu.wait_dma2 semaphore(%run_scoped3A : memref<!tpu.dma_semaphore, #tpu.memory_space<semaphore_mem>>) src(%dma_wait3A_34 : memref<640x64xf32, #tpu.memory_space<hbm>>) dst(%dma_wait3A_31 : memref<640x64xf32, #tpu.memory_space<vmem_shared>>)
      tpu.yield
    }) : () -> ()
    %barrier3A = arith.constant 0 : index
    tpu.barrier barrier_id(%barrier3A)
    %scan3A = arith.constant 0 : i32
    %scan3A_5 = arith.constant 0 : i32
    %scan3A_6 = arith.constant 40 : i32
    %scan3A_7 = arith.addi %scan3A_5, %scan3A_6 : i32
    %scan3A_8 = arith.constant 1 : i32
    %scan3A_9 = scf.for %scan3A_26 = %scan3A_5 to %scan3A_7 step %scan3A_8 iter_args(%scan3A_27 = %scan3A) -> (i32)  : i32 {
      %mul3A_28 = arith.constant 2 : i32
      %mul3A_29 = arith.muli %scan3A_26, %mul3A_28 : i32
      %add3A = arith.constant 0 : i32
      %add3A_30 = arith.addi %mul3A_29, %add3A : i32
      %ge3A = arith.constant 2 : i32
      %ge3A_31 = arith.cmpi sge, %add3A_30, %ge3A : i32
      %convert_element_type3A = arith.extui %ge3A_31 : i1 to i32
      %cond3A = arith.constant 0 : i32
      %cond3A_32 = arith.cmpi ne, %convert_element_type3A, %cond3A : i32
      scf.if %cond3A_32 {
        %dma_wait3A_60 = arith.constant 0 : i32
        %dma_wait3A_61 = arith.constant 0 : i32
        %dma_wait3A_62 = tpu.memref_slice %arg4[%arg0, %dma_wait3A_60, %dma_wait3A_61] : memref<2x163840x64xf32, #tpu.memory_space<hbm>> -> memref<1x128x64xf32, #tpu.memory_space<hbm>>
        %dma_wait3A_63 = tpu.memref_squeeze %dma_wait3A_62 : memref<1x128x64xf32, #tpu.memory_space<hbm>> -> memref<128x64xf32, #tpu.memory_space<hbm>>
        %dma_wait3A_64 = arith.constant 0 : i32
        %dma_wait3A_65 = arith.constant 0 : i32
        %dma_wait3A_66 = tpu.memref_slice %arg4[%arg0, %dma_wait3A_64, %dma_wait3A_65] : memref<2x163840x64xf32, #tpu.memory_space<hbm>> -> memref<1x128x64xf32, #tpu.memory_space<hbm>>
        %dma_wait3A_67 = tpu.memref_squeeze %dma_wait3A_66 : memref<1x128x64xf32, #tpu.memory_space<hbm>> -> memref<128x64xf32, #tpu.memory_space<hbm>>
        tpu.wait_dma2 semaphore(%arg9 : memref<!tpu.dma_semaphore, #tpu.memory_space<semaphore_mem>>) src(%dma_wait3A_67 : memref<128x64xf32, #tpu.memory_space<hbm>>) dst(%arg6 : memref<128x64xf32, #tpu.memory_space<vmem>>)
      } else {
      }
      "tpu.region"() ({
        %run_scoped3A = tpu.sem_alloc : memref<!tpu.dma_semaphore, #tpu.memory_space<semaphore_mem>>
        %dma_start3A_60 = arith.constant 0 : i32
        %dma_start3A_61 = tpu.memref_slice %arg5[%add3A_30, %dma_start3A_60] : memref<80x128xi32, #tpu.memory_space<vmem>> -> memref<1x128xi32, #tpu.memory_space<vmem>>
        %dma_start3A_62 = tpu.memref_squeeze %dma_start3A_61 : memref<1x128xi32, #tpu.memory_space<vmem>> -> memref<128xi32, #tpu.memory_space<vmem>>
        %dma_start3A_63 = arith.constant 0 : i32
        %dma_start3A_64 = arith.constant 0 : i32
        %dma_start3A_65 = tpu.memref_slice %arg8[%dma_start3A_63, %dma_start3A_64] : memref<10240x64xf32, #tpu.memory_space<vmem_shared>> -> memref<10240x64xf32, #tpu.memory_space<vmem_shared>>
        tpu.enqueue_indirect_dma source(%dma_start3A_65 : memref<10240x64xf32, #tpu.memory_space<vmem_shared>>) target(%arg6 : memref<128x64xf32, #tpu.memory_space<vmem>>) offsets(%dma_start3A_62 : memref<128xi32, #tpu.memory_space<vmem>>) semaphore(%run_scoped3A : memref<!tpu.dma_semaphore, #tpu.memory_space<semaphore_mem>>)
        %dma_wait3A_66 = arith.constant 0 : i32
        %dma_wait3A_67 = tpu.memref_slice %arg5[%add3A_30, %dma_wait3A_66] : memref<80x128xi32, #tpu.memory_space<vmem>> -> memref<1x128xi32, #tpu.memory_space<vmem>>
        %dma_wait3A_68 = tpu.memref_squeeze %dma_wait3A_67 : memref<1x128xi32, #tpu.memory_space<vmem>> -> memref<128xi32, #tpu.memory_space<vmem>>
        %dma_wait3A_69 = arith.constant 0 : i32
        %dma_wait3A_70 = arith.constant 0 : i32
        %dma_wait3A_71 = tpu.memref_slice %arg8[%dma_wait3A_69, %dma_wait3A_70] : memref<10240x64xf32, #tpu.memory_space<vmem_shared>> -> memref<10240x64xf32, #tpu.memory_space<vmem_shared>>
        tpu.wait_indirect_dma semaphore(%run_scoped3A : memref<!tpu.dma_semaphore, #tpu.memory_space<semaphore_mem>>) src(%dma_wait3A_71 : memref<10240x64xf32, #tpu.memory_space<vmem_shared>>) dst(%arg6 : memref<128x64xf32, #tpu.memory_space<vmem>>)
        tpu.yield
      }) : () -> ()
      %add3A_33 = arith.addi %mul3A_0, %add3A_30 : i32
      %mul3A_34 = arith.constant 128 : i32
      %mul3A_35 = arith.muli %add3A_33, %mul3A_34 : i32
      %dma_start3A = arith.constant 0 : i32
      %dma_start3A_36 = tpu.memref_slice %arg4[%arg0, %mul3A_35, %dma_start3A] : memref<2x163840x64xf32, #tpu.memory_space<hbm>> -> memref<1x128x64xf32, #tpu.memory_space<hbm>>
      %dma_start3A_37 = tpu.memref_squeeze %dma_start3A_36 : memref<1x128x64xf32, #tpu.memory_space<hbm>> -> memref<128x64xf32, #tpu.memory_space<hbm>>
      %dma_start3A_38 = arith.constant 0 : i32
      %dma_start3A_39 = tpu.memref_slice %arg4[%arg0, %mul3A_35, %dma_start3A_38] : memref<2x163840x64xf32, #tpu.memory_space<hbm>> -> memref<1x128x64xf32, #tpu.memory_space<hbm>>
      %dma_start3A_40 = tpu.memref_squeeze %dma_start3A_39 : memref<1x128x64xf32, #tpu.memory_space<hbm>> -> memref<128x64xf32, #tpu.memory_space<hbm>>
      tpu.enqueue_dma source(%arg6 : memref<128x64xf32, #tpu.memory_space<vmem>>) target(%dma_start3A_40 : memref<128x64xf32, #tpu.memory_space<hbm>>) target_semaphore(%arg9 : memref<!tpu.dma_semaphore, #tpu.memory_space<semaphore_mem>>)
      %mul3A_41 = arith.constant 2 : i32
      %mul3A_42 = arith.muli %scan3A_26, %mul3A_41 : i32
      %add3A_43 = arith.constant 1 : i32
      %add3A_44 = arith.addi %mul3A_42, %add3A_43 : i32
      %ge3A_45 = arith.constant 2 : i32
      %ge3A_46 = arith.cmpi sge, %add3A_44, %ge3A_45 : i32
      %convert_element_type3A_47 = arith.extui %ge3A_46 : i1 to i32
      %cond3A_48 = arith.constant 0 : i32
      %cond3A_49 = arith.cmpi ne, %convert_element_type3A_47, %cond3A_48 : i32
      scf.if %cond3A_49 {
        %dma_wait3A_60 = arith.constant 0 : i32
        %dma_wait3A_61 = arith.constant 0 : i32
        %dma_wait3A_62 = tpu.memref_slice %arg4[%arg0, %dma_wait3A_60, %dma_wait3A_61] : memref<2x163840x64xf32, #tpu.memory_space<hbm>> -> memref<1x128x64xf32, #tpu.memory_space<hbm>>
        %dma_wait3A_63 = tpu.memref_squeeze %dma_wait3A_62 : memref<1x128x64xf32, #tpu.memory_space<hbm>> -> memref<128x64xf32, #tpu.memory_space<hbm>>
        %dma_wait3A_64 = arith.constant 0 : i32
        %dma_wait3A_65 = arith.constant 0 : i32
        %dma_wait3A_66 = tpu.memref_slice %arg4[%arg0, %dma_wait3A_64, %dma_wait3A_65] : memref<2x163840x64xf32, #tpu.memory_space<hbm>> -> memref<1x128x64xf32, #tpu.memory_space<hbm>>
        %dma_wait3A_67 = tpu.memref_squeeze %dma_wait3A_66 : memref<1x128x64xf32, #tpu.memory_space<hbm>> -> memref<128x64xf32, #tpu.memory_space<hbm>>
        tpu.wait_dma2 semaphore(%arg10 : memref<!tpu.dma_semaphore, #tpu.memory_space<semaphore_mem>>) src(%dma_wait3A_67 : memref<128x64xf32, #tpu.memory_space<hbm>>) dst(%arg7 : memref<128x64xf32, #tpu.memory_space<vmem>>)
      } else {
      }
      "tpu.region"() ({
        %run_scoped3A = tpu.sem_alloc : memref<!tpu.dma_semaphore, #tpu.memory_space<semaphore_mem>>
        %dma_start3A_60 = arith.constant 0 : i32
        %dma_start3A_61 = tpu.memref_slice %arg5[%add3A_44, %dma_start3A_60] : memref<80x128xi32, #tpu.memory_space<vmem>> -> memref<1x128xi32, #tpu.memory_space<vmem>>
        %dma_start3A_62 = tpu.memref_squeeze %dma_start3A_61 : memref<1x128xi32, #tpu.memory_space<vmem>> -> memref<128xi32, #tpu.memory_space<vmem>>
        %dma_start3A_63 = arith.constant 0 : i32
        %dma_start3A_64 = arith.constant 0 : i32
        %dma_start3A_65 = tpu.memref_slice %arg8[%dma_start3A_63, %dma_start3A_64] : memref<10240x64xf32, #tpu.memory_space<vmem_shared>> -> memref<10240x64xf32, #tpu.memory_space<vmem_shared>>
        tpu.enqueue_indirect_dma source(%dma_start3A_65 : memref<10240x64xf32, #tpu.memory_space<vmem_shared>>) target(%arg7 : memref<128x64xf32, #tpu.memory_space<vmem>>) offsets(%dma_start3A_62 : memref<128xi32, #tpu.memory_space<vmem>>) semaphore(%run_scoped3A : memref<!tpu.dma_semaphore, #tpu.memory_space<semaphore_mem>>)
        %dma_wait3A_66 = arith.constant 0 : i32
        %dma_wait3A_67 = tpu.memref_slice %arg5[%add3A_44, %dma_wait3A_66] : memref<80x128xi32, #tpu.memory_space<vmem>> -> memref<1x128xi32, #tpu.memory_space<vmem>>
        %dma_wait3A_68 = tpu.memref_squeeze %dma_wait3A_67 : memref<1x128xi32, #tpu.memory_space<vmem>> -> memref<128xi32, #tpu.memory_space<vmem>>
        %dma_wait3A_69 = arith.constant 0 : i32
        %dma_wait3A_70 = arith.constant 0 : i32
        %dma_wait3A_71 = tpu.memref_slice %arg8[%dma_wait3A_69, %dma_wait3A_70] : memref<10240x64xf32, #tpu.memory_space<vmem_shared>> -> memref<10240x64xf32, #tpu.memory_space<vmem_shared>>
        tpu.wait_indirect_dma semaphore(%run_scoped3A : memref<!tpu.dma_semaphore, #tpu.memory_space<semaphore_mem>>) src(%dma_wait3A_71 : memref<10240x64xf32, #tpu.memory_space<vmem_shared>>) dst(%arg7 : memref<128x64xf32, #tpu.memory_space<vmem>>)
        tpu.yield
      }) : () -> ()
      %add3A_50 = arith.addi %mul3A_0, %add3A_44 : i32
      %mul3A_51 = arith.constant 128 : i32
      %mul3A_52 = arith.muli %add3A_50, %mul3A_51 : i32
      %dma_start3A_53 = arith.constant 0 : i32
      %dma_start3A_54 = tpu.memref_slice %arg4[%arg0, %mul3A_52, %dma_start3A_53] : memref<2x163840x64xf32, #tpu.memory_space<hbm>> -> memref<1x128x64xf32, #tpu.memory_space<hbm>>
      %dma_start3A_55 = tpu.memref_squeeze %dma_start3A_54 : memref<1x128x64xf32, #tpu.memory_space<hbm>> -> memref<128x64xf32, #tpu.memory_space<hbm>>
      %dma_start3A_56 = arith.constant 0 : i32
      %dma_start3A_57 = tpu.memref_slice %arg4[%arg0, %mul3A_52, %dma_start3A_56] : memref<2x163840x64xf32, #tpu.memory_space<hbm>> -> memref<1x128x64xf32, #tpu.memory_space<hbm>>
      %dma_start3A_58 = tpu.memref_squeeze %dma_start3A_57 : memref<1x128x64xf32, #tpu.memory_space<hbm>> -> memref<128x64xf32, #tpu.memory_space<hbm>>
      tpu.enqueue_dma source(%arg7 : memref<128x64xf32, #tpu.memory_space<vmem>>) target(%dma_start3A_58 : memref<128x64xf32, #tpu.memory_space<hbm>>) target_semaphore(%arg10 : memref<!tpu.dma_semaphore, #tpu.memory_space<semaphore_mem>>)
      %scan3A_59 = arith.constant 0 : i32
      scf.yield %scan3A_59 : i32
    }
    %scan3A_10 = arith.constant 40 : i32
    %dma_wait3A = arith.constant 0 : i32
    %dma_wait3A_11 = arith.constant 0 : i32
    %dma_wait3A_12 = tpu.memref_slice %arg4[%arg0, %dma_wait3A, %dma_wait3A_11] : memref<2x163840x64xf32, #tpu.memory_space<hbm>> -> memref<1x128x64xf32, #tpu.memory_space<hbm>>
    %dma_wait3A_13 = tpu.memref_squeeze %dma_wait3A_12 : memref<1x128x64xf32, #tpu.memory_space<hbm>> -> memref<128x64xf32, #tpu.memory_space<hbm>>
    %dma_wait3A_14 = arith.constant 0 : i32
    %dma_wait3A_15 = arith.constant 0 : i32
    %dma_wait3A_16 = tpu.memref_slice %arg4[%arg0, %dma_wait3A_14, %dma_wait3A_15] : memref<2x163840x64xf32, #tpu.memory_space<hbm>> -> memref<1x128x64xf32, #tpu.memory_space<hbm>>
    %dma_wait3A_17 = tpu.memref_squeeze %dma_wait3A_16 : memref<1x128x64xf32, #tpu.memory_space<hbm>> -> memref<128x64xf32, #tpu.memory_space<hbm>>
    tpu.wait_dma2 semaphore(%arg9 : memref<!tpu.dma_semaphore, #tpu.memory_space<semaphore_mem>>) src(%dma_wait3A_17 : memref<128x64xf32, #tpu.memory_space<hbm>>) dst(%arg6 : memref<128x64xf32, #tpu.memory_space<vmem>>)
    %dma_wait3A_18 = arith.constant 0 : i32
    %dma_wait3A_19 = arith.constant 0 : i32
    %dma_wait3A_20 = tpu.memref_slice %arg4[%arg0, %dma_wait3A_18, %dma_wait3A_19] : memref<2x163840x64xf32, #tpu.memory_space<hbm>> -> memref<1x128x64xf32, #tpu.memory_space<hbm>>
    %dma_wait3A_21 = tpu.memref_squeeze %dma_wait3A_20 : memref<1x128x64xf32, #tpu.memory_space<hbm>> -> memref<128x64xf32, #tpu.memory_space<hbm>>
    %dma_wait3A_22 = arith.constant 0 : i32
    %dma_wait3A_23 = arith.constant 0 : i32
    %dma_wait3A_24 = tpu.memref_slice %arg4[%arg0, %dma_wait3A_22, %dma_wait3A_23] : memref<2x163840x64xf32, #tpu.memory_space<hbm>> -> memref<1x128x64xf32, #tpu.memory_space<hbm>>
    %dma_wait3A_25 = tpu.memref_squeeze %dma_wait3A_24 : memref<1x128x64xf32, #tpu.memory_space<hbm>> -> memref<128x64xf32, #tpu.memory_space<hbm>>
    tpu.wait_dma2 semaphore(%arg10 : memref<!tpu.dma_semaphore, #tpu.memory_space<semaphore_mem>>) src(%dma_wait3A_25 : memref<128x64xf32, #tpu.memory_space<hbm>>) dst(%arg7 : memref<128x64xf32, #tpu.memory_space<vmem>>)
    return
  }
}

#map = affine_map<(d0, d1) -> (0, 0)>
#map1 = affine_map<(d0, d1) -> (0, 0, 0)>
module attributes {stable_mosaic.version = 14 : i64} {
  func.func @k(%arg0: i32, %arg1: i32, %arg2: memref<163840x128xf32, #tpu.memory_space<hbm>>, %arg3: memref<1280x128xi32, #tpu.memory_space<hbm>>, %arg4: memref<2x10240x128xf32, #tpu.memory_space<hbm>>, %arg5: memref<40x128xi32, #tpu.memory_space<vmem>>, %arg6: memref<128x128xf32, #tpu.memory_space<vmem>>, %arg7: memref<128x128xf32, #tpu.memory_space<vmem>>, %arg8: memref<10240x128xf32, #tpu.memory_space<vmem_shared>>, %arg9: memref<!tpu.dma_semaphore, #tpu.memory_space<semaphore_mem>>, %arg10: memref<!tpu.dma_semaphore, #tpu.memory_space<semaphore_mem>>, %arg11: memref<!tpu.dma_semaphore, #tpu.memory_space<semaphore_mem>>, %arg12: memref<!tpu.dma_semaphore, #tpu.memory_space<semaphore_mem>>) attributes {dimension_semantics = [#tpu.dimension_semantics<core_parallel>, #tpu.dimension_semantics<subcore_parallel>], iteration_bounds = array<i64: 2, 16>, scalar_prefetch = 0 : i64, scratch_operands = 8 : i64, tpu.core_type = #tpu.core_type<sc_vector_subcore>, window_params = [{transform_indices = #map}, {transform_indices = #map}, {transform_indices = #map1}]} {
    %mul3A = arith.constant 2 : i32
    %mul3A_0 = arith.muli %arg1, %mul3A : i32
    %add3A = arith.addi %mul3A_0, %arg0 : i32
    %mul3A_1 = arith.constant 40 : i32
    %mul3A_2 = arith.muli %add3A, %mul3A_1 : i32
    %mul3A_3 = arith.constant 640 : i32
    %mul3A_4 = arith.muli %arg1, %mul3A_3 : i32
    "tpu.region"() ({
      %run_scoped3A = tpu.sem_alloc : memref<!tpu.dma_semaphore, #tpu.memory_space<semaphore_mem>>
      %dma_start3A_40 = arith.constant 0 : i32
      %dma_start3A_41 = tpu.memref_slice %arg3[%mul3A_2, %dma_start3A_40] : memref<1280x128xi32, #tpu.memory_space<hbm>> -> memref<40x128xi32, #tpu.memory_space<hbm>>
      %dma_start3A_42 = arith.constant 0 : i32
      %dma_start3A_43 = tpu.memref_slice %arg3[%mul3A_2, %dma_start3A_42] : memref<1280x128xi32, #tpu.memory_space<hbm>> -> memref<40x128xi32, #tpu.memory_space<hbm>>
      tpu.enqueue_dma source(%dma_start3A_43 : memref<40x128xi32, #tpu.memory_space<hbm>>) target(%arg5 : memref<40x128xi32, #tpu.memory_space<vmem>>) target_semaphore(%run_scoped3A : memref<!tpu.dma_semaphore, #tpu.memory_space<semaphore_mem>>)
      %dma_wait3A_44 = arith.constant 0 : i32
      %dma_wait3A_45 = tpu.memref_slice %arg3[%mul3A_2, %dma_wait3A_44] : memref<1280x128xi32, #tpu.memory_space<hbm>> -> memref<40x128xi32, #tpu.memory_space<hbm>>
      %dma_wait3A_46 = arith.constant 0 : i32
      %dma_wait3A_47 = tpu.memref_slice %arg3[%mul3A_2, %dma_wait3A_46] : memref<1280x128xi32, #tpu.memory_space<hbm>> -> memref<40x128xi32, #tpu.memory_space<hbm>>
      tpu.wait_dma2 semaphore(%run_scoped3A : memref<!tpu.dma_semaphore, #tpu.memory_space<semaphore_mem>>) src(%dma_wait3A_47 : memref<40x128xi32, #tpu.memory_space<hbm>>) dst(%arg5 : memref<40x128xi32, #tpu.memory_space<vmem>>)
      tpu.yield
    }) : () -> ()
    %broadcast_in_dim3A = arith.constant 0.000000e+00 : f32
    %broadcast_in_dim3A_5 = vector.broadcast %broadcast_in_dim3A : f32 to vector<16xf32>
    %scan3A = arith.constant 0 : i32
    %scan3A_6 = arith.constant 0 : i32
    %scan3A_7 = arith.constant 128 : i32
    %scan3A_8 = arith.addi %scan3A_6, %scan3A_7 : i32
    %scan3A_9 = arith.constant 1 : i32
    %scan3A_10 = scf.for %scan3A_40 = %scan3A_6 to %scan3A_8 step %scan3A_9 iter_args(%scan3A_41 = %scan3A) -> (i32)  : i32 {
      %swap3A = arith.index_cast %scan3A_40 : i32 to index
      %swap3A_42 = arith.constant 0 : index
      %swap3A_43 = tpu.vector_load %arg6[%swap3A, %swap3A_42] {strides = array<i32>} : memref<128x128xf32, #tpu.memory_space<vmem>>, vector<1x16xf32>,
      %swap3A_44 = vector.shape_cast %swap3A_43 : vector<1x16xf32> to vector<16xf32>
      %swap3A_45 = vector.shape_cast %broadcast_in_dim3A_5 : vector<16xf32> to vector<1x16xf32>
      tpu.vector_store %arg6[%swap3A, %swap3A_42], %swap3A_45 {strides = array<i32>} : memref<128x128xf32, #tpu.memory_space<vmem>>, vector<1x16xf32>,
      %swap3A_46 = arith.index_cast %scan3A_40 : i32 to index
      %swap3A_47 = arith.constant 16 : index
      %swap3A_48 = tpu.vector_load %arg6[%swap3A_46, %swap3A_47] {strides = array<i32>} : memref<128x128xf32, #tpu.memory_space<vmem>>, vector<1x16xf32>,
      %swap3A_49 = vector.shape_cast %swap3A_48 : vector<1x16xf32> to vector<16xf32>
      %swap3A_50 = vector.shape_cast %broadcast_in_dim3A_5 : vector<16xf32> to vector<1x16xf32>
      tpu.vector_store %arg6[%swap3A_46, %swap3A_47], %swap3A_50 {strides = array<i32>} : memref<128x128xf32, #tpu.memory_space<vmem>>, vector<1x16xf32>,
      %swap3A_51 = arith.index_cast %scan3A_40 : i32 to index
      %swap3A_52 = arith.constant 32 : index
      %swap3A_53 = tpu.vector_load %arg6[%swap3A_51, %swap3A_52] {strides = array<i32>} : memref<128x128xf32, #tpu.memory_space<vmem>>, vector<1x16xf32>,
      %swap3A_54 = vector.shape_cast %swap3A_53 : vector<1x16xf32> to vector<16xf32>
      %swap3A_55 = vector.shape_cast %broadcast_in_dim3A_5 : vector<16xf32> to vector<1x16xf32>
      tpu.vector_store %arg6[%swap3A_51, %swap3A_52], %swap3A_55 {strides = array<i32>} : memref<128x128xf32, #tpu.memory_space<vmem>>, vector<1x16xf32>,
      %swap3A_56 = arith.index_cast %scan3A_40 : i32 to index
      %swap3A_57 = arith.constant 48 : index
      %swap3A_58 = tpu.vector_load %arg6[%swap3A_56, %swap3A_57] {strides = array<i32>} : memref<128x128xf32, #tpu.memory_space<vmem>>, vector<1x16xf32>,
      %swap3A_59 = vector.shape_cast %swap3A_58 : vector<1x16xf32> to vector<16xf32>
      %swap3A_60 = vector.shape_cast %broadcast_in_dim3A_5 : vector<16xf32> to vector<1x16xf32>
      tpu.vector_store %arg6[%swap3A_56, %swap3A_57], %swap3A_60 {strides = array<i32>} : memref<128x128xf32, #tpu.memory_space<vmem>>, vector<1x16xf32>,
      %swap3A_61 = arith.index_cast %scan3A_40 : i32 to index
      %swap3A_62 = arith.constant 64 : index
      %swap3A_63 = tpu.vector_load %arg6[%swap3A_61, %swap3A_62] {strides = array<i32>} : memref<128x128xf32, #tpu.memory_space<vmem>>, vector<1x16xf32>,
      %swap3A_64 = vector.shape_cast %swap3A_63 : vector<1x16xf32> to vector<16xf32>
      %swap3A_65 = vector.shape_cast %broadcast_in_dim3A_5 : vector<16xf32> to vector<1x16xf32>
      tpu.vector_store %arg6[%swap3A_61, %swap3A_62], %swap3A_65 {strides = array<i32>} : memref<128x128xf32, #tpu.memory_space<vmem>>, vector<1x16xf32>,
      %swap3A_66 = arith.index_cast %scan3A_40 : i32 to index
      %swap3A_67 = arith.constant 80 : index
      %swap3A_68 = tpu.vector_load %arg6[%swap3A_66, %swap3A_67] {strides = array<i32>} : memref<128x128xf32, #tpu.memory_space<vmem>>, vector<1x16xf32>,
      %swap3A_69 = vector.shape_cast %swap3A_68 : vector<1x16xf32> to vector<16xf32>
      %swap3A_70 = vector.shape_cast %broadcast_in_dim3A_5 : vector<16xf32> to vector<1x16xf32>
      tpu.vector_store %arg6[%swap3A_66, %swap3A_67], %swap3A_70 {strides = array<i32>} : memref<128x128xf32, #tpu.memory_space<vmem>>, vector<1x16xf32>,
      %swap3A_71 = arith.index_cast %scan3A_40 : i32 to index
      %swap3A_72 = arith.constant 96 : index
      %swap3A_73 = tpu.vector_load %arg6[%swap3A_71, %swap3A_72] {strides = array<i32>} : memref<128x128xf32, #tpu.memory_space<vmem>>, vector<1x16xf32>,
      %swap3A_74 = vector.shape_cast %swap3A_73 : vector<1x16xf32> to vector<16xf32>
      %swap3A_75 = vector.shape_cast %broadcast_in_dim3A_5 : vector<16xf32> to vector<1x16xf32>
      tpu.vector_store %arg6[%swap3A_71, %swap3A_72], %swap3A_75 {strides = array<i32>} : memref<128x128xf32, #tpu.memory_space<vmem>>, vector<1x16xf32>,
      %swap3A_76 = arith.index_cast %scan3A_40 : i32 to index
      %swap3A_77 = arith.constant 112 : index
      %swap3A_78 = tpu.vector_load %arg6[%swap3A_76, %swap3A_77] {strides = array<i32>} : memref<128x128xf32, #tpu.memory_space<vmem>>, vector<1x16xf32>,
      %swap3A_79 = vector.shape_cast %swap3A_78 : vector<1x16xf32> to vector<16xf32>
      %swap3A_80 = vector.shape_cast %broadcast_in_dim3A_5 : vector<16xf32> to vector<1x16xf32>
      tpu.vector_store %arg6[%swap3A_76, %swap3A_77], %swap3A_80 {strides = array<i32>} : memref<128x128xf32, #tpu.memory_space<vmem>>, vector<1x16xf32>,
      %scan3A_81 = arith.constant 0 : i32
      scf.yield %scan3A_81 : i32
    }
    %scan3A_11 = arith.constant 128 : i32
    %add3A_12 = arith.constant 0 : i32
    %add3A_13 = arith.addi %mul3A_4, %add3A_12 : i32
    "tpu.region"() ({
      %run_scoped3A = tpu.sem_alloc : memref<!tpu.dma_semaphore, #tpu.memory_space<semaphore_mem>>
      %dma_start3A_40 = arith.constant 0 : i32
      %dma_start3A_41 = tpu.memref_slice %arg8[%add3A_13, %dma_start3A_40] : memref<10240x128xf32, #tpu.memory_space<vmem_shared>> -> memref<128x128xf32, #tpu.memory_space<vmem_shared>>
      %dma_start3A_42 = arith.constant 0 : i32
      %dma_start3A_43 = tpu.memref_slice %arg8[%add3A_13, %dma_start3A_42] : memref<10240x128xf32, #tpu.memory_space<vmem_shared>> -> memref<128x128xf32, #tpu.memory_space<vmem_shared>>
      tpu.enqueue_dma source(%arg6 : memref<128x128xf32, #tpu.memory_space<vmem>>) target(%dma_start3A_43 : memref<128x128xf32, #tpu.memory_space<vmem_shared>>) target_semaphore(%run_scoped3A : memref<!tpu.dma_semaphore, #tpu.memory_space<semaphore_mem>>)
      %dma_wait3A_44 = arith.constant 0 : i32
      %dma_wait3A_45 = tpu.memref_slice %arg8[%add3A_13, %dma_wait3A_44] : memref<10240x128xf32, #tpu.memory_space<vmem_shared>> -> memref<128x128xf32, #tpu.memory_space<vmem_shared>>
      %dma_wait3A_46 = arith.constant 0 : i32
      %dma_wait3A_47 = tpu.memref_slice %arg8[%add3A_13, %dma_wait3A_46] : memref<10240x128xf32, #tpu.memory_space<vmem_shared>> -> memref<128x128xf32, #tpu.memory_space<vmem_shared>>
      tpu.wait_dma2 semaphore(%run_scoped3A : memref<!tpu.dma_semaphore, #tpu.memory_space<semaphore_mem>>) src(%arg6 : memref<128x128xf32, #tpu.memory_space<vmem>>) dst(%dma_wait3A_47 : memref<128x128xf32, #tpu.memory_space<vmem_shared>>)
      tpu.yield
    }) : () -> ()
    %add3A_14 = arith.constant 128 : i32
    %add3A_15 = arith.addi %mul3A_4, %add3A_14 : i32
    "tpu.region"() ({
      %run_scoped3A = tpu.sem_alloc : memref<!tpu.dma_semaphore, #tpu.memory_space<semaphore_mem>>
      %dma_start3A_40 = arith.constant 0 : i32
      %dma_start3A_41 = tpu.memref_slice %arg8[%add3A_15, %dma_start3A_40] : memref<10240x128xf32, #tpu.memory_space<vmem_shared>> -> memref<128x128xf32, #tpu.memory_space<vmem_shared>>
      %dma_start3A_42 = arith.constant 0 : i32
      %dma_start3A_43 = tpu.memref_slice %arg8[%add3A_15, %dma_start3A_42] : memref<10240x128xf32, #tpu.memory_space<vmem_shared>> -> memref<128x128xf32, #tpu.memory_space<vmem_shared>>
      tpu.enqueue_dma source(%arg6 : memref<128x128xf32, #tpu.memory_space<vmem>>) target(%dma_start3A_43 : memref<128x128xf32, #tpu.memory_space<vmem_shared>>) target_semaphore(%run_scoped3A : memref<!tpu.dma_semaphore, #tpu.memory_space<semaphore_mem>>)
      %dma_wait3A_44 = arith.constant 0 : i32
      %dma_wait3A_45 = tpu.memref_slice %arg8[%add3A_15, %dma_wait3A_44] : memref<10240x128xf32, #tpu.memory_space<vmem_shared>> -> memref<128x128xf32, #tpu.memory_space<vmem_shared>>
      %dma_wait3A_46 = arith.constant 0 : i32
      %dma_wait3A_47 = tpu.memref_slice %arg8[%add3A_15, %dma_wait3A_46] : memref<10240x128xf32, #tpu.memory_space<vmem_shared>> -> memref<128x128xf32, #tpu.memory_space<vmem_shared>>
      tpu.wait_dma2 semaphore(%run_scoped3A : memref<!tpu.dma_semaphore, #tpu.memory_space<semaphore_mem>>) src(%arg6 : memref<128x128xf32, #tpu.memory_space<vmem>>) dst(%dma_wait3A_47 : memref<128x128xf32, #tpu.memory_space<vmem_shared>>)
      tpu.yield
    }) : () -> ()
    %add3A_16 = arith.constant 256 : i32
    %add3A_17 = arith.addi %mul3A_4, %add3A_16 : i32
    "tpu.region"() ({
      %run_scoped3A = tpu.sem_alloc : memref<!tpu.dma_semaphore, #tpu.memory_space<semaphore_mem>>
      %dma_start3A_40 = arith.constant 0 : i32
      %dma_start3A_41 = tpu.memref_slice %arg8[%add3A_17, %dma_start3A_40] : memref<10240x128xf32, #tpu.memory_space<vmem_shared>> -> memref<128x128xf32, #tpu.memory_space<vmem_shared>>
      %dma_start3A_42 = arith.constant 0 : i32
      %dma_start3A_43 = tpu.memref_slice %arg8[%add3A_17, %dma_start3A_42] : memref<10240x128xf32, #tpu.memory_space<vmem_shared>> -> memref<128x128xf32, #tpu.memory_space<vmem_shared>>
      tpu.enqueue_dma source(%arg6 : memref<128x128xf32, #tpu.memory_space<vmem>>) target(%dma_start3A_43 : memref<128x128xf32, #tpu.memory_space<vmem_shared>>) target_semaphore(%run_scoped3A : memref<!tpu.dma_semaphore, #tpu.memory_space<semaphore_mem>>)
      %dma_wait3A_44 = arith.constant 0 : i32
      %dma_wait3A_45 = tpu.memref_slice %arg8[%add3A_17, %dma_wait3A_44] : memref<10240x128xf32, #tpu.memory_space<vmem_shared>> -> memref<128x128xf32, #tpu.memory_space<vmem_shared>>
      %dma_wait3A_46 = arith.constant 0 : i32
      %dma_wait3A_47 = tpu.memref_slice %arg8[%add3A_17, %dma_wait3A_46] : memref<10240x128xf32, #tpu.memory_space<vmem_shared>> -> memref<128x128xf32, #tpu.memory_space<vmem_shared>>
      tpu.wait_dma2 semaphore(%run_scoped3A : memref<!tpu.dma_semaphore, #tpu.memory_space<semaphore_mem>>) src(%arg6 : memref<128x128xf32, #tpu.memory_space<vmem>>) dst(%dma_wait3A_47 : memref<128x128xf32, #tpu.memory_space<vmem_shared>>)
      tpu.yield
    }) : () -> ()
    %add3A_18 = arith.constant 384 : i32
    %add3A_19 = arith.addi %mul3A_4, %add3A_18 : i32
    "tpu.region"() ({
      %run_scoped3A = tpu.sem_alloc : memref<!tpu.dma_semaphore, #tpu.memory_space<semaphore_mem>>
      %dma_start3A_40 = arith.constant 0 : i32
      %dma_start3A_41 = tpu.memref_slice %arg8[%add3A_19, %dma_start3A_40] : memref<10240x128xf32, #tpu.memory_space<vmem_shared>> -> memref<128x128xf32, #tpu.memory_space<vmem_shared>>
      %dma_start3A_42 = arith.constant 0 : i32
      %dma_start3A_43 = tpu.memref_slice %arg8[%add3A_19, %dma_start3A_42] : memref<10240x128xf32, #tpu.memory_space<vmem_shared>> -> memref<128x128xf32, #tpu.memory_space<vmem_shared>>
      tpu.enqueue_dma source(%arg6 : memref<128x128xf32, #tpu.memory_space<vmem>>) target(%dma_start3A_43 : memref<128x128xf32, #tpu.memory_space<vmem_shared>>) target_semaphore(%run_scoped3A : memref<!tpu.dma_semaphore, #tpu.memory_space<semaphore_mem>>)
      %dma_wait3A_44 = arith.constant 0 : i32
      %dma_wait3A_45 = tpu.memref_slice %arg8[%add3A_19, %dma_wait3A_44] : memref<10240x128xf32, #tpu.memory_space<vmem_shared>> -> memref<128x128xf32, #tpu.memory_space<vmem_shared>>
      %dma_wait3A_46 = arith.constant 0 : i32
      %dma_wait3A_47 = tpu.memref_slice %arg8[%add3A_19, %dma_wait3A_46] : memref<10240x128xf32, #tpu.memory_space<vmem_shared>> -> memref<128x128xf32, #tpu.memory_space<vmem_shared>>
      tpu.wait_dma2 semaphore(%run_scoped3A : memref<!tpu.dma_semaphore, #tpu.memory_space<semaphore_mem>>) src(%arg6 : memref<128x128xf32, #tpu.memory_space<vmem>>) dst(%dma_wait3A_47 : memref<128x128xf32, #tpu.memory_space<vmem_shared>>)
      tpu.yield
    }) : () -> ()
    %add3A_20 = arith.constant 512 : i32
    %add3A_21 = arith.addi %mul3A_4, %add3A_20 : i32
    "tpu.region"() ({
      %run_scoped3A = tpu.sem_alloc : memref<!tpu.dma_semaphore, #tpu.memory_space<semaphore_mem>>
      %dma_start3A_40 = arith.constant 0 : i32
      %dma_start3A_41 = tpu.memref_slice %arg8[%add3A_21, %dma_start3A_40] : memref<10240x128xf32, #tpu.memory_space<vmem_shared>> -> memref<128x128xf32, #tpu.memory_space<vmem_shared>>
      %dma_start3A_42 = arith.constant 0 : i32
      %dma_start3A_43 = tpu.memref_slice %arg8[%add3A_21, %dma_start3A_42] : memref<10240x128xf32, #tpu.memory_space<vmem_shared>> -> memref<128x128xf32, #tpu.memory_space<vmem_shared>>
      tpu.enqueue_dma source(%arg6 : memref<128x128xf32, #tpu.memory_space<vmem>>) target(%dma_start3A_43 : memref<128x128xf32, #tpu.memory_space<vmem_shared>>) target_semaphore(%run_scoped3A : memref<!tpu.dma_semaphore, #tpu.memory_space<semaphore_mem>>)
      %dma_wait3A_44 = arith.constant 0 : i32
      %dma_wait3A_45 = tpu.memref_slice %arg8[%add3A_21, %dma_wait3A_44] : memref<10240x128xf32, #tpu.memory_space<vmem_shared>> -> memref<128x128xf32, #tpu.memory_space<vmem_shared>>
      %dma_wait3A_46 = arith.constant 0 : i32
      %dma_wait3A_47 = tpu.memref_slice %arg8[%add3A_21, %dma_wait3A_46] : memref<10240x128xf32, #tpu.memory_space<vmem_shared>> -> memref<128x128xf32, #tpu.memory_space<vmem_shared>>
      tpu.wait_dma2 semaphore(%run_scoped3A : memref<!tpu.dma_semaphore, #tpu.memory_space<semaphore_mem>>) src(%arg6 : memref<128x128xf32, #tpu.memory_space<vmem>>) dst(%dma_wait3A_47 : memref<128x128xf32, #tpu.memory_space<vmem_shared>>)
      tpu.yield
    }) : () -> ()
    %barrier3A = arith.constant 0 : index
    tpu.barrier barrier_id(%barrier3A)
    %mul3A_22 = arith.constant 128 : i32
    %mul3A_23 = arith.muli %mul3A_2, %mul3A_22 : i32
    %dma_start3A = arith.constant 0 : i32
    %dma_start3A_24 = tpu.memref_slice %arg2[%mul3A_23, %dma_start3A] : memref<163840x128xf32, #tpu.memory_space<hbm>> -> memref<128x128xf32, #tpu.memory_space<hbm>>
    %dma_start3A_25 = arith.constant 0 : i32
    %dma_start3A_26 = tpu.memref_slice %arg2[%mul3A_23, %dma_start3A_25] : memref<163840x128xf32, #tpu.memory_space<hbm>> -> memref<128x128xf32, #tpu.memory_space<hbm>>
    tpu.enqueue_dma source(%dma_start3A_26 : memref<128x128xf32, #tpu.memory_space<hbm>>) target(%arg6 : memref<128x128xf32, #tpu.memory_space<vmem>>) target_semaphore(%arg9 : memref<!tpu.dma_semaphore, #tpu.memory_space<semaphore_mem>>)
    %scan3A_27 = arith.constant 0 : i32
    %scan3A_28 = arith.constant 0 : i32
    %scan3A_29 = arith.constant 20 : i32
    %scan3A_30 = arith.addi %scan3A_28, %scan3A_29 : i32
    %scan3A_31 = arith.constant 1 : i32
    %scan3A_32 = scf.for %scan3A_40 = %scan3A_28 to %scan3A_30 step %scan3A_31 iter_args(%scan3A_41 = %scan3A_27) -> (i32)  : i32 {
      %mul3A_42 = arith.constant 2 : i32
      %mul3A_43 = arith.muli %scan3A_40, %mul3A_42 : i32
      %add3A_44 = arith.constant 0 : i32
      %add3A_45 = arith.addi %mul3A_43, %add3A_44 : i32
      %dma_wait3A_46 = arith.constant 0 : i32
      %dma_wait3A_47 = arith.constant 0 : i32
      %dma_wait3A_48 = tpu.memref_slice %arg2[%dma_wait3A_46, %dma_wait3A_47] : memref<163840x128xf32, #tpu.memory_space<hbm>> -> memref<128x128xf32, #tpu.memory_space<hbm>>
      %dma_wait3A_49 = arith.constant 0 : i32
      %dma_wait3A_50 = arith.constant 0 : i32
      %dma_wait3A_51 = tpu.memref_slice %arg2[%dma_wait3A_49, %dma_wait3A_50] : memref<163840x128xf32, #tpu.memory_space<hbm>> -> memref<128x128xf32, #tpu.memory_space<hbm>>
      tpu.wait_dma2 semaphore(%arg9 : memref<!tpu.dma_semaphore, #tpu.memory_space<semaphore_mem>>) src(%dma_wait3A_51 : memref<128x128xf32, #tpu.memory_space<hbm>>) dst(%arg6 : memref<128x128xf32, #tpu.memory_space<vmem>>)
      %dma_start3A_52 = arith.constant 0 : i32
      %dma_start3A_53 = tpu.memref_slice %arg5[%add3A_45, %dma_start3A_52] : memref<40x128xi32, #tpu.memory_space<vmem>> -> memref<1x128xi32, #tpu.memory_space<vmem>>
      %dma_start3A_54 = tpu.memref_squeeze %dma_start3A_53 : memref<1x128xi32, #tpu.memory_space<vmem>> -> memref<128xi32, #tpu.memory_space<vmem>>
      %dma_start3A_55 = arith.constant 0 : i32
      %dma_start3A_56 = arith.constant 0 : i32
      %dma_start3A_57 = tpu.memref_slice %arg8[%dma_start3A_55, %dma_start3A_56] : memref<10240x128xf32, #tpu.memory_space<vmem_shared>> -> memref<10240x128xf32, #tpu.memory_space<vmem_shared>>
      tpu.enqueue_indirect_dma source(%arg6 : memref<128x128xf32, #tpu.memory_space<vmem>>) target(%dma_start3A_57 : memref<10240x128xf32, #tpu.memory_space<vmem_shared>>) offsets(%dma_start3A_54 : memref<128xi32, #tpu.memory_space<vmem>>) semaphore(%arg11 : memref<!tpu.dma_semaphore, #tpu.memory_space<semaphore_mem>>) {add = true}
      %ge3A = arith.constant 1 : i32
      %ge3A_58 = arith.cmpi sge, %add3A_45, %ge3A : i32
      %convert_element_type3A = arith.extui %ge3A_58 : i1 to i32
      %cond3A = arith.constant 0 : i32
      %cond3A_59 = arith.cmpi ne, %convert_element_type3A, %cond3A : i32
      scf.if %cond3A_59 {
        %dma_wait3A_95 = arith.constant 0 : i32
        %dma_wait3A_96 = arith.constant 0 : i32
        %dma_wait3A_97 = tpu.memref_slice %arg8[%dma_wait3A_95, %dma_wait3A_96] : memref<10240x128xf32, #tpu.memory_space<vmem_shared>> -> memref<128x128xf32, #tpu.memory_space<vmem_shared>>
        %dma_wait3A_98 = arith.constant 0 : i32
        %dma_wait3A_99 = arith.constant 0 : i32
        %dma_wait3A_100 = tpu.memref_slice %arg8[%dma_wait3A_98, %dma_wait3A_99] : memref<10240x128xf32, #tpu.memory_space<vmem_shared>> -> memref<128x128xf32, #tpu.memory_space<vmem_shared>>
        tpu.wait_dma2 semaphore(%arg12 : memref<!tpu.dma_semaphore, #tpu.memory_space<semaphore_mem>>) src(%dma_wait3A_100 : memref<128x128xf32, #tpu.memory_space<vmem_shared>>) dst(%arg7 : memref<128x128xf32, #tpu.memory_space<vmem>>)
      } else {
      }
      %add3A_60 = arith.constant 1 : i32
      %add3A_61 = arith.addi %add3A_45, %add3A_60 : i32
      %lt3A = arith.constant 40 : i32
      %lt3A_62 = arith.cmpi slt, %add3A_61, %lt3A : i32
      %convert_element_type3A_63 = arith.extui %lt3A_62 : i1 to i32
      %cond3A_64 = arith.constant 0 : i32
      %cond3A_65 = arith.cmpi ne, %convert_element_type3A_63, %cond3A_64 : i32
      scf.if %cond3A_65 {
        %add3A_95 = arith.addi %mul3A_2, %add3A_45 : i32
        %add3A_96 = arith.constant 1 : i32
        %add3A_97 = arith.addi %add3A_95, %add3A_96 : i32
        %mul3A_98 = arith.constant 128 : i32
        %mul3A_99 = arith.muli %add3A_97, %mul3A_98 : i32
        %dma_start3A_100 = arith.constant 0 : i32
        %dma_start3A_101 = tpu.memref_slice %arg2[%mul3A_99, %dma_start3A_100] : memref<163840x128xf32, #tpu.memory_space<hbm>> -> memref<128x128xf32, #tpu.memory_space<hbm>>
        %dma_start3A_102 = arith.constant 0 : i32
        %dma_start3A_103 = tpu.memref_slice %arg2[%mul3A_99, %dma_start3A_102] : memref<163840x128xf32, #tpu.memory_space<hbm>> -> memref<128x128xf32, #tpu.memory_space<hbm>>
        tpu.enqueue_dma source(%dma_start3A_103 : memref<128x128xf32, #tpu.memory_space<hbm>>) target(%arg7 : memref<128x128xf32, #tpu.memory_space<vmem>>) target_semaphore(%arg10 : memref<!tpu.dma_semaphore, #tpu.memory_space<semaphore_mem>>)
      } else {
      }
      %mul3A_66 = arith.constant 2 : i32
      %mul3A_67 = arith.muli %scan3A_40, %mul3A_66 : i32
      %add3A_68 = arith.constant 1 : i32
      %add3A_69 = arith.addi %mul3A_67, %add3A_68 : i32
      %dma_wait3A_70 = arith.constant 0 : i32
      %dma_wait3A_71 = arith.constant 0 : i32
      %dma_wait3A_72 = tpu.memref_slice %arg2[%dma_wait3A_70, %dma_wait3A_71] : memref<163840x128xf32, #tpu.memory_space<hbm>> -> memref<128x128xf32, #tpu.memory_space<hbm>>
      %dma_wait3A_73 = arith.constant 0 : i32
      %dma_wait3A_74 = arith.constant 0 : i32
      %dma_wait3A_75 = tpu.memref_slice %arg2[%dma_wait3A_73, %dma_wait3A_74] : memref<163840x128xf32, #tpu.memory_space<hbm>> -> memref<128x128xf32, #tpu.memory_space<hbm>>
      tpu.wait_dma2 semaphore(%arg10 : memref<!tpu.dma_semaphore, #tpu.memory_space<semaphore_mem>>) src(%dma_wait3A_75 : memref<128x128xf32, #tpu.memory_space<hbm>>) dst(%arg7 : memref<128x128xf32, #tpu.memory_space<vmem>>)
      %dma_start3A_76 = arith.constant 0 : i32
      %dma_start3A_77 = tpu.memref_slice %arg5[%add3A_69, %dma_start3A_76] : memref<40x128xi32, #tpu.memory_space<vmem>> -> memref<1x128xi32, #tpu.memory_space<vmem>>
      %dma_start3A_78 = tpu.memref_squeeze %dma_start3A_77 : memref<1x128xi32, #tpu.memory_space<vmem>> -> memref<128xi32, #tpu.memory_space<vmem>>
      %dma_start3A_79 = arith.constant 0 : i32
      %dma_start3A_80 = arith.constant 0 : i32
      %dma_start3A_81 = tpu.memref_slice %arg8[%dma_start3A_79, %dma_start3A_80] : memref<10240x128xf32, #tpu.memory_space<vmem_shared>> -> memref<10240x128xf32, #tpu.memory_space<vmem_shared>>
      tpu.enqueue_indirect_dma source(%arg7 : memref<128x128xf32, #tpu.memory_space<vmem>>) target(%dma_start3A_81 : memref<10240x128xf32, #tpu.memory_space<vmem_shared>>) offsets(%dma_start3A_78 : memref<128xi32, #tpu.memory_space<vmem>>) semaphore(%arg12 : memref<!tpu.dma_semaphore, #tpu.memory_space<semaphore_mem>>) {add = true}
      %ge3A_82 = arith.constant 1 : i32
      %ge3A_83 = arith.cmpi sge, %add3A_69, %ge3A_82 : i32
      %convert_element_type3A_84 = arith.extui %ge3A_83 : i1 to i32
      %cond3A_85 = arith.constant 0 : i32
      %cond3A_86 = arith.cmpi ne, %convert_element_type3A_84, %cond3A_85 : i32
      scf.if %cond3A_86 {
        %dma_wait3A_95 = arith.constant 0 : i32
        %dma_wait3A_96 = arith.constant 0 : i32
        %dma_wait3A_97 = tpu.memref_slice %arg8[%dma_wait3A_95, %dma_wait3A_96] : memref<10240x128xf32, #tpu.memory_space<vmem_shared>> -> memref<128x128xf32, #tpu.memory_space<vmem_shared>>
        %dma_wait3A_98 = arith.constant 0 : i32
        %dma_wait3A_99 = arith.constant 0 : i32
        %dma_wait3A_100 = tpu.memref_slice %arg8[%dma_wait3A_98, %dma_wait3A_99] : memref<10240x128xf32, #tpu.memory_space<vmem_shared>> -> memref<128x128xf32, #tpu.memory_space<vmem_shared>>
        tpu.wait_dma2 semaphore(%arg11 : memref<!tpu.dma_semaphore, #tpu.memory_space<semaphore_mem>>) src(%dma_wait3A_100 : memref<128x128xf32, #tpu.memory_space<vmem_shared>>) dst(%arg6 : memref<128x128xf32, #tpu.memory_space<vmem>>)
      } else {
      }
      %add3A_87 = arith.constant 1 : i32
      %add3A_88 = arith.addi %add3A_69, %add3A_87 : i32
      %lt3A_89 = arith.constant 40 : i32
      %lt3A_90 = arith.cmpi slt, %add3A_88, %lt3A_89 : i32
      %convert_element_type3A_91 = arith.extui %lt3A_90 : i1 to i32
      %cond3A_92 = arith.constant 0 : i32
      %cond3A_93 = arith.cmpi ne, %convert_element_type3A_91, %cond3A_92 : i32
      scf.if %cond3A_93 {
        %add3A_95 = arith.addi %mul3A_2, %add3A_69 : i32
        %add3A_96 = arith.constant 1 : i32
        %add3A_97 = arith.addi %add3A_95, %add3A_96 : i32
        %mul3A_98 = arith.constant 128 : i32
        %mul3A_99 = arith.muli %add3A_97, %mul3A_98 : i32
        %dma_start3A_100 = arith.constant 0 : i32
        %dma_start3A_101 = tpu.memref_slice %arg2[%mul3A_99, %dma_start3A_100] : memref<163840x128xf32, #tpu.memory_space<hbm>> -> memref<128x128xf32, #tpu.memory_space<hbm>>
        %dma_start3A_102 = arith.constant 0 : i32
        %dma_start3A_103 = tpu.memref_slice %arg2[%mul3A_99, %dma_start3A_102] : memref<163840x128xf32, #tpu.memory_space<hbm>> -> memref<128x128xf32, #tpu.memory_space<hbm>>
        tpu.enqueue_dma source(%dma_start3A_103 : memref<128x128xf32, #tpu.memory_space<hbm>>) target(%arg6 : memref<128x128xf32, #tpu.memory_space<vmem>>) target_semaphore(%arg9 : memref<!tpu.dma_semaphore, #tpu.memory_space<semaphore_mem>>)
      } else {
      }
      %scan3A_94 = arith.constant 0 : i32
      scf.yield %scan3A_94 : i32
    }
    %scan3A_33 = arith.constant 20 : i32
    %dma_wait3A = arith.constant 0 : i32
    %dma_wait3A_34 = arith.constant 0 : i32
    %dma_wait3A_35 = tpu.memref_slice %arg8[%dma_wait3A, %dma_wait3A_34] : memref<10240x128xf32, #tpu.memory_space<vmem_shared>> -> memref<128x128xf32, #tpu.memory_space<vmem_shared>>
    %dma_wait3A_36 = arith.constant 0 : i32
    %dma_wait3A_37 = arith.constant 0 : i32
    %dma_wait3A_38 = tpu.memref_slice %arg8[%dma_wait3A_36, %dma_wait3A_37] : memref<10240x128xf32, #tpu.memory_space<vmem_shared>> -> memref<128x128xf32, #tpu.memory_space<vmem_shared>>
    tpu.wait_dma2 semaphore(%arg12 : memref<!tpu.dma_semaphore, #tpu.memory_space<semaphore_mem>>) src(%dma_wait3A_38 : memref<128x128xf32, #tpu.memory_space<vmem_shared>>) dst(%arg7 : memref<128x128xf32, #tpu.memory_space<vmem>>)
    %barrier3A_39 = arith.constant 0 : index
    tpu.barrier barrier_id(%barrier3A_39)
    "tpu.region"() ({
      %run_scoped3A = tpu.sem_alloc : memref<!tpu.dma_semaphore, #tpu.memory_space<semaphore_mem>>
      %dma_start3A_40 = arith.constant 0 : i32
      %dma_start3A_41 = tpu.memref_slice %arg4[%arg0, %mul3A_4, %dma_start3A_40] : memref<2x10240x128xf32, #tpu.memory_space<hbm>> -> memref<1x640x128xf32, #tpu.memory_space<hbm>>
      %dma_start3A_42 = tpu.memref_squeeze %dma_start3A_41 : memref<1x640x128xf32, #tpu.memory_space<hbm>> -> memref<640x128xf32, #tpu.memory_space<hbm>>
      %dma_start3A_43 = arith.constant 0 : i32
      %dma_start3A_44 = tpu.memref_slice %arg8[%mul3A_4, %dma_start3A_43] : memref<10240x128xf32, #tpu.memory_space<vmem_shared>> -> memref<640x128xf32, #tpu.memory_space<vmem_shared>>
      tpu.enqueue_dma source(%dma_start3A_44 : memref<640x128xf32, #tpu.memory_space<vmem_shared>>) target(%dma_start3A_42 : memref<640x128xf32, #tpu.memory_space<hbm>>) target_semaphore(%run_scoped3A : memref<!tpu.dma_semaphore, #tpu.memory_space<semaphore_mem>>)
      %dma_wait3A_45 = arith.constant 0 : i32
      %dma_wait3A_46 = tpu.memref_slice %arg4[%arg0, %mul3A_4, %dma_wait3A_45] : memref<2x10240x128xf32, #tpu.memory_space<hbm>> -> memref<1x640x128xf32, #tpu.memory_space<hbm>>
      %dma_wait3A_47 = tpu.memref_squeeze %dma_wait3A_46 : memref<1x640x128xf32, #tpu.memory_space<hbm>> -> memref<640x128xf32, #tpu.memory_space<hbm>>
      %dma_wait3A_48 = arith.constant 0 : i32
      %dma_wait3A_49 = tpu.memref_slice %arg8[%mul3A_4, %dma_wait3A_48] : memref<10240x128xf32, #tpu.memory_space<vmem_shared>> -> memref<640x128xf32, #tpu.memory_space<vmem_shared>>
      tpu.wait_dma2 semaphore(%run_scoped3A : memref<!tpu.dma_semaphore, #tpu.memory_space<semaphore_mem>>) src(%dma_wait3A_49 : memref<640x128xf32, #tpu.memory_space<vmem_shared>>) dst(%dma_wait3A_47 : memref<640x128xf32, #tpu.memory_space<hbm>>)
      tpu.yield
    }) : () -> ()
    return
  }
}

#map = affine_map<(d0, d1) -> (0, 0, 0)>
module attributes {stable_mosaic.version = 14 : i64} {
  func.func @k(%arg0: i32, %arg1: i32, %arg2: memref<2x1280x128xi32, #tpu.memory_space<hbm>>, %arg3: memref<2x10240x64xf32, #tpu.memory_space<hbm>>, %arg4: memref<2x163840x64xf32, #tpu.memory_space<hbm>>, %arg5: memref<80x128xi32, #tpu.memory_space<vmem>>, %arg6: memref<128x64xf32, #tpu.memory_space<vmem>>, %arg7: memref<128x64xf32, #tpu.memory_space<vmem>>, %arg8: memref<10240x64xf32, #tpu.memory_space<vmem_shared>>, %arg9: memref<!tpu.dma_semaphore, #tpu.memory_space<semaphore_mem>>, %arg10: memref<!tpu.dma_semaphore, #tpu.memory_space<semaphore_mem>>) attributes {dimension_semantics = [#tpu.dimension_semantics<core_parallel>, #tpu.dimension_semantics<subcore_parallel>], iteration_bounds = array<i64: 2, 16>, scalar_prefetch = 0 : i64, scratch_operands = 6 : i64, tpu.core_type = #tpu.core_type<sc_vector_subcore>, window_params = [{transform_indices = #map}, {transform_indices = #map}, {transform_indices = #map}]} {
    %mul3A = arith.constant 80 : i32
    %mul3A_0 = arith.muli %arg1, %mul3A : i32
    "tpu.region"() ({
      %run_scoped3A = tpu.sem_alloc : memref<!tpu.dma_semaphore, #tpu.memory_space<semaphore_mem>>
      %dma_start3A = arith.constant 0 : i32
      %dma_start3A_26 = tpu.memref_slice %arg2[%arg0, %mul3A_0, %dma_start3A] : memref<2x1280x128xi32, #tpu.memory_space<hbm>> -> memref<1x80x128xi32, #tpu.memory_space<hbm>>
      %dma_start3A_27 = tpu.memref_squeeze %dma_start3A_26 : memref<1x80x128xi32, #tpu.memory_space<hbm>> -> memref<80x128xi32, #tpu.memory_space<hbm>>
      %dma_start3A_28 = arith.constant 0 : i32
      %dma_start3A_29 = tpu.memref_slice %arg2[%arg0, %mul3A_0, %dma_start3A_28] : memref<2x1280x128xi32, #tpu.memory_space<hbm>> -> memref<1x80x128xi32, #tpu.memory_space<hbm>>
      %dma_start3A_30 = tpu.memref_squeeze %dma_start3A_29 : memref<1x80x128xi32, #tpu.memory_space<hbm>> -> memref<80x128xi32, #tpu.memory_space<hbm>>
      tpu.enqueue_dma source(%dma_start3A_30 : memref<80x128xi32, #tpu.memory_space<hbm>>) target(%arg5 : memref<80x128xi32, #tpu.memory_space<vmem>>) target_semaphore(%run_scoped3A : memref<!tpu.dma_semaphore, #tpu.memory_space<semaphore_mem>>)
      %dma_wait3A_31 = arith.constant 0 : i32
      %dma_wait3A_32 = tpu.memref_slice %arg2[%arg0, %mul3A_0, %dma_wait3A_31] : memref<2x1280x128xi32, #tpu.memory_space<hbm>> -> memref<1x80x128xi32, #tpu.memory_space<hbm>>
      %dma_wait3A_33 = tpu.memref_squeeze %dma_wait3A_32 : memref<1x80x128xi32, #tpu.memory_space<hbm>> -> memref<80x128xi32, #tpu.memory_space<hbm>>
      %dma_wait3A_34 = arith.constant 0 : i32
      %dma_wait3A_35 = tpu.memref_slice %arg2[%arg0, %mul3A_0, %dma_wait3A_34] : memref<2x1280x128xi32, #tpu.memory_space<hbm>> -> memref<1x80x128xi32, #tpu.memory_space<hbm>>
      %dma_wait3A_36 = tpu.memref_squeeze %dma_wait3A_35 : memref<1x80x128xi32, #tpu.memory_space<hbm>> -> memref<80x128xi32, #tpu.memory_space<hbm>>
      tpu.wait_dma2 semaphore(%run_scoped3A : memref<!tpu.dma_semaphore, #tpu.memory_space<semaphore_mem>>) src(%dma_wait3A_36 : memref<80x128xi32, #tpu.memory_space<hbm>>) dst(%arg5 : memref<80x128xi32, #tpu.memory_space<vmem>>)
      tpu.yield
    }) : () -> ()
    %mul3A_1 = arith.constant 640 : i32
    %mul3A_2 = arith.muli %arg1, %mul3A_1 : i32
    %mul3A_3 = arith.constant 640 : i32
    %mul3A_4 = arith.muli %arg1, %mul3A_3 : i32
    "tpu.region"() ({
      %run_scoped3A = tpu.sem_alloc : memref<!tpu.dma_semaphore, #tpu.memory_space<semaphore_mem>>
      %dma_start3A = arith.constant 0 : i32
      %dma_start3A_26 = tpu.memref_slice %arg8[%mul3A_4, %dma_start3A] : memref<10240x64xf32, #tpu.memory_space<vmem_shared>> -> memref<640x64xf32, #tpu.memory_space<vmem_shared>>
      %dma_start3A_27 = arith.constant 0 : i32
      %dma_start3A_28 = tpu.memref_slice %arg3[%arg0, %mul3A_2, %dma_start3A_27] : memref<2x10240x64xf32, #tpu.memory_space<hbm>> -> memref<1x640x64xf32, #tpu.memory_space<hbm>>
      %dma_start3A_29 = tpu.memref_squeeze %dma_start3A_28 : memref<1x640x64xf32, #tpu.memory_space<hbm>> -> memref<640x64xf32, #tpu.memory_space<hbm>>
      tpu.enqueue_dma source(%dma_start3A_29 : memref<640x64xf32, #tpu.memory_space<hbm>>) target(%dma_start3A_26 : memref<640x64xf32, #tpu.memory_space<vmem_shared>>) target_semaphore(%run_scoped3A : memref<!tpu.dma_semaphore, #tpu.memory_space<semaphore_mem>>)
      %dma_wait3A_30 = arith.constant 0 : i32
      %dma_wait3A_31 = tpu.memref_slice %arg8[%mul3A_4, %dma_wait3A_30] : memref<10240x64xf32, #tpu.memory_space<vmem_shared>> -> memref<640x64xf32, #tpu.memory_space<vmem_shared>>
      %dma_wait3A_32 = arith.constant 0 : i32
      %dma_wait3A_33 = tpu.memref_slice %arg3[%arg0, %mul3A_2, %dma_wait3A_32] : memref<2x10240x64xf32, #tpu.memory_space<hbm>> -> memref<1x640x64xf32, #tpu.memory_space<hbm>>
      %dma_wait3A_34 = tpu.memref_squeeze %dma_wait3A_33 : memref<1x640x64xf32, #tpu.memory_space<hbm>> -> memref<640x64xf32, #tpu.memory_space<hbm>>
      tpu.wait_dma2 semaphore(%run_scoped3A : memref<!tpu.dma_semaphore, #tpu.memory_space<semaphore_mem>>) src(%dma_wait3A_34 : memref<640x64xf32, #tpu.memory_space<hbm>>) dst(%dma_wait3A_31 : memref<640x64xf32, #tpu.memory_space<vmem_shared>>)
      tpu.yield
    }) : () -> ()
    %barrier3A = arith.constant 0 : index
    tpu.barrier barrier_id(%barrier3A)
    %scan3A = arith.constant 0 : i32
    %scan3A_5 = arith.constant 0 : i32
    %scan3A_6 = arith.constant 40 : i32
    %scan3A_7 = arith.addi %scan3A_5, %scan3A_6 : i32
    %scan3A_8 = arith.constant 1 : i32
    %scan3A_9 = scf.for %scan3A_26 = %scan3A_5 to %scan3A_7 step %scan3A_8 iter_args(%scan3A_27 = %scan3A) -> (i32)  : i32 {
      %mul3A_28 = arith.constant 2 : i32
      %mul3A_29 = arith.muli %scan3A_26, %mul3A_28 : i32
      %add3A = arith.constant 0 : i32
      %add3A_30 = arith.addi %mul3A_29, %add3A : i32
      %ge3A = arith.constant 2 : i32
      %ge3A_31 = arith.cmpi sge, %add3A_30, %ge3A : i32
      %convert_element_type3A = arith.extui %ge3A_31 : i1 to i32
      %cond3A = arith.constant 0 : i32
      %cond3A_32 = arith.cmpi ne, %convert_element_type3A, %cond3A : i32
      scf.if %cond3A_32 {
        %dma_wait3A_60 = arith.constant 0 : i32
        %dma_wait3A_61 = arith.constant 0 : i32
        %dma_wait3A_62 = tpu.memref_slice %arg4[%arg0, %dma_wait3A_60, %dma_wait3A_61] : memref<2x163840x64xf32, #tpu.memory_space<hbm>> -> memref<1x128x64xf32, #tpu.memory_space<hbm>>
        %dma_wait3A_63 = tpu.memref_squeeze %dma_wait3A_62 : memref<1x128x64xf32, #tpu.memory_space<hbm>> -> memref<128x64xf32, #tpu.memory_space<hbm>>
        %dma_wait3A_64 = arith.constant 0 : i32
        %dma_wait3A_65 = arith.constant 0 : i32
        %dma_wait3A_66 = tpu.memref_slice %arg4[%arg0, %dma_wait3A_64, %dma_wait3A_65] : memref<2x163840x64xf32, #tpu.memory_space<hbm>> -> memref<1x128x64xf32, #tpu.memory_space<hbm>>
        %dma_wait3A_67 = tpu.memref_squeeze %dma_wait3A_66 : memref<1x128x64xf32, #tpu.memory_space<hbm>> -> memref<128x64xf32, #tpu.memory_space<hbm>>
        tpu.wait_dma2 semaphore(%arg9 : memref<!tpu.dma_semaphore, #tpu.memory_space<semaphore_mem>>) src(%dma_wait3A_67 : memref<128x64xf32, #tpu.memory_space<hbm>>) dst(%arg6 : memref<128x64xf32, #tpu.memory_space<vmem>>)
      } else {
      }
      "tpu.region"() ({
        %run_scoped3A = tpu.sem_alloc : memref<!tpu.dma_semaphore, #tpu.memory_space<semaphore_mem>>
        %dma_start3A_60 = arith.constant 0 : i32
        %dma_start3A_61 = tpu.memref_slice %arg5[%add3A_30, %dma_start3A_60] : memref<80x128xi32, #tpu.memory_space<vmem>> -> memref<1x128xi32, #tpu.memory_space<vmem>>
        %dma_start3A_62 = tpu.memref_squeeze %dma_start3A_61 : memref<1x128xi32, #tpu.memory_space<vmem>> -> memref<128xi32, #tpu.memory_space<vmem>>
        %dma_start3A_63 = arith.constant 0 : i32
        %dma_start3A_64 = arith.constant 0 : i32
        %dma_start3A_65 = tpu.memref_slice %arg8[%dma_start3A_63, %dma_start3A_64] : memref<10240x64xf32, #tpu.memory_space<vmem_shared>> -> memref<10240x64xf32, #tpu.memory_space<vmem_shared>>
        tpu.enqueue_indirect_dma source(%dma_start3A_65 : memref<10240x64xf32, #tpu.memory_space<vmem_shared>>) target(%arg6 : memref<128x64xf32, #tpu.memory_space<vmem>>) offsets(%dma_start3A_62 : memref<128xi32, #tpu.memory_space<vmem>>) semaphore(%run_scoped3A : memref<!tpu.dma_semaphore, #tpu.memory_space<semaphore_mem>>)
        %dma_wait3A_66 = arith.constant 0 : i32
        %dma_wait3A_67 = tpu.memref_slice %arg5[%add3A_30, %dma_wait3A_66] : memref<80x128xi32, #tpu.memory_space<vmem>> -> memref<1x128xi32, #tpu.memory_space<vmem>>
        %dma_wait3A_68 = tpu.memref_squeeze %dma_wait3A_67 : memref<1x128xi32, #tpu.memory_space<vmem>> -> memref<128xi32, #tpu.memory_space<vmem>>
        %dma_wait3A_69 = arith.constant 0 : i32
        %dma_wait3A_70 = arith.constant 0 : i32
        %dma_wait3A_71 = tpu.memref_slice %arg8[%dma_wait3A_69, %dma_wait3A_70] : memref<10240x64xf32, #tpu.memory_space<vmem_shared>> -> memref<10240x64xf32, #tpu.memory_space<vmem_shared>>
        tpu.wait_indirect_dma semaphore(%run_scoped3A : memref<!tpu.dma_semaphore, #tpu.memory_space<semaphore_mem>>) src(%dma_wait3A_71 : memref<10240x64xf32, #tpu.memory_space<vmem_shared>>) dst(%arg6 : memref<128x64xf32, #tpu.memory_space<vmem>>)
        tpu.yield
      }) : () -> ()
      %add3A_33 = arith.addi %mul3A_0, %add3A_30 : i32
      %mul3A_34 = arith.constant 128 : i32
      %mul3A_35 = arith.muli %add3A_33, %mul3A_34 : i32
      %dma_start3A = arith.constant 0 : i32
      %dma_start3A_36 = tpu.memref_slice %arg4[%arg0, %mul3A_35, %dma_start3A] : memref<2x163840x64xf32, #tpu.memory_space<hbm>> -> memref<1x128x64xf32, #tpu.memory_space<hbm>>
      %dma_start3A_37 = tpu.memref_squeeze %dma_start3A_36 : memref<1x128x64xf32, #tpu.memory_space<hbm>> -> memref<128x64xf32, #tpu.memory_space<hbm>>
      %dma_start3A_38 = arith.constant 0 : i32
      %dma_start3A_39 = tpu.memref_slice %arg4[%arg0, %mul3A_35, %dma_start3A_38] : memref<2x163840x64xf32, #tpu.memory_space<hbm>> -> memref<1x128x64xf32, #tpu.memory_space<hbm>>
      %dma_start3A_40 = tpu.memref_squeeze %dma_start3A_39 : memref<1x128x64xf32, #tpu.memory_space<hbm>> -> memref<128x64xf32, #tpu.memory_space<hbm>>
      tpu.enqueue_dma source(%arg6 : memref<128x64xf32, #tpu.memory_space<vmem>>) target(%dma_start3A_40 : memref<128x64xf32, #tpu.memory_space<hbm>>) target_semaphore(%arg9 : memref<!tpu.dma_semaphore, #tpu.memory_space<semaphore_mem>>)
      %mul3A_41 = arith.constant 2 : i32
      %mul3A_42 = arith.muli %scan3A_26, %mul3A_41 : i32
      %add3A_43 = arith.constant 1 : i32
      %add3A_44 = arith.addi %mul3A_42, %add3A_43 : i32
      %ge3A_45 = arith.constant 2 : i32
      %ge3A_46 = arith.cmpi sge, %add3A_44, %ge3A_45 : i32
      %convert_element_type3A_47 = arith.extui %ge3A_46 : i1 to i32
      %cond3A_48 = arith.constant 0 : i32
      %cond3A_49 = arith.cmpi ne, %convert_element_type3A_47, %cond3A_48 : i32
      scf.if %cond3A_49 {
        %dma_wait3A_60 = arith.constant 0 : i32
        %dma_wait3A_61 = arith.constant 0 : i32
        %dma_wait3A_62 = tpu.memref_slice %arg4[%arg0, %dma_wait3A_60, %dma_wait3A_61] : memref<2x163840x64xf32, #tpu.memory_space<hbm>> -> memref<1x128x64xf32, #tpu.memory_space<hbm>>
        %dma_wait3A_63 = tpu.memref_squeeze %dma_wait3A_62 : memref<1x128x64xf32, #tpu.memory_space<hbm>> -> memref<128x64xf32, #tpu.memory_space<hbm>>
        %dma_wait3A_64 = arith.constant 0 : i32
        %dma_wait3A_65 = arith.constant 0 : i32
        %dma_wait3A_66 = tpu.memref_slice %arg4[%arg0, %dma_wait3A_64, %dma_wait3A_65] : memref<2x163840x64xf32, #tpu.memory_space<hbm>> -> memref<1x128x64xf32, #tpu.memory_space<hbm>>
        %dma_wait3A_67 = tpu.memref_squeeze %dma_wait3A_66 : memref<1x128x64xf32, #tpu.memory_space<hbm>> -> memref<128x64xf32, #tpu.memory_space<hbm>>
        tpu.wait_dma2 semaphore(%arg10 : memref<!tpu.dma_semaphore, #tpu.memory_space<semaphore_mem>>) src(%dma_wait3A_67 : memref<128x64xf32, #tpu.memory_space<hbm>>) dst(%arg7 : memref<128x64xf32, #tpu.memory_space<vmem>>)
      } else {
      }
      "tpu.region"() ({
        %run_scoped3A = tpu.sem_alloc : memref<!tpu.dma_semaphore, #tpu.memory_space<semaphore_mem>>
        %dma_start3A_60 = arith.constant 0 : i32
        %dma_start3A_61 = tpu.memref_slice %arg5[%add3A_44, %dma_start3A_60] : memref<80x128xi32, #tpu.memory_space<vmem>> -> memref<1x128xi32, #tpu.memory_space<vmem>>
        %dma_start3A_62 = tpu.memref_squeeze %dma_start3A_61 : memref<1x128xi32, #tpu.memory_space<vmem>> -> memref<128xi32, #tpu.memory_space<vmem>>
        %dma_start3A_63 = arith.constant 0 : i32
        %dma_start3A_64 = arith.constant 0 : i32
        %dma_start3A_65 = tpu.memref_slice %arg8[%dma_start3A_63, %dma_start3A_64] : memref<10240x64xf32, #tpu.memory_space<vmem_shared>> -> memref<10240x64xf32, #tpu.memory_space<vmem_shared>>
        tpu.enqueue_indirect_dma source(%dma_start3A_65 : memref<10240x64xf32, #tpu.memory_space<vmem_shared>>) target(%arg7 : memref<128x64xf32, #tpu.memory_space<vmem>>) offsets(%dma_start3A_62 : memref<128xi32, #tpu.memory_space<vmem>>) semaphore(%run_scoped3A : memref<!tpu.dma_semaphore, #tpu.memory_space<semaphore_mem>>)
        %dma_wait3A_66 = arith.constant 0 : i32
        %dma_wait3A_67 = tpu.memref_slice %arg5[%add3A_44, %dma_wait3A_66] : memref<80x128xi32, #tpu.memory_space<vmem>> -> memref<1x128xi32, #tpu.memory_space<vmem>>
        %dma_wait3A_68 = tpu.memref_squeeze %dma_wait3A_67 : memref<1x128xi32, #tpu.memory_space<vmem>> -> memref<128xi32, #tpu.memory_space<vmem>>
        %dma_wait3A_69 = arith.constant 0 : i32
        %dma_wait3A_70 = arith.constant 0 : i32
        %dma_wait3A_71 = tpu.memref_slice %arg8[%dma_wait3A_69, %dma_wait3A_70] : memref<10240x64xf32, #tpu.memory_space<vmem_shared>> -> memref<10240x64xf32, #tpu.memory_space<vmem_shared>>
        tpu.wait_indirect_dma semaphore(%run_scoped3A : memref<!tpu.dma_semaphore, #tpu.memory_space<semaphore_mem>>) src(%dma_wait3A_71 : memref<10240x64xf32, #tpu.memory_space<vmem_shared>>) dst(%arg7 : memref<128x64xf32, #tpu.memory_space<vmem>>)
        tpu.yield
      }) : () -> ()
      %add3A_50 = arith.addi %mul3A_0, %add3A_44 : i32
      %mul3A_51 = arith.constant 128 : i32
      %mul3A_52 = arith.muli %add3A_50, %mul3A_51 : i32
      %dma_start3A_53 = arith.constant 0 : i32
      %dma_start3A_54 = tpu.memref_slice %arg4[%arg0, %mul3A_52, %dma_start3A_53] : memref<2x163840x64xf32, #tpu.memory_space<hbm>> -> memref<1x128x64xf32, #tpu.memory_space<hbm>>
      %dma_start3A_55 = tpu.memref_squeeze %dma_start3A_54 : memref<1x128x64xf32, #tpu.memory_space<hbm>> -> memref<128x64xf32, #tpu.memory_space<hbm>>
      %dma_start3A_56 = arith.constant 0 : i32
      %dma_start3A_57 = tpu.memref_slice %arg4[%arg0, %mul3A_52, %dma_start3A_56] : memref<2x163840x64xf32, #tpu.memory_space<hbm>> -> memref<1x128x64xf32, #tpu.memory_space<hbm>>
      %dma_start3A_58 = tpu.memref_squeeze %dma_start3A_57 : memref<1x128x64xf32, #tpu.memory_space<hbm>> -> memref<128x64xf32, #tpu.memory_space<hbm>>
      tpu.enqueue_dma source(%arg7 : memref<128x64xf32, #tpu.memory_space<vmem>>) target(%dma_start3A_58 : memref<128x64xf32, #tpu.memory_space<hbm>>) target_semaphore(%arg10 : memref<!tpu.dma_semaphore, #tpu.memory_space<semaphore_mem>>)
      %scan3A_59 = arith.constant 0 : i32
      scf.yield %scan3A_59 : i32
    }
    %scan3A_10 = arith.constant 40 : i32
    %dma_wait3A = arith.constant 0 : i32
    %dma_wait3A_11 = arith.constant 0 : i32
    %dma_wait3A_12 = tpu.memref_slice %arg4[%arg0, %dma_wait3A, %dma_wait3A_11] : memref<2x163840x64xf32, #tpu.memory_space<hbm>> -> memref<1x128x64xf32, #tpu.memory_space<hbm>>
    %dma_wait3A_13 = tpu.memref_squeeze %dma_wait3A_12 : memref<1x128x64xf32, #tpu.memory_space<hbm>> -> memref<128x64xf32, #tpu.memory_space<hbm>>
    %dma_wait3A_14 = arith.constant 0 : i32
    %dma_wait3A_15 = arith.constant 0 : i32
    %dma_wait3A_16 = tpu.memref_slice %arg4[%arg0, %dma_wait3A_14, %dma_wait3A_15] : memref<2x163840x64xf32, #tpu.memory_space<hbm>> -> memref<1x128x64xf32, #tpu.memory_space<hbm>>
    %dma_wait3A_17 = tpu.memref_squeeze %dma_wait3A_16 : memref<1x128x64xf32, #tpu.memory_space<hbm>> -> memref<128x64xf32, #tpu.memory_space<hbm>>
    tpu.wait_dma2 semaphore(%arg9 : memref<!tpu.dma_semaphore, #tpu.memory_space<semaphore_mem>>) src(%dma_wait3A_17 : memref<128x64xf32, #tpu.memory_space<hbm>>) dst(%arg6 : memref<128x64xf32, #tpu.memory_space<vmem>>)
    %dma_wait3A_18 = arith.constant 0 : i32
    %dma_wait3A_19 = arith.constant 0 : i32
    %dma_wait3A_20 = tpu.memref_slice %arg4[%arg0, %dma_wait3A_18, %dma_wait3A_19] : memref<2x163840x64xf32, #tpu.memory_space<hbm>> -> memref<1x128x64xf32, #tpu.memory_space<hbm>>
    %dma_wait3A_21 = tpu.memref_squeeze %dma_wait3A_20 : memref<1x128x64xf32, #tpu.memory_space<hbm>> -> memref<128x64xf32, #tpu.memory_space<hbm>>
    %dma_wait3A_22 = arith.constant 0 : i32
    %dma_wait3A_23 = arith.constant 0 : i32
    %dma_wait3A_24 = tpu.memref_slice %arg4[%arg0, %dma_wait3A_22, %dma_wait3A_23] : memref<2x163840x64xf32, #tpu.memory_space<hbm>> -> memref<1x128x64xf32, #tpu.memory_space<hbm>>
    %dma_wait3A_25 = tpu.memref_squeeze %dma_wait3A_24 : memref<1x128x64xf32, #tpu.memory_space<hbm>> -> memref<128x64xf32, #tpu.memory_space<hbm>>
    tpu.wait_dma2 semaphore(%arg10 : memref<!tpu.dma_semaphore, #tpu.memory_space<semaphore_mem>>) src(%dma_wait3A_25 : memref<128x64xf32, #tpu.memory_space<hbm>>) dst(%arg7 : memref<128x64xf32, #tpu.memory_space<vmem>>)
    return
  }
}

#map = affine_map<(d0, d1) -> (0, 0)>
#map1 = affine_map<(d0, d1) -> (0, 0, 0)>
module attributes {stable_mosaic.version = 14 : i64} {
  func.func @k(%arg0: i32, %arg1: i32, %arg2: memref<163840x128xf32, #tpu.memory_space<hbm>>, %arg3: memref<1280x128xi32, #tpu.memory_space<hbm>>, %arg4: memref<2x10240x128xf32, #tpu.memory_space<hbm>>, %arg5: memref<40x128xi32, #tpu.memory_space<vmem>>, %arg6: memref<128x128xf32, #tpu.memory_space<vmem>>, %arg7: memref<128x128xf32, #tpu.memory_space<vmem>>, %arg8: memref<10240x128xf32, #tpu.memory_space<vmem_shared>>, %arg9: memref<!tpu.dma_semaphore, #tpu.memory_space<semaphore_mem>>, %arg10: memref<!tpu.dma_semaphore, #tpu.memory_space<semaphore_mem>>, %arg11: memref<!tpu.dma_semaphore, #tpu.memory_space<semaphore_mem>>, %arg12: memref<!tpu.dma_semaphore, #tpu.memory_space<semaphore_mem>>) attributes {dimension_semantics = [#tpu.dimension_semantics<core_parallel>, #tpu.dimension_semantics<subcore_parallel>], iteration_bounds = array<i64: 2, 16>, scalar_prefetch = 0 : i64, scratch_operands = 8 : i64, tpu.core_type = #tpu.core_type<sc_vector_subcore>, window_params = [{transform_indices = #map}, {transform_indices = #map}, {transform_indices = #map1}]} {
    %mul3A = arith.constant 2 : i32
    %mul3A_0 = arith.muli %arg1, %mul3A : i32
    %add3A = arith.addi %mul3A_0, %arg0 : i32
    %mul3A_1 = arith.constant 40 : i32
    %mul3A_2 = arith.muli %add3A, %mul3A_1 : i32
    %mul3A_3 = arith.constant 640 : i32
    %mul3A_4 = arith.muli %arg1, %mul3A_3 : i32
    "tpu.region"() ({
      %run_scoped3A = tpu.sem_alloc : memref<!tpu.dma_semaphore, #tpu.memory_space<semaphore_mem>>
      %dma_start3A_40 = arith.constant 0 : i32
      %dma_start3A_41 = tpu.memref_slice %arg3[%mul3A_2, %dma_start3A_40] : memref<1280x128xi32, #tpu.memory_space<hbm>> -> memref<40x128xi32, #tpu.memory_space<hbm>>
      %dma_start3A_42 = arith.constant 0 : i32
      %dma_start3A_43 = tpu.memref_slice %arg3[%mul3A_2, %dma_start3A_42] : memref<1280x128xi32, #tpu.memory_space<hbm>> -> memref<40x128xi32, #tpu.memory_space<hbm>>
      tpu.enqueue_dma source(%dma_start3A_43 : memref<40x128xi32, #tpu.memory_space<hbm>>) target(%arg5 : memref<40x128xi32, #tpu.memory_space<vmem>>) target_semaphore(%run_scoped3A : memref<!tpu.dma_semaphore, #tpu.memory_space<semaphore_mem>>)
      %dma_wait3A_44 = arith.constant 0 : i32
      %dma_wait3A_45 = tpu.memref_slice %arg3[%mul3A_2, %dma_wait3A_44] : memref<1280x128xi32, #tpu.memory_space<hbm>> -> memref<40x128xi32, #tpu.memory_space<hbm>>
      %dma_wait3A_46 = arith.constant 0 : i32
      %dma_wait3A_47 = tpu.memref_slice %arg3[%mul3A_2, %dma_wait3A_46] : memref<1280x128xi32, #tpu.memory_space<hbm>> -> memref<40x128xi32, #tpu.memory_space<hbm>>
      tpu.wait_dma2 semaphore(%run_scoped3A : memref<!tpu.dma_semaphore, #tpu.memory_space<semaphore_mem>>) src(%dma_wait3A_47 : memref<40x128xi32, #tpu.memory_space<hbm>>) dst(%arg5 : memref<40x128xi32, #tpu.memory_space<vmem>>)
      tpu.yield
    }) : () -> ()
    %broadcast_in_dim3A = arith.constant 0.000000e+00 : f32
    %broadcast_in_dim3A_5 = vector.broadcast %broadcast_in_dim3A : f32 to vector<16xf32>
    %scan3A = arith.constant 0 : i32
    %scan3A_6 = arith.constant 0 : i32
    %scan3A_7 = arith.constant 128 : i32
    %scan3A_8 = arith.addi %scan3A_6, %scan3A_7 : i32
    %scan3A_9 = arith.constant 1 : i32
    %scan3A_10 = scf.for %scan3A_40 = %scan3A_6 to %scan3A_8 step %scan3A_9 iter_args(%scan3A_41 = %scan3A) -> (i32)  : i32 {
      %swap3A = arith.index_cast %scan3A_40 : i32 to index
      %swap3A_42 = arith.constant 0 : index
      %swap3A_43 = tpu.vector_load %arg6[%swap3A, %swap3A_42] {strides = array<i32>} : memref<128x128xf32, #tpu.memory_space<vmem>>, vector<1x16xf32>,
      %swap3A_44 = vector.shape_cast %swap3A_43 : vector<1x16xf32> to vector<16xf32>
      %swap3A_45 = vector.shape_cast %broadcast_in_dim3A_5 : vector<16xf32> to vector<1x16xf32>
      tpu.vector_store %arg6[%swap3A, %swap3A_42], %swap3A_45 {strides = array<i32>} : memref<128x128xf32, #tpu.memory_space<vmem>>, vector<1x16xf32>,
      %swap3A_46 = arith.index_cast %scan3A_40 : i32 to index
      %swap3A_47 = arith.constant 16 : index
      %swap3A_48 = tpu.vector_load %arg6[%swap3A_46, %swap3A_47] {strides = array<i32>} : memref<128x128xf32, #tpu.memory_space<vmem>>, vector<1x16xf32>,
      %swap3A_49 = vector.shape_cast %swap3A_48 : vector<1x16xf32> to vector<16xf32>
      %swap3A_50 = vector.shape_cast %broadcast_in_dim3A_5 : vector<16xf32> to vector<1x16xf32>
      tpu.vector_store %arg6[%swap3A_46, %swap3A_47], %swap3A_50 {strides = array<i32>} : memref<128x128xf32, #tpu.memory_space<vmem>>, vector<1x16xf32>,
      %swap3A_51 = arith.index_cast %scan3A_40 : i32 to index
      %swap3A_52 = arith.constant 32 : index
      %swap3A_53 = tpu.vector_load %arg6[%swap3A_51, %swap3A_52] {strides = array<i32>} : memref<128x128xf32, #tpu.memory_space<vmem>>, vector<1x16xf32>,
      %swap3A_54 = vector.shape_cast %swap3A_53 : vector<1x16xf32> to vector<16xf32>
      %swap3A_55 = vector.shape_cast %broadcast_in_dim3A_5 : vector<16xf32> to vector<1x16xf32>
      tpu.vector_store %arg6[%swap3A_51, %swap3A_52], %swap3A_55 {strides = array<i32>} : memref<128x128xf32, #tpu.memory_space<vmem>>, vector<1x16xf32>,
      %swap3A_56 = arith.index_cast %scan3A_40 : i32 to index
      %swap3A_57 = arith.constant 48 : index
      %swap3A_58 = tpu.vector_load %arg6[%swap3A_56, %swap3A_57] {strides = array<i32>} : memref<128x128xf32, #tpu.memory_space<vmem>>, vector<1x16xf32>,
      %swap3A_59 = vector.shape_cast %swap3A_58 : vector<1x16xf32> to vector<16xf32>
      %swap3A_60 = vector.shape_cast %broadcast_in_dim3A_5 : vector<16xf32> to vector<1x16xf32>
      tpu.vector_store %arg6[%swap3A_56, %swap3A_57], %swap3A_60 {strides = array<i32>} : memref<128x128xf32, #tpu.memory_space<vmem>>, vector<1x16xf32>,
      %swap3A_61 = arith.index_cast %scan3A_40 : i32 to index
      %swap3A_62 = arith.constant 64 : index
      %swap3A_63 = tpu.vector_load %arg6[%swap3A_61, %swap3A_62] {strides = array<i32>} : memref<128x128xf32, #tpu.memory_space<vmem>>, vector<1x16xf32>,
      %swap3A_64 = vector.shape_cast %swap3A_63 : vector<1x16xf32> to vector<16xf32>
      %swap3A_65 = vector.shape_cast %broadcast_in_dim3A_5 : vector<16xf32> to vector<1x16xf32>
      tpu.vector_store %arg6[%swap3A_61, %swap3A_62], %swap3A_65 {strides = array<i32>} : memref<128x128xf32, #tpu.memory_space<vmem>>, vector<1x16xf32>,
      %swap3A_66 = arith.index_cast %scan3A_40 : i32 to index
      %swap3A_67 = arith.constant 80 : index
      %swap3A_68 = tpu.vector_load %arg6[%swap3A_66, %swap3A_67] {strides = array<i32>} : memref<128x128xf32, #tpu.memory_space<vmem>>, vector<1x16xf32>,
      %swap3A_69 = vector.shape_cast %swap3A_68 : vector<1x16xf32> to vector<16xf32>
      %swap3A_70 = vector.shape_cast %broadcast_in_dim3A_5 : vector<16xf32> to vector<1x16xf32>
      tpu.vector_store %arg6[%swap3A_66, %swap3A_67], %swap3A_70 {strides = array<i32>} : memref<128x128xf32, #tpu.memory_space<vmem>>, vector<1x16xf32>,
      %swap3A_71 = arith.index_cast %scan3A_40 : i32 to index
      %swap3A_72 = arith.constant 96 : index
      %swap3A_73 = tpu.vector_load %arg6[%swap3A_71, %swap3A_72] {strides = array<i32>} : memref<128x128xf32, #tpu.memory_space<vmem>>, vector<1x16xf32>,
      %swap3A_74 = vector.shape_cast %swap3A_73 : vector<1x16xf32> to vector<16xf32>
      %swap3A_75 = vector.shape_cast %broadcast_in_dim3A_5 : vector<16xf32> to vector<1x16xf32>
      tpu.vector_store %arg6[%swap3A_71, %swap3A_72], %swap3A_75 {strides = array<i32>} : memref<128x128xf32, #tpu.memory_space<vmem>>, vector<1x16xf32>,
      %swap3A_76 = arith.index_cast %scan3A_40 : i32 to index
      %swap3A_77 = arith.constant 112 : index
      %swap3A_78 = tpu.vector_load %arg6[%swap3A_76, %swap3A_77] {strides = array<i32>} : memref<128x128xf32, #tpu.memory_space<vmem>>, vector<1x16xf32>,
      %swap3A_79 = vector.shape_cast %swap3A_78 : vector<1x16xf32> to vector<16xf32>
      %swap3A_80 = vector.shape_cast %broadcast_in_dim3A_5 : vector<16xf32> to vector<1x16xf32>
      tpu.vector_store %arg6[%swap3A_76, %swap3A_77], %swap3A_80 {strides = array<i32>} : memref<128x128xf32, #tpu.memory_space<vmem>>, vector<1x16xf32>,
      %scan3A_81 = arith.constant 0 : i32
      scf.yield %scan3A_81 : i32
    }
    %scan3A_11 = arith.constant 128 : i32
    %add3A_12 = arith.constant 0 : i32
    %add3A_13 = arith.addi %mul3A_4, %add3A_12 : i32
    "tpu.region"() ({
      %run_scoped3A = tpu.sem_alloc : memref<!tpu.dma_semaphore, #tpu.memory_space<semaphore_mem>>
      %dma_start3A_40 = arith.constant 0 : i32
      %dma_start3A_41 = tpu.memref_slice %arg8[%add3A_13, %dma_start3A_40] : memref<10240x128xf32, #tpu.memory_space<vmem_shared>> -> memref<128x128xf32, #tpu.memory_space<vmem_shared>>
      %dma_start3A_42 = arith.constant 0 : i32
      %dma_start3A_43 = tpu.memref_slice %arg8[%add3A_13, %dma_start3A_42] : memref<10240x128xf32, #tpu.memory_space<vmem_shared>> -> memref<128x128xf32, #tpu.memory_space<vmem_shared>>
      tpu.enqueue_dma source(%arg6 : memref<128x128xf32, #tpu.memory_space<vmem>>) target(%dma_start3A_43 : memref<128x128xf32, #tpu.memory_space<vmem_shared>>) target_semaphore(%run_scoped3A : memref<!tpu.dma_semaphore, #tpu.memory_space<semaphore_mem>>)
      %dma_wait3A_44 = arith.constant 0 : i32
      %dma_wait3A_45 = tpu.memref_slice %arg8[%add3A_13, %dma_wait3A_44] : memref<10240x128xf32, #tpu.memory_space<vmem_shared>> -> memref<128x128xf32, #tpu.memory_space<vmem_shared>>
      %dma_wait3A_46 = arith.constant 0 : i32
      %dma_wait3A_47 = tpu.memref_slice %arg8[%add3A_13, %dma_wait3A_46] : memref<10240x128xf32, #tpu.memory_space<vmem_shared>> -> memref<128x128xf32, #tpu.memory_space<vmem_shared>>
      tpu.wait_dma2 semaphore(%run_scoped3A : memref<!tpu.dma_semaphore, #tpu.memory_space<semaphore_mem>>) src(%arg6 : memref<128x128xf32, #tpu.memory_space<vmem>>) dst(%dma_wait3A_47 : memref<128x128xf32, #tpu.memory_space<vmem_shared>>)
      tpu.yield
    }) : () -> ()
    %add3A_14 = arith.constant 128 : i32
    %add3A_15 = arith.addi %mul3A_4, %add3A_14 : i32
    "tpu.region"() ({
      %run_scoped3A = tpu.sem_alloc : memref<!tpu.dma_semaphore, #tpu.memory_space<semaphore_mem>>
      %dma_start3A_40 = arith.constant 0 : i32
      %dma_start3A_41 = tpu.memref_slice %arg8[%add3A_15, %dma_start3A_40] : memref<10240x128xf32, #tpu.memory_space<vmem_shared>> -> memref<128x128xf32, #tpu.memory_space<vmem_shared>>
      %dma_start3A_42 = arith.constant 0 : i32
      %dma_start3A_43 = tpu.memref_slice %arg8[%add3A_15, %dma_start3A_42] : memref<10240x128xf32, #tpu.memory_space<vmem_shared>> -> memref<128x128xf32, #tpu.memory_space<vmem_shared>>
      tpu.enqueue_dma source(%arg6 : memref<128x128xf32, #tpu.memory_space<vmem>>) target(%dma_start3A_43 : memref<128x128xf32, #tpu.memory_space<vmem_shared>>) target_semaphore(%run_scoped3A : memref<!tpu.dma_semaphore, #tpu.memory_space<semaphore_mem>>)
      %dma_wait3A_44 = arith.constant 0 : i32
      %dma_wait3A_45 = tpu.memref_slice %arg8[%add3A_15, %dma_wait3A_44] : memref<10240x128xf32, #tpu.memory_space<vmem_shared>> -> memref<128x128xf32, #tpu.memory_space<vmem_shared>>
      %dma_wait3A_46 = arith.constant 0 : i32
      %dma_wait3A_47 = tpu.memref_slice %arg8[%add3A_15, %dma_wait3A_46] : memref<10240x128xf32, #tpu.memory_space<vmem_shared>> -> memref<128x128xf32, #tpu.memory_space<vmem_shared>>
      tpu.wait_dma2 semaphore(%run_scoped3A : memref<!tpu.dma_semaphore, #tpu.memory_space<semaphore_mem>>) src(%arg6 : memref<128x128xf32, #tpu.memory_space<vmem>>) dst(%dma_wait3A_47 : memref<128x128xf32, #tpu.memory_space<vmem_shared>>)
      tpu.yield
    }) : () -> ()
    %add3A_16 = arith.constant 256 : i32
    %add3A_17 = arith.addi %mul3A_4, %add3A_16 : i32
    "tpu.region"() ({
      %run_scoped3A = tpu.sem_alloc : memref<!tpu.dma_semaphore, #tpu.memory_space<semaphore_mem>>
      %dma_start3A_40 = arith.constant 0 : i32
      %dma_start3A_41 = tpu.memref_slice %arg8[%add3A_17, %dma_start3A_40] : memref<10240x128xf32, #tpu.memory_space<vmem_shared>> -> memref<128x128xf32, #tpu.memory_space<vmem_shared>>
      %dma_start3A_42 = arith.constant 0 : i32
      %dma_start3A_43 = tpu.memref_slice %arg8[%add3A_17, %dma_start3A_42] : memref<10240x128xf32, #tpu.memory_space<vmem_shared>> -> memref<128x128xf32, #tpu.memory_space<vmem_shared>>
      tpu.enqueue_dma source(%arg6 : memref<128x128xf32, #tpu.memory_space<vmem>>) target(%dma_start3A_43 : memref<128x128xf32, #tpu.memory_space<vmem_shared>>) target_semaphore(%run_scoped3A : memref<!tpu.dma_semaphore, #tpu.memory_space<semaphore_mem>>)
      %dma_wait3A_44 = arith.constant 0 : i32
      %dma_wait3A_45 = tpu.memref_slice %arg8[%add3A_17, %dma_wait3A_44] : memref<10240x128xf32, #tpu.memory_space<vmem_shared>> -> memref<128x128xf32, #tpu.memory_space<vmem_shared>>
      %dma_wait3A_46 = arith.constant 0 : i32
      %dma_wait3A_47 = tpu.memref_slice %arg8[%add3A_17, %dma_wait3A_46] : memref<10240x128xf32, #tpu.memory_space<vmem_shared>> -> memref<128x128xf32, #tpu.memory_space<vmem_shared>>
      tpu.wait_dma2 semaphore(%run_scoped3A : memref<!tpu.dma_semaphore, #tpu.memory_space<semaphore_mem>>) src(%arg6 : memref<128x128xf32, #tpu.memory_space<vmem>>) dst(%dma_wait3A_47 : memref<128x128xf32, #tpu.memory_space<vmem_shared>>)
      tpu.yield
    }) : () -> ()
    %add3A_18 = arith.constant 384 : i32
    %add3A_19 = arith.addi %mul3A_4, %add3A_18 : i32
    "tpu.region"() ({
      %run_scoped3A = tpu.sem_alloc : memref<!tpu.dma_semaphore, #tpu.memory_space<semaphore_mem>>
      %dma_start3A_40 = arith.constant 0 : i32
      %dma_start3A_41 = tpu.memref_slice %arg8[%add3A_19, %dma_start3A_40] : memref<10240x128xf32, #tpu.memory_space<vmem_shared>> -> memref<128x128xf32, #tpu.memory_space<vmem_shared>>
      %dma_start3A_42 = arith.constant 0 : i32
      %dma_start3A_43 = tpu.memref_slice %arg8[%add3A_19, %dma_start3A_42] : memref<10240x128xf32, #tpu.memory_space<vmem_shared>> -> memref<128x128xf32, #tpu.memory_space<vmem_shared>>
      tpu.enqueue_dma source(%arg6 : memref<128x128xf32, #tpu.memory_space<vmem>>) target(%dma_start3A_43 : memref<128x128xf32, #tpu.memory_space<vmem_shared>>) target_semaphore(%run_scoped3A : memref<!tpu.dma_semaphore, #tpu.memory_space<semaphore_mem>>)
      %dma_wait3A_44 = arith.constant 0 : i32
      %dma_wait3A_45 = tpu.memref_slice %arg8[%add3A_19, %dma_wait3A_44] : memref<10240x128xf32, #tpu.memory_space<vmem_shared>> -> memref<128x128xf32, #tpu.memory_space<vmem_shared>>
      %dma_wait3A_46 = arith.constant 0 : i32
      %dma_wait3A_47 = tpu.memref_slice %arg8[%add3A_19, %dma_wait3A_46] : memref<10240x128xf32, #tpu.memory_space<vmem_shared>> -> memref<128x128xf32, #tpu.memory_space<vmem_shared>>
      tpu.wait_dma2 semaphore(%run_scoped3A : memref<!tpu.dma_semaphore, #tpu.memory_space<semaphore_mem>>) src(%arg6 : memref<128x128xf32, #tpu.memory_space<vmem>>) dst(%dma_wait3A_47 : memref<128x128xf32, #tpu.memory_space<vmem_shared>>)
      tpu.yield
    }) : () -> ()
    %add3A_20 = arith.constant 512 : i32
    %add3A_21 = arith.addi %mul3A_4, %add3A_20 : i32
    "tpu.region"() ({
      %run_scoped3A = tpu.sem_alloc : memref<!tpu.dma_semaphore, #tpu.memory_space<semaphore_mem>>
      %dma_start3A_40 = arith.constant 0 : i32
      %dma_start3A_41 = tpu.memref_slice %arg8[%add3A_21, %dma_start3A_40] : memref<10240x128xf32, #tpu.memory_space<vmem_shared>> -> memref<128x128xf32, #tpu.memory_space<vmem_shared>>
      %dma_start3A_42 = arith.constant 0 : i32
      %dma_start3A_43 = tpu.memref_slice %arg8[%add3A_21, %dma_start3A_42] : memref<10240x128xf32, #tpu.memory_space<vmem_shared>> -> memref<128x128xf32, #tpu.memory_space<vmem_shared>>
      tpu.enqueue_dma source(%arg6 : memref<128x128xf32, #tpu.memory_space<vmem>>) target(%dma_start3A_43 : memref<128x128xf32, #tpu.memory_space<vmem_shared>>) target_semaphore(%run_scoped3A : memref<!tpu.dma_semaphore, #tpu.memory_space<semaphore_mem>>)
      %dma_wait3A_44 = arith.constant 0 : i32
      %dma_wait3A_45 = tpu.memref_slice %arg8[%add3A_21, %dma_wait3A_44] : memref<10240x128xf32, #tpu.memory_space<vmem_shared>> -> memref<128x128xf32, #tpu.memory_space<vmem_shared>>
      %dma_wait3A_46 = arith.constant 0 : i32
      %dma_wait3A_47 = tpu.memref_slice %arg8[%add3A_21, %dma_wait3A_46] : memref<10240x128xf32, #tpu.memory_space<vmem_shared>> -> memref<128x128xf32, #tpu.memory_space<vmem_shared>>
      tpu.wait_dma2 semaphore(%run_scoped3A : memref<!tpu.dma_semaphore, #tpu.memory_space<semaphore_mem>>) src(%arg6 : memref<128x128xf32, #tpu.memory_space<vmem>>) dst(%dma_wait3A_47 : memref<128x128xf32, #tpu.memory_space<vmem_shared>>)
      tpu.yield
    }) : () -> ()
    %barrier3A = arith.constant 0 : index
    tpu.barrier barrier_id(%barrier3A)
    %mul3A_22 = arith.constant 128 : i32
    %mul3A_23 = arith.muli %mul3A_2, %mul3A_22 : i32
    %dma_start3A = arith.constant 0 : i32
    %dma_start3A_24 = tpu.memref_slice %arg2[%mul3A_23, %dma_start3A] : memref<163840x128xf32, #tpu.memory_space<hbm>> -> memref<128x128xf32, #tpu.memory_space<hbm>>
    %dma_start3A_25 = arith.constant 0 : i32
    %dma_start3A_26 = tpu.memref_slice %arg2[%mul3A_23, %dma_start3A_25] : memref<163840x128xf32, #tpu.memory_space<hbm>> -> memref<128x128xf32, #tpu.memory_space<hbm>>
    tpu.enqueue_dma source(%dma_start3A_26 : memref<128x128xf32, #tpu.memory_space<hbm>>) target(%arg6 : memref<128x128xf32, #tpu.memory_space<vmem>>) target_semaphore(%arg9 : memref<!tpu.dma_semaphore, #tpu.memory_space<semaphore_mem>>)
    %scan3A_27 = arith.constant 0 : i32
    %scan3A_28 = arith.constant 0 : i32
    %scan3A_29 = arith.constant 20 : i32
    %scan3A_30 = arith.addi %scan3A_28, %scan3A_29 : i32
    %scan3A_31 = arith.constant 1 : i32
    %scan3A_32 = scf.for %scan3A_40 = %scan3A_28 to %scan3A_30 step %scan3A_31 iter_args(%scan3A_41 = %scan3A_27) -> (i32)  : i32 {
      %mul3A_42 = arith.constant 2 : i32
      %mul3A_43 = arith.muli %scan3A_40, %mul3A_42 : i32
      %add3A_44 = arith.constant 0 : i32
      %add3A_45 = arith.addi %mul3A_43, %add3A_44 : i32
      %dma_wait3A_46 = arith.constant 0 : i32
      %dma_wait3A_47 = arith.constant 0 : i32
      %dma_wait3A_48 = tpu.memref_slice %arg2[%dma_wait3A_46, %dma_wait3A_47] : memref<163840x128xf32, #tpu.memory_space<hbm>> -> memref<128x128xf32, #tpu.memory_space<hbm>>
      %dma_wait3A_49 = arith.constant 0 : i32
      %dma_wait3A_50 = arith.constant 0 : i32
      %dma_wait3A_51 = tpu.memref_slice %arg2[%dma_wait3A_49, %dma_wait3A_50] : memref<163840x128xf32, #tpu.memory_space<hbm>> -> memref<128x128xf32, #tpu.memory_space<hbm>>
      tpu.wait_dma2 semaphore(%arg9 : memref<!tpu.dma_semaphore, #tpu.memory_space<semaphore_mem>>) src(%dma_wait3A_51 : memref<128x128xf32, #tpu.memory_space<hbm>>) dst(%arg6 : memref<128x128xf32, #tpu.memory_space<vmem>>)
      %dma_start3A_52 = arith.constant 0 : i32
      %dma_start3A_53 = tpu.memref_slice %arg5[%add3A_45, %dma_start3A_52] : memref<40x128xi32, #tpu.memory_space<vmem>> -> memref<1x128xi32, #tpu.memory_space<vmem>>
      %dma_start3A_54 = tpu.memref_squeeze %dma_start3A_53 : memref<1x128xi32, #tpu.memory_space<vmem>> -> memref<128xi32, #tpu.memory_space<vmem>>
      %dma_start3A_55 = arith.constant 0 : i32
      %dma_start3A_56 = arith.constant 0 : i32
      %dma_start3A_57 = tpu.memref_slice %arg8[%dma_start3A_55, %dma_start3A_56] : memref<10240x128xf32, #tpu.memory_space<vmem_shared>> -> memref<10240x128xf32, #tpu.memory_space<vmem_shared>>
      tpu.enqueue_indirect_dma source(%arg6 : memref<128x128xf32, #tpu.memory_space<vmem>>) target(%dma_start3A_57 : memref<10240x128xf32, #tpu.memory_space<vmem_shared>>) offsets(%dma_start3A_54 : memref<128xi32, #tpu.memory_space<vmem>>) semaphore(%arg11 : memref<!tpu.dma_semaphore, #tpu.memory_space<semaphore_mem>>) {add = true}
      %ge3A = arith.constant 1 : i32
      %ge3A_58 = arith.cmpi sge, %add3A_45, %ge3A : i32
      %convert_element_type3A = arith.extui %ge3A_58 : i1 to i32
      %cond3A = arith.constant 0 : i32
      %cond3A_59 = arith.cmpi ne, %convert_element_type3A, %cond3A : i32
      scf.if %cond3A_59 {
        %dma_wait3A_95 = arith.constant 0 : i32
        %dma_wait3A_96 = arith.constant 0 : i32
        %dma_wait3A_97 = tpu.memref_slice %arg8[%dma_wait3A_95, %dma_wait3A_96] : memref<10240x128xf32, #tpu.memory_space<vmem_shared>> -> memref<128x128xf32, #tpu.memory_space<vmem_shared>>
        %dma_wait3A_98 = arith.constant 0 : i32
        %dma_wait3A_99 = arith.constant 0 : i32
        %dma_wait3A_100 = tpu.memref_slice %arg8[%dma_wait3A_98, %dma_wait3A_99] : memref<10240x128xf32, #tpu.memory_space<vmem_shared>> -> memref<128x128xf32, #tpu.memory_space<vmem_shared>>
        tpu.wait_dma2 semaphore(%arg12 : memref<!tpu.dma_semaphore, #tpu.memory_space<semaphore_mem>>) src(%dma_wait3A_100 : memref<128x128xf32, #tpu.memory_space<vmem_shared>>) dst(%arg7 : memref<128x128xf32, #tpu.memory_space<vmem>>)
      } else {
      }
      %add3A_60 = arith.constant 1 : i32
      %add3A_61 = arith.addi %add3A_45, %add3A_60 : i32
      %lt3A = arith.constant 40 : i32
      %lt3A_62 = arith.cmpi slt, %add3A_61, %lt3A : i32
      %convert_element_type3A_63 = arith.extui %lt3A_62 : i1 to i32
      %cond3A_64 = arith.constant 0 : i32
      %cond3A_65 = arith.cmpi ne, %convert_element_type3A_63, %cond3A_64 : i32
      scf.if %cond3A_65 {
        %add3A_95 = arith.addi %mul3A_2, %add3A_45 : i32
        %add3A_96 = arith.constant 1 : i32
        %add3A_97 = arith.addi %add3A_95, %add3A_96 : i32
        %mul3A_98 = arith.constant 128 : i32
        %mul3A_99 = arith.muli %add3A_97, %mul3A_98 : i32
        %dma_start3A_100 = arith.constant 0 : i32
        %dma_start3A_101 = tpu.memref_slice %arg2[%mul3A_99, %dma_start3A_100] : memref<163840x128xf32, #tpu.memory_space<hbm>> -> memref<128x128xf32, #tpu.memory_space<hbm>>
        %dma_start3A_102 = arith.constant 0 : i32
        %dma_start3A_103 = tpu.memref_slice %arg2[%mul3A_99, %dma_start3A_102] : memref<163840x128xf32, #tpu.memory_space<hbm>> -> memref<128x128xf32, #tpu.memory_space<hbm>>
        tpu.enqueue_dma source(%dma_start3A_103 : memref<128x128xf32, #tpu.memory_space<hbm>>) target(%arg7 : memref<128x128xf32, #tpu.memory_space<vmem>>) target_semaphore(%arg10 : memref<!tpu.dma_semaphore, #tpu.memory_space<semaphore_mem>>)
      } else {
      }
      %mul3A_66 = arith.constant 2 : i32
      %mul3A_67 = arith.muli %scan3A_40, %mul3A_66 : i32
      %add3A_68 = arith.constant 1 : i32
      %add3A_69 = arith.addi %mul3A_67, %add3A_68 : i32
      %dma_wait3A_70 = arith.constant 0 : i32
      %dma_wait3A_71 = arith.constant 0 : i32
      %dma_wait3A_72 = tpu.memref_slice %arg2[%dma_wait3A_70, %dma_wait3A_71] : memref<163840x128xf32, #tpu.memory_space<hbm>> -> memref<128x128xf32, #tpu.memory_space<hbm>>
      %dma_wait3A_73 = arith.constant 0 : i32
      %dma_wait3A_74 = arith.constant 0 : i32
      %dma_wait3A_75 = tpu.memref_slice %arg2[%dma_wait3A_73, %dma_wait3A_74] : memref<163840x128xf32, #tpu.memory_space<hbm>> -> memref<128x128xf32, #tpu.memory_space<hbm>>
      tpu.wait_dma2 semaphore(%arg10 : memref<!tpu.dma_semaphore, #tpu.memory_space<semaphore_mem>>) src(%dma_wait3A_75 : memref<128x128xf32, #tpu.memory_space<hbm>>) dst(%arg7 : memref<128x128xf32, #tpu.memory_space<vmem>>)
      %dma_start3A_76 = arith.constant 0 : i32
      %dma_start3A_77 = tpu.memref_slice %arg5[%add3A_69, %dma_start3A_76] : memref<40x128xi32, #tpu.memory_space<vmem>> -> memref<1x128xi32, #tpu.memory_space<vmem>>
      %dma_start3A_78 = tpu.memref_squeeze %dma_start3A_77 : memref<1x128xi32, #tpu.memory_space<vmem>> -> memref<128xi32, #tpu.memory_space<vmem>>
      %dma_start3A_79 = arith.constant 0 : i32
      %dma_start3A_80 = arith.constant 0 : i32
      %dma_start3A_81 = tpu.memref_slice %arg8[%dma_start3A_79, %dma_start3A_80] : memref<10240x128xf32, #tpu.memory_space<vmem_shared>> -> memref<10240x128xf32, #tpu.memory_space<vmem_shared>>
      tpu.enqueue_indirect_dma source(%arg7 : memref<128x128xf32, #tpu.memory_space<vmem>>) target(%dma_start3A_81 : memref<10240x128xf32, #tpu.memory_space<vmem_shared>>) offsets(%dma_start3A_78 : memref<128xi32, #tpu.memory_space<vmem>>) semaphore(%arg12 : memref<!tpu.dma_semaphore, #tpu.memory_space<semaphore_mem>>) {add = true}
      %ge3A_82 = arith.constant 1 : i32
      %ge3A_83 = arith.cmpi sge, %add3A_69, %ge3A_82 : i32
      %convert_element_type3A_84 = arith.extui %ge3A_83 : i1 to i32
      %cond3A_85 = arith.constant 0 : i32
      %cond3A_86 = arith.cmpi ne, %convert_element_type3A_84, %cond3A_85 : i32
      scf.if %cond3A_86 {
        %dma_wait3A_95 = arith.constant 0 : i32
        %dma_wait3A_96 = arith.constant 0 : i32
        %dma_wait3A_97 = tpu.memref_slice %arg8[%dma_wait3A_95, %dma_wait3A_96] : memref<10240x128xf32, #tpu.memory_space<vmem_shared>> -> memref<128x128xf32, #tpu.memory_space<vmem_shared>>
        %dma_wait3A_98 = arith.constant 0 : i32
        %dma_wait3A_99 = arith.constant 0 : i32
        %dma_wait3A_100 = tpu.memref_slice %arg8[%dma_wait3A_98, %dma_wait3A_99] : memref<10240x128xf32, #tpu.memory_space<vmem_shared>> -> memref<128x128xf32, #tpu.memory_space<vmem_shared>>
        tpu.wait_dma2 semaphore(%arg11 : memref<!tpu.dma_semaphore, #tpu.memory_space<semaphore_mem>>) src(%dma_wait3A_100 : memref<128x128xf32, #tpu.memory_space<vmem_shared>>) dst(%arg6 : memref<128x128xf32, #tpu.memory_space<vmem>>)
      } else {
      }
      %add3A_87 = arith.constant 1 : i32
      %add3A_88 = arith.addi %add3A_69, %add3A_87 : i32
      %lt3A_89 = arith.constant 40 : i32
      %lt3A_90 = arith.cmpi slt, %add3A_88, %lt3A_89 : i32
      %convert_element_type3A_91 = arith.extui %lt3A_90 : i1 to i32
      %cond3A_92 = arith.constant 0 : i32
      %cond3A_93 = arith.cmpi ne, %convert_element_type3A_91, %cond3A_92 : i32
      scf.if %cond3A_93 {
        %add3A_95 = arith.addi %mul3A_2, %add3A_69 : i32
        %add3A_96 = arith.constant 1 : i32
        %add3A_97 = arith.addi %add3A_95, %add3A_96 : i32
        %mul3A_98 = arith.constant 128 : i32
        %mul3A_99 = arith.muli %add3A_97, %mul3A_98 : i32
        %dma_start3A_100 = arith.constant 0 : i32
        %dma_start3A_101 = tpu.memref_slice %arg2[%mul3A_99, %dma_start3A_100] : memref<163840x128xf32, #tpu.memory_space<hbm>> -> memref<128x128xf32, #tpu.memory_space<hbm>>
        %dma_start3A_102 = arith.constant 0 : i32
        %dma_start3A_103 = tpu.memref_slice %arg2[%mul3A_99, %dma_start3A_102] : memref<163840x128xf32, #tpu.memory_space<hbm>> -> memref<128x128xf32, #tpu.memory_space<hbm>>
        tpu.enqueue_dma source(%dma_start3A_103 : memref<128x128xf32, #tpu.memory_space<hbm>>) target(%arg6 : memref<128x128xf32, #tpu.memory_space<vmem>>) target_semaphore(%arg9 : memref<!tpu.dma_semaphore, #tpu.memory_space<semaphore_mem>>)
      } else {
      }
      %scan3A_94 = arith.constant 0 : i32
      scf.yield %scan3A_94 : i32
    }
    %scan3A_33 = arith.constant 20 : i32
    %dma_wait3A = arith.constant 0 : i32
    %dma_wait3A_34 = arith.constant 0 : i32
    %dma_wait3A_35 = tpu.memref_slice %arg8[%dma_wait3A, %dma_wait3A_34] : memref<10240x128xf32, #tpu.memory_space<vmem_shared>> -> memref<128x128xf32, #tpu.memory_space<vmem_shared>>
    %dma_wait3A_36 = arith.constant 0 : i32
    %dma_wait3A_37 = arith.constant 0 : i32
    %dma_wait3A_38 = tpu.memref_slice %arg8[%dma_wait3A_36, %dma_wait3A_37] : memref<10240x128xf32, #tpu.memory_space<vmem_shared>> -> memref<128x128xf32, #tpu.memory_space<vmem_shared>>
    tpu.wait_dma2 semaphore(%arg12 : memref<!tpu.dma_semaphore, #tpu.memory_space<semaphore_mem>>) src(%dma_wait3A_38 : memref<128x128xf32, #tpu.memory_space<vmem_shared>>) dst(%arg7 : memref<128x128xf32, #tpu.memory_space<vmem>>)
    %barrier3A_39 = arith.constant 0 : index
    tpu.barrier barrier_id(%barrier3A_39)
    "tpu.region"() ({
      %run_scoped3A = tpu.sem_alloc : memref<!tpu.dma_semaphore, #tpu.memory_space<semaphore_mem>>
      %dma_start3A_40 = arith.constant 0 : i32
      %dma_start3A_41 = tpu.memref_slice %arg4[%arg0, %mul3A_4, %dma_start3A_40] : memref<2x10240x128xf32, #tpu.memory_space<hbm>> -> memref<1x640x128xf32, #tpu.memory_space<hbm>>
      %dma_start3A_42 = tpu.memref_squeeze %dma_start3A_41 : memref<1x640x128xf32, #tpu.memory_space<hbm>> -> memref<640x128xf32, #tpu.memory_space<hbm>>
      %dma_start3A_43 = arith.constant 0 : i32
      %dma_start3A_44 = tpu.memref_slice %arg8[%mul3A_4, %dma_start3A_43] : memref<10240x128xf32, #tpu.memory_space<vmem_shared>> -> memref<640x128xf32, #tpu.memory_space<vmem_shared>>
      tpu.enqueue_dma source(%dma_start3A_44 : memref<640x128xf32, #tpu.memory_space<vmem_shared>>) target(%dma_start3A_42 : memref<640x128xf32, #tpu.memory_space<hbm>>) target_semaphore(%run_scoped3A : memref<!tpu.dma_semaphore, #tpu.memory_space<semaphore_mem>>)
      %dma_wait3A_45 = arith.constant 0 : i32
      %dma_wait3A_46 = tpu.memref_slice %arg4[%arg0, %mul3A_4, %dma_wait3A_45] : memref<2x10240x128xf32, #tpu.memory_space<hbm>> -> memref<1x640x128xf32, #tpu.memory_space<hbm>>
      %dma_wait3A_47 = tpu.memref_squeeze %dma_wait3A_46 : memref<1x640x128xf32, #tpu.memory_space<hbm>> -> memref<640x128xf32, #tpu.memory_space<hbm>>
      %dma_wait3A_48 = arith.constant 0 : i32
      %dma_wait3A_49 = tpu.memref_slice %arg8[%mul3A_4, %dma_wait3A_48] : memref<10240x128xf32, #tpu.memory_space<vmem_shared>> -> memref<640x128xf32, #tpu.memory_space<vmem_shared>>
      tpu.wait_dma2 semaphore(%run_scoped3A : memref<!tpu.dma_semaphore, #tpu.memory_space<semaphore_mem>>) src(%dma_wait3A_49 : memref<640x128xf32, #tpu.memory_space<vmem_shared>>) dst(%dma_wait3A_47 : memref<640x128xf32, #tpu.memory_space<hbm>>)
      tpu.yield
    }) : () -> ()
    return
  }
}

module attributes {stable_mosaic.version = 14 : i64} {
  func.func @_enc_body(%arg0: i32, %arg1: memref<1280x25xf32, #tpu.memory_space<vmem>>, %arg2: memref<1280x1xf32, #tpu.memory_space<vmem>>, %arg3: memref<1280x2xf32, #tpu.memory_space<vmem>>, %arg4: memref<25x128xf32, #tpu.memory_space<vmem>>, %arg5: memref<1x128xf32, #tpu.memory_space<vmem>>, %arg6: memref<2x128xf32, #tpu.memory_space<vmem>>, %arg7: memref<1x128xf32, #tpu.memory_space<vmem>>, %arg8: memref<128x128xf32, #tpu.memory_space<vmem>>, %arg9: memref<1x128xf32, #tpu.memory_space<vmem>>, %arg10: memref<1280x128xf32, #tpu.memory_space<vmem>>) attributes {dimension_semantics = [#tpu.dimension_semantics<arbitrary>], iteration_bounds = array<i64: 8>, scalar_prefetch = 0 : i64, scratch_operands = 0 : i64, tpu.core_type = #tpu.core_type<tc>, window_params = [{transform_indices = @transform_0, window_bounds = array<i64: 1280, 25>}, {transform_indices = @transform_1, window_bounds = array<i64: 1280, 1>}, {transform_indices = @transform_2, window_bounds = array<i64: 1280, 2>}, {pipeline_mode = #tpu.pipeline_mode<synchronous>, transform_indices = @transform_3, window_bounds = array<i64: 25, 128>}, {pipeline_mode = #tpu.pipeline_mode<synchronous>, transform_indices = @transform_4, window_bounds = array<i64: 1, 128>}, {pipeline_mode = #tpu.pipeline_mode<synchronous>, transform_indices = @transform_5, window_bounds = array<i64: 2, 128>}, {pipeline_mode = #tpu.pipeline_mode<synchronous>, transform_indices = @transform_6, window_bounds = array<i64: 1, 128>}, {pipeline_mode = #tpu.pipeline_mode<synchronous>, transform_indices = @transform_7, window_bounds = array<i64: 128, 128>}, {pipeline_mode = #tpu.pipeline_mode<synchronous>, transform_indices = @transform_8, window_bounds = array<i64: 1, 128>}, {transform_indices = @transform_9, window_bounds = array<i64: 1280, 128>}]} {
    %get3A = arith.constant 0 : index
    %get3A_0 = arith.constant 0 : index
    %get3A_1 = vector.load %arg1[%get3A, %get3A_0] : memref<1280x25xf32, #tpu.memory_space<vmem>>, vector<1280x25xf32>
    %get3A_2 = arith.constant 0 : index
    %get3A_3 = arith.constant 0 : index
    %get3A_4 = vector.load %arg4[%get3A_2, %get3A_3] : memref<25x128xf32, #tpu.memory_space<vmem>>, vector<25x128xf32>
    %dot_general3A = arith.constant dense<0.000000e+00> : vector<1280x128xf32>
    %dot_general3A_5 = tpu.matmul %get3A_1, %get3A_4, %dot_general3A {dimension_numbers = #tpu.dot_dimension_numbers<[1], [0], [0], [1], [0, 0, 1, 1], [], []>, transpose_lhs_hint = false} : vector<1280x25xf32>, vector<25x128xf32>, vector<1280x128xf32> -> vector<1280x128xf32>
    %get3A_6 = arith.constant 0 : index
    %get3A_7 = arith.constant 0 : index
    %get3A_8 = vector.load %arg2[%get3A_6, %get3A_7] : memref<1280x1xf32, #tpu.memory_space<vmem>>, vector<1280x1xf32>
    %get3A_9 = arith.constant 0 : index
    %get3A_10 = arith.constant 0 : index
    %get3A_11 = vector.load %arg5[%get3A_9, %get3A_10] : memref<1x128xf32, #tpu.memory_space<vmem>>, vector<1x128xf32>
    %dot_general3A_12 = arith.constant dense<0.000000e+00> : vector<1280x128xf32>
    %dot_general3A_13 = tpu.matmul %get3A_8, %get3A_11, %dot_general3A_12 {dimension_numbers = #tpu.dot_dimension_numbers<[1], [0], [0], [1], [0, 0, 1, 1], [], []>, transpose_lhs_hint = false} : vector<1280x1xf32>, vector<1x128xf32>, vector<1280x128xf32> -> vector<1280x128xf32>
    %add3A = arith.addf %dot_general3A_5, %dot_general3A_13 : vector<1280x128xf32>
    %get3A_14 = arith.constant 0 : index
    %get3A_15 = arith.constant 0 : index
    %get3A_16 = vector.load %arg3[%get3A_14, %get3A_15] : memref<1280x2xf32, #tpu.memory_space<vmem>>, vector<1280x2xf32>
    %get3A_17 = arith.constant 0 : index
    %get3A_18 = arith.constant 0 : index
    %get3A_19 = vector.load %arg6[%get3A_17, %get3A_18] : memref<2x128xf32, #tpu.memory_space<vmem>>, vector<2x128xf32>
    %dot_general3A_20 = arith.constant dense<0.000000e+00> : vector<1280x128xf32>
    %dot_general3A_21 = tpu.matmul %get3A_16, %get3A_19, %dot_general3A_20 {dimension_numbers = #tpu.dot_dimension_numbers<[1], [0], [0], [1], [0, 0, 1, 1], [], []>, transpose_lhs_hint = false} : vector<1280x2xf32>, vector<2x128xf32>, vector<1280x128xf32> -> vector<1280x128xf32>
    %add3A_22 = arith.addf %add3A, %dot_general3A_21 : vector<1280x128xf32>
    %get3A_23 = arith.constant 0 : index
    %get3A_24 = arith.constant 0 : index
    %get3A_25 = vector.load %arg7[%get3A_23, %get3A_24] : memref<1x128xf32, #tpu.memory_space<vmem>>, vector<1x128xf32>
    %add3A_26 = vector.broadcast %get3A_25 : vector<1x128xf32> to vector<1280x128xf32>
    %add3A_27 = arith.addf %add3A_22, %add3A_26 : vector<1280x128xf32>
    %neg3A = arith.constant 0.000000e+00 : f32
    %neg3A_28 = vector.broadcast %neg3A : f32 to vector<1280x128xf32>
    %neg3A_29 = arith.subf %neg3A_28, %add3A_27 : vector<1280x128xf32>
    %exp3A = math.exp %neg3A_29 : vector<1280x128xf32>
    %add3A_30 = arith.constant 1.000000e+00 : f32
    %add3A_31 = vector.broadcast %add3A_30 : f32 to vector<1280x128xf32>
    %add3A_32 = arith.addf %add3A_31, %exp3A : vector<1280x128xf32>
    %div3A = arith.constant 1.000000e+00 : f32
    %div3A_33 = vector.broadcast %div3A : f32 to vector<1280x128xf32>
    %div3A_34 = arith.divf %div3A_33, %add3A_32 : vector<1280x128xf32>
    %mul3A = arith.mulf %add3A_27, %div3A_34 : vector<1280x128xf32>
    %get3A_35 = arith.constant 0 : index
    %get3A_36 = arith.constant 0 : index
    %get3A_37 = vector.load %arg8[%get3A_35, %get3A_36] : memref<128x128xf32, #tpu.memory_space<vmem>>, vector<128x128xf32>
    %dot_general3A_38 = arith.constant dense<0.000000e+00> : vector<1280x128xf32>
    %dot_general3A_39 = tpu.matmul %mul3A, %get3A_37, %dot_general3A_38 {dimension_numbers = #tpu.dot_dimension_numbers<[1], [0], [0], [1], [0, 0, 1, 1], [], []>, transpose_lhs_hint = false} : vector<1280x128xf32>, vector<128x128xf32>, vector<1280x128xf32> -> vector<1280x128xf32>
    %get3A_40 = arith.constant 0 : index
    %get3A_41 = arith.constant 0 : index
    %get3A_42 = vector.load %arg9[%get3A_40, %get3A_41] : memref<1x128xf32, #tpu.memory_space<vmem>>, vector<1x128xf32>
    %add3A_43 = vector.broadcast %get3A_42 : vector<1x128xf32> to vector<1280x128xf32>
    %add3A_44 = arith.addf %dot_general3A_39, %add3A_43 : vector<1280x128xf32>
    %neg3A_45 = arith.constant 0.000000e+00 : f32
    %neg3A_46 = vector.broadcast %neg3A_45 : f32 to vector<1280x128xf32>
    %neg3A_47 = arith.subf %neg3A_46, %add3A_44 : vector<1280x128xf32>
    %exp3A_48 = math.exp %neg3A_47 : vector<1280x128xf32>
    %add3A_49 = arith.constant 1.000000e+00 : f32
    %add3A_50 = vector.broadcast %add3A_49 : f32 to vector<1280x128xf32>
    %add3A_51 = arith.addf %add3A_50, %exp3A_48 : vector<1280x128xf32>
    %div3A_52 = arith.constant 1.000000e+00 : f32
    %div3A_53 = vector.broadcast %div3A_52 : f32 to vector<1280x128xf32>
    %div3A_54 = arith.divf %div3A_53, %add3A_51 : vector<1280x128xf32>
    %mul3A_55 = arith.mulf %add3A_44, %div3A_54 : vector<1280x128xf32>
    %swap3A = arith.constant 0 : index
    %swap3A_56 = arith.constant 0 : index
    %swap3A_57 = vector.load %arg10[%swap3A, %swap3A_56] : memref<1280x128xf32, #tpu.memory_space<vmem>>, vector<1280x128xf32>
    tpu.vector_store %arg10[%swap3A, %swap3A_56], %mul3A_55 {strides = array<i32>} : memref<1280x128xf32, #tpu.memory_space<vmem>>, vector<1280x128xf32>,
    return
  }
  func.func @transform_0(%arg0: i32) -> (i32, i32) {
    %c0_i32 = arith.constant 0 : i32
    %c0_i32_0 = arith.constant 0 : i32
    return %arg0, %c0_i32 : i32, i32
  }
  func.func @transform_1(%arg0: i32) -> (i32, i32) {
    %c0_i32 = arith.constant 0 : i32
    %c0_i32_0 = arith.constant 0 : i32
    return %arg0, %c0_i32 : i32, i32
  }
  func.func @transform_2(%arg0: i32) -> (i32, i32) {
    %c0_i32 = arith.constant 0 : i32
    %c0_i32_0 = arith.constant 0 : i32
    return %arg0, %c0_i32 : i32, i32
  }
  func.func @transform_3(%arg0: i32) -> (i32, i32) {
    %c0_i32 = arith.constant 0 : i32
    %c0_i32_0 = arith.constant 0 : i32
    %c0_i32_1 = arith.constant 0 : i32
    return %c0_i32, %c0_i32_0 : i32, i32
  }
  func.func @transform_4(%arg0: i32) -> (i32, i32) {
    %c0_i32 = arith.constant 0 : i32
    %c0_i32_0 = arith.constant 0 : i32
    %c0_i32_1 = arith.constant 0 : i32
    return %c0_i32, %c0_i32_0 : i32, i32
  }
  func.func @transform_5(%arg0: i32) -> (i32, i32) {
    %c0_i32 = arith.constant 0 : i32
    %c0_i32_0 = arith.constant 0 : i32
    %c0_i32_1 = arith.constant 0 : i32
    return %c0_i32, %c0_i32_0 : i32, i32
  }
  func.func @transform_6(%arg0: i32) -> (i32, i32) {
    %c0_i32 = arith.constant 0 : i32
    %c0_i32_0 = arith.constant 0 : i32
    %c0_i32_1 = arith.constant 0 : i32
    return %c0_i32, %c0_i32_0 : i32, i32
  }
  func.func @transform_7(%arg0: i32) -> (i32, i32) {
    %c0_i32 = arith.constant 0 : i32
    %c0_i32_0 = arith.constant 0 : i32
    %c0_i32_1 = arith.constant 0 : i32
    return %c0_i32, %c0_i32_0 : i32, i32
  }
  func.func @transform_8(%arg0: i32) -> (i32, i32) {
    %c0_i32 = arith.constant 0 : i32
    %c0_i32_0 = arith.constant 0 : i32
    %c0_i32_1 = arith.constant 0 : i32
    return %c0_i32, %c0_i32_0 : i32, i32
  }
  func.func @transform_9(%arg0: i32) -> (i32, i32) {
    %c0_i32 = arith.constant 0 : i32
    %c0_i32_0 = arith.constant 0 : i32
    return %arg0, %c0_i32 : i32, i32
  }
}

module attributes {stable_mosaic.version = 14 : i64} {
  func.func @_pre_body_raw(%arg0: i32, %arg1: memref<1280x128xf32, #tpu.memory_space<vmem>>, %arg2: memref<1280x25xf32, #tpu.memory_space<vmem>>, %arg3: memref<1280x1xf32, #tpu.memory_space<vmem>>, %arg4: memref<1280x2xf32, #tpu.memory_space<vmem>>, %arg5: memref<128x128xf32, #tpu.memory_space<vmem>>, %arg6: memref<128x128xf32, #tpu.memory_space<vmem>>, %arg7: memref<25x128xf32, #tpu.memory_space<vmem>>, %arg8: memref<1x128xf32, #tpu.memory_space<vmem>>, %arg9: memref<2x128xf32, #tpu.memory_space<vmem>>, %arg10: memref<1x128xf32, #tpu.memory_space<vmem>>, %arg11: memref<1280x128xf32, #tpu.memory_space<vmem>>, %arg12: memref<2x1280x64xf32, #tpu.memory_space<vmem>>) attributes {dimension_semantics = [#tpu.dimension_semantics<arbitrary>], iteration_bounds = array<i64: 8>, scalar_prefetch = 0 : i64, scratch_operands = 0 : i64, tpu.core_type = #tpu.core_type<tc>, window_params = [{transform_indices = @transform_0, window_bounds = array<i64: 1280, 128>}, {transform_indices = @transform_1, window_bounds = array<i64: 1280, 25>}, {transform_indices = @transform_2, window_bounds = array<i64: 1280, 1>}, {transform_indices = @transform_3, window_bounds = array<i64: 1280, 2>}, {pipeline_mode = #tpu.pipeline_mode<synchronous>, transform_indices = @transform_4, window_bounds = array<i64: 128, 128>}, {pipeline_mode = #tpu.pipeline_mode<synchronous>, transform_indices = @transform_5, window_bounds = array<i64: 128, 128>}, {pipeline_mode = #tpu.pipeline_mode<synchronous>, transform_indices = @transform_6, window_bounds = array<i64: 25, 128>}, {pipeline_mode = #tpu.pipeline_mode<synchronous>, transform_indices = @transform_7, window_bounds = array<i64: 1, 128>}, {pipeline_mode = #tpu.pipeline_mode<synchronous>, transform_indices = @transform_8, window_bounds = array<i64: 2, 128>}, {pipeline_mode = #tpu.pipeline_mode<synchronous>, transform_indices = @transform_9, window_bounds = array<i64: 1, 128>}, {transform_indices = @transform_10, window_bounds = array<i64: 1280, 128>}, {transform_indices = @transform_11, window_bounds = array<i64: 2, 1280, 64>}]} {
    %get3A = arith.constant 0 : index
    %get3A_0 = arith.constant 0 : index
    %get3A_1 = vector.load %arg1[%get3A, %get3A_0] : memref<1280x128xf32, #tpu.memory_space<vmem>>, vector<1280x128xf32>
    %get3A_2 = arith.constant 0 : index
    %get3A_3 = arith.constant 0 : index
    %get3A_4 = vector.load %arg2[%get3A_2, %get3A_3] : memref<1280x25xf32, #tpu.memory_space<vmem>>, vector<1280x25xf32>
    %get3A_5 = arith.constant 0 : index
    %get3A_6 = arith.constant 0 : index
    %get3A_7 = vector.load %arg7[%get3A_5, %get3A_6] : memref<25x128xf32, #tpu.memory_space<vmem>>, vector<25x128xf32>
    %dot_general3A = arith.constant dense<0.000000e+00> : vector<1280x128xf32>
    %dot_general3A_8 = tpu.matmul %get3A_4, %get3A_7, %dot_general3A {dimension_numbers = #tpu.dot_dimension_numbers<[1], [0], [0], [1], [0, 0, 1, 1], [], []>, transpose_lhs_hint = false} : vector<1280x25xf32>, vector<25x128xf32>, vector<1280x128xf32> -> vector<1280x128xf32>
    %get3A_9 = arith.constant 0 : index
    %get3A_10 = arith.constant 0 : index
    %get3A_11 = vector.load %arg3[%get3A_9, %get3A_10] : memref<1280x1xf32, #tpu.memory_space<vmem>>, vector<1280x1xf32>
    %get3A_12 = arith.constant 0 : index
    %get3A_13 = arith.constant 0 : index
    %get3A_14 = vector.load %arg8[%get3A_12, %get3A_13] : memref<1x128xf32, #tpu.memory_space<vmem>>, vector<1x128xf32>
    %dot_general3A_15 = arith.constant dense<0.000000e+00> : vector<1280x128xf32>
    %dot_general3A_16 = tpu.matmul %get3A_11, %get3A_14, %dot_general3A_15 {dimension_numbers = #tpu.dot_dimension_numbers<[1], [0], [0], [1], [0, 0, 1, 1], [], []>, transpose_lhs_hint = false} : vector<1280x1xf32>, vector<1x128xf32>, vector<1280x128xf32> -> vector<1280x128xf32>
    %add3A = arith.addf %dot_general3A_8, %dot_general3A_16 : vector<1280x128xf32>
    %swap3A = arith.constant 0 : index
    %swap3A_17 = arith.constant 0 : index
    %swap3A_18 = vector.load %arg11[%swap3A, %swap3A_17] : memref<1280x128xf32, #tpu.memory_space<vmem>>, vector<1280x128xf32>
    tpu.vector_store %arg11[%swap3A, %swap3A_17], %get3A_1 {strides = array<i32>} : memref<1280x128xf32, #tpu.memory_space<vmem>>, vector<1280x128xf32>,
    %get3A_19 = arith.constant 0 : index
    %get3A_20 = arith.constant 0 : index
    %get3A_21 = vector.load %arg5[%get3A_19, %get3A_20] : memref<128x128xf32, #tpu.memory_space<vmem>>, vector<128x128xf32>
    %dot_general3A_22 = arith.constant dense<0.000000e+00> : vector<1280x128xf32>
    %dot_general3A_23 = tpu.matmul %get3A_1, %get3A_21, %dot_general3A_22 {dimension_numbers = #tpu.dot_dimension_numbers<[1], [0], [0], [1], [0, 0, 1, 1], [], []>, transpose_lhs_hint = false} : vector<1280x128xf32>, vector<128x128xf32>, vector<1280x128xf32> -> vector<1280x128xf32>
    %add3A_24 = arith.addf %dot_general3A_23, %add3A : vector<1280x128xf32>
    %get3A_25 = arith.constant 0 : index
    %get3A_26 = arith.constant 0 : index
    %get3A_27 = vector.load %arg4[%get3A_25, %get3A_26] : memref<1280x2xf32, #tpu.memory_space<vmem>>, vector<1280x2xf32>
    %get3A_28 = arith.constant 0 : index
    %get3A_29 = arith.constant 0 : index
    %get3A_30 = vector.load %arg9[%get3A_28, %get3A_29] : memref<2x128xf32, #tpu.memory_space<vmem>>, vector<2x128xf32>
    %dot_general3A_31 = arith.constant dense<0.000000e+00> : vector<1280x128xf32>
    %dot_general3A_32 = tpu.matmul %get3A_27, %get3A_30, %dot_general3A_31 {dimension_numbers = #tpu.dot_dimension_numbers<[1], [0], [0], [1], [0, 0, 1, 1], [], []>, transpose_lhs_hint = false} : vector<1280x2xf32>, vector<2x128xf32>, vector<1280x128xf32> -> vector<1280x128xf32>
    %add3A_33 = arith.addf %add3A_24, %dot_general3A_32 : vector<1280x128xf32>
    %get3A_34 = arith.constant 0 : index
    %get3A_35 = arith.constant 0 : index
    %get3A_36 = vector.load %arg10[%get3A_34, %get3A_35] : memref<1x128xf32, #tpu.memory_space<vmem>>, vector<1x128xf32>
    %add3A_37 = vector.broadcast %get3A_36 : vector<1x128xf32> to vector<1280x128xf32>
    %add3A_38 = arith.addf %add3A_33, %add3A_37 : vector<1280x128xf32>
    %slice3A = vector.extract_strided_slice %add3A_38 {offsets = [0, 0], sizes = [1280, 64], strides = [1, 1]} : vector<1280x128xf32> to vector<1280x64xf32>
    %convert_element_type3A = arith.truncf %slice3A : vector<1280x64xf32> to vector<1280x64xbf16>
    %slice3A_39 = vector.extract_strided_slice %add3A_38 {offsets = [0, 64], sizes = [1280, 64], strides = [1, 1]} : vector<1280x128xf32> to vector<1280x64xf32>
    %convert_element_type3A_40 = arith.truncf %slice3A_39 : vector<1280x64xf32> to vector<1280x64xbf16>
    %bitcast_convert_type3A = tpu.bitcast %convert_element_type3A : vector<1280x64xbf16> -> vector<1280x64xi16>
    %convert_element_type3A_41 = arith.extui %bitcast_convert_type3A : vector<1280x64xi16> to vector<1280x64xi32>
    %bitcast_convert_type3A_42 = tpu.bitcast %convert_element_type3A_40 : vector<1280x64xbf16> -> vector<1280x64xi16>
    %convert_element_type3A_43 = arith.extui %bitcast_convert_type3A_42 : vector<1280x64xi16> to vector<1280x64xi32>
    %shift_left3A = arith.constant 16 : i32
    %shift_left3A_44 = vector.broadcast %shift_left3A : i32 to vector<1280x64xi32>
    %shift_left3A_45 = arith.shli %convert_element_type3A_41, %shift_left3A_44 : vector<1280x64xi32>
    %or3A = arith.ori %shift_left3A_45, %convert_element_type3A_43 : vector<1280x64xi32>
    %bitcast_convert_type3A_46 = tpu.bitcast %or3A : vector<1280x64xi32> -> vector<1280x64xf32>
    %swap3A_47 = arith.constant 0 : index
    %swap3A_48 = arith.constant 0 : index
    %swap3A_49 = arith.constant 0 : index
    %swap3A_50 = vector.load %arg12[%swap3A_47, %swap3A_48, %swap3A_49] : memref<2x1280x64xf32, #tpu.memory_space<vmem>>, vector<1x1280x64xf32>
    %swap3A_51 = vector.shape_cast %swap3A_50 : vector<1x1280x64xf32> to vector<1280x64xf32>
    %swap3A_52 = vector.shape_cast %bitcast_convert_type3A_46 : vector<1280x64xf32> to vector<1x1280x64xf32>
    tpu.vector_store %arg12[%swap3A_47, %swap3A_48, %swap3A_49], %swap3A_52 {strides = array<i32>} : memref<2x1280x64xf32, #tpu.memory_space<vmem>>, vector<1x1280x64xf32>,
    %get3A_53 = arith.constant 0 : index
    %get3A_54 = arith.constant 0 : index
    %get3A_55 = vector.load %arg6[%get3A_53, %get3A_54] : memref<128x128xf32, #tpu.memory_space<vmem>>, vector<128x128xf32>
    %dot_general3A_56 = arith.constant dense<0.000000e+00> : vector<1280x128xf32>
    %dot_general3A_57 = tpu.matmul %get3A_1, %get3A_55, %dot_general3A_56 {dimension_numbers = #tpu.dot_dimension_numbers<[1], [0], [0], [1], [0, 0, 1, 1], [], []>, transpose_lhs_hint = false} : vector<1280x128xf32>, vector<128x128xf32>, vector<1280x128xf32> -> vector<1280x128xf32>
    %sub3A = arith.subf %dot_general3A_57, %add3A : vector<1280x128xf32>
    %slice3A_58 = vector.extract_strided_slice %sub3A {offsets = [0, 0], sizes = [1280, 64], strides = [1, 1]} : vector<1280x128xf32> to vector<1280x64xf32>
    %convert_element_type3A_59 = arith.truncf %slice3A_58 : vector<1280x64xf32> to vector<1280x64xbf16>
    %slice3A_60 = vector.extract_strided_slice %sub3A {offsets = [0, 64], sizes = [1280, 64], strides = [1, 1]} : vector<1280x128xf32> to vector<1280x64xf32>
    %convert_element_type3A_61 = arith.truncf %slice3A_60 : vector<1280x64xf32> to vector<1280x64xbf16>
    %bitcast_convert_type3A_62 = tpu.bitcast %convert_element_type3A_59 : vector<1280x64xbf16> -> vector<1280x64xi16>
    %convert_element_type3A_63 = arith.extui %bitcast_convert_type3A_62 : vector<1280x64xi16> to vector<1280x64xi32>
    %bitcast_convert_type3A_64 = tpu.bitcast %convert_element_type3A_61 : vector<1280x64xbf16> -> vector<1280x64xi16>
    %convert_element_type3A_65 = arith.extui %bitcast_convert_type3A_64 : vector<1280x64xi16> to vector<1280x64xi32>
    %shift_left3A_66 = arith.constant 16 : i32
    %shift_left3A_67 = vector.broadcast %shift_left3A_66 : i32 to vector<1280x64xi32>
    %shift_left3A_68 = arith.shli %convert_element_type3A_63, %shift_left3A_67 : vector<1280x64xi32>
    %or3A_69 = arith.ori %shift_left3A_68, %convert_element_type3A_65 : vector<1280x64xi32>
    %bitcast_convert_type3A_70 = tpu.bitcast %or3A_69 : vector<1280x64xi32> -> vector<1280x64xf32>
    %swap3A_71 = arith.constant 1 : index
    %swap3A_72 = arith.constant 0 : index
    %swap3A_73 = arith.constant 0 : index
    %swap3A_74 = vector.load %arg12[%swap3A_71, %swap3A_72, %swap3A_73] : memref<2x1280x64xf32, #tpu.memory_space<vmem>>, vector<1x1280x64xf32>
    %swap3A_75 = vector.shape_cast %swap3A_74 : vector<1x1280x64xf32> to vector<1280x64xf32>
    %swap3A_76 = vector.shape_cast %bitcast_convert_type3A_70 : vector<1280x64xf32> to vector<1x1280x64xf32>
    tpu.vector_store %arg12[%swap3A_71, %swap3A_72, %swap3A_73], %swap3A_76 {strides = array<i32>} : memref<2x1280x64xf32, #tpu.memory_space<vmem>>, vector<1x1280x64xf32>,
    return
  }
  func.func @transform_0(%arg0: i32) -> (i32, i32) {
    %c0_i32 = arith.constant 0 : i32
    %c0_i32_0 = arith.constant 0 : i32
    return %arg0, %c0_i32 : i32, i32
  }
  func.func @transform_1(%arg0: i32) -> (i32, i32) {
    %c0_i32 = arith.constant 0 : i32
    %c0_i32_0 = arith.constant 0 : i32
    return %arg0, %c0_i32 : i32, i32
  }
  func.func @transform_2(%arg0: i32) -> (i32, i32) {
    %c0_i32 = arith.constant 0 : i32
    %c0_i32_0 = arith.constant 0 : i32
    return %arg0, %c0_i32 : i32, i32
  }
  func.func @transform_3(%arg0: i32) -> (i32, i32) {
    %c0_i32 = arith.constant 0 : i32
    %c0_i32_0 = arith.constant 0 : i32
    return %arg0, %c0_i32 : i32, i32
  }
  func.func @transform_4(%arg0: i32) -> (i32, i32) {
    %c0_i32 = arith.constant 0 : i32
    %c0_i32_0 = arith.constant 0 : i32
    %c0_i32_1 = arith.constant 0 : i32
    return %c0_i32, %c0_i32_0 : i32, i32
  }
  func.func @transform_5(%arg0: i32) -> (i32, i32) {
    %c0_i32 = arith.constant 0 : i32
    %c0_i32_0 = arith.constant 0 : i32
    %c0_i32_1 = arith.constant 0 : i32
    return %c0_i32, %c0_i32_0 : i32, i32
  }
  func.func @transform_6(%arg0: i32) -> (i32, i32) {
    %c0_i32 = arith.constant 0 : i32
    %c0_i32_0 = arith.constant 0 : i32
    %c0_i32_1 = arith.constant 0 : i32
    return %c0_i32, %c0_i32_0 : i32, i32
  }
  func.func @transform_7(%arg0: i32) -> (i32, i32) {
    %c0_i32 = arith.constant 0 : i32
    %c0_i32_0 = arith.constant 0 : i32
    %c0_i32_1 = arith.constant 0 : i32
    return %c0_i32, %c0_i32_0 : i32, i32
  }
  func.func @transform_8(%arg0: i32) -> (i32, i32) {
    %c0_i32 = arith.constant 0 : i32
    %c0_i32_0 = arith.constant 0 : i32
    %c0_i32_1 = arith.constant 0 : i32
    return %c0_i32, %c0_i32_0 : i32, i32
  }
  func.func @transform_9(%arg0: i32) -> (i32, i32) {
    %c0_i32 = arith.constant 0 : i32
    %c0_i32_0 = arith.constant 0 : i32
    %c0_i32_1 = arith.constant 0 : i32
    return %c0_i32, %c0_i32_0 : i32, i32
  }
  func.func @transform_10(%arg0: i32) -> (i32, i32) {
    %c0_i32 = arith.constant 0 : i32
    %c0_i32_0 = arith.constant 0 : i32
    return %arg0, %c0_i32 : i32, i32
  }
  func.func @transform_11(%arg0: i32) -> (i32, i32, i32) {
    %c0_i32 = arith.constant 0 : i32
    %c0_i32_0 = arith.constant 0 : i32
    %c0_i32_1 = arith.constant 0 : i32
    return %c0_i32, %arg0, %c0_i32_0 : i32, i32, i32
  }
}

module attributes {stable_mosaic.version = 14 : i64} {
  func.func @_edge_body(%arg0: i32, %arg1: memref<1x2048x64xf32, #tpu.memory_space<vmem>>, %arg2: memref<1x2048x64xf32, #tpu.memory_space<vmem>>, %arg3: memref<128x128xf32, #tpu.memory_space<vmem>>, %arg4: memref<1x128xf32, #tpu.memory_space<vmem>>, %arg5: memref<2048x128xf32, #tpu.memory_space<vmem>>) attributes {dimension_semantics = [#tpu.dimension_semantics<arbitrary>], iteration_bounds = array<i64: 80>, scalar_prefetch = 0 : i64, scratch_operands = 0 : i64, tpu.core_type = #tpu.core_type<tc>, window_params = [{transform_indices = @transform_0, window_bounds = array<i64: 1, 2048, 64>}, {transform_indices = @transform_1, window_bounds = array<i64: 1, 2048, 64>}, {pipeline_mode = #tpu.pipeline_mode<synchronous>, transform_indices = @transform_2, window_bounds = array<i64: 128, 128>}, {pipeline_mode = #tpu.pipeline_mode<synchronous>, transform_indices = @transform_3, window_bounds = array<i64: 1, 128>}, {transform_indices = @transform_4, window_bounds = array<i64: 2048, 128>}]} {
    %get3A = arith.constant 0 : index
    %get3A_0 = arith.constant 0 : index
    %get3A_1 = arith.constant 0 : index
    %get3A_2 = vector.load %arg1[%get3A, %get3A_0, %get3A_1] : memref<1x2048x64xf32, #tpu.memory_space<vmem>>, vector<1x2048x64xf32>
    %get3A_3 = vector.shape_cast %get3A_2 : vector<1x2048x64xf32> to vector<2048x64xf32>
    %bitcast_convert_type3A = tpu.bitcast %get3A_3 : vector<2048x64xf32> -> vector<2048x64xi32>
    %shift_right_logical3A = arith.constant 16 : i32
    %shift_right_logical3A_4 = vector.broadcast %shift_right_logical3A : i32 to vector<2048x64xi32>
    %shift_right_logical3A_5 = arith.shrui %bitcast_convert_type3A, %shift_right_logical3A_4 : vector<2048x64xi32>
    %convert_element_type3A = arith.trunci %shift_right_logical3A_5 : vector<2048x64xi32> to vector<2048x64xi16>
    %bitcast_convert_type3A_6 = tpu.bitcast %convert_element_type3A : vector<2048x64xi16> -> vector<2048x64xbf16>
    %convert_element_type3A_7 = arith.trunci %bitcast_convert_type3A : vector<2048x64xi32> to vector<2048x64xi16>
    %bitcast_convert_type3A_8 = tpu.bitcast %convert_element_type3A_7 : vector<2048x64xi16> -> vector<2048x64xbf16>
    %concatenate3A = tpu.concatenate %bitcast_convert_type3A_6, %bitcast_convert_type3A_8 in 1 : vector<2048x64xbf16>, vector<2048x64xbf16> -> vector<2048x128xbf16>
    %convert_element_type3A_9 = arith.extf %concatenate3A : vector<2048x128xbf16> to vector<2048x128xf32>
    %get3A_10 = arith.constant 0 : index
    %get3A_11 = arith.constant 0 : index
    %get3A_12 = arith.constant 0 : index
    %get3A_13 = vector.load %arg2[%get3A_10, %get3A_11, %get3A_12] : memref<1x2048x64xf32, #tpu.memory_space<vmem>>, vector<1x2048x64xf32>
    %get3A_14 = vector.shape_cast %get3A_13 : vector<1x2048x64xf32> to vector<2048x64xf32>
    %bitcast_convert_type3A_15 = tpu.bitcast %get3A_14 : vector<2048x64xf32> -> vector<2048x64xi32>
    %shift_right_logical3A_16 = arith.constant 16 : i32
    %shift_right_logical3A_17 = vector.broadcast %shift_right_logical3A_16 : i32 to vector<2048x64xi32>
    %shift_right_logical3A_18 = arith.shrui %bitcast_convert_type3A_15, %shift_right_logical3A_17 : vector<2048x64xi32>
    %convert_element_type3A_19 = arith.trunci %shift_right_logical3A_18 : vector<2048x64xi32> to vector<2048x64xi16>
    %bitcast_convert_type3A_20 = tpu.bitcast %convert_element_type3A_19 : vector<2048x64xi16> -> vector<2048x64xbf16>
    %convert_element_type3A_21 = arith.trunci %bitcast_convert_type3A_15 : vector<2048x64xi32> to vector<2048x64xi16>
    %bitcast_convert_type3A_22 = tpu.bitcast %convert_element_type3A_21 : vector<2048x64xi16> -> vector<2048x64xbf16>
    %concatenate3A_23 = tpu.concatenate %bitcast_convert_type3A_20, %bitcast_convert_type3A_22 in 1 : vector<2048x64xbf16>, vector<2048x64xbf16> -> vector<2048x128xbf16>
    %convert_element_type3A_24 = arith.extf %concatenate3A_23 : vector<2048x128xbf16> to vector<2048x128xf32>
    %add3A = arith.addf %convert_element_type3A_9, %convert_element_type3A_24 : vector<2048x128xf32>
    %neg3A = arith.constant 0.000000e+00 : f32
    %neg3A_25 = vector.broadcast %neg3A : f32 to vector<2048x128xf32>
    %neg3A_26 = arith.subf %neg3A_25, %add3A : vector<2048x128xf32>
    %exp3A = math.exp %neg3A_26 : vector<2048x128xf32>
    %add3A_27 = arith.constant 1.000000e+00 : f32
    %add3A_28 = vector.broadcast %add3A_27 : f32 to vector<2048x128xf32>
    %add3A_29 = arith.addf %add3A_28, %exp3A : vector<2048x128xf32>
    %div3A = arith.constant 1.000000e+00 : f32
    %div3A_30 = vector.broadcast %div3A : f32 to vector<2048x128xf32>
    %div3A_31 = arith.divf %div3A_30, %add3A_29 : vector<2048x128xf32>
    %mul3A = arith.mulf %add3A, %div3A_31 : vector<2048x128xf32>
    %get3A_32 = arith.constant 0 : index
    %get3A_33 = arith.constant 0 : index
    %get3A_34 = vector.load %arg3[%get3A_32, %get3A_33] : memref<128x128xf32, #tpu.memory_space<vmem>>, vector<128x128xf32>
    %dot_general3A = arith.constant dense<0.000000e+00> : vector<2048x128xf32>
    %dot_general3A_35 = tpu.matmul %mul3A, %get3A_34, %dot_general3A {dimension_numbers = #tpu.dot_dimension_numbers<[1], [0], [0], [1], [0, 0, 1, 1], [], []>, transpose_lhs_hint = false} : vector<2048x128xf32>, vector<128x128xf32>, vector<2048x128xf32> -> vector<2048x128xf32>
    %get3A_36 = arith.constant 0 : index
    %get3A_37 = arith.constant 0 : index
    %get3A_38 = vector.load %arg4[%get3A_36, %get3A_37] : memref<1x128xf32, #tpu.memory_space<vmem>>, vector<1x128xf32>
    %add3A_39 = vector.broadcast %get3A_38 : vector<1x128xf32> to vector<2048x128xf32>
    %add3A_40 = arith.addf %dot_general3A_35, %add3A_39 : vector<2048x128xf32>
    %neg3A_41 = arith.constant 0.000000e+00 : f32
    %neg3A_42 = vector.broadcast %neg3A_41 : f32 to vector<2048x128xf32>
    %neg3A_43 = arith.subf %neg3A_42, %add3A_40 : vector<2048x128xf32>
    %exp3A_44 = math.exp %neg3A_43 : vector<2048x128xf32>
    %add3A_45 = arith.constant 1.000000e+00 : f32
    %add3A_46 = vector.broadcast %add3A_45 : f32 to vector<2048x128xf32>
    %add3A_47 = arith.addf %add3A_46, %exp3A_44 : vector<2048x128xf32>
    %div3A_48 = arith.constant 1.000000e+00 : f32
    %div3A_49 = vector.broadcast %div3A_48 : f32 to vector<2048x128xf32>
    %div3A_50 = arith.divf %div3A_49, %add3A_47 : vector<2048x128xf32>
    %mul3A_51 = arith.mulf %add3A_40, %div3A_50 : vector<2048x128xf32>
    %swap3A = arith.constant 0 : index
    %swap3A_52 = arith.constant 0 : index
    %swap3A_53 = vector.load %arg5[%swap3A, %swap3A_52] : memref<2048x128xf32, #tpu.memory_space<vmem>>, vector<2048x128xf32>
    tpu.vector_store %arg5[%swap3A, %swap3A_52], %mul3A_51 {strides = array<i32>} : memref<2048x128xf32, #tpu.memory_space<vmem>>, vector<2048x128xf32>,
    return
  }
  func.func @transform_0(%arg0: i32) -> (i32, i32, i32) {
    %c0_i32 = arith.constant 0 : i32
    %c0_i32_0 = arith.constant 0 : i32
    %c0_i32_1 = arith.constant 0 : i32
    return %c0_i32, %arg0, %c0_i32_0 : i32, i32, i32
  }
  func.func @transform_1(%arg0: i32) -> (i32, i32, i32) {
    %c1_i32 = arith.constant 1 : i32
    %c0_i32 = arith.constant 0 : i32
    %c0_i32_0 = arith.constant 0 : i32
    return %c1_i32, %arg0, %c0_i32 : i32, i32, i32
  }
  func.func @transform_2(%arg0: i32) -> (i32, i32) {
    %c0_i32 = arith.constant 0 : i32
    %c0_i32_0 = arith.constant 0 : i32
    %c0_i32_1 = arith.constant 0 : i32
    return %c0_i32, %c0_i32_0 : i32, i32
  }
  func.func @transform_3(%arg0: i32) -> (i32, i32) {
    %c0_i32 = arith.constant 0 : i32
    %c0_i32_0 = arith.constant 0 : i32
    %c0_i32_1 = arith.constant 0 : i32
    return %c0_i32, %c0_i32_0 : i32, i32
  }
  func.func @transform_4(%arg0: i32) -> (i32, i32) {
    %c0_i32 = arith.constant 0 : i32
    %c0_i32_0 = arith.constant 0 : i32
    return %arg0, %c0_i32 : i32, i32
  }
}

module attributes {stable_mosaic.version = 14 : i64} {
  func.func @_upd_body(%arg0: i32, %arg1: memref<1280x128xf32, #tpu.memory_space<vmem>>, %arg2: memref<1x1280x128xf32, #tpu.memory_space<vmem>>, %arg3: memref<1x1280x128xf32, #tpu.memory_space<vmem>>, %arg4: memref<1x1280x8xf32, #tpu.memory_space<vmem>>, %arg5: memref<1x1280x8xf32, #tpu.memory_space<vmem>>, %arg6: memref<1280x2xf32, #tpu.memory_space<vmem>>, %arg7: memref<128x128xf32, #tpu.memory_space<vmem>>, %arg8: memref<128x128xf32, #tpu.memory_space<vmem>>, %arg9: memref<2x128xf32, #tpu.memory_space<vmem>>, %arg10: memref<1x128xf32, #tpu.memory_space<vmem>>, %arg11: memref<128x128xf32, #tpu.memory_space<vmem>>, %arg12: memref<1x128xf32, #tpu.memory_space<vmem>>, %arg13: memref<1280x128xf32, #tpu.memory_space<vmem>>, %arg14: memref<8x128xf32, #tpu.memory_space<vmem>>) attributes {dimension_semantics = [#tpu.dimension_semantics<arbitrary>], iteration_bounds = array<i64: 8>, scalar_prefetch = 0 : i64, scratch_operands = 0 : i64, tpu.core_type = #tpu.core_type<tc>, window_params = [{transform_indices = @transform_0, window_bounds = array<i64: 1280, 128>}, {transform_indices = @transform_1, window_bounds = array<i64: 1, 1280, 128>}, {transform_indices = @transform_2, window_bounds = array<i64: 1, 1280, 128>}, {transform_indices = @transform_3, window_bounds = array<i64: 1, 1280, 8>}, {transform_indices = @transform_4, window_bounds = array<i64: 1, 1280, 8>}, {transform_indices = @transform_5, window_bounds = array<i64: 1280, 2>}, {pipeline_mode = #tpu.pipeline_mode<synchronous>, transform_indices = @transform_6, window_bounds = array<i64: 128, 128>}, {pipeline_mode = #tpu.pipeline_mode<synchronous>, transform_indices = @transform_7, window_bounds = array<i64: 128, 128>}, {pipeline_mode = #tpu.pipeline_mode<synchronous>, transform_indices = @transform_8, window_bounds = array<i64: 2, 128>}, {pipeline_mode = #tpu.pipeline_mode<synchronous>, transform_indices = @transform_9, window_bounds = array<i64: 1, 128>}, {pipeline_mode = #tpu.pipeline_mode<synchronous>, transform_indices = @transform_10, window_bounds = array<i64: 128, 128>}, {pipeline_mode = #tpu.pipeline_mode<synchronous>, transform_indices = @transform_11, window_bounds = array<i64: 1, 128>}, {transform_indices = @transform_12, window_bounds = array<i64: 1280, 128>}, {pipeline_mode = #tpu.pipeline_mode<synchronous>, transform_indices = @transform_13, window_bounds = array<i64: 8, 128>}]} {
    %get3A = arith.constant 0 : index
    %get3A_0 = arith.constant 0 : index
    %get3A_1 = arith.constant 0 : index
    %get3A_2 = vector.load %arg4[%get3A, %get3A_0, %get3A_1] : memref<1x1280x8xf32, #tpu.memory_space<vmem>>, vector<1x1280x1xf32>
    %get3A_3 = vector.shape_cast %get3A_2 : vector<1x1280x1xf32> to vector<1280x1xf32>
    %get3A_4 = arith.constant 0 : index
    %get3A_5 = arith.constant 0 : index
    %get3A_6 = arith.constant 0 : index
    %get3A_7 = vector.load %arg5[%get3A_4, %get3A_5, %get3A_6] : memref<1x1280x8xf32, #tpu.memory_space<vmem>>, vector<1x1280x1xf32>
    %get3A_8 = vector.shape_cast %get3A_7 : vector<1x1280x1xf32> to vector<1280x1xf32>
    %add3A = arith.addf %get3A_3, %get3A_8 : vector<1280x1xf32>
    %jit3A = arith.constant 1.000000e+00 : f32
    %max3A = vector.broadcast %jit3A : f32 to vector<1280x1xf32>
    %max3A_9 = arith.maximumf %max3A, %add3A : vector<1280x1xf32>
    %get3A_10 = arith.constant 0 : index
    %get3A_11 = arith.constant 0 : index
    %get3A_12 = arith.constant 0 : index
    %get3A_13 = vector.load %arg2[%get3A_10, %get3A_11, %get3A_12] : memref<1x1280x128xf32, #tpu.memory_space<vmem>>, vector<1x1280x128xf32>
    %get3A_14 = vector.shape_cast %get3A_13 : vector<1x1280x128xf32> to vector<1280x128xf32>
    %get3A_15 = arith.constant 0 : index
    %get3A_16 = arith.constant 0 : index
    %get3A_17 = arith.constant 0 : index
    %get3A_18 = vector.load %arg3[%get3A_15, %get3A_16, %get3A_17] : memref<1x1280x128xf32, #tpu.memory_space<vmem>>, vector<1x1280x128xf32>
    %get3A_19 = vector.shape_cast %get3A_18 : vector<1x1280x128xf32> to vector<1280x128xf32>
    %add3A_20 = arith.addf %get3A_14, %get3A_19 : vector<1280x128xf32>
    %div3A = vector.broadcast %max3A_9 : vector<1280x1xf32> to vector<1280x128xf32>
    %div3A_21 = arith.divf %add3A_20, %div3A : vector<1280x128xf32>
    %get3A_22 = arith.constant 0 : index
    %get3A_23 = arith.constant 0 : index
    %get3A_24 = vector.load %arg1[%get3A_22, %get3A_23] : memref<1280x128xf32, #tpu.memory_space<vmem>>, vector<1280x128xf32>
    %get3A_25 = arith.constant 0 : index
    %get3A_26 = arith.constant 0 : index
    %get3A_27 = vector.load %arg7[%get3A_25, %get3A_26] : memref<128x128xf32, #tpu.memory_space<vmem>>, vector<128x128xf32>
    %dot_general3A = arith.constant dense<0.000000e+00> : vector<1280x128xf32>
    %dot_general3A_28 = tpu.matmul %get3A_24, %get3A_27, %dot_general3A {dimension_numbers = #tpu.dot_dimension_numbers<[1], [0], [0], [1], [0, 0, 1, 1], [], []>, transpose_lhs_hint = false} : vector<1280x128xf32>, vector<128x128xf32>, vector<1280x128xf32> -> vector<1280x128xf32>
    %get3A_29 = arith.constant 0 : index
    %get3A_30 = arith.constant 0 : index
    %get3A_31 = vector.load %arg8[%get3A_29, %get3A_30] : memref<128x128xf32, #tpu.memory_space<vmem>>, vector<128x128xf32>
    %dot_general3A_32 = arith.constant dense<0.000000e+00> : vector<1280x128xf32>
    %dot_general3A_33 = tpu.matmul %div3A_21, %get3A_31, %dot_general3A_32 {dimension_numbers = #tpu.dot_dimension_numbers<[1], [0], [0], [1], [0, 0, 1, 1], [], []>, transpose_lhs_hint = false} : vector<1280x128xf32>, vector<128x128xf32>, vector<1280x128xf32> -> vector<1280x128xf32>
    %add3A_34 = arith.addf %dot_general3A_28, %dot_general3A_33 : vector<1280x128xf32>
    %get3A_35 = arith.constant 0 : index
    %get3A_36 = arith.constant 0 : index
    %get3A_37 = vector.load %arg6[%get3A_35, %get3A_36] : memref<1280x2xf32, #tpu.memory_space<vmem>>, vector<1280x2xf32>
    %get3A_38 = arith.constant 0 : index
    %get3A_39 = arith.constant 0 : index
    %get3A_40 = vector.load %arg9[%get3A_38, %get3A_39] : memref<2x128xf32, #tpu.memory_space<vmem>>, vector<2x128xf32>
    %dot_general3A_41 = arith.constant dense<0.000000e+00> : vector<1280x128xf32>
    %dot_general3A_42 = tpu.matmul %get3A_37, %get3A_40, %dot_general3A_41 {dimension_numbers = #tpu.dot_dimension_numbers<[1], [0], [0], [1], [0, 0, 1, 1], [], []>, transpose_lhs_hint = false} : vector<1280x2xf32>, vector<2x128xf32>, vector<1280x128xf32> -> vector<1280x128xf32>
    %add3A_43 = arith.addf %add3A_34, %dot_general3A_42 : vector<1280x128xf32>
    %get3A_44 = arith.constant 0 : index
    %get3A_45 = arith.constant 0 : index
    %get3A_46 = vector.load %arg10[%get3A_44, %get3A_45] : memref<1x128xf32, #tpu.memory_space<vmem>>, vector<1x128xf32>
    %add3A_47 = vector.broadcast %get3A_46 : vector<1x128xf32> to vector<1280x128xf32>
    %add3A_48 = arith.addf %add3A_43, %add3A_47 : vector<1280x128xf32>
    %neg3A = arith.constant 0.000000e+00 : f32
    %neg3A_49 = vector.broadcast %neg3A : f32 to vector<1280x128xf32>
    %neg3A_50 = arith.subf %neg3A_49, %add3A_48 : vector<1280x128xf32>
    %exp3A = math.exp %neg3A_50 : vector<1280x128xf32>
    %add3A_51 = arith.constant 1.000000e+00 : f32
    %add3A_52 = vector.broadcast %add3A_51 : f32 to vector<1280x128xf32>
    %add3A_53 = arith.addf %add3A_52, %exp3A : vector<1280x128xf32>
    %div3A_54 = arith.constant 1.000000e+00 : f32
    %div3A_55 = vector.broadcast %div3A_54 : f32 to vector<1280x128xf32>
    %div3A_56 = arith.divf %div3A_55, %add3A_53 : vector<1280x128xf32>
    %mul3A = arith.mulf %add3A_48, %div3A_56 : vector<1280x128xf32>
    %get3A_57 = arith.constant 0 : index
    %get3A_58 = arith.constant 0 : index
    %get3A_59 = vector.load %arg11[%get3A_57, %get3A_58] : memref<128x128xf32, #tpu.memory_space<vmem>>, vector<128x128xf32>
    %dot_general3A_60 = arith.constant dense<0.000000e+00> : vector<1280x128xf32>
    %dot_general3A_61 = tpu.matmul %mul3A, %get3A_59, %dot_general3A_60 {dimension_numbers = #tpu.dot_dimension_numbers<[1], [0], [0], [1], [0, 0, 1, 1], [], []>, transpose_lhs_hint = false} : vector<1280x128xf32>, vector<128x128xf32>, vector<1280x128xf32> -> vector<1280x128xf32>
    %get3A_62 = arith.constant 0 : index
    %get3A_63 = arith.constant 0 : index
    %get3A_64 = vector.load %arg12[%get3A_62, %get3A_63] : memref<1x128xf32, #tpu.memory_space<vmem>>, vector<1x128xf32>
    %add3A_65 = vector.broadcast %get3A_64 : vector<1x128xf32> to vector<1280x128xf32>
    %add3A_66 = arith.addf %dot_general3A_61, %add3A_65 : vector<1280x128xf32>
    %neg3A_67 = arith.constant 0.000000e+00 : f32
    %neg3A_68 = vector.broadcast %neg3A_67 : f32 to vector<1280x128xf32>
    %neg3A_69 = arith.subf %neg3A_68, %add3A_66 : vector<1280x128xf32>
    %exp3A_70 = math.exp %neg3A_69 : vector<1280x128xf32>
    %add3A_71 = arith.constant 1.000000e+00 : f32
    %add3A_72 = vector.broadcast %add3A_71 : f32 to vector<1280x128xf32>
    %add3A_73 = arith.addf %add3A_72, %exp3A_70 : vector<1280x128xf32>
    %div3A_74 = arith.constant 1.000000e+00 : f32
    %div3A_75 = vector.broadcast %div3A_74 : f32 to vector<1280x128xf32>
    %div3A_76 = arith.divf %div3A_75, %add3A_73 : vector<1280x128xf32>
    %mul3A_77 = arith.mulf %add3A_66, %div3A_76 : vector<1280x128xf32>
    %add3A_78 = arith.addf %get3A_24, %mul3A_77 : vector<1280x128xf32>
    %swap3A = arith.constant 0 : index
    %swap3A_79 = arith.constant 0 : index
    %swap3A_80 = vector.load %arg13[%swap3A, %swap3A_79] : memref<1280x128xf32, #tpu.memory_space<vmem>>, vector<1280x128xf32>
    tpu.vector_store %arg13[%swap3A, %swap3A_79], %add3A_78 {strides = array<i32>} : memref<1280x128xf32, #tpu.memory_space<vmem>>, vector<1280x128xf32>,
    %mul3A_81 = arith.constant 1280 : i32
    %mul3A_82 = arith.muli %arg0, %mul3A_81 : i32
    %iota3A = tpu.iota {dimensions = array<i32: 0>} : vector<1280x1xi32>
    %add3A_83 = vector.broadcast %mul3A_82 : i32 to vector<1280x1xi32>
    %add3A_84 = arith.addi %add3A_83, %iota3A : vector<1280x1xi32>
    %lt3A = arith.constant 10000 : i32
    %lt3A_85 = vector.broadcast %lt3A : i32 to vector<1280x1xi32>
    %lt3A_86 = arith.cmpi slt, %add3A_84, %lt3A_85 : vector<1280x1xi32>
    %jit3A_87 = arith.constant 0.000000e+00 : f32
    %broadcast_in_dim3A = vector.shape_cast %lt3A_86 : vector<1280x1xi1> to vector<1280x1xi1>
    %broadcast_in_dim3A_88 = vector.broadcast %broadcast_in_dim3A : vector<1280x1xi1> to vector<1280x128xi1>
    %broadcast_in_dim3A_89 = vector.broadcast %jit3A_87 : f32 to vector<1280x128xf32>
    %select_n3A = arith.select %broadcast_in_dim3A_88, %add3A_78, %broadcast_in_dim3A_89 : vector<1280x128xi1>, vector<1280x128xf32>
    %reduce_sum3A = arith.constant dense<0.000000e+00> : vector<128xf32>
    %reduce_sum3A_90 = vector.multi_reduction <add>, %select_n3A, %reduce_sum3A [0] : vector<1280x128xf32> to vector<128xf32>
    %broadcast_in_dim3A_91 = vector.shape_cast %reduce_sum3A_90 : vector<128xf32> to vector<1x128xf32>
    %mul3A_92 = arith.mulf %select_n3A, %select_n3A : vector<1280x128xf32>
    %reduce_sum3A_93 = arith.constant dense<0.000000e+00> : vector<128xf32>
    %reduce_sum3A_94 = vector.multi_reduction <add>, %mul3A_92, %reduce_sum3A_93 [0] : vector<1280x128xf32> to vector<128xf32>
    %broadcast_in_dim3A_95 = vector.shape_cast %reduce_sum3A_94 : vector<128xf32> to vector<1x128xf32>
    %broadcast_in_dim3A_96 = arith.constant 0.000000e+00 : f32
    %broadcast_in_dim3A_97 = vector.broadcast %broadcast_in_dim3A_96 : f32 to vector<6x128xf32>
    %concatenate3A = tpu.concatenate %broadcast_in_dim3A_91, %broadcast_in_dim3A_95, %broadcast_in_dim3A_97 in 0 : vector<1x128xf32>, vector<1x128xf32>, vector<6x128xf32> -> vector<8x128xf32>
    %eq3A = arith.constant 0 : i32
    %eq3A_98 = arith.cmpi eq, %arg0, %eq3A : i32
    %convert_element_type3A = arith.extui %eq3A_98 : i1 to i32
    %cond3A = arith.constant 0 : i32
    %cond3A_99 = arith.cmpi ne, %convert_element_type3A, %cond3A : i32
    scf.if %cond3A_99 {
      %swap3A_104 = arith.constant 0 : index
      %swap3A_105 = arith.constant 0 : index
      %swap3A_106 = vector.load %arg14[%swap3A_104, %swap3A_105] : memref<8x128xf32, #tpu.memory_space<vmem>>, vector<8x128xf32>
      tpu.vector_store %arg14[%swap3A_104, %swap3A_105], %concatenate3A {strides = array<i32>} : memref<8x128xf32, #tpu.memory_space<vmem>>, vector<8x128xf32>,
    } else {
    }
    %ne3A = arith.constant 0 : i32
    %ne3A_100 = arith.cmpi ne, %arg0, %ne3A : i32
    %convert_element_type3A_101 = arith.extui %ne3A_100 : i1 to i32
    %cond3A_102 = arith.constant 0 : i32
    %cond3A_103 = arith.cmpi ne, %convert_element_type3A_101, %cond3A_102 : i32
    scf.if %cond3A_103 {
      %get3A_104 = arith.constant 0 : index
      %get3A_105 = arith.constant 0 : index
      %get3A_106 = vector.load %arg14[%get3A_104, %get3A_105] : memref<8x128xf32, #tpu.memory_space<vmem>>, vector<8x128xf32>
      %add3A_107 = arith.addf %get3A_106, %concatenate3A : vector<8x128xf32>
      %swap3A_108 = arith.constant 0 : index
      %swap3A_109 = arith.constant 0 : index
      %swap3A_110 = vector.load %arg14[%swap3A_108, %swap3A_109] : memref<8x128xf32, #tpu.memory_space<vmem>>, vector<8x128xf32>
      tpu.vector_store %arg14[%swap3A_108, %swap3A_109], %add3A_107 {strides = array<i32>} : memref<8x128xf32, #tpu.memory_space<vmem>>, vector<8x128xf32>,
    } else {
    }
    return
  }
  func.func @transform_0(%arg0: i32) -> (i32, i32) {
    %c0_i32 = arith.constant 0 : i32
    %c0_i32_0 = arith.constant 0 : i32
    return %arg0, %c0_i32 : i32, i32
  }
  func.func @transform_1(%arg0: i32) -> (i32, i32, i32) {
    %c0_i32 = arith.constant 0 : i32
    %c0_i32_0 = arith.constant 0 : i32
    %c0_i32_1 = arith.constant 0 : i32
    return %c0_i32, %arg0, %c0_i32_0 : i32, i32, i32
  }
  func.func @transform_2(%arg0: i32) -> (i32, i32, i32) {
    %c1_i32 = arith.constant 1 : i32
    %c0_i32 = arith.constant 0 : i32
    %c0_i32_0 = arith.constant 0 : i32
    return %c1_i32, %arg0, %c0_i32 : i32, i32, i32
  }
  func.func @transform_3(%arg0: i32) -> (i32, i32, i32) {
    %c0_i32 = arith.constant 0 : i32
    %c0_i32_0 = arith.constant 0 : i32
    %c0_i32_1 = arith.constant 0 : i32
    return %c0_i32, %arg0, %c0_i32_0 : i32, i32, i32
  }
  func.func @transform_4(%arg0: i32) -> (i32, i32, i32) {
    %c1_i32 = arith.constant 1 : i32
    %c0_i32 = arith.constant 0 : i32
    %c0_i32_0 = arith.constant 0 : i32
    return %c1_i32, %arg0, %c0_i32 : i32, i32, i32
  }
  func.func @transform_5(%arg0: i32) -> (i32, i32) {
    %c0_i32 = arith.constant 0 : i32
    %c0_i32_0 = arith.constant 0 : i32
    return %arg0, %c0_i32 : i32, i32
  }
  func.func @transform_6(%arg0: i32) -> (i32, i32) {
    %c0_i32 = arith.constant 0 : i32
    %c0_i32_0 = arith.constant 0 : i32
    %c0_i32_1 = arith.constant 0 : i32
    return %c0_i32, %c0_i32_0 : i32, i32
  }
  func.func @transform_7(%arg0: i32) -> (i32, i32) {
    %c0_i32 = arith.constant 0 : i32
    %c0_i32_0 = arith.constant 0 : i32
    %c0_i32_1 = arith.constant 0 : i32
    return %c0_i32, %c0_i32_0 : i32, i32
  }
  func.func @transform_8(%arg0: i32) -> (i32, i32) {
    %c0_i32 = arith.constant 0 : i32
    %c0_i32_0 = arith.constant 0 : i32
    %c0_i32_1 = arith.constant 0 : i32
    return %c0_i32, %c0_i32_0 : i32, i32
  }
  func.func @transform_9(%arg0: i32) -> (i32, i32) {
    %c0_i32 = arith.constant 0 : i32
    %c0_i32_0 = arith.constant 0 : i32
    %c0_i32_1 = arith.constant 0 : i32
    return %c0_i32, %c0_i32_0 : i32, i32
  }
  func.func @transform_10(%arg0: i32) -> (i32, i32) {
    %c0_i32 = arith.constant 0 : i32
    %c0_i32_0 = arith.constant 0 : i32
    %c0_i32_1 = arith.constant 0 : i32
    return %c0_i32, %c0_i32_0 : i32, i32
  }
  func.func @transform_11(%arg0: i32) -> (i32, i32) {
    %c0_i32 = arith.constant 0 : i32
    %c0_i32_0 = arith.constant 0 : i32
    %c0_i32_1 = arith.constant 0 : i32
    return %c0_i32, %c0_i32_0 : i32, i32
  }
  func.func @transform_12(%arg0: i32) -> (i32, i32) {
    %c0_i32 = arith.constant 0 : i32
    %c0_i32_0 = arith.constant 0 : i32
    return %arg0, %c0_i32 : i32, i32
  }
  func.func @transform_13(%arg0: i32) -> (i32, i32) {
    %c0_i32 = arith.constant 0 : i32
    %c0_i32_0 = arith.constant 0 : i32
    %c0_i32_1 = arith.constant 0 : i32
    return %c0_i32, %c0_i32_0 : i32, i32
  }
}

module attributes {stable_mosaic.version = 14 : i64} {
  func.func @_pre_body_norm(%arg0: i32, %arg1: memref<1280x128xf32, #tpu.memory_space<vmem>>, %arg2: memref<8x128xf32, #tpu.memory_space<vmem>>, %arg3: memref<1280x25xf32, #tpu.memory_space<vmem>>, %arg4: memref<1280x1xf32, #tpu.memory_space<vmem>>, %arg5: memref<1280x2xf32, #tpu.memory_space<vmem>>, %arg6: memref<128x128xf32, #tpu.memory_space<vmem>>, %arg7: memref<128x128xf32, #tpu.memory_space<vmem>>, %arg8: memref<25x128xf32, #tpu.memory_space<vmem>>, %arg9: memref<1x128xf32, #tpu.memory_space<vmem>>, %arg10: memref<2x128xf32, #tpu.memory_space<vmem>>, %arg11: memref<1x128xf32, #tpu.memory_space<vmem>>, %arg12: memref<1280x128xf32, #tpu.memory_space<vmem>>, %arg13: memref<2x1280x64xf32, #tpu.memory_space<vmem>>) attributes {dimension_semantics = [#tpu.dimension_semantics<arbitrary>], iteration_bounds = array<i64: 8>, scalar_prefetch = 0 : i64, scratch_operands = 0 : i64, tpu.core_type = #tpu.core_type<tc>, window_params = [{transform_indices = @transform_0, window_bounds = array<i64: 1280, 128>}, {pipeline_mode = #tpu.pipeline_mode<synchronous>, transform_indices = @transform_1, window_bounds = array<i64: 8, 128>}, {transform_indices = @transform_2, window_bounds = array<i64: 1280, 25>}, {transform_indices = @transform_3, window_bounds = array<i64: 1280, 1>}, {transform_indices = @transform_4, window_bounds = array<i64: 1280, 2>}, {pipeline_mode = #tpu.pipeline_mode<synchronous>, transform_indices = @transform_5, window_bounds = array<i64: 128, 128>}, {pipeline_mode = #tpu.pipeline_mode<synchronous>, transform_indices = @transform_6, window_bounds = array<i64: 128, 128>}, {pipeline_mode = #tpu.pipeline_mode<synchronous>, transform_indices = @transform_7, window_bounds = array<i64: 25, 128>}, {pipeline_mode = #tpu.pipeline_mode<synchronous>, transform_indices = @transform_8, window_bounds = array<i64: 1, 128>}, {pipeline_mode = #tpu.pipeline_mode<synchronous>, transform_indices = @transform_9, window_bounds = array<i64: 2, 128>}, {pipeline_mode = #tpu.pipeline_mode<synchronous>, transform_indices = @transform_10, window_bounds = array<i64: 1, 128>}, {transform_indices = @transform_11, window_bounds = array<i64: 1280, 128>}, {transform_indices = @transform_12, window_bounds = array<i64: 2, 1280, 64>}]} {
    %get3A = arith.constant 0 : index
    %get3A_0 = arith.constant 0 : index
    %get3A_1 = vector.load %arg2[%get3A, %get3A_0] : memref<8x128xf32, #tpu.memory_space<vmem>>, vector<1x128xf32>
    %mul3A = arith.constant 9.99999974E-5 : f32
    %mul3A_2 = vector.broadcast %mul3A : f32 to vector<1x128xf32>
    %mul3A_3 = arith.mulf %get3A_1, %mul3A_2 : vector<1x128xf32>
    %get3A_4 = arith.constant 1 : index
    %get3A_5 = arith.constant 0 : index
    %get3A_6 = vector.load %arg2[%get3A_4, %get3A_5] : memref<8x128xf32, #tpu.memory_space<vmem>>, vector<1x128xf32>
    %mul3A_7 = arith.constant 9.99999974E-5 : f32
    %mul3A_8 = vector.broadcast %mul3A_7 : f32 to vector<1x128xf32>
    %mul3A_9 = arith.mulf %get3A_6, %mul3A_8 : vector<1x128xf32>
    %mul3A_10 = arith.mulf %mul3A_3, %mul3A_3 : vector<1x128xf32>
    %sub3A = arith.subf %mul3A_9, %mul3A_10 : vector<1x128xf32>
    %add3A = arith.constant 9.99999974E-6 : f32
    %add3A_11 = vector.broadcast %add3A : f32 to vector<1x128xf32>
    %add3A_12 = arith.addf %sub3A, %add3A_11 : vector<1x128xf32>
    %rsqrt3A = math.rsqrt %add3A_12 : vector<1x128xf32>
    %get3A_13 = arith.constant 0 : index
    %get3A_14 = arith.constant 0 : index
    %get3A_15 = vector.load %arg1[%get3A_13, %get3A_14] : memref<1280x128xf32, #tpu.memory_space<vmem>>, vector<1280x128xf32>
    %sub3A_16 = vector.broadcast %mul3A_3 : vector<1x128xf32> to vector<1280x128xf32>
    %sub3A_17 = arith.subf %get3A_15, %sub3A_16 : vector<1280x128xf32>
    %mul3A_18 = vector.broadcast %rsqrt3A : vector<1x128xf32> to vector<1280x128xf32>
    %mul3A_19 = arith.mulf %sub3A_17, %mul3A_18 : vector<1280x128xf32>
    %get3A_20 = arith.constant 0 : index
    %get3A_21 = arith.constant 0 : index
    %get3A_22 = vector.load %arg3[%get3A_20, %get3A_21] : memref<1280x25xf32, #tpu.memory_space<vmem>>, vector<1280x25xf32>
    %get3A_23 = arith.constant 0 : index
    %get3A_24 = arith.constant 0 : index
    %get3A_25 = vector.load %arg8[%get3A_23, %get3A_24] : memref<25x128xf32, #tpu.memory_space<vmem>>, vector<25x128xf32>
    %dot_general3A = arith.constant dense<0.000000e+00> : vector<1280x128xf32>
    %dot_general3A_26 = tpu.matmul %get3A_22, %get3A_25, %dot_general3A {dimension_numbers = #tpu.dot_dimension_numbers<[1], [0], [0], [1], [0, 0, 1, 1], [], []>, transpose_lhs_hint = false} : vector<1280x25xf32>, vector<25x128xf32>, vector<1280x128xf32> -> vector<1280x128xf32>
    %get3A_27 = arith.constant 0 : index
    %get3A_28 = arith.constant 0 : index
    %get3A_29 = vector.load %arg4[%get3A_27, %get3A_28] : memref<1280x1xf32, #tpu.memory_space<vmem>>, vector<1280x1xf32>
    %get3A_30 = arith.constant 0 : index
    %get3A_31 = arith.constant 0 : index
    %get3A_32 = vector.load %arg9[%get3A_30, %get3A_31] : memref<1x128xf32, #tpu.memory_space<vmem>>, vector<1x128xf32>
    %dot_general3A_33 = arith.constant dense<0.000000e+00> : vector<1280x128xf32>
    %dot_general3A_34 = tpu.matmul %get3A_29, %get3A_32, %dot_general3A_33 {dimension_numbers = #tpu.dot_dimension_numbers<[1], [0], [0], [1], [0, 0, 1, 1], [], []>, transpose_lhs_hint = false} : vector<1280x1xf32>, vector<1x128xf32>, vector<1280x128xf32> -> vector<1280x128xf32>
    %add3A_35 = arith.addf %dot_general3A_26, %dot_general3A_34 : vector<1280x128xf32>
    %swap3A = arith.constant 0 : index
    %swap3A_36 = arith.constant 0 : index
    %swap3A_37 = vector.load %arg12[%swap3A, %swap3A_36] : memref<1280x128xf32, #tpu.memory_space<vmem>>, vector<1280x128xf32>
    tpu.vector_store %arg12[%swap3A, %swap3A_36], %mul3A_19 {strides = array<i32>} : memref<1280x128xf32, #tpu.memory_space<vmem>>, vector<1280x128xf32>,
    %get3A_38 = arith.constant 0 : index
    %get3A_39 = arith.constant 0 : index
    %get3A_40 = vector.load %arg6[%get3A_38, %get3A_39] : memref<128x128xf32, #tpu.memory_space<vmem>>, vector<128x128xf32>
    %dot_general3A_41 = arith.constant dense<0.000000e+00> : vector<1280x128xf32>
    %dot_general3A_42 = tpu.matmul %mul3A_19, %get3A_40, %dot_general3A_41 {dimension_numbers = #tpu.dot_dimension_numbers<[1], [0], [0], [1], [0, 0, 1, 1], [], []>, transpose_lhs_hint = false} : vector<1280x128xf32>, vector<128x128xf32>, vector<1280x128xf32> -> vector<1280x128xf32>
    %add3A_43 = arith.addf %dot_general3A_42, %add3A_35 : vector<1280x128xf32>
    %get3A_44 = arith.constant 0 : index
    %get3A_45 = arith.constant 0 : index
    %get3A_46 = vector.load %arg5[%get3A_44, %get3A_45] : memref<1280x2xf32, #tpu.memory_space<vmem>>, vector<1280x2xf32>
    %get3A_47 = arith.constant 0 : index
    %get3A_48 = arith.constant 0 : index
    %get3A_49 = vector.load %arg10[%get3A_47, %get3A_48] : memref<2x128xf32, #tpu.memory_space<vmem>>, vector<2x128xf32>
    %dot_general3A_50 = arith.constant dense<0.000000e+00> : vector<1280x128xf32>
    %dot_general3A_51 = tpu.matmul %get3A_46, %get3A_49, %dot_general3A_50 {dimension_numbers = #tpu.dot_dimension_numbers<[1], [0], [0], [1], [0, 0, 1, 1], [], []>, transpose_lhs_hint = false} : vector<1280x2xf32>, vector<2x128xf32>, vector<1280x128xf32> -> vector<1280x128xf32>
    %add3A_52 = arith.addf %add3A_43, %dot_general3A_51 : vector<1280x128xf32>
    %get3A_53 = arith.constant 0 : index
    %get3A_54 = arith.constant 0 : index
    %get3A_55 = vector.load %arg11[%get3A_53, %get3A_54] : memref<1x128xf32, #tpu.memory_space<vmem>>, vector<1x128xf32>
    %add3A_56 = vector.broadcast %get3A_55 : vector<1x128xf32> to vector<1280x128xf32>
    %add3A_57 = arith.addf %add3A_52, %add3A_56 : vector<1280x128xf32>
    %slice3A = vector.extract_strided_slice %add3A_57 {offsets = [0, 0], sizes = [1280, 64], strides = [1, 1]} : vector<1280x128xf32> to vector<1280x64xf32>
    %convert_element_type3A = arith.truncf %slice3A : vector<1280x64xf32> to vector<1280x64xbf16>
    %slice3A_58 = vector.extract_strided_slice %add3A_57 {offsets = [0, 64], sizes = [1280, 64], strides = [1, 1]} : vector<1280x128xf32> to vector<1280x64xf32>
    %convert_element_type3A_59 = arith.truncf %slice3A_58 : vector<1280x64xf32> to vector<1280x64xbf16>
    %bitcast_convert_type3A = tpu.bitcast %convert_element_type3A : vector<1280x64xbf16> -> vector<1280x64xi16>
    %convert_element_type3A_60 = arith.extui %bitcast_convert_type3A : vector<1280x64xi16> to vector<1280x64xi32>
    %bitcast_convert_type3A_61 = tpu.bitcast %convert_element_type3A_59 : vector<1280x64xbf16> -> vector<1280x64xi16>
    %convert_element_type3A_62 = arith.extui %bitcast_convert_type3A_61 : vector<1280x64xi16> to vector<1280x64xi32>
    %shift_left3A = arith.constant 16 : i32
    %shift_left3A_63 = vector.broadcast %shift_left3A : i32 to vector<1280x64xi32>
    %shift_left3A_64 = arith.shli %convert_element_type3A_60, %shift_left3A_63 : vector<1280x64xi32>
    %or3A = arith.ori %shift_left3A_64, %convert_element_type3A_62 : vector<1280x64xi32>
    %bitcast_convert_type3A_65 = tpu.bitcast %or3A : vector<1280x64xi32> -> vector<1280x64xf32>
    %swap3A_66 = arith.constant 0 : index
    %swap3A_67 = arith.constant 0 : index
    %swap3A_68 = arith.constant 0 : index
    %swap3A_69 = vector.load %arg13[%swap3A_66, %swap3A_67, %swap3A_68] : memref<2x1280x64xf32, #tpu.memory_space<vmem>>, vector<1x1280x64xf32>
    %swap3A_70 = vector.shape_cast %swap3A_69 : vector<1x1280x64xf32> to vector<1280x64xf32>
    %swap3A_71 = vector.shape_cast %bitcast_convert_type3A_65 : vector<1280x64xf32> to vector<1x1280x64xf32>
    tpu.vector_store %arg13[%swap3A_66, %swap3A_67, %swap3A_68], %swap3A_71 {strides = array<i32>} : memref<2x1280x64xf32, #tpu.memory_space<vmem>>, vector<1x1280x64xf32>,
    %get3A_72 = arith.constant 0 : index
    %get3A_73 = arith.constant 0 : index
    %get3A_74 = vector.load %arg7[%get3A_72, %get3A_73] : memref<128x128xf32, #tpu.memory_space<vmem>>, vector<128x128xf32>
    %dot_general3A_75 = arith.constant dense<0.000000e+00> : vector<1280x128xf32>
    %dot_general3A_76 = tpu.matmul %mul3A_19, %get3A_74, %dot_general3A_75 {dimension_numbers = #tpu.dot_dimension_numbers<[1], [0], [0], [1], [0, 0, 1, 1], [], []>, transpose_lhs_hint = false} : vector<1280x128xf32>, vector<128x128xf32>, vector<1280x128xf32> -> vector<1280x128xf32>
    %sub3A_77 = arith.subf %dot_general3A_76, %add3A_35 : vector<1280x128xf32>
    %slice3A_78 = vector.extract_strided_slice %sub3A_77 {offsets = [0, 0], sizes = [1280, 64], strides = [1, 1]} : vector<1280x128xf32> to vector<1280x64xf32>
    %convert_element_type3A_79 = arith.truncf %slice3A_78 : vector<1280x64xf32> to vector<1280x64xbf16>
    %slice3A_80 = vector.extract_strided_slice %sub3A_77 {offsets = [0, 64], sizes = [1280, 64], strides = [1, 1]} : vector<1280x128xf32> to vector<1280x64xf32>
    %convert_element_type3A_81 = arith.truncf %slice3A_80 : vector<1280x64xf32> to vector<1280x64xbf16>
    %bitcast_convert_type3A_82 = tpu.bitcast %convert_element_type3A_79 : vector<1280x64xbf16> -> vector<1280x64xi16>
    %convert_element_type3A_83 = arith.extui %bitcast_convert_type3A_82 : vector<1280x64xi16> to vector<1280x64xi32>
    %bitcast_convert_type3A_84 = tpu.bitcast %convert_element_type3A_81 : vector<1280x64xbf16> -> vector<1280x64xi16>
    %convert_element_type3A_85 = arith.extui %bitcast_convert_type3A_84 : vector<1280x64xi16> to vector<1280x64xi32>
    %shift_left3A_86 = arith.constant 16 : i32
    %shift_left3A_87 = vector.broadcast %shift_left3A_86 : i32 to vector<1280x64xi32>
    %shift_left3A_88 = arith.shli %convert_element_type3A_83, %shift_left3A_87 : vector<1280x64xi32>
    %or3A_89 = arith.ori %shift_left3A_88, %convert_element_type3A_85 : vector<1280x64xi32>
    %bitcast_convert_type3A_90 = tpu.bitcast %or3A_89 : vector<1280x64xi32> -> vector<1280x64xf32>
    %swap3A_91 = arith.constant 1 : index
    %swap3A_92 = arith.constant 0 : index
    %swap3A_93 = arith.constant 0 : index
    %swap3A_94 = vector.load %arg13[%swap3A_91, %swap3A_92, %swap3A_93] : memref<2x1280x64xf32, #tpu.memory_space<vmem>>, vector<1x1280x64xf32>
    %swap3A_95 = vector.shape_cast %swap3A_94 : vector<1x1280x64xf32> to vector<1280x64xf32>
    %swap3A_96 = vector.shape_cast %bitcast_convert_type3A_90 : vector<1280x64xf32> to vector<1x1280x64xf32>
    tpu.vector_store %arg13[%swap3A_91, %swap3A_92, %swap3A_93], %swap3A_96 {strides = array<i32>} : memref<2x1280x64xf32, #tpu.memory_space<vmem>>, vector<1x1280x64xf32>,
    return
  }
  func.func @transform_0(%arg0: i32) -> (i32, i32) {
    %c0_i32 = arith.constant 0 : i32
    %c0_i32_0 = arith.constant 0 : i32
    return %arg0, %c0_i32 : i32, i32
  }
  func.func @transform_1(%arg0: i32) -> (i32, i32) {
    %c0_i32 = arith.constant 0 : i32
    %c0_i32_0 = arith.constant 0 : i32
    %c0_i32_1 = arith.constant 0 : i32
    return %c0_i32, %c0_i32_0 : i32, i32
  }
  func.func @transform_2(%arg0: i32) -> (i32, i32) {
    %c0_i32 = arith.constant 0 : i32
    %c0_i32_0 = arith.constant 0 : i32
    return %arg0, %c0_i32 : i32, i32
  }
  func.func @transform_3(%arg0: i32) -> (i32, i32) {
    %c0_i32 = arith.constant 0 : i32
    %c0_i32_0 = arith.constant 0 : i32
    return %arg0, %c0_i32 : i32, i32
  }
  func.func @transform_4(%arg0: i32) -> (i32, i32) {
    %c0_i32 = arith.constant 0 : i32
    %c0_i32_0 = arith.constant 0 : i32
    return %arg0, %c0_i32 : i32, i32
  }
  func.func @transform_5(%arg0: i32) -> (i32, i32) {
    %c0_i32 = arith.constant 0 : i32
    %c0_i32_0 = arith.constant 0 : i32
    %c0_i32_1 = arith.constant 0 : i32
    return %c0_i32, %c0_i32_0 : i32, i32
  }
  func.func @transform_6(%arg0: i32) -> (i32, i32) {
    %c0_i32 = arith.constant 0 : i32
    %c0_i32_0 = arith.constant 0 : i32
    %c0_i32_1 = arith.constant 0 : i32
    return %c0_i32, %c0_i32_0 : i32, i32
  }
  func.func @transform_7(%arg0: i32) -> (i32, i32) {
    %c0_i32 = arith.constant 0 : i32
    %c0_i32_0 = arith.constant 0 : i32
    %c0_i32_1 = arith.constant 0 : i32
    return %c0_i32, %c0_i32_0 : i32, i32
  }
  func.func @transform_8(%arg0: i32) -> (i32, i32) {
    %c0_i32 = arith.constant 0 : i32
    %c0_i32_0 = arith.constant 0 : i32
    %c0_i32_1 = arith.constant 0 : i32
    return %c0_i32, %c0_i32_0 : i32, i32
  }
  func.func @transform_9(%arg0: i32) -> (i32, i32) {
    %c0_i32 = arith.constant 0 : i32
    %c0_i32_0 = arith.constant 0 : i32
    %c0_i32_1 = arith.constant 0 : i32
    return %c0_i32, %c0_i32_0 : i32, i32
  }
  func.func @transform_10(%arg0: i32) -> (i32, i32) {
    %c0_i32 = arith.constant 0 : i32
    %c0_i32_0 = arith.constant 0 : i32
    %c0_i32_1 = arith.constant 0 : i32
    return %c0_i32, %c0_i32_0 : i32, i32
  }
  func.func @transform_11(%arg0: i32) -> (i32, i32) {
    %c0_i32 = arith.constant 0 : i32
    %c0_i32_0 = arith.constant 0 : i32
    return %arg0, %c0_i32 : i32, i32
  }
  func.func @transform_12(%arg0: i32) -> (i32, i32, i32) {
    %c0_i32 = arith.constant 0 : i32
    %c0_i32_0 = arith.constant 0 : i32
    %c0_i32_1 = arith.constant 0 : i32
    return %c0_i32, %arg0, %c0_i32_0 : i32, i32, i32
  }
}

module attributes {stable_mosaic.version = 14 : i64} {
  func.func @_dec_body(%arg0: i32, %arg1: memref<1280x128xf32, #tpu.memory_space<vmem>>, %arg2: memref<8x128xf32, #tpu.memory_space<vmem>>, %arg3: memref<1280x25xf32, #tpu.memory_space<vmem>>, %arg4: memref<1x1xf32, #tpu.memory_space<vmem>>, %arg5: memref<128x304xf32, #tpu.memory_space<vmem>>, %arg6: memref<1x304xf32, #tpu.memory_space<vmem>>, %arg7: memref<304x25xf32, #tpu.memory_space<vmem>>, %arg8: memref<1x1xf32, #tpu.memory_space<vmem>>, %arg9: memref<1280x25xf32, #tpu.memory_space<vmem>>) attributes {dimension_semantics = [#tpu.dimension_semantics<arbitrary>], iteration_bounds = array<i64: 8>, scalar_prefetch = 0 : i64, scratch_operands = 0 : i64, tpu.core_type = #tpu.core_type<tc>, window_params = [{transform_indices = @transform_0, window_bounds = array<i64: 1280, 128>}, {pipeline_mode = #tpu.pipeline_mode<synchronous>, transform_indices = @transform_1, window_bounds = array<i64: 8, 128>}, {transform_indices = @transform_2, window_bounds = array<i64: 1280, 25>}, {pipeline_mode = #tpu.pipeline_mode<synchronous>, transform_indices = @transform_3, window_bounds = array<i64: 1, 1>}, {pipeline_mode = #tpu.pipeline_mode<synchronous>, transform_indices = @transform_4, window_bounds = array<i64: 128, 304>}, {pipeline_mode = #tpu.pipeline_mode<synchronous>, transform_indices = @transform_5, window_bounds = array<i64: 1, 304>}, {pipeline_mode = #tpu.pipeline_mode<synchronous>, transform_indices = @transform_6, window_bounds = array<i64: 304, 25>}, {pipeline_mode = #tpu.pipeline_mode<synchronous>, transform_indices = @transform_7, window_bounds = array<i64: 1, 1>}, {transform_indices = @transform_8, window_bounds = array<i64: 1280, 25>}]} {
    %get3A = arith.constant 0 : index
    %get3A_0 = arith.constant 0 : index
    %get3A_1 = vector.load %arg2[%get3A, %get3A_0] : memref<8x128xf32, #tpu.memory_space<vmem>>, vector<1x128xf32>
    %mul3A = arith.constant 9.99999974E-5 : f32
    %mul3A_2 = vector.broadcast %mul3A : f32 to vector<1x128xf32>
    %mul3A_3 = arith.mulf %get3A_1, %mul3A_2 : vector<1x128xf32>
    %get3A_4 = arith.constant 1 : index
    %get3A_5 = arith.constant 0 : index
    %get3A_6 = vector.load %arg2[%get3A_4, %get3A_5] : memref<8x128xf32, #tpu.memory_space<vmem>>, vector<1x128xf32>
    %mul3A_7 = arith.constant 9.99999974E-5 : f32
    %mul3A_8 = vector.broadcast %mul3A_7 : f32 to vector<1x128xf32>
    %mul3A_9 = arith.mulf %get3A_6, %mul3A_8 : vector<1x128xf32>
    %mul3A_10 = arith.mulf %mul3A_3, %mul3A_3 : vector<1x128xf32>
    %sub3A = arith.subf %mul3A_9, %mul3A_10 : vector<1x128xf32>
    %add3A = arith.constant 9.99999974E-6 : f32
    %add3A_11 = vector.broadcast %add3A : f32 to vector<1x128xf32>
    %add3A_12 = arith.addf %sub3A, %add3A_11 : vector<1x128xf32>
    %rsqrt3A = math.rsqrt %add3A_12 : vector<1x128xf32>
    %get3A_13 = arith.constant 0 : index
    %get3A_14 = arith.constant 0 : index
    %get3A_15 = vector.load %arg1[%get3A_13, %get3A_14] : memref<1280x128xf32, #tpu.memory_space<vmem>>, vector<1280x128xf32>
    %sub3A_16 = vector.broadcast %mul3A_3 : vector<1x128xf32> to vector<1280x128xf32>
    %sub3A_17 = arith.subf %get3A_15, %sub3A_16 : vector<1280x128xf32>
    %mul3A_18 = vector.broadcast %rsqrt3A : vector<1x128xf32> to vector<1280x128xf32>
    %mul3A_19 = arith.mulf %sub3A_17, %mul3A_18 : vector<1280x128xf32>
    %get3A_20 = arith.constant 0 : index
    %get3A_21 = arith.constant 0 : index
    %get3A_22 = vector.load %arg5[%get3A_20, %get3A_21] : memref<128x304xf32, #tpu.memory_space<vmem>>, vector<128x304xf32>
    %dot_general3A = arith.constant dense<0.000000e+00> : vector<1280x304xf32>
    %dot_general3A_23 = tpu.matmul %mul3A_19, %get3A_22, %dot_general3A {dimension_numbers = #tpu.dot_dimension_numbers<[1], [0], [0], [1], [0, 0, 1, 1], [], []>, transpose_lhs_hint = false} : vector<1280x128xf32>, vector<128x304xf32>, vector<1280x304xf32> -> vector<1280x304xf32>
    %get3A_24 = arith.constant 0 : index
    %get3A_25 = arith.constant 0 : index
    %get3A_26 = vector.load %arg6[%get3A_24, %get3A_25] : memref<1x304xf32, #tpu.memory_space<vmem>>, vector<1x304xf32>
    %add3A_27 = vector.broadcast %get3A_26 : vector<1x304xf32> to vector<1280x304xf32>
    %add3A_28 = arith.addf %dot_general3A_23, %add3A_27 : vector<1280x304xf32>
    %neg3A = arith.constant 0.000000e+00 : f32
    %neg3A_29 = vector.broadcast %neg3A : f32 to vector<1280x304xf32>
    %neg3A_30 = arith.subf %neg3A_29, %add3A_28 : vector<1280x304xf32>
    %exp3A = math.exp %neg3A_30 : vector<1280x304xf32>
    %add3A_31 = arith.constant 1.000000e+00 : f32
    %add3A_32 = vector.broadcast %add3A_31 : f32 to vector<1280x304xf32>
    %add3A_33 = arith.addf %add3A_32, %exp3A : vector<1280x304xf32>
    %div3A = arith.constant 1.000000e+00 : f32
    %div3A_34 = vector.broadcast %div3A : f32 to vector<1280x304xf32>
    %div3A_35 = arith.divf %div3A_34, %add3A_33 : vector<1280x304xf32>
    %mul3A_36 = arith.mulf %add3A_28, %div3A_35 : vector<1280x304xf32>
    %get3A_37 = arith.constant 0 : index
    %get3A_38 = arith.constant 0 : index
    %get3A_39 = vector.load %arg7[%get3A_37, %get3A_38] : memref<304x25xf32, #tpu.memory_space<vmem>>, vector<304x25xf32>
    %dot_general3A_40 = arith.constant dense<0.000000e+00> : vector<1280x25xf32>
    %dot_general3A_41 = tpu.matmul %mul3A_36, %get3A_39, %dot_general3A_40 {dimension_numbers = #tpu.dot_dimension_numbers<[1], [0], [0], [1], [0, 0, 1, 1], [], []>, transpose_lhs_hint = false} : vector<1280x304xf32>, vector<304x25xf32>, vector<1280x25xf32> -> vector<1280x25xf32>
    %get3A_42 = arith.constant 0 : index
    %get3A_43 = arith.constant 0 : index
    %get3A_44 = vector.load %arg8[%get3A_42, %get3A_43] : memref<1x1xf32, #tpu.memory_space<vmem>>, vector<1x1xf32>
    %get3A_45 = vector.extract %get3A_44[0, 0] : f32 from vector<1x1xf32>
    %add3A_46 = vector.broadcast %get3A_45 : f32 to vector<1280x25xf32>
    %add3A_47 = arith.addf %dot_general3A_41, %add3A_46 : vector<1280x25xf32>
    %iota3A = tpu.iota {dimensions = array<i32: 1>} : vector<1x25xi32>
    %convert_element_type3A = arith.sitofp %iota3A : vector<1x25xi32> to vector<1x25xf32>
    %add3A_48 = arith.constant 1.000000e+00 : f32
    %add3A_49 = vector.broadcast %add3A_48 : f32 to vector<1x25xf32>
    %add3A_50 = arith.addf %convert_element_type3A, %add3A_49 : vector<1x25xf32>
    %get3A_51 = arith.constant 0 : index
    %get3A_52 = arith.constant 0 : index
    %get3A_53 = vector.load %arg4[%get3A_51, %get3A_52] : memref<1x1xf32, #tpu.memory_space<vmem>>, vector<1x1xf32>
    %get3A_54 = vector.extract %get3A_53[0, 0] : f32 from vector<1x1xf32>
    %mul3A_55 = vector.broadcast %get3A_54 : f32 to vector<1x25xf32>
    %mul3A_56 = arith.mulf %add3A_50, %mul3A_55 : vector<1x25xf32>
    %get3A_57 = arith.constant 0 : index
    %get3A_58 = arith.constant 24 : index
    %get3A_59 = vector.load %arg3[%get3A_57, %get3A_58] : memref<1280x25xf32, #tpu.memory_space<vmem>>, vector<1280x1xf32>
    %mul3A_60 = vector.broadcast %mul3A_56 : vector<1x25xf32> to vector<1280x25xf32>
    %mul3A_61 = arith.mulf %mul3A_60, %add3A_47 : vector<1280x25xf32>
    %add3A_62 = vector.broadcast %get3A_59 : vector<1280x1xf32> to vector<1280x25xf32>
    %add3A_63 = arith.addf %add3A_62, %mul3A_61 : vector<1280x25xf32>
    %swap3A = arith.constant 0 : index
    %swap3A_64 = arith.constant 0 : index
    %swap3A_65 = vector.load %arg9[%swap3A, %swap3A_64] : memref<1280x25xf32, #tpu.memory_space<vmem>>, vector<1280x25xf32>
    tpu.vector_store %arg9[%swap3A, %swap3A_64], %add3A_63 {strides = array<i32>} : memref<1280x25xf32, #tpu.memory_space<vmem>>, vector<1280x25xf32>,
    return
  }
  func.func @transform_0(%arg0: i32) -> (i32, i32) {
    %c0_i32 = arith.constant 0 : i32
    %c0_i32_0 = arith.constant 0 : i32
    return %arg0, %c0_i32 : i32, i32
  }
  func.func @transform_1(%arg0: i32) -> (i32, i32) {
    %c0_i32 = arith.constant 0 : i32
    %c0_i32_0 = arith.constant 0 : i32
    %c0_i32_1 = arith.constant 0 : i32
    return %c0_i32, %c0_i32_0 : i32, i32
  }
  func.func @transform_2(%arg0: i32) -> (i32, i32) {
    %c0_i32 = arith.constant 0 : i32
    %c0_i32_0 = arith.constant 0 : i32
    return %arg0, %c0_i32 : i32, i32
  }
  func.func @transform_3(%arg0: i32) -> (i32, i32) {
    %c0_i32 = arith.constant 0 : i32
    %c0_i32_0 = arith.constant 0 : i32
    %c0_i32_1 = arith.constant 0 : i32
    return %c0_i32, %c0_i32_0 : i32, i32
  }
  func.func @transform_4(%arg0: i32) -> (i32, i32) {
    %c0_i32 = arith.constant 0 : i32
    %c0_i32_0 = arith.constant 0 : i32
    %c0_i32_1 = arith.constant 0 : i32
    return %c0_i32, %c0_i32_0 : i32, i32
  }
  func.func @transform_5(%arg0: i32) -> (i32, i32) {
    %c0_i32 = arith.constant 0 : i32
    %c0_i32_0 = arith.constant 0 : i32
    %c0_i32_1 = arith.constant 0 : i32
    return %c0_i32, %c0_i32_0 : i32, i32
  }
  func.func @transform_6(%arg0: i32) -> (i32, i32) {
    %c0_i32 = arith.constant 0 : i32
    %c0_i32_0 = arith.constant 0 : i32
    %c0_i32_1 = arith.constant 0 : i32
    return %c0_i32, %c0_i32_0 : i32, i32
  }
  func.func @transform_7(%arg0: i32) -> (i32, i32) {
    %c0_i32 = arith.constant 0 : i32
    %c0_i32_0 = arith.constant 0 : i32
    %c0_i32_1 = arith.constant 0 : i32
    return %c0_i32, %c0_i32_0 : i32, i32
  }
  func.func @transform_8(%arg0: i32) -> (i32, i32) {
    %c0_i32 = arith.constant 0 : i32
    %c0_i32_0 = arith.constant 0 : i32
    return %arg0, %c0_i32 : i32, i32
  }
}

</mosaic_0001>

<sc_bundles>
// kernel: kernel.25.cloned.1.call-start
scs
__scs_entry_jumppad:
0x0: {  	(pc) =	sbr.rel $0x88, $3  }
0x1: {  	(tag) =	ssettag $0x0;
	lr =	simm.s32 $0x1  }
0x2: {  	[smem:$0x3F8C] =	sst lr;
	_ =	strace $0xD0000000  }
0x3: {  	_ = 	snop  }
0x4: {  	_ = 	snop  }
0x5: {  	_ = 	snop  }
0x6: {  	_ = 	snop  }
0x7: {  	_ = 	snop  }
__scs_overlays_trampoline_lowered:
0x8: {  	[smem:$0x3F9B] =	sst s0  }
0x9: {  	[smem:$0x3F9C] =	sst s1  }
0xa: {  	[smem:$0x3F9D] =	sst s2  }
0xb: {  	[smem:$0x3F9E] =	sst s3  }
0xc: {  	[smem:$0x3F9F] =	sst s4  }
0xd: {  	[smem:$0x3FA0] =	sst s5  }
0xe: {  	[smem:$0x3FA1] =	sst s6  }
0xf: {  	[smem:$0x3FA2] =	sst s7  }
0x10: {  	[smem:$0x3FA3] =	sst s8  }
0x11: {  	[smem:$0x3FA4] =	sst s9;
	s0 =	simm.s32 @!p0 $0x0  }
0x12: {  	s1 =	sld [smem:$0x3F8A];
	s0 =	simm.s32 @p0 $0x1  }
0x13: {  	[smem:$0x3FA5] =	sst s0;
	s0 =	simm.s32 @!p1 $0x0  }
0x14: {  	s2 =	sld [smem:$0x3F89];
	s0 =	simm.s32 @p1 $0x1  }
0x15: {  	[smem:$0x3FA6] =	sst s0;
	s0 =	simm.s32 @!p2 $0x0  }
0x16: {  	s3 =	sld [smem:$0x3FDB];
	s0 =	simm.s32 @p2 $0x1  }
0x17: {  	s4 =	simm.s32 $0x1BF5;
	[smem:$0x3FA8] =	sst s0  }
0x18: {  	s0 =	sld [smem:$0x3F8B];
	_ =	swait.ge [sflag:s4], $0x0  }
0x19: {  	s7 =	sld [smem:$0x3F8C]  }
0x1a: {  	s8 =	sadd.s32 $0xFFFFE003, lr  }
0x1b: {  	s9 =	sadd.s32 $0xFFFFFEF7, lr;
	s5 =	simm.s32 $0xFFFFFFFF;
	p2 =	slt.u32 s8, $0xFFFFF086  }
0x1c: {  	p1 =	slt.u32 s9, $0xF7A;
	s5 =	simm.s32 @!p2 $0x0  }
0x1d: {  	s5 =	simm.s32 @p1 $0x1;
	p0 =	seq.s32 s7, s2  }
0x1e: {  	s7 =	smul.u32 @!p0 $0xF7A, s2;
	p2 =	seq.s32 @!p0 s5, $0x0  }
0x1f: {  	s9 =	smul.u32 $0xF7A, s1;
	s8 =	simm.s32 @!p0 $0x1BF5;
	p2 =	por !p2, p0  }
0x20: {  	[sflag:s8] =	ssyncset.s32 @!p0 $0xFFFFF086;
	s6 =	sadd.s32 @!p0 s3, s7;
	s7 =	simm.s32 @!p0 $0x108  }
0x21: {  	s3 =	sadd.s32 s3, s9;
	s6 =	sadd.s32 @!p0 $0x88, s6;
	s7 =	simm.s32 @p2 $0x1082  }
0x22: {  	[simem:s7], [sflag:s8] =	dma.local @!p0 [hbm:s6], $0xF7A  }
0x23: {  	s9 =	sor.u32 $0xD0000000, s2;
	s6 =	simm.s32 $0x108;
	_ =	swait.ge @!p0 [sflag:s8], $0x0  }
0x24: {  	s3 =	sadd.s32 $0x88, s3;
	s6 =	simm.s32 @!p1 $0x1082;
	[sflag:s4] =	ssyncset.s32 $0xFFFFF086  }
0x25: {  	[simem:s6], [sflag:s4] =	dma.local [hbm:s3], $0xF7A  }
0x26: {  	[smem:$0x3F8C] =	sst s1;
	(tag) =	ssettag s2;
	_ =	strace s9  }
0x27: {  	s1 =	sld [smem:$0x3F9C]  }
0x28: {  	s2 =	sld [smem:$0x3F9D]  }
0x29: {  	s4 =	sld [smem:$0x3F9F]  }
0x2a: {  	p0 =	seq.s32 s5, $0x0;
	s5 =	sld [smem:$0x3FA0]  }
0x2b: {  	s6 =	sld [smem:$0x3FA1]  }
0x2c: {  	s7 =	sld [smem:$0x3FA2]  }
0x2d: {  	s3 =	simm.s32 $0x108;
	s8 =	sld [smem:$0x3FA3]  }
0x2e: {  	s3 =	simm.s32 @!p0 $0x1082;
	s9 =	sld [smem:$0x3FA4]  }
0x2f: {  	lr =	sadd.s32 s0, s3;
	s0 =	sld [smem:$0x3F9B]  }
0x30: {  	s3 =	sld [smem:$0x3F9E]  }
0x31: {  	[smem:$0x3FA7] =	sst s10  }
0x32: {  	s10 =	sld [smem:$0x3FA5];
	_ =	sdelay $0x3  }
0x33: {  	p0 =	seq.s32 s10, $0x1;
	s10 =	sld [smem:$0x3FA7];
	_ =	sdelay $0x3  }
0x34: {  	[smem:$0x3FA7] =	sst s10  }
0x35: {  	s10 =	sld [smem:$0x3FA6];
	_ =	sdelay $0x3  }
0x36: {  	p1 =	seq.s32 s10, $0x1;
	s10 =	sld [smem:$0x3FA7];
	_ =	sdelay $0x3  }
0x37: {  	[smem:$0x3FA7] =	sst s10  }
0x38: {  	s10 =	sld [smem:$0x3FA8]  }
0x39: {  	_ = 	snop;
	(pc) =	sbr.ind lr, $3  }
0x3a: {  	_ = 	snop  }
0x3b: {  	_ = 	snop  }
0x3c: {  	p2 =	seq.s32 s10, $0x1;
	s10 =	sld [smem:$0x3FA7]  }
0x3d: {  	_ =	shalt  }
0x3e: {  	_ =	shalt  }
0x3f: {  	_ =	shalt  }
0x40: {  	_ =	shalt  }
0x41: {  	_ =	shalt  }
0x42: {  	_ =	shalt  }
0x43: {  	_ =	shalt  }
0x44: {  	_ =	shalt  }
0x45: {  	_ =	shalt  }
0x46: {  	_ =	shalt  }
0x47: {  	_ =	shalt  }
0x48: {  	_ =	shalt  }
0x49: {  	_ =	shalt  }
0x4a: {  	_ =	shalt  }
0x4b: {  	_ =	shalt  }
0x4c: {  	_ =	shalt  }
0x4d: {  	_ =	shalt  }
0x4e: {  	_ =	shalt  }
0x4f: {  	_ =	shalt  }
0x50: {  	_ =	shalt  }
0x51: {  	_ =	shalt  }
0x52: {  	_ =	shalt  }
0x53: {  	_ =	shalt  }
0x54: {  	_ =	shalt  }
0x55: {  	_ =	shalt  }
0x56: {  	_ =	shalt  }
0x57: {  	_ =	shalt  }
0x58: {  	_ =	shalt  }
0x59: {  	_ =	shalt  }
0x5a: {  	_ =	shalt  }
0x5b: {  	_ =	shalt  }
0x5c: {  	_ =	shalt  }
0x5d: {  	_ =	shalt  }
0x5e: {  	_ =	shalt  }
0x5f: {  	_ =	shalt  }
0x60: {  	_ =	shalt  }
0x61: {  	_ =	shalt  }
0x62: {  	_ =	shalt  }
0x63: {  	_ =	shalt  }
0x64: {  	_ =	shalt  }
0x65: {  	_ =	shalt  }
0x66: {  	_ =	shalt  }
0x67: {  	_ =	shalt  }
0x68: {  	_ =	shalt  }
0x69: {  	_ =	shalt  }
0x6a: {  	_ =	shalt  }
0x6b: {  	_ =	shalt  }
0x6c: {  	_ =	shalt  }
0x6d: {  	_ =	shalt  }
0x6e: {  	_ =	shalt  }
0x6f: {  	_ =	shalt  }
0x70: {  	_ =	shalt  }
0x71: {  	_ =	shalt  }
0x72: {  	_ =	shalt  }
0x73: {  	_ =	shalt  }
0x74: {  	_ =	shalt  }
0x75: {  	_ =	shalt  }
0x76: {  	_ =	shalt  }
0x77: {  	_ =	shalt  }
0x78: {  	_ =	shalt  }
0x79: {  	_ =	shalt  }
0x7a: {  	_ =	shalt  }
0x7b: {  	_ =	shalt  }
0x7c: {  	_ =	shalt  }
0x7d: {  	_ =	shalt  }
0x7e: {  	_ =	shalt  }
0x7f: {  	_ =	shalt  }
0x80: {  	_ =	shalt  }
0x81: {  	_ =	shalt  }
0x82: {  	_ =	shalt  }
0x83: {  	_ =	shalt  }
0x84: {  	_ =	shalt  }
0x85: {  	_ =	shalt  }
0x86: {  	_ =	shalt  }
0x87: {  	_ =	shalt  }
.Lfunc_end0:
.L_simem_size_0:
called_computation_lowered:
.L_overlay_start_0:
0x88: {  	s2 =	sld [smem:$0x3FD9]  }
0x89: {  	s3 =	sld [smem:$0x3FFE];
	_ =	sdelay $0x1  }
0x8a: {  	s1 =	srdreg.scid  }
0x8b: {  	s0 =	sand.u32 $0x1, s1  }
0x8c: {  	s16 =	sshll.u32 s0, $0xA;
	s2 =	sadd.s32 s3, s2  }
0x8d: {  	s2 =	sadd.s32 s2, s16  }
0x8e: {  	[smem:$0x3FB3] =	sst s2  }
0x8f: {  	_ = 	snop  }
0x90: {  	(tm) =	ssettm $0x1  }
0x91: {  	s17 =	sld [smem:$0x3FFB];
	_ =	sdelay $0x3  }
0x92: {  	_ =	strace s17  }
0x93: {  	s2 =	sld [smem:$0x3FFC];
	_ =	sdelay $0x3  }
0x94: {  	_ =	strace s2  }
0x95: {  	s2 =	sld [smem:$0x3FFD];
	_ =	sdelay $0x3  }
0x96: {  	_ =	strace s2  }
0x97: {  	_ =	strace $0x8FFFFFFF  }
0x98: {  	s18 =	sld [smem:$0x3FDB];
	_ =	sdelay $0x1  }
0x99: {  	s19 =	simm.s32 $_scs_section_size  }
0x9a: {  	s4 =	simm.s32 $_size__tile_overlayer_lowered;
	s5 =	simm.s32 $_tile_overlayer_lowered  }
0x9b: {  	s22 =	simm.s32 $0x1BFF;
	s21 =	sshll.u32 s5, $0x1;
	s2 =	sadd.s32 s19, s18  }
0x9c: {  	s6 =	simm.s32 $0x0;
	s20 =	sshll.u32 s4, $0x1;
	s4 =	sadd.s32 s21, s2  }
0x9d: {  	[timem:s6], [sflag:s22] =	dma.local [hbm:s4], s20  }
0x9e: {  	_ =	swait.ge [sflag:s22], s20  }
0x9f: {  	s3 =	ssub.s32 $0x0, s20;
	[sflag:s22] =	ssyncset.done $0x0  }
0xa0: {  	[sflag:s22] =	ssyncadd.s32 s3;
	_ =	sdelay $0x1  }
0xa1: {  	s23 =	simm.s32 $0x1B8B  }
0xa2: {  	_ =	swait.ge [sflag:s23], $0x1  }
0xa3: {  	[sflag:s23] =	ssyncset.done $0x0  }
0xa4: {  	s25 =	simm.s32 $0x1B8E;
	s24 =	sld [smem:$0x3FFE];
	[sflag:s23] =	ssyncadd.s32 $0xFFFFFFFF  }
0xa5: {  	s26 =	simm.s32 $execute0_lowered;
	[smem:$0x3FD2] =	sst s25  }
0xa6: {  	s4 =	sshll.u32 s26, $0x1;
	_ =	strace $0x80000046;
	[dreg:$0x1] =	wrdreg $0xFFFFFFFF  }
0xa7: {  	s28 =	simm.s32 $_size_execute0_lowered;
	s2 =	sadd.s32 s2, s4;
	[dreg:$0x0] =	wrdreg $0x0  }
0xa8: {  	s4 =	sshll.u32 s28, $0x1;
	[dreg:$0x2] =	wrdreg s2  }
0xa9: {  	[dreg:$0x3] =	wrdreg s4  }
0xaa: {  	[dreg:$0x4] =	wrdreg $0xC0  }
0xab: {  	_ =	task [dreg:s6], $0x5FFFF  }
0xac: {  	[dreg:$0x1] =	wrdreg $0xFFFFFFFF  }
0xad: {  	[dreg:$0x0] =	wrdreg $0x60  }
0xae: {  	[dreg:$0x2] =	wrdreg s24  }
0xaf: {  	[dreg:$0x3] =	wrdreg $0xA8000  }
0xb0: {  	[dreg:$0x4] =	wrdreg $0xA  }
0xb1: {  	_ =	task.clear_ibuf [dreg:s6], $0x5FFFF;
	_ =	strace $0x90000046  }
0xb2: {  	s29 =	simm.s32 $0xA;
	_ =	strace $0x80000048  }
0xb3: {  	_ =	swait.ge [sflag:s29], $0x1  }
0xb4: {  	[sflag:s29] =	ssyncadd.s32 $0xFFFFFFFF  }
0xb5: {  	_ =	strace $0x90000048  }
0xb6: {  	_ =	sfence  }
0xb7: {  	s30 =	sld [smem:$0x0];
	_ =	sdelay $0x2  }
0xb8: {  	s31 =	sshll.u32 s1, $0xD;
	s1 =	sshrl.u32 s1, $0x2  }
0xb9: {  	s3 =	sand.u32 $0x4000, s31;
	s1 =	sadd.s32 s1, s30  }
0xba: {  	s0 =	sor.u32 s3, s0;
	s1 =	sshll.u32 s1, $0x11  }
0xbb: {  	s0 =	sor.u32 s1, s0  }
0xbc: {  	s0 =	sadd.s32 $0x8F2B, s0  }
0xbd: {  	[sflag:s0] =	ssyncadd.remote.s32 $0x1  }
0xbe: {  	_ =	sfence.sel $0xFFFF  }
0xbf: {  	[dreg:$0x0] =	wrdreg $0xFFFFFFFF;
	(pc) =	sbr.abs _section_cstart, $3  }
0xc0: {  	[dreg:$0x1] =	wrdreg $0xFFFFFFFF  }
0xc1: {  	_ =	task.clear_ibuf [dreg:s6], $0x2FFFF;
	_ =	strace $0x9FFFFFFF  }
0xc2: {  	(tm) =	ssettm $0x7FFFFFFF  }
0xc3: {  	_ =	shalt  }
tec
execute0_lowered:
.L_overlay_start_1:
0x0: {  	(tag) =	ssettag $0x1  }
0x1: {  	s4 =	rddreg [dreg:$0x0]  }
0x2: {  	s0 =	srdreg.scid;
	s2 =	rddreg [dreg:$0x1]  }
0x3: {  	s1 =	rddreg [dreg:$0x2];
	s5 =	sand.u32 $0x1, s0  }
0x4: {  	s3 =	simm.s32 $0x0;
	s0 =	stileid.u32;
	s6 =	smul.u32 $0x28000, s5  }
0x5: {  	s14 =	simm.s32 $0x80;
	s15 =	simm.s32 $0x2800;
	s7 =	smul.u32 $0x2800, s0  }
0x6: {  	s16 =	simm.s32 $0x6800;
	s17 =	simm.s32 $0x1;
	s22 =	smul.u32 $0x140000, s5  }
0x7: {  	s18 =	simm.s32 $0x2;
	s19 =	simm.s32 $0x0;
	s8 =	smul.u32 $0x14000, s0  }
0x8: {  	[smem:$0x7FF] =	sst s3;
	s12 =	sadd.s32 $0x10EE00, s4;
	s9 =	smul.u32 $0x50000, s0  }
0x9: {  	_ =	strace $0x80000047;
	s23 =	ssub.s32 $0x2, s5;
	s5 =	smul.u32 $0x1400000, s5  }
0xa: {  	s11 =	smul.u32 $0x140000, s0;
	s31 =	sshll.u32 s0, $0x6;
	s10 =	sshrl.u32 s23, $0x1  }
0xb: {  	s6 =	sadd.s32 s7, s6;
	s7 =	sadd.s32 s8, s22;
	s8 =	ssub.s32 s23, s10  }
0xc: {  	s24 =	sshrl.u32 s9, $0x2;
	s25 =	sadd.s32 s5, s11;
	s11 =	simm.s32 $0x3  }
0xd: {  	s6 =	sshrl.u32 s6, $0x3;
	s7 =	sshrl.u32 s7, $0x3;
	s13 =	sadd.s32 s24, s2  }
0xe: {  	s26 =	sshrl.u32 s25, $0x3;
	s28 =	sor.u32 $0x4000, s25;
	s29 =	sor.u32 $0xC000, s25  }
0xf: {  	s9 =	sor.u32 $0x8000, s25;
	s6 =	sadd.s32 s6, s4;
	s7 =	sadd.s32 s7, s4  }
0x10: {  	s10 =	sshrl.u32 s29, $0x3;
	s30 =	sshrl.u32 s9, $0x3;
	s13 =	sshrl.u32 s13, $0x3  }
0x11: {  	s4 =	sadd.s32 $0x8CE00, s6;
	s5 =	sadd.s32 $0x96E00, s7;
	s6 =	smax.u32 s8, $0x1  }
0x12: {  	s7 =	sadd.s32 s12, s26;
	s8 =	sshrl.u32 s28, $0x3;
	s9 =	sadd.s32 s10, s12  }
0x13: {  	s10 =	sadd.s32 s30, s12;
	s8 =	sadd.s32 s12, s8;
	s12 =	sor.u32 $0x1C03, s31  }
.LBB2_1:
0x14: {  	[tilespmem:s3], [sflag:$0x3] =	stream.linear.gather [hbm4b:s4+s3], $0x2800, $0x38;
	[tilespmem:$0x14800] =	vst v63  }
0x15: {  	_ =	swait.ge [sflag:s11], $0x2800  }
0x16: {  	[sflag:s11] =	ssyncset.done $0x0  }
0x17: {  	[sflag:s11] =	ssyncadd.s32 $0xFFFFD800  }
0x18: {  	[spmem:s13], [sflag:s12] =	dma.local [hbm:s5], $0x2800  }
0x19: {  	_ =	swait.ge [sflag:s11], $0x2800  }
0x1a: {  	[sflag:s11] =	ssyncset.done $0x0  }
0x1b: {  	[sflag:s11] =	ssyncadd.s32 $0xFFFFD800  }
0x1c: {  	[bflag:$0x0] =	sbarrier.arrive $0xFFFF  }
0x1d: {  	[tilespmem:s15], [sflag:$0x3] =	stream.indirect.gather [spmem:s2], $0x40, s3, s14, $0xb8;
	[tilespmem:$0x14800] =	vst v63  }
0x1e: {  	_ =	swait.ge [sflag:s11], $0x2000  }
0x1f: {  	[sflag:s11] =	ssyncset.done $0x0  }
0x20: {  	[sflag:s11] =	ssyncadd.s32 $0xFFFFE000  }
0x21: {  	[hbm4b:s7+s3] =	stream.linear.scatter [tilespmem:s15], [sflag:$0x1], $0x4000, $0x38;
	[tilespmem:$0x14800] =	vst v63  }
0x22: {  	_ = 	snop  }
0x23: {  	[tilespmem:s16], [sflag:$0x3] =	stream.indirect.gather [spmem:s2], $0x40, s14, s14, $0xb8;
	[tilespmem:$0x14800] =	vst v63  }
0x24: {  	_ =	swait.ge [sflag:s11], $0x2000  }
0x25: {  	[sflag:s11] =	ssyncset.done $0x0  }
0x26: {  	[sflag:s11] =	ssyncadd.s32 $0xFFFFE000  }
0x27: {  	[hbm4b:s8+s3] =	stream.linear.scatter [tilespmem:s16], [sflag:$0x2], $0x4000, $0x38;
	[tilespmem:$0x14800] =	vst v63  }
0x28: {  	_ =	swait.ge [sflag:s17], $0x4000  }
0x29: {  	[sflag:s17] =	ssyncset.done $0x0  }
0x2a: {  	s20 =	simm.s32 $0x100;
	[sflag:s17] =	ssyncadd.s32 $0xFFFFC000  }
0x2b: {  	[tilespmem:s15], [sflag:$0x3] =	stream.indirect.gather [spmem:s2], $0x40, s20, s14, $0xb8;
	[tilespmem:$0x14800] =	vst v63  }
0x2c: {  	_ =	swait.ge [sflag:s11], $0x2000  }
0x2d: {  	[sflag:s11] =	ssyncset.done $0x0  }
0x2e: {  	s30 =	sadd.s32 $0x0, s10;
	[sflag:s11] =	ssyncadd.s32 $0xFFFFE000  }
0x2f: {  	[hbm4b:s30+s3] =	stream.linear.scatter [tilespmem:s15], [sflag:$0x1], $0x4000, $0x38;
	[tilespmem:$0x14800] =	vst v63  }
0x30: {  	_ =	swait.ge [sflag:s18], $0x4000  }
0x31: {  	[sflag:s18] =	ssyncset.done $0x0  }
0x32: {  	s31 =	simm.s32 $0x180;
	[sflag:s18] =	ssyncadd.s32 $0xFFFFC000  }
0x33: {  	[tilespmem:s16], [sflag:$0x3] =	stream.indirect.gather [spmem:s2], $0x40, s31, s14, $0xb8;
	[tilespmem:$0x14800] =	vst v63  }
0x34: {  	_ =	swait.ge [sflag:s11], $0x2000  }
0x35: {  	s22 =	sadd.s32 $0x0, s9;
	[sflag:s11] =	ssyncset.done $0x0  }
0x36: {  	s21 =	simm.s32 $0x200;
	s20 =	simm.s32 $0x1000;
	[sflag:s11] =	ssyncadd.s32 $0xFFFFE000  }
.LBB2_2:
0x37: {  	[hbm4b:s22+s3] =	stream.linear.scatter [tilespmem:s16], [sflag:$0x2], $0x4000, $0x38;
	[tilespmem:$0x14800] =	vst v63  }
0x38: {  	s22 =	smov.u32 s20  }
0x39: {  	p0 =	sne.s32 s20, $0x26000;
	s20 =	sadd.s32 $0x1000, s20;
	_ =	swait.ge [sflag:s17], $0x4000  }
0x3a: {  	[sflag:s17] =	ssyncset.done $0x0  }
0x3b: {  	[sflag:s17] =	ssyncadd.s32 $0xFFFFC000  }
0x3c: {  	[tilespmem:s15], [sflag:$0x3] =	stream.indirect.gather [spmem:s2], $0x40, s21, s14, $0xb8;
	[tilespmem:$0x14800] =	vst v63  }
0x3d: {  	_ =	swait.ge [sflag:s11], $0x2000  }
0x3e: {  	[sflag:s11] =	ssyncset.done $0x0  }
0x3f: {  	s23 =	sadd.s32 s22, s10;
	[sflag:s11] =	ssyncadd.s32 $0xFFFFE000  }
0x40: {  	[hbm4b:s23+s3] =	stream.linear.scatter [tilespmem:s15], [sflag:$0x1], $0x4000, $0x38;
	[tilespmem:$0x14800] =	vst v63  }
0x41: {  	_ =	swait.ge [sflag:s18], $0x4000  }
0x42: {  	[sflag:s18] =	ssyncset.done $0x0  }
.Ltmp0:
0x43: {  	s23 =	sadd.s32 $0x80, s21;
	[sflag:s18] =	ssyncadd.s32 $0xFFFFC000;
	(pc) =	sbr.rel @p0 .LBB2_2-.Ltmp0, $4  }
0x44: {  	[tilespmem:s16], [sflag:$0x3] =	stream.indirect.gather [spmem:s2], $0x40, s23, s14, $0xb8;
	[tilespmem:$0x14800] =	vst v63  }
0x45: {  	_ =	swait.ge [sflag:s11], $0x2000  }
0x46: {  	[sflag:s11] =	ssyncset.done $0x0  }
0x47: {  	s22 =	sadd.s32 s22, s9;
	s21 =	sadd.s32 $0x100, s21;
	[sflag:s11] =	ssyncadd.s32 $0xFFFFE000  }
0x48: {  	[hbm4b:s22+s3] =	stream.linear.scatter [tilespmem:s16], [sflag:$0x2], $0x4000, $0x38;
	[tilespmem:$0x14800] =	vst v63  }
0x49: {  	s19 =	sadd.s32 $0x1, s19  }
0x4a: {  	_ =	swait.ge [sflag:s17], $0x4000;
	p0 =	sne.s32 s19, s6  }
.Ltmp1:
0x4b: {  	[sflag:s17] =	ssyncset.done $0x0;
	(pc) =	sbr.rel @p0 .LBB2_1-.Ltmp1, $4  }
0x4c: {  	[sflag:s17] =	ssyncadd.s32 $0xFFFFC000  }
0x4d: {  	_ =	swait.ge [sflag:s18], $0x4000  }
0x4e: {  	[sflag:s18] =	ssyncset.done $0x0  }
0x4f: {  	[sflag:s18] =	ssyncadd.s32 $0xFFFFC000  }
0x50: {  	_ =	sfence.sel $0x180000  }
0x51: {  	[bflag:$0x0] =	sbarrier.arrive $0xFFFF  }
0x52: {  	p0 =	sne.s32 s0, $0x0;
	_ =	strace $0x90000047  }
0x53: {  	s0 =	sadd.s32 @!p0 $0x100000, s1;
	[bflag:$0x2] =	sbarrier.arrive $0xFFFF  }
0x54: {  	[sflag:s0] =	ssyncadd.tile.s32 @!p0 $0x1;
	_ =	shalt  }
.Lfunc_end2:
_tile_overlayer_lowered:
.L_overlay_start_2:
0x55: {  	(tag) =	ssettag $0x2  }
0x56: {  	s0 =	rddreg [dreg:$0x0];
	s2 =	stileid.u32  }
0x57: {  	s1 =	rddreg [dreg:$0x1];
	p0 =	sne.s32 s2, $0x0  }
0x58: {  	s3 =	rddreg [dreg:$0x2];
	[bflag:$0x3] =	sbarrier.arrive $0xFFFF;
	s2 =	simm.s32 @!p0 $0x1C03  }
0x59: {  	[timem:s3], [sflag:s2] =	dma.local @!p0 [hbm:s0], s1  }
0x5a: {  	s0 =	simm.s32 @!p0 $0x3  }
0x5b: {  	_ =	swait.ge @!p0 [sflag:s0], s1  }
0x5c: {  	s1 =	ssub.s32 @!p0 $0x0, s1;
	[sflag:s0] =	ssyncset.done @!p0 $0x0  }
0x5d: {  	[sflag:s0] =	ssyncadd.s32 @!p0 s1  }
0x5e: {  	[bflag:$0x3] =	sbarrier.arrive $0xFFFF  }
0x5f: {  	_ =	shalt  }

// kernel: kernel.28.cloned.1.call-start
scs
__scs_entry_jumppad:
0x0: {  	(pc) =	sbr.rel $0x88, $3  }
0x1: {  	(tag) =	ssettag $0x0;
	lr =	simm.s32 $0x1  }
0x2: {  	[smem:$0x3F8C] =	sst lr;
	_ =	strace $0xD0000000  }
0x3: {  	_ = 	snop  }
0x4: {  	_ = 	snop  }
0x5: {  	_ = 	snop  }
0x6: {  	_ = 	snop  }
0x7: {  	_ = 	snop  }
__scs_overlays_trampoline_lowered:
0x8: {  	[smem:$0x3F9B] =	sst s0  }
0x9: {  	[smem:$0x3F9C] =	sst s1  }
0xa: {  	[smem:$0x3F9D] =	sst s2  }
0xb: {  	[smem:$0x3F9E] =	sst s3  }
0xc: {  	[smem:$0x3F9F] =	sst s4  }
0xd: {  	[smem:$0x3FA0] =	sst s5  }
0xe: {  	[smem:$0x3FA1] =	sst s6  }
0xf: {  	[smem:$0x3FA2] =	sst s7  }
0x10: {  	[smem:$0x3FA3] =	sst s8  }
0x11: {  	[smem:$0x3FA4] =	sst s9;
	s0 =	simm.s32 @!p0 $0x0  }
0x12: {  	s1 =	sld [smem:$0x3F8A];
	s0 =	simm.s32 @p0 $0x1  }
0x13: {  	[smem:$0x3FA5] =	sst s0;
	s0 =	simm.s32 @!p1 $0x0  }
0x14: {  	s2 =	sld [smem:$0x3F89];
	s0 =	simm.s32 @p1 $0x1  }
0x15: {  	[smem:$0x3FA6] =	sst s0;
	s0 =	simm.s32 @!p2 $0x0  }
0x16: {  	s3 =	sld [smem:$0x3FDB];
	s0 =	simm.s32 @p2 $0x1  }
0x17: {  	s4 =	simm.s32 $0x1BF5;
	[smem:$0x3FA8] =	sst s0  }
0x18: {  	s0 =	sld [smem:$0x3F8B];
	_ =	swait.ge [sflag:s4], $0x0  }
0x19: {  	s7 =	sld [smem:$0x3F8C]  }
0x1a: {  	s8 =	sadd.s32 $0xFFFFE003, lr  }
0x1b: {  	s9 =	sadd.s32 $0xFFFFFEF7, lr;
	s5 =	simm.s32 $0xFFFFFFFF;
	p2 =	slt.u32 s8, $0xFFFFF086  }
0x1c: {  	p1 =	slt.u32 s9, $0xF7A;
	s5 =	simm.s32 @!p2 $0x0  }
0x1d: {  	s5 =	simm.s32 @p1 $0x1;
	p0 =	seq.s32 s7, s2  }
0x1e: {  	s7 =	smul.u32 @!p0 $0xF7A, s2;
	p2 =	seq.s32 @!p0 s5, $0x0  }
0x1f: {  	s9 =	smul.u32 $0xF7A, s1;
	s8 =	simm.s32 @!p0 $0x1BF5;
	p2 =	por !p2, p0  }
0x20: {  	[sflag:s8] =	ssyncset.s32 @!p0 $0xFFFFF086;
	s6 =	sadd.s32 @!p0 s3, s7;
	s7 =	simm.s32 @!p0 $0x108  }
0x21: {  	s3 =	sadd.s32 s3, s9;
	s6 =	sadd.s32 @!p0 $0x88, s6;
	s7 =	simm.s32 @p2 $0x1082  }
0x22: {  	[simem:s7], [sflag:s8] =	dma.local @!p0 [hbm:s6], $0xF7A  }
0x23: {  	s9 =	sor.u32 $0xD0000000, s2;
	s6 =	simm.s32 $0x108;
	_ =	swait.ge @!p0 [sflag:s8], $0x0  }
0x24: {  	s3 =	sadd.s32 $0x88, s3;
	s6 =	simm.s32 @!p1 $0x1082;
	[sflag:s4] =	ssyncset.s32 $0xFFFFF086  }
0x25: {  	[simem:s6], [sflag:s4] =	dma.local [hbm:s3], $0xF7A  }
0x26: {  	[smem:$0x3F8C] =	sst s1;
	(tag) =	ssettag s2;
	_ =	strace s9  }
0x27: {  	s1 =	sld [smem:$0x3F9C]  }
0x28: {  	s2 =	sld [smem:$0x3F9D]  }
0x29: {  	s4 =	sld [smem:$0x3F9F]  }
0x2a: {  	p0 =	seq.s32 s5, $0x0;
	s5 =	sld [smem:$0x3FA0]  }
0x2b: {  	s6 =	sld [smem:$0x3FA1]  }
0x2c: {  	s7 =	sld [smem:$0x3FA2]  }
0x2d: {  	s3 =	simm.s32 $0x108;
	s8 =	sld [smem:$0x3FA3]  }
0x2e: {  	s3 =	simm.s32 @!p0 $0x1082;
	s9 =	sld [smem:$0x3FA4]  }
0x2f: {  	lr =	sadd.s32 s0, s3;
	s0 =	sld [smem:$0x3F9B]  }
0x30: {  	s3 =	sld [smem:$0x3F9E]  }
0x31: {  	[smem:$0x3FA7] =	sst s10  }
0x32: {  	s10 =	sld [smem:$0x3FA5];
	_ =	sdelay $0x3  }
0x33: {  	p0 =	seq.s32 s10, $0x1;
	s10 =	sld [smem:$0x3FA7];
	_ =	sdelay $0x3  }
0x34: {  	[smem:$0x3FA7] =	sst s10  }
0x35: {  	s10 =	sld [smem:$0x3FA6];
	_ =	sdelay $0x3  }
0x36: {  	p1 =	seq.s32 s10, $0x1;
	s10 =	sld [smem:$0x3FA7];
	_ =	sdelay $0x3  }
0x37: {  	[smem:$0x3FA7] =	sst s10  }
0x38: {  	s10 =	sld [smem:$0x3FA8]  }
0x39: {  	_ = 	snop;
	(pc) =	sbr.ind lr, $3  }
0x3a: {  	_ = 	snop  }
0x3b: {  	_ = 	snop  }
0x3c: {  	p2 =	seq.s32 s10, $0x1;
	s10 =	sld [smem:$0x3FA7]  }
0x3d: {  	_ =	shalt  }
0x3e: {  	_ =	shalt  }
0x3f: {  	_ =	shalt  }
0x40: {  	_ =	shalt  }
0x41: {  	_ =	shalt  }
0x42: {  	_ =	shalt  }
0x43: {  	_ =	shalt  }
0x44: {  	_ =	shalt  }
0x45: {  	_ =	shalt  }
0x46: {  	_ =	shalt  }
0x47: {  	_ =	shalt  }
0x48: {  	_ =	shalt  }
0x49: {  	_ =	shalt  }
0x4a: {  	_ =	shalt  }
0x4b: {  	_ =	shalt  }
0x4c: {  	_ =	shalt  }
0x4d: {  	_ =	shalt  }
0x4e: {  	_ =	shalt  }
0x4f: {  	_ =	shalt  }
0x50: {  	_ =	shalt  }
0x51: {  	_ =	shalt  }
0x52: {  	_ =	shalt  }
0x53: {  	_ =	shalt  }
0x54: {  	_ =	shalt  }
0x55: {  	_ =	shalt  }
0x56: {  	_ =	shalt  }
0x57: {  	_ =	shalt  }
0x58: {  	_ =	shalt  }
0x59: {  	_ =	shalt  }
0x5a: {  	_ =	shalt  }
0x5b: {  	_ =	shalt  }
0x5c: {  	_ =	shalt  }
0x5d: {  	_ =	shalt  }
0x5e: {  	_ =	shalt  }
0x5f: {  	_ =	shalt  }
0x60: {  	_ =	shalt  }
0x61: {  	_ =	shalt  }
0x62: {  	_ =	shalt  }
0x63: {  	_ =	shalt  }
0x64: {  	_ =	shalt  }
0x65: {  	_ =	shalt  }
0x66: {  	_ =	shalt  }
0x67: {  	_ =	shalt  }
0x68: {  	_ =	shalt  }
0x69: {  	_ =	shalt  }
0x6a: {  	_ =	shalt  }
0x6b: {  	_ =	shalt  }
0x6c: {  	_ =	shalt  }
0x6d: {  	_ =	shalt  }
0x6e: {  	_ =	shalt  }
0x6f: {  	_ =	shalt  }
0x70: {  	_ =	shalt  }
0x71: {  	_ =	shalt  }
0x72: {  	_ =	shalt  }
0x73: {  	_ =	shalt  }
0x74: {  	_ =	shalt  }
0x75: {  	_ =	shalt  }
0x76: {  	_ =	shalt  }
0x77: {  	_ =	shalt  }
0x78: {  	_ =	shalt  }
0x79: {  	_ =	shalt  }
0x7a: {  	_ =	shalt  }
0x7b: {  	_ =	shalt  }
0x7c: {  	_ =	shalt  }
0x7d: {  	_ =	shalt  }
0x7e: {  	_ =	shalt  }
0x7f: {  	_ =	shalt  }
0x80: {  	_ =	shalt  }
0x81: {  	_ =	shalt  }
0x82: {  	_ =	shalt  }
0x83: {  	_ =	shalt  }
0x84: {  	_ =	shalt  }
0x85: {  	_ =	shalt  }
0x86: {  	_ =	shalt  }
0x87: {  	_ =	shalt  }
.Lfunc_end0:
.L_simem_size_0:
called_computation.1_lowered:
.L_overlay_start_0:
0x88: {  	s2 =	sld [smem:$0x3FD9]  }
0x89: {  	s3 =	sld [smem:$0x3FFE];
	_ =	sdelay $0x1  }
0x8a: {  	s1 =	srdreg.scid  }
0x8b: {  	s0 =	sand.u32 $0x1, s1  }
0x8c: {  	s17 =	sshll.u32 s0, $0xA;
	s2 =	sadd.s32 s3, s2  }
0x8d: {  	s2 =	sadd.s32 s2, s17  }
0x8e: {  	[smem:$0x3FB3] =	sst s2  }
0x8f: {  	_ = 	snop  }
0x90: {  	s18 =	sld [smem:$0x3FD0];
	(tm) =	ssettm $0x1  }
0x91: {  	s19 =	sld [smem:$0x3FFB];
	_ =	sdelay $0x3  }
0x92: {  	_ =	strace s19  }
0x93: {  	s2 =	sld [smem:$0x3FFC];
	_ =	sdelay $0x3  }
0x94: {  	_ =	strace s2  }
0x95: {  	s2 =	sld [smem:$0x3FFD];
	_ =	sdelay $0x3  }
0x96: {  	_ =	strace s2  }
0x97: {  	_ =	strace $0x8FFFFFFF  }
0x98: {  	s20 =	sld [smem:$0x3FDB];
	_ =	sdelay $0x1  }
0x99: {  	s4 =	simm.s32 $_scs_section_size  }
0x9a: {  	s5 =	simm.s32 $_size__tile_overlayer_lowered;
	s6 =	simm.s32 $_tile_overlayer_lowered  }
0x9b: {  	s7 =	simm.s32 $0x1BFF;
	s21 =	sshll.u32 s6, $0x1;
	s4 =	sadd.s32 s4, s20  }
0x9c: {  	s22 =	simm.s32 $0x0;
	s5 =	sshll.u32 s5, $0x1;
	s6 =	sadd.s32 s21, s4  }
0x9d: {  	[timem:s22], [sflag:s7] =	dma.local [hbm:s6], s5  }
0x9e: {  	_ =	swait.ge [sflag:s7], s5  }
0x9f: {  	s5 =	ssub.s32 $0x0, s5;
	[sflag:s7] =	ssyncset.done $0x0  }
0xa0: {  	[sflag:s7] =	ssyncadd.s32 s5;
	_ =	sdelay $0x1  }
0xa1: {  	s23 =	simm.s32 $0x1B8B  }
0xa2: {  	_ =	swait.ge [sflag:s23], $0x1  }
0xa3: {  	[sflag:s23] =	ssyncset.done $0x0  }
0xa4: {  	[sflag:s23] =	ssyncadd.s32 $0xFFFFFFFF  }
0xa5: {  	s5 =	sld [smem:$0x0]  }
0xa6: {  	s6 =	sand.u32 $0xFFFFFFFE, s1  }
0xa7: {  	p0 =	sne.s32 s1, s6  }
0xa8: {  	s6 =	sshll.u32 @p0 s6, $0xE  }
0xa9: {  	s6 =	sadd.s32 @p0 $0x11B8D, s6;
	s7 =	sshll.u32 @p0 s5, $0x11  }
0xaa: {  	s6 =	sor.u32 @p0 s7, s6  }
0xab: {  	[sflag:s6] =	ssyncadd.remote.s32 @p0 $0x1;
	_ =	sdelay $0x1  }
0xac: {  	s6 =	simm.s32 @p0 $0x1B8D  }
0xad: {  	_ =	swait.eq @p0 [sflag:s6], $0x1  }
0xae: {  	[sflag:s6] =	ssyncadd.s32 @p0 $0xFFFFFFFF  }
0xaf: {  	s7 =	sshll.u32 @!p0 s1, $0xE  }
0xb0: {  	s7 =	sor.u32 @!p0 $0x4000, s7;
	s6 =	simm.s32 @!p0 $0x1B8D  }
0xb1: {  	s5 =	sshll.u32 @!p0 s5, $0x11;
	s7 =	sadd.s32 @!p0 $0x11B8D, s7;
	_ =	swait.eq @!p0 [sflag:s6], $0x1  }
0xb2: {  	s5 =	sor.u32 @!p0 s5, s7;
	[sflag:s6] =	ssyncadd.s32 @!p0 $0xFFFFFFFF  }
0xb3: {  	s25 =	simm.s32 $0x1B8E;
	s24 =	sld [smem:$0x3FFE];
	[sflag:s5] =	ssyncadd.remote.s32 @!p0 $0x1  }
0xb4: {  	s26 =	simm.s32 $execute0_lowered;
	[smem:$0x3FD2] =	sst s25  }
0xb5: {  	s6 =	sshll.u32 s26, $0x1;
	_ =	strace $0x8000004C;
	[dreg:$0x1] =	wrdreg $0xFFFFFFFF  }
0xb6: {  	s28 =	simm.s32 $_size_execute0_lowered;
	s4 =	sadd.s32 s4, s6;
	[dreg:$0x0] =	wrdreg $0x0  }
0xb7: {  	s6 =	sshll.u32 s28, $0x1;
	[dreg:$0x2] =	wrdreg s4  }
0xb8: {  	[dreg:$0x3] =	wrdreg s6  }
0xb9: {  	[dreg:$0x4] =	wrdreg $0xC0  }
0xba: {  	_ =	task [dreg:s22], $0x5FFFF  }
0xbb: {  	[dreg:$0x1] =	wrdreg $0xFFFFFFFF  }
0xbc: {  	[dreg:$0x0] =	wrdreg $0x60  }
0xbd: {  	[dreg:$0x2] =	wrdreg s24  }
0xbe: {  	[dreg:$0x3] =	wrdreg s18  }
0xbf: {  	[dreg:$0x4] =	wrdreg $0x94000  }
0xc0: {  	[dreg:$0x5] =	wrdreg $0xA  }
0xc1: {  	_ =	task.clear_ibuf [dreg:s22], $0x6FFFF;
	_ =	strace $0x9000004C  }
0xc2: {  	s29 =	simm.s32 $0xA;
	_ =	strace $0x8000004E  }
0xc3: {  	_ =	swait.ge [sflag:s29], $0x1  }
0xc4: {  	[sflag:s29] =	ssyncadd.s32 $0xFFFFFFFF  }
0xc5: {  	_ =	strace $0x9000004E  }
0xc6: {  	_ =	sfence  }
0xc7: {  	s30 =	sld [smem:$0x0];
	_ =	sdelay $0x2  }
0xc8: {  	s31 =	sshll.u32 s1, $0xD;
	s1 =	sshrl.u32 s1, $0x2  }
0xc9: {  	s4 =	sand.u32 $0x4000, s31;
	s1 =	sadd.s32 s1, s30  }
0xca: {  	s0 =	sor.u32 s4, s0;
	s1 =	sshll.u32 s1, $0x11  }
0xcb: {  	s0 =	sor.u32 s1, s0  }
0xcc: {  	s0 =	sadd.s32 $0x8F2B, s0  }
0xcd: {  	[sflag:s0] =	ssyncadd.remote.s32 $0x1  }
0xce: {  	_ =	sfence.sel $0xFFFF  }
0xcf: {  	[dreg:$0x0] =	wrdreg $0xFFFFFFFF;
	(pc) =	sbr.abs _section_cstart, $3  }
0xd0: {  	[dreg:$0x1] =	wrdreg $0xFFFFFFFF  }
0xd1: {  	_ =	task.clear_ibuf [dreg:s22], $0x2FFFF;
	_ =	strace $0x9FFFFFFF  }
0xd2: {  	(tm) =	ssettm $0x7FFFFFFF  }
0xd3: {  	_ =	shalt  }
tec
execute0_lowered:
.L_overlay_start_1:
0x0: {  	(tag) =	ssettag $0x1  }
0x1: {  	s4 =	rddreg [dreg:$0x0]  }
0x2: {  	s5 =	rddreg [dreg:$0x1];
	s0 =	srdreg.scid  }
0x3: {  	s2 =	rddreg [dreg:$0x2];
	s1 =	stileid.u32;
	s3 =	simm.s32 $0x0  }
0x4: {  	s17 =	simm.s32 $0x1400;
	s18 =	simm.s32 $0x1;
	s19 =	simm.s32 $0x80  }
0x5: {  	s20 =	simm.s32 $0x5400;
	s21 =	simm.s32 $0x2;
	s22 =	simm.s32 $0x3  }
0x6: {  	s23 =	simm.s32 $0x4;
	s24 =	simm.s32 $0x0;
	s7 =	smul.u32 $0x14000, s1  }
0x7: {  	s9 =	sand.u32 $0x1, s0;
	s0 =	rddreg [dreg:$0x3];
	s8 =	smul.u32 $0x50000, s1  }
0x8: {  	[smem:$0x7FF] =	sst s3;
	s11 =	sadd.s32 $0x663C00, s4;
	s15 =	smul.u32 $0x28000, s1  }
0x9: {  	s26 =	sshll.u32 s1, $0x1;
	s6 =	smul.u32 $0x140000, s9;
	_ =	strace $0x8000004D  }
0xa: {  	s28 =	ssub.s32 $0x2, s9;
	s29 =	sor.u32 s9, s26;
	s16 =	smul.u32 $0x14000, s9  }
0xb: {  	s30 =	sshrl.u32 s28, $0x1;
	s10 =	smul.u32 $0x280, s29;
	s8 =	sshrl.u32 s8, $0x2  }
0xc: {  	s14 =	smul.u32 $0x14000, s29;
	s31 =	sadd.s32 s15, s11;
	s6 =	sadd.s32 s7, s6  }
0xd: {  	s13 =	ssub.s32 s28, s30;
	s15 =	sadd.s32 s16, s31;
	s16 =	simm.s32 $0x5  }
.Ltmp0:
0xe: {  	s6 =	sshrl.u32 s6, $0x3;
	s5 =	sadd.s32 s5, s10;
	(pc) =	sbr.rel .LBB2_1-.Ltmp0, $4  }
0xf: {  	s10 =	sadd.s32 s11, s14;
	s12 =	sadd.s32 s6, s4;
	s4 =	sadd.s32 s8, s2  }
0x10: {  	s15 =	sadd.s32 $0x2000, s15;
	s14 =	sadd.s32 $0x1000, s10;
	s6 =	sadd.s32 $0x4000, s4  }
0x11: {  	s7 =	sadd.s32 $0x8000, s4;
	s8 =	sadd.s32 $0xC000, s4;
	s9 =	sadd.s32 $0x10000, s4  }
0x12: {  	v0 =	vimm.f32 $0.0e+00;
	s11 =	sadd.s32 $0x96E00, s12;
	s12 =	smax.u32 s13, $0x1;
	s13 =	sadd.s32 $0x800, s10  }
.LBB2_6:
0x13: {  	_ =	swait.ge [sflag:s23], $0x4000  }
0x14: {  	s25 =	sshll.u32 s1, $0x6;
	s24 =	sadd.s32 $0x1, s24;
	[sflag:s23] =	ssyncset.done $0x0  }
0x15: {  	s26 =	sshrl.u32 s4, $0x3;
	p0 =	sne.s32 s24, s12;
	[sflag:s23] =	ssyncadd.s32 $0xFFFFC000  }
.Ltmp1:
0x16: {  	s25 =	sor.u32 $0x1C05, s25;
	[bflag:$0x0] =	sbarrier.arrive $0xFFFF;
	(pc) =	sbr.rel @!p0 .LBB2_7-.Ltmp1, $4  }
0x17: {  	[hbm:s11], [sflag:s25] =	dma.local [spmem:s26], $0x2800  }
0x18: {  	_ =	swait.ge [sflag:s16], $0x2800  }
0x19: {  	[sflag:s16] =	ssyncset.done $0x0  }
0x1a: {  	[sflag:s16] =	ssyncadd.s32 $0xFFFFD800  }
.LBB2_1:
0x1b: {  	[tilespmem:s3], [sflag:$0x5] =	stream.linear.gather [hbm4b:s5+s3], $0x1400, $0x38;
	[tilespmem:$0x1D400] =	vst v63  }
0x1c: {  	_ =	swait.ge [sflag:s16], $0x1400  }
0x1d: {  	[sflag:s16] =	ssyncset.done $0x0  }
0x1e: {  	s25 =	simm.s32 $0x0;
	s26 =	simm.s32 $0x200;
	[sflag:s16] =	ssyncadd.s32 $0xFFFFEC00  }
.LBB2_2:
0x1f: {  	p0 =	sne.s32 s26, $0xFE00;
	[tilespmem:s25+$0x1470] =	vst v0  }
0x20: {  	[tilespmem:s25+$0x1400] =	vst v0  }
0x21: {  	[tilespmem:s25+$0x1410] =	vst v0  }
.Ltmp2:
0x22: {  	[tilespmem:s25+$0x1420] =	vst v0;
	(pc) =	sbr.rel @p0 .LBB2_2-.Ltmp2, $4  }
0x23: {  	[tilespmem:s25+$0x1430] =	vst v0  }
0x24: {  	[tilespmem:s25+$0x1440] =	vst v0  }
0x25: {  	[tilespmem:s25+$0x1450] =	vst v0  }
0x26: {  	[tilespmem:s25+$0x1460] =	vst v0;
	s25 =	sshra.s32 s26, $0x2;
	s26 =	sadd.s32 $0x200, s26  }
0x27: {  	[tilespmem:s25+$0x1470] =	vst v0  }
0x28: {  	[tilespmem:s25+$0x1400] =	vst v0  }
0x29: {  	[tilespmem:s25+$0x1410] =	vst v0  }
0x2a: {  	[tilespmem:s25+$0x1420] =	vst v0  }
0x2b: {  	[tilespmem:s25+$0x1430] =	vst v0  }
0x2c: {  	[tilespmem:s25+$0x1440] =	vst v0  }
0x2d: {  	[tilespmem:s25+$0x1450] =	vst v0  }
0x2e: {  	[tilespmem:s25+$0x1460] =	vst v0  }
0x2f: {  	[spmem:s4] =	stream.linear.scatter [tilespmem:s17], [sflag:$0x5], $0x4000, $0x38;
	[tilespmem:$0x1D400] =	vst v63  }
0x30: {  	_ =	swait.ge [sflag:s16], $0x4000  }
0x31: {  	[sflag:s16] =	ssyncset.done $0x0  }
0x32: {  	[sflag:s16] =	ssyncadd.s32 $0xFFFFC000  }
0x33: {  	[spmem:s6] =	stream.linear.scatter [tilespmem:s17], [sflag:$0x5], $0x4000, $0x38;
	[tilespmem:$0x1D400] =	vst v63  }
0x34: {  	_ =	swait.ge [sflag:s16], $0x4000  }
0x35: {  	[sflag:s16] =	ssyncset.done $0x0  }
0x36: {  	[sflag:s16] =	ssyncadd.s32 $0xFFFFC000  }
0x37: {  	[spmem:s7] =	stream.linear.scatter [tilespmem:s17], [sflag:$0x5], $0x4000, $0x38;
	[tilespmem:$0x1D400] =	vst v63  }
0x38: {  	_ =	swait.ge [sflag:s16], $0x4000  }
0x39: {  	[sflag:s16] =	ssyncset.done $0x0  }
0x3a: {  	[sflag:s16] =	ssyncadd.s32 $0xFFFFC000  }
0x3b: {  	[spmem:s8] =	stream.linear.scatter [tilespmem:s17], [sflag:$0x5], $0x4000, $0x38;
	[tilespmem:$0x1D400] =	vst v63  }
0x3c: {  	_ =	swait.ge [sflag:s16], $0x4000  }
0x3d: {  	[sflag:s16] =	ssyncset.done $0x0  }
0x3e: {  	[sflag:s16] =	ssyncadd.s32 $0xFFFFC000  }
0x3f: {  	[spmem:s9] =	stream.linear.scatter [tilespmem:s17], [sflag:$0x5], $0x4000, $0x38;
	[tilespmem:$0x1D400] =	vst v63  }
0x40: {  	_ =	swait.ge [sflag:s16], $0x4000  }
0x41: {  	[sflag:s16] =	ssyncset.done $0x0  }
0x42: {  	[sflag:s16] =	ssyncadd.s32 $0xFFFFC000  }
0x43: {  	s25 =	simm.s32 $0x0;
	[bflag:$0x0] =	sbarrier.arrive $0xFFFF  }
0x44: {  	[tilespmem:s17], [sflag:$0x1] =	stream.linear.gather [hbm4b:s10+s25], $0x4000, $0x38;
	[tilespmem:$0x1D400] =	vst v63  }
0x45: {  	_ =	swait.ge [sflag:s18], $0x4000  }
0x46: {  	[sflag:s18] =	ssyncset.done $0x0  }
0x47: {  	[sflag:s18] =	ssyncadd.s32 $0xFFFFC000  }
0x48: {  	[spmem:s2] =	stream.indirect.scatter.add.f32 [tilespmem:s17], [sflag:$0x3], $0x80, s25, s19, $0xb8;
	[tilespmem:$0x1D400] =	vst v63  }
0x49: {  	_ = 	snop  }
0x4a: {  	[tilespmem:s20], [sflag:$0x2] =	stream.linear.gather [hbm4b:s13+s25], $0x4000, $0x38;
	[tilespmem:$0x1D400] =	vst v63  }
0x4b: {  	_ =	swait.ge [sflag:s21], $0x4000  }
0x4c: {  	[sflag:s21] =	ssyncset.done $0x0  }
0x4d: {  	[sflag:s21] =	ssyncadd.s32 $0xFFFFC000  }
0x4e: {  	[spmem:s2] =	stream.indirect.scatter.add.f32 [tilespmem:s20], [sflag:$0x4], $0x80, s19, s19, $0xb8;
	[tilespmem:$0x1D400] =	vst v63  }
0x4f: {  	_ =	swait.ge [sflag:s22], $0x4000  }
0x50: {  	[sflag:s22] =	ssyncset.done $0x0  }
0x51: {  	s26 =	smov.u32 s15;
	[sflag:s22] =	ssyncadd.s32 $0xFFFFC000  }
0x52: {  	[tilespmem:s17], [sflag:$0x1] =	stream.linear.gather [hbm4b:s14+s25], $0x4000, $0x38;
	[tilespmem:$0x1D400] =	vst v63  }
.LBB2_4:
0x53: {  	_ =	swait.ge [sflag:s18], $0x4000  }
0x54: {  	s28 =	sshra.s32 s25, $0x2;
	[sflag:s18] =	ssyncset.done $0x0  }
0x55: {  	s29 =	sadd.s32 $0x100, s28;
	[sflag:s18] =	ssyncadd.s32 $0xFFFFC000  }
0x56: {  	[spmem:s2] =	stream.indirect.scatter.add.f32 [tilespmem:s17], [sflag:$0x3], $0x80, s29, s19, $0xb8;
	[tilespmem:$0x1D400] =	vst v63  }
0x57: {  	_ =	swait.ge [sflag:s23], $0x4000  }
0x58: {  	[sflag:s23] =	ssyncset.done $0x0  }
0x59: {  	s31 =	sadd.s32 $0xFFFFF800, s26;
	[sflag:s23] =	ssyncadd.s32 $0xFFFFC000  }
0x5a: {  	[tilespmem:s20], [sflag:$0x2] =	stream.linear.gather [hbm4b:s31+s3], $0x4000, $0x38;
	[tilespmem:$0x1D400] =	vst v63  }
0x5b: {  	_ =	swait.ge [sflag:s21], $0x4000  }
0x5c: {  	p0 =	seq.s32 s25, $0x4800;
	[sflag:s21] =	ssyncset.done $0x0  }
.Ltmp3:
0x5d: {  	s28 =	sadd.s32 $0x180, s28;
	[sflag:s21] =	ssyncadd.s32 $0xFFFFC000;
	(pc) =	sbr.rel @p0 .LBB2_6-.Ltmp3, $4  }
0x5e: {  	[spmem:s2] =	stream.indirect.scatter.add.f32 [tilespmem:s20], [sflag:$0x4], $0x80, s28, s19, $0xb8;
	[tilespmem:$0x1D400] =	vst v63  }
0x5f: {  	_ =	swait.ge [sflag:s22], $0x4000  }
0x60: {  	[sflag:s22] =	ssyncset.done $0x0  }
0x61: {  	[sflag:s22] =	ssyncadd.s32 $0xFFFFC000  }
.Ltmp4:
0x62: {  	(pc) =	sbr.rel .LBB2_4-.Ltmp4, $3  }
0x63: {  	_ =	sdelay $0x1  }
0x64: {  	[tilespmem:s17], [sflag:$0x1] =	stream.linear.gather [hbm4b:s26+s3], $0x4000, $0x38;
	[tilespmem:$0x1D400] =	vst v63  }
0x65: {  	s25 =	sadd.s32 $0x400, s25;
	s26 =	sadd.s32 $0x1000, s26  }
.LBB2_7:
0x66: {  	_ =	sfence.sel $0x180000  }
0x67: {  	[bflag:$0x0] =	sbarrier.arrive $0xFFFF  }
0x68: {  	p0 =	sne.s32 s1, $0x0;
	_ =	strace $0x9000004D  }
0x69: {  	s0 =	sadd.s32 @!p0 $0x100000, s0;
	[bflag:$0x2] =	sbarrier.arrive $0xFFFF  }
0x6a: {  	[sflag:s0] =	ssyncadd.tile.s32 @!p0 $0x1;
	_ =	shalt  }
.Lfunc_end2:
_tile_overlayer_lowered:
.L_overlay_start_2:
0x6b: {  	(tag) =	ssettag $0x2  }
0x6c: {  	s0 =	rddreg [dreg:$0x0];
	s2 =	stileid.u32  }
0x6d: {  	s1 =	rddreg [dreg:$0x1];
	p0 =	sne.s32 s2, $0x0  }
0x6e: {  	s3 =	rddreg [dreg:$0x2];
	[bflag:$0x3] =	sbarrier.arrive $0xFFFF;
	s2 =	simm.s32 @!p0 $0x1C05  }
0x6f: {  	[timem:s3], [sflag:s2] =	dma.local @!p0 [hbm:s0], s1  }
0x70: {  	s0 =	simm.s32 @!p0 $0x5  }
0x71: {  	_ =	swait.ge @!p0 [sflag:s0], s1  }
0x72: {  	s1 =	ssub.s32 @!p0 $0x0, s1;
	[sflag:s0] =	ssyncset.done @!p0 $0x0  }
0x73: {  	[sflag:s0] =	ssyncadd.s32 @!p0 s1  }
0x74: {  	[bflag:$0x3] =	sbarrier.arrive $0xFFFF  }
0x75: {  	_ =	shalt  }

// kernel: kernel.31.cloned.1.call-start
scs
__scs_entry_jumppad:
0x0: {  	(pc) =	sbr.rel $0x88, $3  }
0x1: {  	(tag) =	ssettag $0x0;
	lr =	simm.s32 $0x1  }
0x2: {  	[smem:$0x3F8C] =	sst lr;
	_ =	strace $0xD0000000  }
0x3: {  	_ = 	snop  }
0x4: {  	_ = 	snop  }
0x5: {  	_ = 	snop  }
0x6: {  	_ = 	snop  }
0x7: {  	_ = 	snop  }
__scs_overlays_trampoline_lowered:
0x8: {  	[smem:$0x3F9B] =	sst s0  }
0x9: {  	[smem:$0x3F9C] =	sst s1  }
0xa: {  	[smem:$0x3F9D] =	sst s2  }
0xb: {  	[smem:$0x3F9E] =	sst s3  }
0xc: {  	[smem:$0x3F9F] =	sst s4  }
0xd: {  	[smem:$0x3FA0] =	sst s5  }
0xe: {  	[smem:$0x3FA1] =	sst s6  }
0xf: {  	[smem:$0x3FA2] =	sst s7  }
0x10: {  	[smem:$0x3FA3] =	sst s8  }
0x11: {  	[smem:$0x3FA4] =	sst s9;
	s0 =	simm.s32 @!p0 $0x0  }
0x12: {  	s1 =	sld [smem:$0x3F8A];
	s0 =	simm.s32 @p0 $0x1  }
0x13: {  	[smem:$0x3FA5] =	sst s0;
	s0 =	simm.s32 @!p1 $0x0  }
0x14: {  	s2 =	sld [smem:$0x3F89];
	s0 =	simm.s32 @p1 $0x1  }
0x15: {  	[smem:$0x3FA6] =	sst s0;
	s0 =	simm.s32 @!p2 $0x0  }
0x16: {  	s3 =	sld [smem:$0x3FDB];
	s0 =	simm.s32 @p2 $0x1  }
0x17: {  	s4 =	simm.s32 $0x1BF5;
	[smem:$0x3FA8] =	sst s0  }
0x18: {  	s0 =	sld [smem:$0x3F8B];
	_ =	swait.ge [sflag:s4], $0x0  }
0x19: {  	s7 =	sld [smem:$0x3F8C]  }
0x1a: {  	s8 =	sadd.s32 $0xFFFFE003, lr  }
0x1b: {  	s9 =	sadd.s32 $0xFFFFFEF7, lr;
	s5 =	simm.s32 $0xFFFFFFFF;
	p2 =	slt.u32 s8, $0xFFFFF086  }
0x1c: {  	p1 =	slt.u32 s9, $0xF7A;
	s5 =	simm.s32 @!p2 $0x0  }
0x1d: {  	s5 =	simm.s32 @p1 $0x1;
	p0 =	seq.s32 s7, s2  }
0x1e: {  	s7 =	smul.u32 @!p0 $0xF7A, s2;
	p2 =	seq.s32 @!p0 s5, $0x0  }
0x1f: {  	s9 =	smul.u32 $0xF7A, s1;
	s8 =	simm.s32 @!p0 $0x1BF5;
	p2 =	por !p2, p0  }
0x20: {  	[sflag:s8] =	ssyncset.s32 @!p0 $0xFFFFF086;
	s6 =	sadd.s32 @!p0 s3, s7;
	s7 =	simm.s32 @!p0 $0x108  }
0x21: {  	s3 =	sadd.s32 s3, s9;
	s6 =	sadd.s32 @!p0 $0x88, s6;
	s7 =	simm.s32 @p2 $0x1082  }
0x22: {  	[simem:s7], [sflag:s8] =	dma.local @!p0 [hbm:s6], $0xF7A  }
0x23: {  	s9 =	sor.u32 $0xD0000000, s2;
	s6 =	simm.s32 $0x108;
	_ =	swait.ge @!p0 [sflag:s8], $0x0  }
0x24: {  	s3 =	sadd.s32 $0x88, s3;
	s6 =	simm.s32 @!p1 $0x1082;
	[sflag:s4] =	ssyncset.s32 $0xFFFFF086  }
0x25: {  	[simem:s6], [sflag:s4] =	dma.local [hbm:s3], $0xF7A  }
0x26: {  	[smem:$0x3F8C] =	sst s1;
	(tag) =	ssettag s2;
	_ =	strace s9  }
0x27: {  	s1 =	sld [smem:$0x3F9C]  }
0x28: {  	s2 =	sld [smem:$0x3F9D]  }
0x29: {  	s4 =	sld [smem:$0x3F9F]  }
0x2a: {  	p0 =	seq.s32 s5, $0x0;
	s5 =	sld [smem:$0x3FA0]  }
0x2b: {  	s6 =	sld [smem:$0x3FA1]  }
0x2c: {  	s7 =	sld [smem:$0x3FA2]  }
0x2d: {  	s3 =	simm.s32 $0x108;
	s8 =	sld [smem:$0x3FA3]  }
0x2e: {  	s3 =	simm.s32 @!p0 $0x1082;
	s9 =	sld [smem:$0x3FA4]  }
0x2f: {  	lr =	sadd.s32 s0, s3;
	s0 =	sld [smem:$0x3F9B]  }
0x30: {  	s3 =	sld [smem:$0x3F9E]  }
0x31: {  	[smem:$0x3FA7] =	sst s10  }
0x32: {  	s10 =	sld [smem:$0x3FA5];
	_ =	sdelay $0x3  }
0x33: {  	p0 =	seq.s32 s10, $0x1;
	s10 =	sld [smem:$0x3FA7];
	_ =	sdelay $0x3  }
0x34: {  	[smem:$0x3FA7] =	sst s10  }
0x35: {  	s10 =	sld [smem:$0x3FA6];
	_ =	sdelay $0x3  }
0x36: {  	p1 =	seq.s32 s10, $0x1;
	s10 =	sld [smem:$0x3FA7];
	_ =	sdelay $0x3  }
0x37: {  	[smem:$0x3FA7] =	sst s10  }
0x38: {  	s10 =	sld [smem:$0x3FA8]  }
0x39: {  	_ = 	snop;
	(pc) =	sbr.ind lr, $3  }
0x3a: {  	_ = 	snop  }
0x3b: {  	_ = 	snop  }
0x3c: {  	p2 =	seq.s32 s10, $0x1;
	s10 =	sld [smem:$0x3FA7]  }
0x3d: {  	_ =	shalt  }
0x3e: {  	_ =	shalt  }
0x3f: {  	_ =	shalt  }
0x40: {  	_ =	shalt  }
0x41: {  	_ =	shalt  }
0x42: {  	_ =	shalt  }
0x43: {  	_ =	shalt  }
0x44: {  	_ =	shalt  }
0x45: {  	_ =	shalt  }
0x46: {  	_ =	shalt  }
0x47: {  	_ =	shalt  }
0x48: {  	_ =	shalt  }
0x49: {  	_ =	shalt  }
0x4a: {  	_ =	shalt  }
0x4b: {  	_ =	shalt  }
0x4c: {  	_ =	shalt  }
0x4d: {  	_ =	shalt  }
0x4e: {  	_ =	shalt  }
0x4f: {  	_ =	shalt  }
0x50: {  	_ =	shalt  }
0x51: {  	_ =	shalt  }
0x52: {  	_ =	shalt  }
0x53: {  	_ =	shalt  }
0x54: {  	_ =	shalt  }
0x55: {  	_ =	shalt  }
0x56: {  	_ =	shalt  }
0x57: {  	_ =	shalt  }
0x58: {  	_ =	shalt  }
0x59: {  	_ =	shalt  }
0x5a: {  	_ =	shalt  }
0x5b: {  	_ =	shalt  }
0x5c: {  	_ =	shalt  }
0x5d: {  	_ =	shalt  }
0x5e: {  	_ =	shalt  }
0x5f: {  	_ =	shalt  }
0x60: {  	_ =	shalt  }
0x61: {  	_ =	shalt  }
0x62: {  	_ =	shalt  }
0x63: {  	_ =	shalt  }
0x64: {  	_ =	shalt  }
0x65: {  	_ =	shalt  }
0x66: {  	_ =	shalt  }
0x67: {  	_ =	shalt  }
0x68: {  	_ =	shalt  }
0x69: {  	_ =	shalt  }
0x6a: {  	_ =	shalt  }
0x6b: {  	_ =	shalt  }
0x6c: {  	_ =	shalt  }
0x6d: {  	_ =	shalt  }
0x6e: {  	_ =	shalt  }
0x6f: {  	_ =	shalt  }
0x70: {  	_ =	shalt  }
0x71: {  	_ =	shalt  }
0x72: {  	_ =	shalt  }
0x73: {  	_ =	shalt  }
0x74: {  	_ =	shalt  }
0x75: {  	_ =	shalt  }
0x76: {  	_ =	shalt  }
0x77: {  	_ =	shalt  }
0x78: {  	_ =	shalt  }
0x79: {  	_ =	shalt  }
0x7a: {  	_ =	shalt  }
0x7b: {  	_ =	shalt  }
0x7c: {  	_ =	shalt  }
0x7d: {  	_ =	shalt  }
0x7e: {  	_ =	shalt  }
0x7f: {  	_ =	shalt  }
0x80: {  	_ =	shalt  }
0x81: {  	_ =	shalt  }
0x82: {  	_ =	shalt  }
0x83: {  	_ =	shalt  }
0x84: {  	_ =	shalt  }
0x85: {  	_ =	shalt  }
0x86: {  	_ =	shalt  }
0x87: {  	_ =	shalt  }
.Lfunc_end0:
.L_simem_size_0:
called_computation.2_lowered:
.L_overlay_start_0:
0x88: {  	s2 =	sld [smem:$0x3FD9]  }
0x89: {  	s3 =	sld [smem:$0x3FFE];
	_ =	sdelay $0x1  }
0x8a: {  	s1 =	srdreg.scid  }
0x8b: {  	s0 =	sand.u32 $0x1, s1  }
0x8c: {  	s17 =	sshll.u32 s0, $0xA;
	s2 =	sadd.s32 s3, s2  }
0x8d: {  	s2 =	sadd.s32 s2, s17  }
0x8e: {  	[smem:$0x3FB3] =	sst s2  }
0x8f: {  	_ = 	snop  }
0x90: {  	s18 =	sld [smem:$0x3FD0];
	(tm) =	ssettm $0x1  }
0x91: {  	s19 =	sld [smem:$0x3FFB];
	_ =	sdelay $0x3  }
0x92: {  	_ =	strace s19  }
0x93: {  	s2 =	sld [smem:$0x3FFC];
	_ =	sdelay $0x3  }
0x94: {  	_ =	strace s2  }
0x95: {  	s2 =	sld [smem:$0x3FFD];
	_ =	sdelay $0x3  }
0x96: {  	_ =	strace s2  }
0x97: {  	_ =	strace $0x8FFFFFFF  }
0x98: {  	s20 =	sld [smem:$0x3FDB];
	_ =	sdelay $0x1  }
0x99: {  	s4 =	simm.s32 $_scs_section_size  }
0x9a: {  	s5 =	simm.s32 $_size__tile_overlayer_lowered;
	s6 =	simm.s32 $_tile_overlayer_lowered  }
0x9b: {  	s7 =	simm.s32 $0x1BFF;
	s21 =	sshll.u32 s6, $0x1;
	s4 =	sadd.s32 s4, s20  }
0x9c: {  	s22 =	simm.s32 $0x0;
	s5 =	sshll.u32 s5, $0x1;
	s6 =	sadd.s32 s21, s4  }
0x9d: {  	[timem:s22], [sflag:s7] =	dma.local [hbm:s6], s5  }
0x9e: {  	_ =	swait.ge [sflag:s7], s5  }
0x9f: {  	s5 =	ssub.s32 $0x0, s5;
	[sflag:s7] =	ssyncset.done $0x0  }
0xa0: {  	[sflag:s7] =	ssyncadd.s32 s5;
	_ =	sdelay $0x1  }
0xa1: {  	s23 =	simm.s32 $0x1B8B  }
0xa2: {  	_ =	swait.ge [sflag:s23], $0x1  }
0xa3: {  	[sflag:s23] =	ssyncset.done $0x0  }
0xa4: {  	[sflag:s23] =	ssyncadd.s32 $0xFFFFFFFF  }
0xa5: {  	s5 =	sld [smem:$0x0]  }
0xa6: {  	s6 =	sand.u32 $0xFFFFFFFE, s1  }
0xa7: {  	p0 =	sne.s32 s1, s6  }
0xa8: {  	s6 =	sshll.u32 @p0 s6, $0xE  }
0xa9: {  	s6 =	sadd.s32 @p0 $0x11B8D, s6;
	s7 =	sshll.u32 @p0 s5, $0x11  }
0xaa: {  	s6 =	sor.u32 @p0 s7, s6  }
0xab: {  	[sflag:s6] =	ssyncadd.remote.s32 @p0 $0x1;
	_ =	sdelay $0x1  }
0xac: {  	s6 =	simm.s32 @p0 $0x1B8D  }
0xad: {  	_ =	swait.eq @p0 [sflag:s6], $0x1  }
0xae: {  	[sflag:s6] =	ssyncadd.s32 @p0 $0xFFFFFFFF  }
0xaf: {  	s7 =	sshll.u32 @!p0 s1, $0xE  }
0xb0: {  	s7 =	sor.u32 @!p0 $0x4000, s7;
	s6 =	simm.s32 @!p0 $0x1B8D  }
0xb1: {  	s5 =	sshll.u32 @!p0 s5, $0x11;
	s7 =	sadd.s32 @!p0 $0x11B8D, s7;
	_ =	swait.eq @!p0 [sflag:s6], $0x1  }
0xb2: {  	s5 =	sor.u32 @!p0 s5, s7;
	[sflag:s6] =	ssyncadd.s32 @!p0 $0xFFFFFFFF  }
0xb3: {  	s25 =	simm.s32 $0x1B8E;
	s24 =	sld [smem:$0x3FFE];
	[sflag:s5] =	ssyncadd.remote.s32 @!p0 $0x1  }
0xb4: {  	s26 =	simm.s32 $execute0_lowered;
	[smem:$0x3FD2] =	sst s25  }
0xb5: {  	s6 =	sshll.u32 s26, $0x1;
	_ =	strace $0x80000049;
	[dreg:$0x1] =	wrdreg $0xFFFFFFFF  }
0xb6: {  	s28 =	simm.s32 $_size_execute0_lowered;
	s4 =	sadd.s32 s4, s6;
	[dreg:$0x0] =	wrdreg $0x0  }
0xb7: {  	s6 =	sshll.u32 s28, $0x1;
	[dreg:$0x2] =	wrdreg s4  }
0xb8: {  	[dreg:$0x3] =	wrdreg s6  }
0xb9: {  	[dreg:$0x4] =	wrdreg $0xC0  }
0xba: {  	_ =	task [dreg:s22], $0x5FFFF  }
0xbb: {  	[dreg:$0x1] =	wrdreg $0xFFFFFFFF  }
0xbc: {  	[dreg:$0x0] =	wrdreg $0x60  }
0xbd: {  	[dreg:$0x2] =	wrdreg s18  }
0xbe: {  	[dreg:$0x3] =	wrdreg s24  }
0xbf: {  	[dreg:$0x4] =	wrdreg $0x54000  }
0xc0: {  	[dreg:$0x5] =	wrdreg $0x9  }
0xc1: {  	_ =	task.clear_ibuf [dreg:s22], $0x6FFFF;
	_ =	strace $0x90000049  }
0xc2: {  	s29 =	simm.s32 $0x9;
	_ =	strace $0x8000004B  }
0xc3: {  	_ =	swait.ge [sflag:s29], $0x1  }
0xc4: {  	[sflag:s29] =	ssyncadd.s32 $0xFFFFFFFF  }
0xc5: {  	_ =	strace $0x9000004B  }
0xc6: {  	_ =	sfence  }
0xc7: {  	s30 =	sld [smem:$0x0];
	_ =	sdelay $0x2  }
0xc8: {  	s31 =	sshll.u32 s1, $0xD;
	s1 =	sshrl.u32 s1, $0x2  }
0xc9: {  	s4 =	sand.u32 $0x4000, s31;
	s1 =	sadd.s32 s1, s30  }
0xca: {  	s0 =	sor.u32 s4, s0;
	s1 =	sshll.u32 s1, $0x11  }
0xcb: {  	s0 =	sor.u32 s1, s0  }
0xcc: {  	s0 =	sadd.s32 $0x8F2B, s0  }
0xcd: {  	[sflag:s0] =	ssyncadd.remote.s32 $0x1  }
0xce: {  	_ =	sfence.sel $0xFFFF  }
0xcf: {  	[dreg:$0x0] =	wrdreg $0xFFFFFFFF;
	(pc) =	sbr.abs _section_cstart, $3  }
0xd0: {  	[dreg:$0x1] =	wrdreg $0xFFFFFFFF  }
0xd1: {  	_ =	task.clear_ibuf [dreg:s22], $0x2FFFF;
	_ =	strace $0x9FFFFFFF  }
0xd2: {  	(tm) =	ssettm $0x7FFFFFFF  }
0xd3: {  	_ =	shalt  }
tec
execute0_lowered:
.L_overlay_start_1:
0x0: {  	(tag) =	ssettag $0x1  }
0x1: {  	s6 =	rddreg [dreg:$0x0]  }
0x2: {  	s7 =	rddreg [dreg:$0x1]  }
0x3: {  	s1 =	rddreg [dreg:$0x2]  }
0x4: {  	s0 =	rddreg [dreg:$0x3];
	s3 =	simm.s32 $0x0;
	s2 =	srdreg.scid  }
0x5: {  	s13 =	simm.s32 $0x80;
	s14 =	simm.s32 $0x0;
	s8 =	sand.u32 $0x1, s2  }
0x6: {  	s2 =	stileid.u32;
	s4 =	sadd.s32 $0x60EE00, s7;
	s9 =	smul.u32 $0x140000, s8  }
0x7: {  	[smem:$0x7FF] =	sst s3;
	s5 =	sadd.s32 $0x60F600, s7;
	s10 =	smul.u32 $0x14000, s2  }
0x8: {  	_ =	strace $0x8000004A;
	s11 =	sshll.u32 s2, $0x1;
	s29 =	smul.u32 $0x50000, s2  }
0x9: {  	s31 =	sshll.u32 s2, $0x6;
	s28 =	sor.u32 s8, s11;
	s8 =	ssub.s32 $0x2, s8  }
0xa: {  	s9 =	sadd.s32 s10, s9;
	s10 =	smul.u32 $0x280, s28;
	s30 =	sshrl.u32 s8, $0x1  }
0xb: {  	s11 =	sshrl.u32 s29, $0x2;
	s9 =	sshrl.u32 s9, $0x3;
	s8 =	ssub.s32 s8, s30  }
0xc: {  	s12 =	sadd.s32 s11, s1;
	s11 =	sor.u32 $0x1C01, s31;
	s7 =	sadd.s32 s9, s7  }
0xd: {  	s6 =	sadd.s32 s6, s10;
	s8 =	smax.u32 s8, $0x1;
	s9 =	simm.s32 $0x1  }
0xe: {  	s10 =	simm.s32 $0x1400;
	s12 =	sshrl.u32 s12, $0x3;
	s7 =	sadd.s32 $0x611E00, s7  }
.LBB2_1:
0xf: {  	[tilespmem:s3], [sflag:$0x1] =	stream.linear.gather [hbm4b:s6+s3], $0x1400, $0x38;
	[tilespmem:$0x6800] =	vst v63  }
0x10: {  	_ =	swait.ge [sflag:s9], $0x1400  }
0x11: {  	[sflag:s9] =	ssyncset.done $0x0  }
0x12: {  	[sflag:s9] =	ssyncadd.s32 $0xFFFFEC00  }
0x13: {  	[tilespmem:s10], [sflag:$0x1] =	stream.linear.gather [hbm4b:s4+s3], $0x4000, $0x38;
	[tilespmem:$0x6800] =	vst v63  }
0x14: {  	_ =	swait.ge [sflag:s9], $0x4000  }
0x15: {  	[sflag:s9] =	ssyncset.done $0x0  }
0x16: {  	[sflag:s9] =	ssyncadd.s32 $0xFFFFC000  }
0x17: {  	[spmem:s12], [sflag:s11] =	dma.local [hbm:s5], $0x2800  }
0x18: {  	_ =	swait.ge [sflag:s9], $0x2800  }
0x19: {  	[sflag:s9] =	ssyncset.done $0x0  }
0x1a: {  	[sflag:s9] =	ssyncadd.s32 $0xFFFFD800  }
0x1b: {  	s15 =	simm.s32 $0x0;
	[bflag:$0x0] =	sbarrier.arrive $0xFFFF  }
0x1c: {  	[spmem:s1] =	stream.indirect.scatter.add.f32 [tilespmem:s10], [sflag:$0x1], $0x8, s15, s13, $0xb8;
	[tilespmem:$0x6800] =	vst v63  }
0x1d: {  	_ =	swait.ge [sflag:s9], $0x400  }
0x1e: {  	s15 =	simm.s32 $0x200;
	[sflag:s9] =	ssyncset.done $0x0  }
.LBB2_2:
0x1f: {  	s16 =	sshra.s32 s15, $0x2;
	[sflag:s9] =	ssyncadd.s32 $0xFFFFFC00;
	p0 =	sne.s32 s15, $0x4E00  }
0x20: {  	[spmem:s1] =	stream.indirect.scatter.add.f32 [tilespmem:s10], [sflag:$0x1], $0x8, s16, s13, $0xb8;
	[tilespmem:$0x6800] =	vst v63  }
.Ltmp0:
0x21: {  	_ = 	snop;
	(pc) =	sbr.rel @p0 .LBB2_2-.Ltmp0, $4  }
0x22: {  	_ = 	snop  }
0x23: {  	s15 =	sadd.s32 $0x200, s15  }
0x24: {  	_ =	swait.ge [sflag:s9], $0x400  }
0x25: {  	[sflag:s9] =	ssyncset.done $0x0  }
0x26: {  	s14 =	sadd.s32 $0x1, s14  }
0x27: {  	[sflag:s9] =	ssyncadd.s32 $0xFFFFFC00;
	p0 =	sne.s32 s14, s8  }
.Ltmp1:
0x28: {  	[bflag:$0x0] =	sbarrier.arrive $0xFFFF;
	(pc) =	sbr.rel @p0 .LBB2_1-.Ltmp1, $4  }
0x29: {  	[hbm:s7], [sflag:s11] =	dma.local [spmem:s12], $0x2800  }
0x2a: {  	_ =	swait.ge [sflag:s9], $0x2800  }
0x2b: {  	[sflag:s9] =	ssyncset.done $0x0  }
0x2c: {  	[sflag:s9] =	ssyncadd.s32 $0xFFFFD800  }
0x2d: {  	_ =	sfence.sel $0x180000  }
0x2e: {  	[bflag:$0x0] =	sbarrier.arrive $0xFFFF  }
0x2f: {  	p0 =	sne.s32 s2, $0x0;
	_ =	strace $0x9000004A  }
0x30: {  	s0 =	sadd.s32 @!p0 $0x100000, s0;
	[bflag:$0x2] =	sbarrier.arrive $0xFFFF  }
0x31: {  	[sflag:s0] =	ssyncadd.tile.s32 @!p0 $0x1;
	_ =	shalt  }
.Lfunc_end2:
_tile_overlayer_lowered:
.L_overlay_start_2:
0x32: {  	(tag) =	ssettag $0x2  }
0x33: {  	s0 =	rddreg [dreg:$0x0];
	s2 =	stileid.u32  }
0x34: {  	s1 =	rddreg [dreg:$0x1];
	p0 =	sne.s32 s2, $0x0  }
0x35: {  	s3 =	rddreg [dreg:$0x2];
	[bflag:$0x3] =	sbarrier.arrive $0xFFFF;
	s2 =	simm.s32 @!p0 $0x1C01  }
0x36: {  	[timem:s3], [sflag:s2] =	dma.local @!p0 [hbm:s0], s1  }
0x37: {  	s0 =	simm.s32 @!p0 $0x1  }
0x38: {  	_ =	swait.ge @!p0 [sflag:s0], s1  }
0x39: {  	s1 =	ssub.s32 @!p0 $0x0, s1;
	[sflag:s0] =	ssyncset.done @!p0 $0x0  }
0x3a: {  	[sflag:s0] =	ssyncadd.s32 @!p0 s1  }
0x3b: {  	[bflag:$0x3] =	sbarrier.arrive $0xFFFF  }
0x3c: {  	_ =	shalt  }

// kernel: kernel.34.cloned.1.call-start
scs
__scs_entry_jumppad:
0x0: {  	(pc) =	sbr.rel $0x88, $3  }
0x1: {  	(tag) =	ssettag $0x0;
	lr =	simm.s32 $0x1  }
0x2: {  	[smem:$0x3F8C] =	sst lr;
	_ =	strace $0xD0000000  }
0x3: {  	_ = 	snop  }
0x4: {  	_ = 	snop  }
0x5: {  	_ = 	snop  }
0x6: {  	_ = 	snop  }
0x7: {  	_ = 	snop  }
__scs_overlays_trampoline_lowered:
0x8: {  	[smem:$0x3F9B] =	sst s0  }
0x9: {  	[smem:$0x3F9C] =	sst s1  }
0xa: {  	[smem:$0x3F9D] =	sst s2  }
0xb: {  	[smem:$0x3F9E] =	sst s3  }
0xc: {  	[smem:$0x3F9F] =	sst s4  }
0xd: {  	[smem:$0x3FA0] =	sst s5  }
0xe: {  	[smem:$0x3FA1] =	sst s6  }
0xf: {  	[smem:$0x3FA2] =	sst s7  }
0x10: {  	[smem:$0x3FA3] =	sst s8  }
0x11: {  	[smem:$0x3FA4] =	sst s9;
	s0 =	simm.s32 @!p0 $0x0  }
0x12: {  	s1 =	sld [smem:$0x3F8A];
	s0 =	simm.s32 @p0 $0x1  }
0x13: {  	[smem:$0x3FA5] =	sst s0;
	s0 =	simm.s32 @!p1 $0x0  }
0x14: {  	s2 =	sld [smem:$0x3F89];
	s0 =	simm.s32 @p1 $0x1  }
0x15: {  	[smem:$0x3FA6] =	sst s0;
	s0 =	simm.s32 @!p2 $0x0  }
0x16: {  	s3 =	sld [smem:$0x3FDB];
	s0 =	simm.s32 @p2 $0x1  }
0x17: {  	s4 =	simm.s32 $0x1BF5;
	[smem:$0x3FA8] =	sst s0  }
0x18: {  	s0 =	sld [smem:$0x3F8B];
	_ =	swait.ge [sflag:s4], $0x0  }
0x19: {  	s7 =	sld [smem:$0x3F8C]  }
0x1a: {  	s8 =	sadd.s32 $0xFFFFE003, lr  }
0x1b: {  	s9 =	sadd.s32 $0xFFFFFEF7, lr;
	s5 =	simm.s32 $0xFFFFFFFF;
	p2 =	slt.u32 s8, $0xFFFFF086  }
0x1c: {  	p1 =	slt.u32 s9, $0xF7A;
	s5 =	simm.s32 @!p2 $0x0  }
0x1d: {  	s5 =	simm.s32 @p1 $0x1;
	p0 =	seq.s32 s7, s2  }
0x1e: {  	s7 =	smul.u32 @!p0 $0xF7A, s2;
	p2 =	seq.s32 @!p0 s5, $0x0  }
0x1f: {  	s9 =	smul.u32 $0xF7A, s1;
	s8 =	simm.s32 @!p0 $0x1BF5;
	p2 =	por !p2, p0  }
0x20: {  	[sflag:s8] =	ssyncset.s32 @!p0 $0xFFFFF086;
	s6 =	sadd.s32 @!p0 s3, s7;
	s7 =	simm.s32 @!p0 $0x108  }
0x21: {  	s3 =	sadd.s32 s3, s9;
	s6 =	sadd.s32 @!p0 $0x88, s6;
	s7 =	simm.s32 @p2 $0x1082  }
0x22: {  	[simem:s7], [sflag:s8] =	dma.local @!p0 [hbm:s6], $0xF7A  }
0x23: {  	s9 =	sor.u32 $0xD0000000, s2;
	s6 =	simm.s32 $0x108;
	_ =	swait.ge @!p0 [sflag:s8], $0x0  }
0x24: {  	s3 =	sadd.s32 $0x88, s3;
	s6 =	simm.s32 @!p1 $0x1082;
	[sflag:s4] =	ssyncset.s32 $0xFFFFF086  }
0x25: {  	[simem:s6], [sflag:s4] =	dma.local [hbm:s3], $0xF7A  }
0x26: {  	[smem:$0x3F8C] =	sst s1;
	(tag) =	ssettag s2;
	_ =	strace s9  }
0x27: {  	s1 =	sld [smem:$0x3F9C]  }
0x28: {  	s2 =	sld [smem:$0x3F9D]  }
0x29: {  	s4 =	sld [smem:$0x3F9F]  }
0x2a: {  	p0 =	seq.s32 s5, $0x0;
	s5 =	sld [smem:$0x3FA0]  }
0x2b: {  	s6 =	sld [smem:$0x3FA1]  }
0x2c: {  	s7 =	sld [smem:$0x3FA2]  }
0x2d: {  	s3 =	simm.s32 $0x108;
	s8 =	sld [smem:$0x3FA3]  }
0x2e: {  	s3 =	simm.s32 @!p0 $0x1082;
	s9 =	sld [smem:$0x3FA4]  }
0x2f: {  	lr =	sadd.s32 s0, s3;
	s0 =	sld [smem:$0x3F9B]  }
0x30: {  	s3 =	sld [smem:$0x3F9E]  }
0x31: {  	[smem:$0x3FA7] =	sst s10  }
0x32: {  	s10 =	sld [smem:$0x3FA5];
	_ =	sdelay $0x3  }
0x33: {  	p0 =	seq.s32 s10, $0x1;
	s10 =	sld [smem:$0x3FA7];
	_ =	sdelay $0x3  }
0x34: {  	[smem:$0x3FA7] =	sst s10  }
0x35: {  	s10 =	sld [smem:$0x3FA6];
	_ =	sdelay $0x3  }
0x36: {  	p1 =	seq.s32 s10, $0x1;
	s10 =	sld [smem:$0x3FA7];
	_ =	sdelay $0x3  }
0x37: {  	[smem:$0x3FA7] =	sst s10  }
0x38: {  	s10 =	sld [smem:$0x3FA8]  }
0x39: {  	_ = 	snop;
	(pc) =	sbr.ind lr, $3  }
0x3a: {  	_ = 	snop  }
0x3b: {  	_ = 	snop  }
0x3c: {  	p2 =	seq.s32 s10, $0x1;
	s10 =	sld [smem:$0x3FA7]  }
0x3d: {  	_ =	shalt  }
0x3e: {  	_ =	shalt  }
0x3f: {  	_ =	shalt  }
0x40: {  	_ =	shalt  }
0x41: {  	_ =	shalt  }
0x42: {  	_ =	shalt  }
0x43: {  	_ =	shalt  }
0x44: {  	_ =	shalt  }
0x45: {  	_ =	shalt  }
0x46: {  	_ =	shalt  }
0x47: {  	_ =	shalt  }
0x48: {  	_ =	shalt  }
0x49: {  	_ =	shalt  }
0x4a: {  	_ =	shalt  }
0x4b: {  	_ =	shalt  }
0x4c: {  	_ =	shalt  }
0x4d: {  	_ =	shalt  }
0x4e: {  	_ =	shalt  }
0x4f: {  	_ =	shalt  }
0x50: {  	_ =	shalt  }
0x51: {  	_ =	shalt  }
0x52: {  	_ =	shalt  }
0x53: {  	_ =	shalt  }
0x54: {  	_ =	shalt  }
0x55: {  	_ =	shalt  }
0x56: {  	_ =	shalt  }
0x57: {  	_ =	shalt  }
0x58: {  	_ =	shalt  }
0x59: {  	_ =	shalt  }
0x5a: {  	_ =	shalt  }
0x5b: {  	_ =	shalt  }
0x5c: {  	_ =	shalt  }
0x5d: {  	_ =	shalt  }
0x5e: {  	_ =	shalt  }
0x5f: {  	_ =	shalt  }
0x60: {  	_ =	shalt  }
0x61: {  	_ =	shalt  }
0x62: {  	_ =	shalt  }
0x63: {  	_ =	shalt  }
0x64: {  	_ =	shalt  }
0x65: {  	_ =	shalt  }
0x66: {  	_ =	shalt  }
0x67: {  	_ =	shalt  }
0x68: {  	_ =	shalt  }
0x69: {  	_ =	shalt  }
0x6a: {  	_ =	shalt  }
0x6b: {  	_ =	shalt  }
0x6c: {  	_ =	shalt  }
0x6d: {  	_ =	shalt  }
0x6e: {  	_ =	shalt  }
0x6f: {  	_ =	shalt  }
0x70: {  	_ =	shalt  }
0x71: {  	_ =	shalt  }
0x72: {  	_ =	shalt  }
0x73: {  	_ =	shalt  }
0x74: {  	_ =	shalt  }
0x75: {  	_ =	shalt  }
0x76: {  	_ =	shalt  }
0x77: {  	_ =	shalt  }
0x78: {  	_ =	shalt  }
0x79: {  	_ =	shalt  }
0x7a: {  	_ =	shalt  }
0x7b: {  	_ =	shalt  }
0x7c: {  	_ =	shalt  }
0x7d: {  	_ =	shalt  }
0x7e: {  	_ =	shalt  }
0x7f: {  	_ =	shalt  }
0x80: {  	_ =	shalt  }
0x81: {  	_ =	shalt  }
0x82: {  	_ =	shalt  }
0x83: {  	_ =	shalt  }
0x84: {  	_ =	shalt  }
0x85: {  	_ =	shalt  }
0x86: {  	_ =	shalt  }
0x87: {  	_ =	shalt  }
.Lfunc_end0:
.L_simem_size_0:
called_computation.3_lowered:
.L_overlay_start_0:
0x88: {  	s2 =	sld [smem:$0x3FD9]  }
0x89: {  	s3 =	sld [smem:$0x3FFE];
	_ =	sdelay $0x1  }
0x8a: {  	s1 =	srdreg.scid  }
0x8b: {  	s0 =	sand.u32 $0x1, s1  }
0x8c: {  	s16 =	sshll.u32 s0, $0xA;
	s2 =	sadd.s32 s3, s2  }
0x8d: {  	s2 =	sadd.s32 s2, s16  }
0x8e: {  	[smem:$0x3FB3] =	sst s2  }
0x8f: {  	_ = 	snop  }
0x90: {  	(tm) =	ssettm $0x1  }
0x91: {  	s17 =	sld [smem:$0x3FFB];
	_ =	sdelay $0x3  }
0x92: {  	_ =	strace s17  }
0x93: {  	s2 =	sld [smem:$0x3FFC];
	_ =	sdelay $0x3  }
0x94: {  	_ =	strace s2  }
0x95: {  	s2 =	sld [smem:$0x3FFD];
	_ =	sdelay $0x3  }
0x96: {  	_ =	strace s2  }
0x97: {  	_ =	strace $0x8FFFFFFF  }
0x98: {  	s18 =	sld [smem:$0x3FDB];
	_ =	sdelay $0x1  }
0x99: {  	s19 =	simm.s32 $_scs_section_size  }
0x9a: {  	s4 =	simm.s32 $_size__tile_overlayer_lowered;
	s5 =	simm.s32 $_tile_overlayer_lowered  }
0x9b: {  	s22 =	simm.s32 $0x1BFF;
	s21 =	sshll.u32 s5, $0x1;
	s2 =	sadd.s32 s19, s18  }
0x9c: {  	s6 =	simm.s32 $0x0;
	s20 =	sshll.u32 s4, $0x1;
	s4 =	sadd.s32 s21, s2  }
0x9d: {  	[timem:s6], [sflag:s22] =	dma.local [hbm:s4], s20  }
0x9e: {  	_ =	swait.ge [sflag:s22], s20  }
0x9f: {  	s3 =	ssub.s32 $0x0, s20;
	[sflag:s22] =	ssyncset.done $0x0  }
0xa0: {  	[sflag:s22] =	ssyncadd.s32 s3;
	_ =	sdelay $0x1  }
0xa1: {  	s23 =	simm.s32 $0x1B8B  }
0xa2: {  	_ =	swait.ge [sflag:s23], $0x1  }
0xa3: {  	[sflag:s23] =	ssyncset.done $0x0  }
0xa4: {  	s25 =	simm.s32 $0x1B8E;
	s24 =	sld [smem:$0x3FFE];
	[sflag:s23] =	ssyncadd.s32 $0xFFFFFFFF  }
0xa5: {  	s26 =	simm.s32 $execute0_lowered;
	[smem:$0x3FD2] =	sst s25  }
0xa6: {  	s4 =	sshll.u32 s26, $0x1;
	_ =	strace $0x8000004F;
	[dreg:$0x1] =	wrdreg $0xFFFFFFFF  }
0xa7: {  	s28 =	simm.s32 $_size_execute0_lowered;
	s2 =	sadd.s32 s2, s4;
	[dreg:$0x0] =	wrdreg $0x0  }
0xa8: {  	s4 =	sshll.u32 s28, $0x1;
	[dreg:$0x2] =	wrdreg s2  }
0xa9: {  	[dreg:$0x3] =	wrdreg s4  }
0xaa: {  	[dreg:$0x4] =	wrdreg $0xC0  }
0xab: {  	_ =	task [dreg:s6], $0x5FFFF  }
0xac: {  	[dreg:$0x1] =	wrdreg $0xFFFFFFFF  }
0xad: {  	[dreg:$0x0] =	wrdreg $0x60  }
0xae: {  	[dreg:$0x2] =	wrdreg s24  }
0xaf: {  	[dreg:$0x3] =	wrdreg $0xA8000  }
0xb0: {  	[dreg:$0x4] =	wrdreg $0x9  }
0xb1: {  	_ =	task.clear_ibuf [dreg:s6], $0x5FFFF;
	_ =	strace $0x9000004F  }
0xb2: {  	s29 =	simm.s32 $0x9;
	_ =	strace $0x80000051  }
0xb3: {  	_ =	swait.ge [sflag:s29], $0x1  }
0xb4: {  	[sflag:s29] =	ssyncadd.s32 $0xFFFFFFFF  }
0xb5: {  	_ =	strace $0x90000051  }
0xb6: {  	_ =	sfence  }
0xb7: {  	s30 =	sld [smem:$0x0];
	_ =	sdelay $0x2  }
0xb8: {  	s31 =	sshll.u32 s1, $0xD;
	s1 =	sshrl.u32 s1, $0x2  }
0xb9: {  	s3 =	sand.u32 $0x4000, s31;
	s1 =	sadd.s32 s1, s30  }
0xba: {  	s0 =	sor.u32 s3, s0;
	s1 =	sshll.u32 s1, $0x11  }
0xbb: {  	s0 =	sor.u32 s1, s0  }
0xbc: {  	s0 =	sadd.s32 $0x8F2B, s0  }
0xbd: {  	[sflag:s0] =	ssyncadd.remote.s32 $0x1  }
0xbe: {  	_ =	sfence.sel $0xFFFF  }
0xbf: {  	[dreg:$0x0] =	wrdreg $0xFFFFFFFF;
	(pc) =	sbr.abs _section_cstart, $3  }
0xc0: {  	[dreg:$0x1] =	wrdreg $0xFFFFFFFF  }
0xc1: {  	_ =	task.clear_ibuf [dreg:s6], $0x2FFFF;
	_ =	strace $0x9FFFFFFF  }
0xc2: {  	(tm) =	ssettm $0x7FFFFFFF  }
0xc3: {  	_ =	shalt  }
tec
execute0_lowered:
.L_overlay_start_1:
0x0: {  	(tag) =	ssettag $0x1  }
0x1: {  	s4 =	rddreg [dreg:$0x0]  }
0x2: {  	s0 =	srdreg.scid;
	s2 =	rddreg [dreg:$0x1]  }
0x3: {  	s1 =	rddreg [dreg:$0x2];
	s5 =	sand.u32 $0x1, s0  }
0x4: {  	s3 =	simm.s32 $0x0;
	s0 =	stileid.u32;
	s6 =	smul.u32 $0x28000, s5  }
0x5: {  	s14 =	simm.s32 $0x80;
	s15 =	simm.s32 $0x2800;
	s7 =	smul.u32 $0x2800, s0  }
0x6: {  	s16 =	simm.s32 $0x6800;
	s17 =	simm.s32 $0x1;
	s22 =	smul.u32 $0x140000, s5  }
0x7: {  	s18 =	simm.s32 $0x2;
	s19 =	simm.s32 $0x0;
	s8 =	smul.u32 $0x14000, s0  }
0x8: {  	[smem:$0x7FF] =	sst s3;
	s12 =	sadd.s32 $0x663C00, s4;
	s9 =	smul.u32 $0x50000, s0  }
0x9: {  	_ =	strace $0x80000050;
	s23 =	ssub.s32 $0x2, s5;
	s5 =	smul.u32 $0x1400000, s5  }
0xa: {  	s11 =	smul.u32 $0x140000, s0;
	s31 =	sshll.u32 s0, $0x6;
	s10 =	sshrl.u32 s23, $0x1  }
0xb: {  	s6 =	sadd.s32 s7, s6;
	s7 =	sadd.s32 s8, s22;
	s8 =	ssub.s32 s23, s10  }
0xc: {  	s24 =	sshrl.u32 s9, $0x2;
	s25 =	sadd.s32 s5, s11;
	s11 =	simm.s32 $0x3  }
0xd: {  	s6 =	sshrl.u32 s6, $0x3;
	s7 =	sshrl.u32 s7, $0x3;
	s13 =	sadd.s32 s24, s2  }
0xe: {  	s26 =	sshrl.u32 s25, $0x3;
	s28 =	sor.u32 $0x4000, s25;
	s29 =	sor.u32 $0xC000, s25  }
0xf: {  	s9 =	sor.u32 $0x8000, s25;
	s6 =	sadd.s32 s6, s4;
	s7 =	sadd.s32 s7, s4  }
0x10: {  	s10 =	sshrl.u32 s29, $0x3;
	s30 =	sshrl.u32 s9, $0x3;
	s13 =	sshrl.u32 s13, $0x3  }
0x11: {  	s4 =	sadd.s32 $0x8CE00, s6;
	s5 =	sadd.s32 $0x96E00, s7;
	s6 =	smax.u32 s8, $0x1  }
0x12: {  	s7 =	sadd.s32 s12, s26;
	s8 =	sshrl.u32 s28, $0x3;
	s9 =	sadd.s32 s10, s12  }
0x13: {  	s10 =	sadd.s32 s30, s12;
	s8 =	sadd.s32 s12, s8;
	s12 =	sor.u32 $0x1C03, s31  }
.LBB2_1:
0x14: {  	[tilespmem:s3], [sflag:$0x3] =	stream.linear.gather [hbm4b:s4+s3], $0x2800, $0x38;
	[tilespmem:$0x14800] =	vst v63  }
0x15: {  	_ =	swait.ge [sflag:s11], $0x2800  }
0x16: {  	[sflag:s11] =	ssyncset.done $0x0  }
0x17: {  	[sflag:s11] =	ssyncadd.s32 $0xFFFFD800  }
0x18: {  	[spmem:s13], [sflag:s12] =	dma.local [hbm:s5], $0x2800  }
0x19: {  	_ =	swait.ge [sflag:s11], $0x2800  }
0x1a: {  	[sflag:s11] =	ssyncset.done $0x0  }
0x1b: {  	[sflag:s11] =	ssyncadd.s32 $0xFFFFD800  }
0x1c: {  	[bflag:$0x0] =	sbarrier.arrive $0xFFFF  }
0x1d: {  	[tilespmem:s15], [sflag:$0x3] =	stream.indirect.gather [spmem:s2], $0x40, s3, s14, $0xb8;
	[tilespmem:$0x14800] =	vst v63  }
0x1e: {  	_ =	swait.ge [sflag:s11], $0x2000  }
0x1f: {  	[sflag:s11] =	ssyncset.done $0x0  }
0x20: {  	[sflag:s11] =	ssyncadd.s32 $0xFFFFE000  }
0x21: {  	[hbm4b:s7+s3] =	stream.linear.scatter [tilespmem:s15], [sflag:$0x1], $0x4000, $0x38;
	[tilespmem:$0x14800] =	vst v63  }
0x22: {  	_ = 	snop  }
0x23: {  	[tilespmem:s16], [sflag:$0x3] =	stream.indirect.gather [spmem:s2], $0x40, s14, s14, $0xb8;
	[tilespmem:$0x14800] =	vst v63  }
0x24: {  	_ =	swait.ge [sflag:s11], $0x2000  }
0x25: {  	[sflag:s11] =	ssyncset.done $0x0  }
0x26: {  	[sflag:s11] =	ssyncadd.s32 $0xFFFFE000  }
0x27: {  	[hbm4b:s8+s3] =	stream.linear.scatter [tilespmem:s16], [sflag:$0x2], $0x4000, $0x38;
	[tilespmem:$0x14800] =	vst v63  }
0x28: {  	_ =	swait.ge [sflag:s17], $0x4000  }
0x29: {  	[sflag:s17] =	ssyncset.done $0x0  }
0x2a: {  	s20 =	simm.s32 $0x100;
	[sflag:s17] =	ssyncadd.s32 $0xFFFFC000  }
0x2b: {  	[tilespmem:s15], [sflag:$0x3] =	stream.indirect.gather [spmem:s2], $0x40, s20, s14, $0xb8;
	[tilespmem:$0x14800] =	vst v63  }
0x2c: {  	_ =	swait.ge [sflag:s11], $0x2000  }
0x2d: {  	[sflag:s11] =	ssyncset.done $0x0  }
0x2e: {  	s30 =	sadd.s32 $0x0, s10;
	[sflag:s11] =	ssyncadd.s32 $0xFFFFE000  }
0x2f: {  	[hbm4b:s30+s3] =	stream.linear.scatter [tilespmem:s15], [sflag:$0x1], $0x4000, $0x38;
	[tilespmem:$0x14800] =	vst v63  }
0x30: {  	_ =	swait.ge [sflag:s18], $0x4000  }
0x31: {  	[sflag:s18] =	ssyncset.done $0x0  }
0x32: {  	s31 =	simm.s32 $0x180;
	[sflag:s18] =	ssyncadd.s32 $0xFFFFC000  }
0x33: {  	[tilespmem:s16], [sflag:$0x3] =	stream.indirect.gather [spmem:s2], $0x40, s31, s14, $0xb8;
	[tilespmem:$0x14800] =	vst v63  }
0x34: {  	_ =	swait.ge [sflag:s11], $0x2000  }
0x35: {  	s22 =	sadd.s32 $0x0, s9;
	[sflag:s11] =	ssyncset.done $0x0  }
0x36: {  	s21 =	simm.s32 $0x200;
	s20 =	simm.s32 $0x1000;
	[sflag:s11] =	ssyncadd.s32 $0xFFFFE000  }
.LBB2_2:
0x37: {  	[hbm4b:s22+s3] =	stream.linear.scatter [tilespmem:s16], [sflag:$0x2], $0x4000, $0x38;
	[tilespmem:$0x14800] =	vst v63  }
0x38: {  	s22 =	smov.u32 s20  }
0x39: {  	p0 =	sne.s32 s20, $0x26000;
	s20 =	sadd.s32 $0x1000, s20;
	_ =	swait.ge [sflag:s17], $0x4000  }
0x3a: {  	[sflag:s17] =	ssyncset.done $0x0  }
0x3b: {  	[sflag:s17] =	ssyncadd.s32 $0xFFFFC000  }
0x3c: {  	[tilespmem:s15], [sflag:$0x3] =	stream.indirect.gather [spmem:s2], $0x40, s21, s14, $0xb8;
	[tilespmem:$0x14800] =	vst v63  }
0x3d: {  	_ =	swait.ge [sflag:s11], $0x2000  }
0x3e: {  	[sflag:s11] =	ssyncset.done $0x0  }
0x3f: {  	s23 =	sadd.s32 s22, s10;
	[sflag:s11] =	ssyncadd.s32 $0xFFFFE000  }
0x40: {  	[hbm4b:s23+s3] =	stream.linear.scatter [tilespmem:s15], [sflag:$0x1], $0x4000, $0x38;
	[tilespmem:$0x14800] =	vst v63  }
0x41: {  	_ =	swait.ge [sflag:s18], $0x4000  }
0x42: {  	[sflag:s18] =	ssyncset.done $0x0  }
.Ltmp0:
0x43: {  	s23 =	sadd.s32 $0x80, s21;
	[sflag:s18] =	ssyncadd.s32 $0xFFFFC000;
	(pc) =	sbr.rel @p0 .LBB2_2-.Ltmp0, $4  }
0x44: {  	[tilespmem:s16], [sflag:$0x3] =	stream.indirect.gather [spmem:s2], $0x40, s23, s14, $0xb8;
	[tilespmem:$0x14800] =	vst v63  }
0x45: {  	_ =	swait.ge [sflag:s11], $0x2000  }
0x46: {  	[sflag:s11] =	ssyncset.done $0x0  }
0x47: {  	s22 =	sadd.s32 s22, s9;
	s21 =	sadd.s32 $0x100, s21;
	[sflag:s11] =	ssyncadd.s32 $0xFFFFE000  }
0x48: {  	[hbm4b:s22+s3] =	stream.linear.scatter [tilespmem:s16], [sflag:$0x2], $0x4000, $0x38;
	[tilespmem:$0x14800] =	vst v63  }
0x49: {  	s19 =	sadd.s32 $0x1, s19  }
0x4a: {  	_ =	swait.ge [sflag:s17], $0x4000;
	p0 =	sne.s32 s19, s6  }
.Ltmp1:
0x4b: {  	[sflag:s17] =	ssyncset.done $0x0;
	(pc) =	sbr.rel @p0 .LBB2_1-.Ltmp1, $4  }
0x4c: {  	[sflag:s17] =	ssyncadd.s32 $0xFFFFC000  }
0x4d: {  	_ =	swait.ge [sflag:s18], $0x4000  }
0x4e: {  	[sflag:s18] =	ssyncset.done $0x0  }
0x4f: {  	[sflag:s18] =	ssyncadd.s32 $0xFFFFC000  }
0x50: {  	_ =	sfence.sel $0x180000  }
0x51: {  	[bflag:$0x0] =	sbarrier.arrive $0xFFFF  }
0x52: {  	p0 =	sne.s32 s0, $0x0;
	_ =	strace $0x90000050  }
0x53: {  	s0 =	sadd.s32 @!p0 $0x100000, s1;
	[bflag:$0x2] =	sbarrier.arrive $0xFFFF  }
0x54: {  	[sflag:s0] =	ssyncadd.tile.s32 @!p0 $0x1;
	_ =	shalt  }
.Lfunc_end2:
_tile_overlayer_lowered:
.L_overlay_start_2:
0x55: {  	(tag) =	ssettag $0x2  }
0x56: {  	s0 =	rddreg [dreg:$0x0];
	s2 =	stileid.u32  }
0x57: {  	s1 =	rddreg [dreg:$0x1];
	p0 =	sne.s32 s2, $0x0  }
0x58: {  	s3 =	rddreg [dreg:$0x2];
	[bflag:$0x3] =	sbarrier.arrive $0xFFFF;
	s2 =	simm.s32 @!p0 $0x1C03  }
0x59: {  	[timem:s3], [sflag:s2] =	dma.local @!p0 [hbm:s0], s1  }
0x5a: {  	s0 =	simm.s32 @!p0 $0x3  }
0x5b: {  	_ =	swait.ge @!p0 [sflag:s0], s1  }
0x5c: {  	s1 =	ssub.s32 @!p0 $0x0, s1;
	[sflag:s0] =	ssyncset.done @!p0 $0x0  }
0x5d: {  	[sflag:s0] =	ssyncadd.s32 @!p0 s1  }
0x5e: {  	[bflag:$0x3] =	sbarrier.arrive $0xFFFF  }
0x5f: {  	_ =	shalt  }

// kernel: kernel.37.cloned.1.call-start
scs
__scs_entry_jumppad:
0x0: {  	(pc) =	sbr.rel $0x88, $3  }
0x1: {  	(tag) =	ssettag $0x0;
	lr =	simm.s32 $0x1  }
0x2: {  	[smem:$0x3F8C] =	sst lr;
	_ =	strace $0xD0000000  }
0x3: {  	_ = 	snop  }
0x4: {  	_ = 	snop  }
0x5: {  	_ = 	snop  }
0x6: {  	_ = 	snop  }
0x7: {  	_ = 	snop  }
__scs_overlays_trampoline_lowered:
0x8: {  	[smem:$0x3F9B] =	sst s0  }
0x9: {  	[smem:$0x3F9C] =	sst s1  }
0xa: {  	[smem:$0x3F9D] =	sst s2  }
0xb: {  	[smem:$0x3F9E] =	sst s3  }
0xc: {  	[smem:$0x3F9F] =	sst s4  }
0xd: {  	[smem:$0x3FA0] =	sst s5  }
0xe: {  	[smem:$0x3FA1] =	sst s6  }
0xf: {  	[smem:$0x3FA2] =	sst s7  }
0x10: {  	[smem:$0x3FA3] =	sst s8  }
0x11: {  	[smem:$0x3FA4] =	sst s9;
	s0 =	simm.s32 @!p0 $0x0  }
0x12: {  	s1 =	sld [smem:$0x3F8A];
	s0 =	simm.s32 @p0 $0x1  }
0x13: {  	[smem:$0x3FA5] =	sst s0;
	s0 =	simm.s32 @!p1 $0x0  }
0x14: {  	s2 =	sld [smem:$0x3F89];
	s0 =	simm.s32 @p1 $0x1  }
0x15: {  	[smem:$0x3FA6] =	sst s0;
	s0 =	simm.s32 @!p2 $0x0  }
0x16: {  	s3 =	sld [smem:$0x3FDB];
	s0 =	simm.s32 @p2 $0x1  }
0x17: {  	s4 =	simm.s32 $0x1BF5;
	[smem:$0x3FA8] =	sst s0  }
0x18: {  	s0 =	sld [smem:$0x3F8B];
	_ =	swait.ge [sflag:s4], $0x0  }
0x19: {  	s7 =	sld [smem:$0x3F8C]  }
0x1a: {  	s8 =	sadd.s32 $0xFFFFE003, lr  }
0x1b: {  	s9 =	sadd.s32 $0xFFFFFEF7, lr;
	s5 =	simm.s32 $0xFFFFFFFF;
	p2 =	slt.u32 s8, $0xFFFFF086  }
0x1c: {  	p1 =	slt.u32 s9, $0xF7A;
	s5 =	simm.s32 @!p2 $0x0  }
0x1d: {  	s5 =	simm.s32 @p1 $0x1;
	p0 =	seq.s32 s7, s2  }
0x1e: {  	s7 =	smul.u32 @!p0 $0xF7A, s2;
	p2 =	seq.s32 @!p0 s5, $0x0  }
0x1f: {  	s9 =	smul.u32 $0xF7A, s1;
	s8 =	simm.s32 @!p0 $0x1BF5;
	p2 =	por !p2, p0  }
0x20: {  	[sflag:s8] =	ssyncset.s32 @!p0 $0xFFFFF086;
	s6 =	sadd.s32 @!p0 s3, s7;
	s7 =	simm.s32 @!p0 $0x108  }
0x21: {  	s3 =	sadd.s32 s3, s9;
	s6 =	sadd.s32 @!p0 $0x88, s6;
	s7 =	simm.s32 @p2 $0x1082  }
0x22: {  	[simem:s7], [sflag:s8] =	dma.local @!p0 [hbm:s6], $0xF7A  }
0x23: {  	s9 =	sor.u32 $0xD0000000, s2;
	s6 =	simm.s32 $0x108;
	_ =	swait.ge @!p0 [sflag:s8], $0x0  }
0x24: {  	s3 =	sadd.s32 $0x88, s3;
	s6 =	simm.s32 @!p1 $0x1082;
	[sflag:s4] =	ssyncset.s32 $0xFFFFF086  }
0x25: {  	[simem:s6], [sflag:s4] =	dma.local [hbm:s3], $0xF7A  }
0x26: {  	[smem:$0x3F8C] =	sst s1;
	(tag) =	ssettag s2;
	_ =	strace s9  }
0x27: {  	s1 =	sld [smem:$0x3F9C]  }
0x28: {  	s2 =	sld [smem:$0x3F9D]  }
0x29: {  	s4 =	sld [smem:$0x3F9F]  }
0x2a: {  	p0 =	seq.s32 s5, $0x0;
	s5 =	sld [smem:$0x3FA0]  }
0x2b: {  	s6 =	sld [smem:$0x3FA1]  }
0x2c: {  	s7 =	sld [smem:$0x3FA2]  }
0x2d: {  	s3 =	simm.s32 $0x108;
	s8 =	sld [smem:$0x3FA3]  }
0x2e: {  	s3 =	simm.s32 @!p0 $0x1082;
	s9 =	sld [smem:$0x3FA4]  }
0x2f: {  	lr =	sadd.s32 s0, s3;
	s0 =	sld [smem:$0x3F9B]  }
0x30: {  	s3 =	sld [smem:$0x3F9E]  }
0x31: {  	[smem:$0x3FA7] =	sst s10  }
0x32: {  	s10 =	sld [smem:$0x3FA5];
	_ =	sdelay $0x3  }
0x33: {  	p0 =	seq.s32 s10, $0x1;
	s10 =	sld [smem:$0x3FA7];
	_ =	sdelay $0x3  }
0x34: {  	[smem:$0x3FA7] =	sst s10  }
0x35: {  	s10 =	sld [smem:$0x3FA6];
	_ =	sdelay $0x3  }
0x36: {  	p1 =	seq.s32 s10, $0x1;
	s10 =	sld [smem:$0x3FA7];
	_ =	sdelay $0x3  }
0x37: {  	[smem:$0x3FA7] =	sst s10  }
0x38: {  	s10 =	sld [smem:$0x3FA8]  }
0x39: {  	_ = 	snop;
	(pc) =	sbr.ind lr, $3  }
0x3a: {  	_ = 	snop  }
0x3b: {  	_ = 	snop  }
0x3c: {  	p2 =	seq.s32 s10, $0x1;
	s10 =	sld [smem:$0x3FA7]  }
0x3d: {  	_ =	shalt  }
0x3e: {  	_ =	shalt  }
0x3f: {  	_ =	shalt  }
0x40: {  	_ =	shalt  }
0x41: {  	_ =	shalt  }
0x42: {  	_ =	shalt  }
0x43: {  	_ =	shalt  }
0x44: {  	_ =	shalt  }
0x45: {  	_ =	shalt  }
0x46: {  	_ =	shalt  }
0x47: {  	_ =	shalt  }
0x48: {  	_ =	shalt  }
0x49: {  	_ =	shalt  }
0x4a: {  	_ =	shalt  }
0x4b: {  	_ =	shalt  }
0x4c: {  	_ =	shalt  }
0x4d: {  	_ =	shalt  }
0x4e: {  	_ =	shalt  }
0x4f: {  	_ =	shalt  }
0x50: {  	_ =	shalt  }
0x51: {  	_ =	shalt  }
0x52: {  	_ =	shalt  }
0x53: {  	_ =	shalt  }
0x54: {  	_ =	shalt  }
0x55: {  	_ =	shalt  }
0x56: {  	_ =	shalt  }
0x57: {  	_ =	shalt  }
0x58: {  	_ =	shalt  }
0x59: {  	_ =	shalt  }
0x5a: {  	_ =	shalt  }
0x5b: {  	_ =	shalt  }
0x5c: {  	_ =	shalt  }
0x5d: {  	_ =	shalt  }
0x5e: {  	_ =	shalt  }
0x5f: {  	_ =	shalt  }
0x60: {  	_ =	shalt  }
0x61: {  	_ =	shalt  }
0x62: {  	_ =	shalt  }
0x63: {  	_ =	shalt  }
0x64: {  	_ =	shalt  }
0x65: {  	_ =	shalt  }
0x66: {  	_ =	shalt  }
0x67: {  	_ =	shalt  }
0x68: {  	_ =	shalt  }
0x69: {  	_ =	shalt  }
0x6a: {  	_ =	shalt  }
0x6b: {  	_ =	shalt  }
0x6c: {  	_ =	shalt  }
0x6d: {  	_ =	shalt  }
0x6e: {  	_ =	shalt  }
0x6f: {  	_ =	shalt  }
0x70: {  	_ =	shalt  }
0x71: {  	_ =	shalt  }
0x72: {  	_ =	shalt  }
0x73: {  	_ =	shalt  }
0x74: {  	_ =	shalt  }
0x75: {  	_ =	shalt  }
0x76: {  	_ =	shalt  }
0x77: {  	_ =	shalt  }
0x78: {  	_ =	shalt  }
0x79: {  	_ =	shalt  }
0x7a: {  	_ =	shalt  }
0x7b: {  	_ =	shalt  }
0x7c: {  	_ =	shalt  }
0x7d: {  	_ =	shalt  }
0x7e: {  	_ =	shalt  }
0x7f: {  	_ =	shalt  }
0x80: {  	_ =	shalt  }
0x81: {  	_ =	shalt  }
0x82: {  	_ =	shalt  }
0x83: {  	_ =	shalt  }
0x84: {  	_ =	shalt  }
0x85: {  	_ =	shalt  }
0x86: {  	_ =	shalt  }
0x87: {  	_ =	shalt  }
.Lfunc_end0:
.L_simem_size_0:
called_computation.4_lowered:
.L_overlay_start_0:
0x88: {  	s2 =	sld [smem:$0x3FD9]  }
0x89: {  	s3 =	sld [smem:$0x3FFE];
	_ =	sdelay $0x1  }
0x8a: {  	s1 =	srdreg.scid  }
0x8b: {  	s0 =	sand.u32 $0x1, s1  }
0x8c: {  	s17 =	sshll.u32 s0, $0xA;
	s2 =	sadd.s32 s3, s2  }
0x8d: {  	s2 =	sadd.s32 s2, s17  }
0x8e: {  	[smem:$0x3FB3] =	sst s2  }
0x8f: {  	_ = 	snop  }
0x90: {  	s2 =	sld [smem:$0x3FD0];
	(tm) =	ssettm $0x1  }
0x91: {  	s18 =	sld [smem:$0x3FFB];
	_ =	sdelay $0x3  }
0x92: {  	_ =	strace s18  }
0x93: {  	s3 =	sld [smem:$0x3FFC];
	_ =	sdelay $0x3  }
0x94: {  	_ =	strace s3  }
0x95: {  	s3 =	sld [smem:$0x3FFD];
	_ =	sdelay $0x3  }
0x96: {  	_ =	strace s3  }
0x97: {  	_ =	strace $0x8FFFFFFF  }
0x98: {  	s19 =	sld [smem:$0x3FDB];
	_ =	sdelay $0x1  }
0x99: {  	s4 =	simm.s32 $_scs_section_size  }
0x9a: {  	s5 =	simm.s32 $_size__tile_overlayer_lowered;
	s6 =	simm.s32 $_tile_overlayer_lowered  }
0x9b: {  	s22 =	simm.s32 $0x1BFF;
	s21 =	sshll.u32 s6, $0x1;
	s3 =	sadd.s32 s4, s19  }
0x9c: {  	s7 =	simm.s32 $0x0;
	s20 =	sshll.u32 s5, $0x1;
	s5 =	sadd.s32 s21, s3  }
0x9d: {  	[timem:s7], [sflag:s22] =	dma.local [hbm:s5], s20  }
0x9e: {  	_ =	swait.ge [sflag:s22], s20  }
0x9f: {  	s4 =	ssub.s32 $0x0, s20;
	[sflag:s22] =	ssyncset.done $0x0  }
0xa0: {  	[sflag:s22] =	ssyncadd.s32 s4;
	_ =	sdelay $0x1  }
0xa1: {  	s23 =	simm.s32 $0x1B8B  }
0xa2: {  	_ =	swait.ge [sflag:s23], $0x1  }
0xa3: {  	[sflag:s23] =	ssyncset.done $0x0  }
0xa4: {  	s25 =	simm.s32 $0x1B8E;
	s24 =	sld [smem:$0x3FFE];
	[sflag:s23] =	ssyncadd.s32 $0xFFFFFFFF  }
0xa5: {  	s26 =	simm.s32 $execute0_lowered;
	[smem:$0x3FD2] =	sst s25  }
0xa6: {  	s5 =	sshll.u32 s26, $0x1;
	_ =	strace $0x80000052;
	[dreg:$0x1] =	wrdreg $0xFFFFFFFF  }
0xa7: {  	s28 =	simm.s32 $_size_execute0_lowered;
	s3 =	sadd.s32 s3, s5;
	[dreg:$0x0] =	wrdreg $0x0  }
0xa8: {  	s5 =	sshll.u32 s28, $0x1;
	[dreg:$0x2] =	wrdreg s3  }
0xa9: {  	[dreg:$0x3] =	wrdreg s5  }
0xaa: {  	[dreg:$0x4] =	wrdreg $0xC0  }
0xab: {  	_ =	task [dreg:s7], $0x5FFFF  }
0xac: {  	[dreg:$0x1] =	wrdreg $0xFFFFFFFF  }
0xad: {  	[dreg:$0x0] =	wrdreg $0x60  }
0xae: {  	[dreg:$0x2] =	wrdreg s24  }
0xaf: {  	[dreg:$0x3] =	wrdreg s2  }
0xb0: {  	[dreg:$0x4] =	wrdreg $0x94000  }
0xb1: {  	[dreg:$0x5] =	wrdreg $0x9  }
0xb2: {  	_ =	task.clear_ibuf [dreg:s7], $0x6FFFF;
	_ =	strace $0x90000052  }
0xb3: {  	s29 =	simm.s32 $0x9;
	_ =	strace $0x80000054  }
0xb4: {  	_ =	swait.ge [sflag:s29], $0x1  }
0xb5: {  	[sflag:s29] =	ssyncadd.s32 $0xFFFFFFFF  }
0xb6: {  	_ =	strace $0x90000054  }
0xb7: {  	_ =	sfence  }
0xb8: {  	s30 =	sld [smem:$0x0];
	_ =	sdelay $0x2  }
0xb9: {  	s31 =	sshll.u32 s1, $0xD;
	s1 =	sshrl.u32 s1, $0x2  }
0xba: {  	s3 =	sand.u32 $0x4000, s31;
	s1 =	sadd.s32 s1, s30  }
0xbb: {  	s0 =	sor.u32 s3, s0;
	s1 =	sshll.u32 s1, $0x11  }
0xbc: {  	s0 =	sor.u32 s1, s0  }
0xbd: {  	s0 =	sadd.s32 $0x8F2B, s0  }
0xbe: {  	[sflag:s0] =	ssyncadd.remote.s32 $0x1  }
0xbf: {  	_ =	sfence.sel $0xFFFF  }
0xc0: {  	[dreg:$0x0] =	wrdreg $0xFFFFFFFF;
	(pc) =	sbr.abs _section_cstart, $3  }
0xc1: {  	[dreg:$0x1] =	wrdreg $0xFFFFFFFF  }
0xc2: {  	_ =	task.clear_ibuf [dreg:s7], $0x2FFFF;
	_ =	strace $0x9FFFFFFF  }
0xc3: {  	(tm) =	ssettm $0x7FFFFFFF  }
tec
execute0_lowered:
.L_overlay_start_1:
0x0: {  	(tag) =	ssettag $0x1  }
0x1: {  	s4 =	rddreg [dreg:$0x0]  }
0x2: {  	s5 =	rddreg [dreg:$0x1];
	s0 =	srdreg.scid  }
0x3: {  	s2 =	rddreg [dreg:$0x2];
	s1 =	stileid.u32;
	s3 =	simm.s32 $0x0  }
0x4: {  	s17 =	simm.s32 $0x1400;
	s18 =	simm.s32 $0x1;
	s19 =	simm.s32 $0x80  }
0x5: {  	s20 =	simm.s32 $0x5400;
	s21 =	simm.s32 $0x2;
	s22 =	simm.s32 $0x3  }
0x6: {  	s23 =	simm.s32 $0x4;
	s24 =	simm.s32 $0x0;
	s7 =	smul.u32 $0x14000, s1  }
0x7: {  	s9 =	sand.u32 $0x1, s0;
	s0 =	rddreg [dreg:$0x3];
	s8 =	smul.u32 $0x50000, s1  }
0x8: {  	[smem:$0x7FF] =	sst s3;
	s11 =	sadd.s32 $0x115400, s4;
	s15 =	smul.u32 $0x28000, s1  }
0x9: {  	s26 =	sshll.u32 s1, $0x1;
	s6 =	smul.u32 $0x140000, s9;
	_ =	strace $0x80000053  }
0xa: {  	s28 =	ssub.s32 $0x2, s9;
	s29 =	sor.u32 s9, s26;
	s16 =	smul.u32 $0x14000, s9  }
0xb: {  	s30 =	sshrl.u32 s28, $0x1;
	s10 =	smul.u32 $0x280, s29;
	s8 =	sshrl.u32 s8, $0x2  }
0xc: {  	s14 =	smul.u32 $0x14000, s29;
	s31 =	sadd.s32 s15, s11;
	s6 =	sadd.s32 s7, s6  }
0xd: {  	s13 =	ssub.s32 s28, s30;
	s15 =	sadd.s32 s16, s31;
	s16 =	simm.s32 $0x5  }
.Ltmp0:
0xe: {  	s6 =	sshrl.u32 s6, $0x3;
	s5 =	sadd.s32 s5, s10;
	(pc) =	sbr.rel .LBB2_1-.Ltmp0, $4  }
0xf: {  	s10 =	sadd.s32 s11, s14;
	s12 =	sadd.s32 s6, s4;
	s4 =	sadd.s32 s8, s2  }
0x10: {  	s15 =	sadd.s32 $0x2000, s15;
	s14 =	sadd.s32 $0x1000, s10;
	s6 =	sadd.s32 $0x4000, s4  }
0x11: {  	s7 =	sadd.s32 $0x8000, s4;
	s8 =	sadd.s32 $0xC000, s4;
	s9 =	sadd.s32 $0x10000, s4  }
0x12: {  	v0 =	vimm.f32 $0.0e+00;
	s11 =	sadd.s32 $0x96E00, s12;
	s12 =	smax.u32 s13, $0x1;
	s13 =	sadd.s32 $0x800, s10  }
.LBB2_6:
0x13: {  	_ =	swait.ge [sflag:s23], $0x4000  }
0x14: {  	s25 =	sshll.u32 s1, $0x6;
	s24 =	sadd.s32 $0x1, s24;
	[sflag:s23] =	ssyncset.done $0x0  }
0x15: {  	s26 =	sshrl.u32 s4, $0x3;
	p0 =	sne.s32 s24, s12;
	[sflag:s23] =	ssyncadd.s32 $0xFFFFC000  }
.Ltmp1:
0x16: {  	s25 =	sor.u32 $0x1C05, s25;
	[bflag:$0x0] =	sbarrier.arrive $0xFFFF;
	(pc) =	sbr.rel @!p0 .LBB2_7-.Ltmp1, $4  }
0x17: {  	[hbm:s11], [sflag:s25] =	dma.local [spmem:s26], $0x2800  }
0x18: {  	_ =	swait.ge [sflag:s16], $0x2800  }
0x19: {  	[sflag:s16] =	ssyncset.done $0x0  }
0x1a: {  	[sflag:s16] =	ssyncadd.s32 $0xFFFFD800  }
.LBB2_1:
0x1b: {  	[tilespmem:s3], [sflag:$0x5] =	stream.linear.gather [hbm4b:s5+s3], $0x1400, $0x38;
	[tilespmem:$0x1D400] =	vst v63  }
0x1c: {  	_ =	swait.ge [sflag:s16], $0x1400  }
0x1d: {  	[sflag:s16] =	ssyncset.done $0x0  }
0x1e: {  	s25 =	simm.s32 $0x0;
	s26 =	simm.s32 $0x200;
	[sflag:s16] =	ssyncadd.s32 $0xFFFFEC00  }
.LBB2_2:
0x1f: {  	p0 =	sne.s32 s26, $0xFE00;
	[tilespmem:s25+$0x1470] =	vst v0  }
0x20: {  	[tilespmem:s25+$0x1400] =	vst v0  }
0x21: {  	[tilespmem:s25+$0x1410] =	vst v0  }
.Ltmp2:
0x22: {  	[tilespmem:s25+$0x1420] =	vst v0;
	(pc) =	sbr.rel @p0 .LBB2_2-.Ltmp2, $4  }
0x23: {  	[tilespmem:s25+$0x1430] =	vst v0  }
0x24: {  	[tilespmem:s25+$0x1440] =	vst v0  }
0x25: {  	[tilespmem:s25+$0x1450] =	vst v0  }
0x26: {  	[tilespmem:s25+$0x1460] =	vst v0;
	s25 =	sshra.s32 s26, $0x2;
	s26 =	sadd.s32 $0x200, s26  }
0x27: {  	[tilespmem:s25+$0x1470] =	vst v0  }
0x28: {  	[tilespmem:s25+$0x1400] =	vst v0  }
0x29: {  	[tilespmem:s25+$0x1410] =	vst v0  }
0x2a: {  	[tilespmem:s25+$0x1420] =	vst v0  }
0x2b: {  	[tilespmem:s25+$0x1430] =	vst v0  }
0x2c: {  	[tilespmem:s25+$0x1440] =	vst v0  }
0x2d: {  	[tilespmem:s25+$0x1450] =	vst v0  }
0x2e: {  	[tilespmem:s25+$0x1460] =	vst v0  }
0x2f: {  	[spmem:s4] =	stream.linear.scatter [tilespmem:s17], [sflag:$0x5], $0x4000, $0x38;
	[tilespmem:$0x1D400] =	vst v63  }
0x30: {  	_ =	swait.ge [sflag:s16], $0x4000  }
0x31: {  	[sflag:s16] =	ssyncset.done $0x0  }
0x32: {  	[sflag:s16] =	ssyncadd.s32 $0xFFFFC000  }
0x33: {  	[spmem:s6] =	stream.linear.scatter [tilespmem:s17], [sflag:$0x5], $0x4000, $0x38;
	[tilespmem:$0x1D400] =	vst v63  }
0x34: {  	_ =	swait.ge [sflag:s16], $0x4000  }
0x35: {  	[sflag:s16] =	ssyncset.done $0x0  }
0x36: {  	[sflag:s16] =	ssyncadd.s32 $0xFFFFC000  }
0x37: {  	[spmem:s7] =	stream.linear.scatter [tilespmem:s17], [sflag:$0x5], $0x4000, $0x38;
	[tilespmem:$0x1D400] =	vst v63  }
0x38: {  	_ =	swait.ge [sflag:s16], $0x4000  }
0x39: {  	[sflag:s16] =	ssyncset.done $0x0  }
0x3a: {  	[sflag:s16] =	ssyncadd.s32 $0xFFFFC000  }
0x3b: {  	[spmem:s8] =	stream.linear.scatter [tilespmem:s17], [sflag:$0x5], $0x4000, $0x38;
	[tilespmem:$0x1D400] =	vst v63  }
0x3c: {  	_ =	swait.ge [sflag:s16], $0x4000  }
0x3d: {  	[sflag:s16] =	ssyncset.done $0x0  }
0x3e: {  	[sflag:s16] =	ssyncadd.s32 $0xFFFFC000  }
0x3f: {  	[spmem:s9] =	stream.linear.scatter [tilespmem:s17], [sflag:$0x5], $0x4000, $0x38;
	[tilespmem:$0x1D400] =	vst v63  }
0x40: {  	_ =	swait.ge [sflag:s16], $0x4000  }
0x41: {  	[sflag:s16] =	ssyncset.done $0x0  }
0x42: {  	[sflag:s16] =	ssyncadd.s32 $0xFFFFC000  }
0x43: {  	s25 =	simm.s32 $0x0;
	[bflag:$0x0] =	sbarrier.arrive $0xFFFF  }
0x44: {  	[tilespmem:s17], [sflag:$0x1] =	stream.linear.gather [hbm4b:s10+s25], $0x4000, $0x38;
	[tilespmem:$0x1D400] =	vst v63  }
0x45: {  	_ =	swait.ge [sflag:s18], $0x4000  }
0x46: {  	[sflag:s18] =	ssyncset.done $0x0  }
0x47: {  	[sflag:s18] =	ssyncadd.s32 $0xFFFFC000  }
0x48: {  	[spmem:s2] =	stream.indirect.scatter.add.f32 [tilespmem:s17], [sflag:$0x3], $0x80, s25, s19, $0xb8;
	[tilespmem:$0x1D400] =	vst v63  }
0x49: {  	_ = 	snop  }
0x4a: {  	[tilespmem:s20], [sflag:$0x2] =	stream.linear.gather [hbm4b:s13+s25], $0x4000, $0x38;
	[tilespmem:$0x1D400] =	vst v63  }
0x4b: {  	_ =	swait.ge [sflag:s21], $0x4000  }
0x4c: {  	[sflag:s21] =	ssyncset.done $0x0  }
0x4d: {  	[sflag:s21] =	ssyncadd.s32 $0xFFFFC000  }
0x4e: {  	[spmem:s2] =	stream.indirect.scatter.add.f32 [tilespmem:s20], [sflag:$0x4], $0x80, s19, s19, $0xb8;
	[tilespmem:$0x1D400] =	vst v63  }
0x4f: {  	_ =	swait.ge [sflag:s22], $0x4000  }
0x50: {  	[sflag:s22] =	ssyncset.done $0x0  }
0x51: {  	s26 =	smov.u32 s15;
	[sflag:s22] =	ssyncadd.s32 $0xFFFFC000  }
0x52: {  	[tilespmem:s17], [sflag:$0x1] =	stream.linear.gather [hbm4b:s14+s25], $0x4000, $0x38;
	[tilespmem:$0x1D400] =	vst v63  }
.LBB2_4:
0x53: {  	_ =	swait.ge [sflag:s18], $0x4000  }
0x54: {  	s28 =	sshra.s32 s25, $0x2;
	[sflag:s18] =	ssyncset.done $0x0  }
0x55: {  	s29 =	sadd.s32 $0x100, s28;
	[sflag:s18] =	ssyncadd.s32 $0xFFFFC000  }
0x56: {  	[spmem:s2] =	stream.indirect.scatter.add.f32 [tilespmem:s17], [sflag:$0x3], $0x80, s29, s19, $0xb8;
	[tilespmem:$0x1D400] =	vst v63  }
0x57: {  	_ =	swait.ge [sflag:s23], $0x4000  }
0x58: {  	[sflag:s23] =	ssyncset.done $0x0  }
0x59: {  	s31 =	sadd.s32 $0xFFFFF800, s26;
	[sflag:s23] =	ssyncadd.s32 $0xFFFFC000  }
0x5a: {  	[tilespmem:s20], [sflag:$0x2] =	stream.linear.gather [hbm4b:s31+s3], $0x4000, $0x38;
	[tilespmem:$0x1D400] =	vst v63  }
0x5b: {  	_ =	swait.ge [sflag:s21], $0x4000  }
0x5c: {  	p0 =	seq.s32 s25, $0x4800;
	[sflag:s21] =	ssyncset.done $0x0  }
.Ltmp3:
0x5d: {  	s28 =	sadd.s32 $0x180, s28;
	[sflag:s21] =	ssyncadd.s32 $0xFFFFC000;
	(pc) =	sbr.rel @p0 .LBB2_6-.Ltmp3, $4  }
0x5e: {  	[spmem:s2] =	stream.indirect.scatter.add.f32 [tilespmem:s20], [sflag:$0x4], $0x80, s28, s19, $0xb8;
	[tilespmem:$0x1D400] =	vst v63  }
0x5f: {  	_ =	swait.ge [sflag:s22], $0x4000  }
0x60: {  	[sflag:s22] =	ssyncset.done $0x0  }
0x61: {  	[sflag:s22] =	ssyncadd.s32 $0xFFFFC000  }
.Ltmp4:
0x62: {  	(pc) =	sbr.rel .LBB2_4-.Ltmp4, $3  }
0x63: {  	_ =	sdelay $0x1  }
0x64: {  	[tilespmem:s17], [sflag:$0x1] =	stream.linear.gather [hbm4b:s26+s3], $0x4000, $0x38;
	[tilespmem:$0x1D400] =	vst v63  }
0x65: {  	s25 =	sadd.s32 $0x400, s25;
	s26 =	sadd.s32 $0x1000, s26  }
.LBB2_7:
0x66: {  	_ =	sfence.sel $0x180000  }
0x67: {  	[bflag:$0x0] =	sbarrier.arrive $0xFFFF  }
0x68: {  	p0 =	sne.s32 s1, $0x0;
	_ =	strace $0x90000053  }
0x69: {  	s0 =	sadd.s32 @!p0 $0x100000, s0;
	[bflag:$0x2] =	sbarrier.arrive $0xFFFF  }
0x6a: {  	[sflag:s0] =	ssyncadd.tile.s32 @!p0 $0x1;
	_ =	shalt  }
.Lfunc_end2:
_tile_overlayer_lowered:
.L_overlay_start_2:
0x6b: {  	(tag) =	ssettag $0x2  }
0x6c: {  	s0 =	rddreg [dreg:$0x0];
	s2 =	stileid.u32  }
0x6d: {  	s1 =	rddreg [dreg:$0x1];
	p0 =	sne.s32 s2, $0x0  }
0x6e: {  	s3 =	rddreg [dreg:$0x2];
	[bflag:$0x3] =	sbarrier.arrive $0xFFFF;
	s2 =	simm.s32 @!p0 $0x1C05  }
0x6f: {  	[timem:s3], [sflag:s2] =	dma.local @!p0 [hbm:s0], s1  }
0x70: {  	s0 =	simm.s32 @!p0 $0x5  }
0x71: {  	_ =	swait.ge @!p0 [sflag:s0], s1  }
0x72: {  	s1 =	ssub.s32 @!p0 $0x0, s1;
	[sflag:s0] =	ssyncset.done @!p0 $0x0  }
0x73: {  	[sflag:s0] =	ssyncadd.s32 @!p0 s1  }
0x74: {  	[bflag:$0x3] =	sbarrier.arrive $0xFFFF  }
0x75: {  	_ =	shalt  }

// kernel: kernel.40.cloned.1.call-start
scs
__scs_entry_jumppad:
0x0: {  	(pc) =	sbr.rel $0x88, $3  }
0x1: {  	(tag) =	ssettag $0x0;
	lr =	simm.s32 $0x1  }
0x2: {  	[smem:$0x3F8C] =	sst lr;
	_ =	strace $0xD0000000  }
0x3: {  	_ = 	snop  }
0x4: {  	_ = 	snop  }
0x5: {  	_ = 	snop  }
0x6: {  	_ = 	snop  }
0x7: {  	_ = 	snop  }
__scs_overlays_trampoline_lowered:
0x8: {  	[smem:$0x3F9B] =	sst s0  }
0x9: {  	[smem:$0x3F9C] =	sst s1  }
0xa: {  	[smem:$0x3F9D] =	sst s2  }
0xb: {  	[smem:$0x3F9E] =	sst s3  }
0xc: {  	[smem:$0x3F9F] =	sst s4  }
0xd: {  	[smem:$0x3FA0] =	sst s5  }
0xe: {  	[smem:$0x3FA1] =	sst s6  }
0xf: {  	[smem:$0x3FA2] =	sst s7  }
0x10: {  	[smem:$0x3FA3] =	sst s8  }
0x11: {  	[smem:$0x3FA4] =	sst s9;
	s0 =	simm.s32 @!p0 $0x0  }
0x12: {  	s1 =	sld [smem:$0x3F8A];
	s0 =	simm.s32 @p0 $0x1  }
0x13: {  	[smem:$0x3FA5] =	sst s0;
	s0 =	simm.s32 @!p1 $0x0  }
0x14: {  	s2 =	sld [smem:$0x3F89];
	s0 =	simm.s32 @p1 $0x1  }
0x15: {  	[smem:$0x3FA6] =	sst s0;
	s0 =	simm.s32 @!p2 $0x0  }
0x16: {  	s3 =	sld [smem:$0x3FDB];
	s0 =	simm.s32 @p2 $0x1  }
0x17: {  	s4 =	simm.s32 $0x1BF5;
	[smem:$0x3FA8] =	sst s0  }
0x18: {  	s0 =	sld [smem:$0x3F8B];
	_ =	swait.ge [sflag:s4], $0x0  }
0x19: {  	s7 =	sld [smem:$0x3F8C]  }
0x1a: {  	s8 =	sadd.s32 $0xFFFFE003, lr  }
0x1b: {  	s9 =	sadd.s32 $0xFFFFFEF7, lr;
	s5 =	simm.s32 $0xFFFFFFFF;
	p2 =	slt.u32 s8, $0xFFFFF086  }
0x1c: {  	p1 =	slt.u32 s9, $0xF7A;
	s5 =	simm.s32 @!p2 $0x0  }
0x1d: {  	s5 =	simm.s32 @p1 $0x1;
	p0 =	seq.s32 s7, s2  }
0x1e: {  	s7 =	smul.u32 @!p0 $0xF7A, s2;
	p2 =	seq.s32 @!p0 s5, $0x0  }
0x1f: {  	s9 =	smul.u32 $0xF7A, s1;
	s8 =	simm.s32 @!p0 $0x1BF5;
	p2 =	por !p2, p0  }
0x20: {  	[sflag:s8] =	ssyncset.s32 @!p0 $0xFFFFF086;
	s6 =	sadd.s32 @!p0 s3, s7;
	s7 =	simm.s32 @!p0 $0x108  }
0x21: {  	s3 =	sadd.s32 s3, s9;
	s6 =	sadd.s32 @!p0 $0x88, s6;
	s7 =	simm.s32 @p2 $0x1082  }
0x22: {  	[simem:s7], [sflag:s8] =	dma.local @!p0 [hbm:s6], $0xF7A  }
0x23: {  	s9 =	sor.u32 $0xD0000000, s2;
	s6 =	simm.s32 $0x108;
	_ =	swait.ge @!p0 [sflag:s8], $0x0  }
0x24: {  	s3 =	sadd.s32 $0x88, s3;
	s6 =	simm.s32 @!p1 $0x1082;
	[sflag:s4] =	ssyncset.s32 $0xFFFFF086  }
0x25: {  	[simem:s6], [sflag:s4] =	dma.local [hbm:s3], $0xF7A  }
0x26: {  	[smem:$0x3F8C] =	sst s1;
	(tag) =	ssettag s2;
	_ =	strace s9  }
0x27: {  	s1 =	sld [smem:$0x3F9C]  }
0x28: {  	s2 =	sld [smem:$0x3F9D]  }
0x29: {  	s4 =	sld [smem:$0x3F9F]  }
0x2a: {  	p0 =	seq.s32 s5, $0x0;
	s5 =	sld [smem:$0x3FA0]  }
0x2b: {  	s6 =	sld [smem:$0x3FA1]  }
0x2c: {  	s7 =	sld [smem:$0x3FA2]  }
0x2d: {  	s3 =	simm.s32 $0x108;
	s8 =	sld [smem:$0x3FA3]  }
0x2e: {  	s3 =	simm.s32 @!p0 $0x1082;
	s9 =	sld [smem:$0x3FA4]  }
0x2f: {  	lr =	sadd.s32 s0, s3;
	s0 =	sld [smem:$0x3F9B]  }
0x30: {  	s3 =	sld [smem:$0x3F9E]  }
0x31: {  	[smem:$0x3FA7] =	sst s10  }
0x32: {  	s10 =	sld [smem:$0x3FA5];
	_ =	sdelay $0x3  }
0x33: {  	p0 =	seq.s32 s10, $0x1;
	s10 =	sld [smem:$0x3FA7];
	_ =	sdelay $0x3  }
0x34: {  	[smem:$0x3FA7] =	sst s10  }
0x35: {  	s10 =	sld [smem:$0x3FA6];
	_ =	sdelay $0x3  }
0x36: {  	p1 =	seq.s32 s10, $0x1;
	s10 =	sld [smem:$0x3FA7];
	_ =	sdelay $0x3  }
0x37: {  	[smem:$0x3FA7] =	sst s10  }
0x38: {  	s10 =	sld [smem:$0x3FA8]  }
0x39: {  	_ = 	snop;
	(pc) =	sbr.ind lr, $3  }
0x3a: {  	_ = 	snop  }
0x3b: {  	_ = 	snop  }
0x3c: {  	p2 =	seq.s32 s10, $0x1;
	s10 =	sld [smem:$0x3FA7]  }
0x3d: {  	_ =	shalt  }
0x3e: {  	_ =	shalt  }
0x3f: {  	_ =	shalt  }
0x40: {  	_ =	shalt  }
0x41: {  	_ =	shalt  }
0x42: {  	_ =	shalt  }
0x43: {  	_ =	shalt  }
0x44: {  	_ =	shalt  }
0x45: {  	_ =	shalt  }
0x46: {  	_ =	shalt  }
0x47: {  	_ =	shalt  }
0x48: {  	_ =	shalt  }
0x49: {  	_ =	shalt  }
0x4a: {  	_ =	shalt  }
0x4b: {  	_ =	shalt  }
0x4c: {  	_ =	shalt  }
0x4d: {  	_ =	shalt  }
0x4e: {  	_ =	shalt  }
0x4f: {  	_ =	shalt  }
0x50: {  	_ =	shalt  }
0x51: {  	_ =	shalt  }
0x52: {  	_ =	shalt  }
0x53: {  	_ =	shalt  }
0x54: {  	_ =	shalt  }
0x55: {  	_ =	shalt  }
0x56: {  	_ =	shalt  }
0x57: {  	_ =	shalt  }
0x58: {  	_ =	shalt  }
0x59: {  	_ =	shalt  }
0x5a: {  	_ =	shalt  }
0x5b: {  	_ =	shalt  }
0x5c: {  	_ =	shalt  }
0x5d: {  	_ =	shalt  }
0x5e: {  	_ =	shalt  }
0x5f: {  	_ =	shalt  }
0x60: {  	_ =	shalt  }
0x61: {  	_ =	shalt  }
0x62: {  	_ =	shalt  }
0x63: {  	_ =	shalt  }
0x64: {  	_ =	shalt  }
0x65: {  	_ =	shalt  }
0x66: {  	_ =	shalt  }
0x67: {  	_ =	shalt  }
0x68: {  	_ =	shalt  }
0x69: {  	_ =	shalt  }
0x6a: {  	_ =	shalt  }
0x6b: {  	_ =	shalt  }
0x6c: {  	_ =	shalt  }
0x6d: {  	_ =	shalt  }
0x6e: {  	_ =	shalt  }
0x6f: {  	_ =	shalt  }
0x70: {  	_ =	shalt  }
0x71: {  	_ =	shalt  }
0x72: {  	_ =	shalt  }
0x73: {  	_ =	shalt  }
0x74: {  	_ =	shalt  }
0x75: {  	_ =	shalt  }
0x76: {  	_ =	shalt  }
0x77: {  	_ =	shalt  }
0x78: {  	_ =	shalt  }
0x79: {  	_ =	shalt  }
0x7a: {  	_ =	shalt  }
0x7b: {  	_ =	shalt  }
0x7c: {  	_ =	shalt  }
0x7d: {  	_ =	shalt  }
0x7e: {  	_ =	shalt  }
0x7f: {  	_ =	shalt  }
0x80: {  	_ =	shalt  }
0x81: {  	_ =	shalt  }
0x82: {  	_ =	shalt  }
0x83: {  	_ =	shalt  }
0x84: {  	_ =	shalt  }
0x85: {  	_ =	shalt  }
0x86: {  	_ =	shalt  }
0x87: {  	_ =	shalt  }
.Lfunc_end0:
.L_simem_size_0:
called_computation.5_lowered:
.L_overlay_start_0:
0x88: {  	s2 =	sld [smem:$0x3FD9]  }
0x89: {  	s3 =	sld [smem:$0x3FFE];
	_ =	sdelay $0x1  }
0x8a: {  	s1 =	srdreg.scid  }
0x8b: {  	s0 =	sand.u32 $0x1, s1  }
0x8c: {  	s16 =	sshll.u32 s0, $0xA;
	s2 =	sadd.s32 s3, s2  }
0x8d: {  	s2 =	sadd.s32 s2, s16  }
0x8e: {  	[smem:$0x3FB3] =	sst s2  }
0x8f: {  	_ = 	snop  }
0x90: {  	(tm) =	ssettm $0x1  }
0x91: {  	s17 =	sld [smem:$0x3FFB];
	_ =	sdelay $0x3  }
0x92: {  	_ =	strace s17  }
0x93: {  	s2 =	sld [smem:$0x3FFC];
	_ =	sdelay $0x3  }
0x94: {  	_ =	strace s2  }
0x95: {  	s2 =	sld [smem:$0x3FFD];
	_ =	sdelay $0x3  }
0x96: {  	_ =	strace s2  }
0x97: {  	_ =	strace $0x8FFFFFFF  }
0x98: {  	s18 =	sld [smem:$0x3FDB];
	_ =	sdelay $0x1  }
0x99: {  	s19 =	simm.s32 $_scs_section_size  }
0x9a: {  	s4 =	simm.s32 $_size__tile_overlayer_lowered;
	s5 =	simm.s32 $_tile_overlayer_lowered  }
0x9b: {  	s22 =	simm.s32 $0x1BFF;
	s21 =	sshll.u32 s5, $0x1;
	s2 =	sadd.s32 s19, s18  }
0x9c: {  	s6 =	simm.s32 $0x0;
	s20 =	sshll.u32 s4, $0x1;
	s4 =	sadd.s32 s21, s2  }
0x9d: {  	[timem:s6], [sflag:s22] =	dma.local [hbm:s4], s20  }
0x9e: {  	_ =	swait.ge [sflag:s22], s20  }
0x9f: {  	s3 =	ssub.s32 $0x0, s20;
	[sflag:s22] =	ssyncset.done $0x0  }
0xa0: {  	[sflag:s22] =	ssyncadd.s32 s3;
	_ =	sdelay $0x1  }
0xa1: {  	s23 =	simm.s32 $0x1B8B  }
0xa2: {  	_ =	swait.ge [sflag:s23], $0x1  }
0xa3: {  	[sflag:s23] =	ssyncset.done $0x0  }
0xa4: {  	s25 =	simm.s32 $0x1B8E;
	s24 =	sld [smem:$0x3FFE];
	[sflag:s23] =	ssyncadd.s32 $0xFFFFFFFF  }
0xa5: {  	s26 =	simm.s32 $execute0_lowered;
	[smem:$0x3FD2] =	sst s25  }
0xa6: {  	s4 =	sshll.u32 s26, $0x1;
	_ =	strace $0x80000055;
	[dreg:$0x1] =	wrdreg $0xFFFFFFFF  }
0xa7: {  	s28 =	simm.s32 $_size_execute0_lowered;
	s2 =	sadd.s32 s2, s4;
	[dreg:$0x0] =	wrdreg $0x0  }
0xa8: {  	s4 =	sshll.u32 s28, $0x1;
	[dreg:$0x2] =	wrdreg s2  }
0xa9: {  	[dreg:$0x3] =	wrdreg s4  }
0xaa: {  	[dreg:$0x4] =	wrdreg $0xC0  }
0xab: {  	_ =	task [dreg:s6], $0x5FFFF  }
0xac: {  	[dreg:$0x1] =	wrdreg $0xFFFFFFFF  }
0xad: {  	[dreg:$0x0] =	wrdreg $0x60  }
0xae: {  	[dreg:$0x2] =	wrdreg s24  }
0xaf: {  	[dreg:$0x3] =	wrdreg $0xA8000  }
0xb0: {  	[dreg:$0x4] =	wrdreg $0x9  }
0xb1: {  	_ =	task.clear_ibuf [dreg:s6], $0x5FFFF;
	_ =	strace $0x90000055  }
0xb2: {  	s29 =	simm.s32 $0x9;
	_ =	strace $0x80000057  }
0xb3: {  	_ =	swait.ge [sflag:s29], $0x1  }
0xb4: {  	[sflag:s29] =	ssyncadd.s32 $0xFFFFFFFF  }
0xb5: {  	_ =	strace $0x90000057  }
0xb6: {  	_ =	sfence  }
0xb7: {  	s30 =	sld [smem:$0x0];
	_ =	sdelay $0x2  }
0xb8: {  	s31 =	sshll.u32 s1, $0xD;
	s1 =	sshrl.u32 s1, $0x2  }
0xb9: {  	s3 =	sand.u32 $0x4000, s31;
	s1 =	sadd.s32 s1, s30  }
0xba: {  	s0 =	sor.u32 s3, s0;
	s1 =	sshll.u32 s1, $0x11  }
0xbb: {  	s0 =	sor.u32 s1, s0  }
0xbc: {  	s0 =	sadd.s32 $0x8F2B, s0  }
0xbd: {  	[sflag:s0] =	ssyncadd.remote.s32 $0x1  }
0xbe: {  	_ =	sfence.sel $0xFFFF  }
0xbf: {  	[dreg:$0x0] =	wrdreg $0xFFFFFFFF;
	(pc) =	sbr.abs _section_cstart, $3  }
0xc0: {  	[dreg:$0x1] =	wrdreg $0xFFFFFFFF  }
0xc1: {  	_ =	task.clear_ibuf [dreg:s6], $0x2FFFF;
	_ =	strace $0x9FFFFFFF  }
0xc2: {  	(tm) =	ssettm $0x7FFFFFFF  }
0xc3: {  	_ =	shalt  }
tec
execute0_lowered:
.L_overlay_start_1:
0x0: {  	(tag) =	ssettag $0x1  }
0x1: {  	s4 =	rddreg [dreg:$0x0]  }
0x2: {  	s0 =	srdreg.scid;
	s2 =	rddreg [dreg:$0x1]  }
0x3: {  	s1 =	rddreg [dreg:$0x2];
	s5 =	sand.u32 $0x1, s0  }
0x4: {  	s3 =	simm.s32 $0x0;
	s0 =	stileid.u32;
	s6 =	smul.u32 $0x28000, s5  }
0x5: {  	s14 =	simm.s32 $0x80;
	s15 =	simm.s32 $0x2800;
	s7 =	smul.u32 $0x2800, s0  }
0x6: {  	s16 =	simm.s32 $0x6800;
	s17 =	simm.s32 $0x1;
	s22 =	smul.u32 $0x140000, s5  }
0x7: {  	s18 =	simm.s32 $0x2;
	s19 =	simm.s32 $0x0;
	s8 =	smul.u32 $0x14000, s0  }
0x8: {  	[smem:$0x7FF] =	sst s3;
	s12 =	sadd.s32 $0x663C00, s4;
	s9 =	smul.u32 $0x50000, s0  }
0x9: {  	_ =	strace $0x80000056;
	s23 =	ssub.s32 $0x2, s5;
	s5 =	smul.u32 $0x1400000, s5  }
0xa: {  	s11 =	smul.u32 $0x140000, s0;
	s31 =	sshll.u32 s0, $0x6;
	s10 =	sshrl.u32 s23, $0x1  }
0xb: {  	s6 =	sadd.s32 s7, s6;
	s7 =	sadd.s32 s8, s22;
	s8 =	ssub.s32 s23, s10  }
0xc: {  	s24 =	sshrl.u32 s9, $0x2;
	s25 =	sadd.s32 s5, s11;
	s11 =	simm.s32 $0x3  }
0xd: {  	s6 =	sshrl.u32 s6, $0x3;
	s7 =	sshrl.u32 s7, $0x3;
	s13 =	sadd.s32 s24, s2  }
0xe: {  	s26 =	sshrl.u32 s25, $0x3;
	s28 =	sor.u32 $0x4000, s25;
	s29 =	sor.u32 $0xC000, s25  }
0xf: {  	s9 =	sor.u32 $0x8000, s25;
	s6 =	sadd.s32 s6, s4;
	s7 =	sadd.s32 s7, s4  }
0x10: {  	s10 =	sshrl.u32 s29, $0x3;
	s30 =	sshrl.u32 s9, $0x3;
	s13 =	sshrl.u32 s13, $0x3  }
0x11: {  	s4 =	sadd.s32 $0x8CE00, s6;
	s5 =	sadd.s32 $0x96E00, s7;
	s6 =	smax.u32 s8, $0x1  }
0x12: {  	s7 =	sadd.s32 s12, s26;
	s8 =	sshrl.u32 s28, $0x3;
	s9 =	sadd.s32 s10, s12  }
0x13: {  	s10 =	sadd.s32 s30, s12;
	s8 =	sadd.s32 s12, s8;
	s12 =	sor.u32 $0x1C03, s31  }
.LBB2_1:
0x14: {  	[tilespmem:s3], [sflag:$0x3] =	stream.linear.gather [hbm4b:s4+s3], $0x2800, $0x38;
	[tilespmem:$0x14800] =	vst v63  }
0x15: {  	_ =	swait.ge [sflag:s11], $0x2800  }
0x16: {  	[sflag:s11] =	ssyncset.done $0x0  }
0x17: {  	[sflag:s11] =	ssyncadd.s32 $0xFFFFD800  }
0x18: {  	[spmem:s13], [sflag:s12] =	dma.local [hbm:s5], $0x2800  }
0x19: {  	_ =	swait.ge [sflag:s11], $0x2800  }
0x1a: {  	[sflag:s11] =	ssyncset.done $0x0  }
0x1b: {  	[sflag:s11] =	ssyncadd.s32 $0xFFFFD800  }
0x1c: {  	[bflag:$0x0] =	sbarrier.arrive $0xFFFF  }
0x1d: {  	[tilespmem:s15], [sflag:$0x3] =	stream.indirect.gather [spmem:s2], $0x40, s3, s14, $0xb8;
	[tilespmem:$0x14800] =	vst v63  }
0x1e: {  	_ =	swait.ge [sflag:s11], $0x2000  }
0x1f: {  	[sflag:s11] =	ssyncset.done $0x0  }
0x20: {  	[sflag:s11] =	ssyncadd.s32 $0xFFFFE000  }
0x21: {  	[hbm4b:s7+s3] =	stream.linear.scatter [tilespmem:s15], [sflag:$0x1], $0x4000, $0x38;
	[tilespmem:$0x14800] =	vst v63  }
0x22: {  	_ = 	snop  }
0x23: {  	[tilespmem:s16], [sflag:$0x3] =	stream.indirect.gather [spmem:s2], $0x40, s14, s14, $0xb8;
	[tilespmem:$0x14800] =	vst v63  }
0x24: {  	_ =	swait.ge [sflag:s11], $0x2000  }
0x25: {  	[sflag:s11] =	ssyncset.done $0x0  }
0x26: {  	[sflag:s11] =	ssyncadd.s32 $0xFFFFE000  }
0x27: {  	[hbm4b:s8+s3] =	stream.linear.scatter [tilespmem:s16], [sflag:$0x2], $0x4000, $0x38;
	[tilespmem:$0x14800] =	vst v63  }
0x28: {  	_ =	swait.ge [sflag:s17], $0x4000  }
0x29: {  	[sflag:s17] =	ssyncset.done $0x0  }
0x2a: {  	s20 =	simm.s32 $0x100;
	[sflag:s17] =	ssyncadd.s32 $0xFFFFC000  }
0x2b: {  	[tilespmem:s15], [sflag:$0x3] =	stream.indirect.gather [spmem:s2], $0x40, s20, s14, $0xb8;
	[tilespmem:$0x14800] =	vst v63  }
0x2c: {  	_ =	swait.ge [sflag:s11], $0x2000  }
0x2d: {  	[sflag:s11] =	ssyncset.done $0x0  }
0x2e: {  	s30 =	sadd.s32 $0x0, s10;
	[sflag:s11] =	ssyncadd.s32 $0xFFFFE000  }
0x2f: {  	[hbm4b:s30+s3] =	stream.linear.scatter [tilespmem:s15], [sflag:$0x1], $0x4000, $0x38;
	[tilespmem:$0x14800] =	vst v63  }
0x30: {  	_ =	swait.ge [sflag:s18], $0x4000  }
0x31: {  	[sflag:s18] =	ssyncset.done $0x0  }
0x32: {  	s31 =	simm.s32 $0x180;
	[sflag:s18] =	ssyncadd.s32 $0xFFFFC000  }
0x33: {  	[tilespmem:s16], [sflag:$0x3] =	stream.indirect.gather [spmem:s2], $0x40, s31, s14, $0xb8;
	[tilespmem:$0x14800] =	vst v63  }
0x34: {  	_ =	swait.ge [sflag:s11], $0x2000  }
0x35: {  	s22 =	sadd.s32 $0x0, s9;
	[sflag:s11] =	ssyncset.done $0x0  }
0x36: {  	s21 =	simm.s32 $0x200;
	s20 =	simm.s32 $0x1000;
	[sflag:s11] =	ssyncadd.s32 $0xFFFFE000  }
.LBB2_2:
0x37: {  	[hbm4b:s22+s3] =	stream.linear.scatter [tilespmem:s16], [sflag:$0x2], $0x4000, $0x38;
	[tilespmem:$0x14800] =	vst v63  }
0x38: {  	s22 =	smov.u32 s20  }
0x39: {  	p0 =	sne.s32 s20, $0x26000;
	s20 =	sadd.s32 $0x1000, s20;
	_ =	swait.ge [sflag:s17], $0x4000  }
0x3a: {  	[sflag:s17] =	ssyncset.done $0x0  }
0x3b: {  	[sflag:s17] =	ssyncadd.s32 $0xFFFFC000  }
0x3c: {  	[tilespmem:s15], [sflag:$0x3] =	stream.indirect.gather [spmem:s2], $0x40, s21, s14, $0xb8;
	[tilespmem:$0x14800] =	vst v63  }
0x3d: {  	_ =	swait.ge [sflag:s11], $0x2000  }
0x3e: {  	[sflag:s11] =	ssyncset.done $0x0  }
0x3f: {  	s23 =	sadd.s32 s22, s10;
	[sflag:s11] =	ssyncadd.s32 $0xFFFFE000  }
0x40: {  	[hbm4b:s23+s3] =	stream.linear.scatter [tilespmem:s15], [sflag:$0x1], $0x4000, $0x38;
	[tilespmem:$0x14800] =	vst v63  }
0x41: {  	_ =	swait.ge [sflag:s18], $0x4000  }
0x42: {  	[sflag:s18] =	ssyncset.done $0x0  }
.Ltmp0:
0x43: {  	s23 =	sadd.s32 $0x80, s21;
	[sflag:s18] =	ssyncadd.s32 $0xFFFFC000;
	(pc) =	sbr.rel @p0 .LBB2_2-.Ltmp0, $4  }
0x44: {  	[tilespmem:s16], [sflag:$0x3] =	stream.indirect.gather [spmem:s2], $0x40, s23, s14, $0xb8;
	[tilespmem:$0x14800] =	vst v63  }
0x45: {  	_ =	swait.ge [sflag:s11], $0x2000  }
0x46: {  	[sflag:s11] =	ssyncset.done $0x0  }
0x47: {  	s22 =	sadd.s32 s22, s9;
	s21 =	sadd.s32 $0x100, s21;
	[sflag:s11] =	ssyncadd.s32 $0xFFFFE000  }
0x48: {  	[hbm4b:s22+s3] =	stream.linear.scatter [tilespmem:s16], [sflag:$0x2], $0x4000, $0x38;
	[tilespmem:$0x14800] =	vst v63  }
0x49: {  	s19 =	sadd.s32 $0x1, s19  }
0x4a: {  	_ =	swait.ge [sflag:s17], $0x4000;
	p0 =	sne.s32 s19, s6  }
.Ltmp1:
0x4b: {  	[sflag:s17] =	ssyncset.done $0x0;
	(pc) =	sbr.rel @p0 .LBB2_1-.Ltmp1, $4  }
0x4c: {  	[sflag:s17] =	ssyncadd.s32 $0xFFFFC000  }
0x4d: {  	_ =	swait.ge [sflag:s18], $0x4000  }
0x4e: {  	[sflag:s18] =	ssyncset.done $0x0  }
0x4f: {  	[sflag:s18] =	ssyncadd.s32 $0xFFFFC000  }
0x50: {  	_ =	sfence.sel $0x180000  }
0x51: {  	[bflag:$0x0] =	sbarrier.arrive $0xFFFF  }
0x52: {  	p0 =	sne.s32 s0, $0x0;
	_ =	strace $0x90000056  }
0x53: {  	s0 =	sadd.s32 @!p0 $0x100000, s1;
	[bflag:$0x2] =	sbarrier.arrive $0xFFFF  }
0x54: {  	[sflag:s0] =	ssyncadd.tile.s32 @!p0 $0x1;
	_ =	shalt  }
.Lfunc_end2:
_tile_overlayer_lowered:
.L_overlay_start_2:
0x55: {  	(tag) =	ssettag $0x2  }
0x56: {  	s0 =	rddreg [dreg:$0x0];
	s2 =	stileid.u32  }
0x57: {  	s1 =	rddreg [dreg:$0x1];
	p0 =	sne.s32 s2, $0x0  }
0x58: {  	s3 =	rddreg [dreg:$0x2];
	[bflag:$0x3] =	sbarrier.arrive $0xFFFF;
	s2 =	simm.s32 @!p0 $0x1C03  }
0x59: {  	[timem:s3], [sflag:s2] =	dma.local @!p0 [hbm:s0], s1  }
0x5a: {  	s0 =	simm.s32 @!p0 $0x3  }
0x5b: {  	_ =	swait.ge @!p0 [sflag:s0], s1  }
0x5c: {  	s1 =	ssub.s32 @!p0 $0x0, s1;
	[sflag:s0] =	ssyncset.done @!p0 $0x0  }
0x5d: {  	[sflag:s0] =	ssyncadd.s32 @!p0 s1  }
0x5e: {  	[bflag:$0x3] =	sbarrier.arrive $0xFFFF  }
0x5f: {  	_ =	shalt  }

// kernel: kernel.43.cloned.1.call-start
scs
__scs_entry_jumppad:
0x0: {  	(pc) =	sbr.rel $0x88, $3  }
0x1: {  	(tag) =	ssettag $0x0;
	lr =	simm.s32 $0x1  }
0x2: {  	[smem:$0x3F8C] =	sst lr;
	_ =	strace $0xD0000000  }
0x3: {  	_ = 	snop  }
0x4: {  	_ = 	snop  }
0x5: {  	_ = 	snop  }
0x6: {  	_ = 	snop  }
0x7: {  	_ = 	snop  }
__scs_overlays_trampoline_lowered:
0x8: {  	[smem:$0x3F9B] =	sst s0  }
0x9: {  	[smem:$0x3F9C] =	sst s1  }
0xa: {  	[smem:$0x3F9D] =	sst s2  }
0xb: {  	[smem:$0x3F9E] =	sst s3  }
0xc: {  	[smem:$0x3F9F] =	sst s4  }
0xd: {  	[smem:$0x3FA0] =	sst s5  }
0xe: {  	[smem:$0x3FA1] =	sst s6  }
0xf: {  	[smem:$0x3FA2] =	sst s7  }
0x10: {  	[smem:$0x3FA3] =	sst s8  }
0x11: {  	[smem:$0x3FA4] =	sst s9;
	s0 =	simm.s32 @!p0 $0x0  }
0x12: {  	s1 =	sld [smem:$0x3F8A];
	s0 =	simm.s32 @p0 $0x1  }
0x13: {  	[smem:$0x3FA5] =	sst s0;
	s0 =	simm.s32 @!p1 $0x0  }
0x14: {  	s2 =	sld [smem:$0x3F89];
	s0 =	simm.s32 @p1 $0x1  }
0x15: {  	[smem:$0x3FA6] =	sst s0;
	s0 =	simm.s32 @!p2 $0x0  }
0x16: {  	s3 =	sld [smem:$0x3FDB];
	s0 =	simm.s32 @p2 $0x1  }
0x17: {  	s4 =	simm.s32 $0x1BF5;
	[smem:$0x3FA8] =	sst s0  }
0x18: {  	s0 =	sld [smem:$0x3F8B];
	_ =	swait.ge [sflag:s4], $0x0  }
0x19: {  	s7 =	sld [smem:$0x3F8C]  }
0x1a: {  	s8 =	sadd.s32 $0xFFFFE003, lr  }
0x1b: {  	s9 =	sadd.s32 $0xFFFFFEF7, lr;
	s5 =	simm.s32 $0xFFFFFFFF;
	p2 =	slt.u32 s8, $0xFFFFF086  }
0x1c: {  	p1 =	slt.u32 s9, $0xF7A;
	s5 =	simm.s32 @!p2 $0x0  }
0x1d: {  	s5 =	simm.s32 @p1 $0x1;
	p0 =	seq.s32 s7, s2  }
0x1e: {  	s7 =	smul.u32 @!p0 $0xF7A, s2;
	p2 =	seq.s32 @!p0 s5, $0x0  }
0x1f: {  	s9 =	smul.u32 $0xF7A, s1;
	s8 =	simm.s32 @!p0 $0x1BF5;
	p2 =	por !p2, p0  }
0x20: {  	[sflag:s8] =	ssyncset.s32 @!p0 $0xFFFFF086;
	s6 =	sadd.s32 @!p0 s3, s7;
	s7 =	simm.s32 @!p0 $0x108  }
0x21: {  	s3 =	sadd.s32 s3, s9;
	s6 =	sadd.s32 @!p0 $0x88, s6;
	s7 =	simm.s32 @p2 $0x1082  }
0x22: {  	[simem:s7], [sflag:s8] =	dma.local @!p0 [hbm:s6], $0xF7A  }
0x23: {  	s9 =	sor.u32 $0xD0000000, s2;
	s6 =	simm.s32 $0x108;
	_ =	swait.ge @!p0 [sflag:s8], $0x0  }
0x24: {  	s3 =	sadd.s32 $0x88, s3;
	s6 =	simm.s32 @!p1 $0x1082;
	[sflag:s4] =	ssyncset.s32 $0xFFFFF086  }
0x25: {  	[simem:s6], [sflag:s4] =	dma.local [hbm:s3], $0xF7A  }
0x26: {  	[smem:$0x3F8C] =	sst s1;
	(tag) =	ssettag s2;
	_ =	strace s9  }
0x27: {  	s1 =	sld [smem:$0x3F9C]  }
0x28: {  	s2 =	sld [smem:$0x3F9D]  }
0x29: {  	s4 =	sld [smem:$0x3F9F]  }
0x2a: {  	p0 =	seq.s32 s5, $0x0;
	s5 =	sld [smem:$0x3FA0]  }
0x2b: {  	s6 =	sld [smem:$0x3FA1]  }
0x2c: {  	s7 =	sld [smem:$0x3FA2]  }
0x2d: {  	s3 =	simm.s32 $0x108;
	s8 =	sld [smem:$0x3FA3]  }
0x2e: {  	s3 =	simm.s32 @!p0 $0x1082;
	s9 =	sld [smem:$0x3FA4]  }
0x2f: {  	lr =	sadd.s32 s0, s3;
	s0 =	sld [smem:$0x3F9B]  }
0x30: {  	s3 =	sld [smem:$0x3F9E]  }
0x31: {  	[smem:$0x3FA7] =	sst s10  }
0x32: {  	s10 =	sld [smem:$0x3FA5];
	_ =	sdelay $0x3  }
0x33: {  	p0 =	seq.s32 s10, $0x1;
	s10 =	sld [smem:$0x3FA7];
	_ =	sdelay $0x3  }
0x34: {  	[smem:$0x3FA7] =	sst s10  }
0x35: {  	s10 =	sld [smem:$0x3FA6];
	_ =	sdelay $0x3  }
0x36: {  	p1 =	seq.s32 s10, $0x1;
	s10 =	sld [smem:$0x3FA7];
	_ =	sdelay $0x3  }
0x37: {  	[smem:$0x3FA7] =	sst s10  }
0x38: {  	s10 =	sld [smem:$0x3FA8]  }
0x39: {  	_ = 	snop;
	(pc) =	sbr.ind lr, $3  }
0x3a: {  	_ = 	snop  }
0x3b: {  	_ = 	snop  }
0x3c: {  	p2 =	seq.s32 s10, $0x1;
	s10 =	sld [smem:$0x3FA7]  }
0x3d: {  	_ =	shalt  }
0x3e: {  	_ =	shalt  }
0x3f: {  	_ =	shalt  }
0x40: {  	_ =	shalt  }
0x41: {  	_ =	shalt  }
0x42: {  	_ =	shalt  }
0x43: {  	_ =	shalt  }
0x44: {  	_ =	shalt  }
0x45: {  	_ =	shalt  }
0x46: {  	_ =	shalt  }
0x47: {  	_ =	shalt  }
0x48: {  	_ =	shalt  }
0x49: {  	_ =	shalt  }
0x4a: {  	_ =	shalt  }
0x4b: {  	_ =	shalt  }
0x4c: {  	_ =	shalt  }
0x4d: {  	_ =	shalt  }
0x4e: {  	_ =	shalt  }
0x4f: {  	_ =	shalt  }
0x50: {  	_ =	shalt  }
0x51: {  	_ =	shalt  }
0x52: {  	_ =	shalt  }
0x53: {  	_ =	shalt  }
0x54: {  	_ =	shalt  }
0x55: {  	_ =	shalt  }
0x56: {  	_ =	shalt  }
0x57: {  	_ =	shalt  }
0x58: {  	_ =	shalt  }
0x59: {  	_ =	shalt  }
0x5a: {  	_ =	shalt  }
0x5b: {  	_ =	shalt  }
0x5c: {  	_ =	shalt  }
0x5d: {  	_ =	shalt  }
0x5e: {  	_ =	shalt  }
0x5f: {  	_ =	shalt  }
0x60: {  	_ =	shalt  }
0x61: {  	_ =	shalt  }
0x62: {  	_ =	shalt  }
0x63: {  	_ =	shalt  }
0x64: {  	_ =	shalt  }
0x65: {  	_ =	shalt  }
0x66: {  	_ =	shalt  }
0x67: {  	_ =	shalt  }
0x68: {  	_ =	shalt  }
0x69: {  	_ =	shalt  }
0x6a: {  	_ =	shalt  }
0x6b: {  	_ =	shalt  }
0x6c: {  	_ =	shalt  }
0x6d: {  	_ =	shalt  }
0x6e: {  	_ =	shalt  }
0x6f: {  	_ =	shalt  }
0x70: {  	_ =	shalt  }
0x71: {  	_ =	shalt  }
0x72: {  	_ =	shalt  }
0x73: {  	_ =	shalt  }
0x74: {  	_ =	shalt  }
0x75: {  	_ =	shalt  }
0x76: {  	_ =	shalt  }
0x77: {  	_ =	shalt  }
0x78: {  	_ =	shalt  }
0x79: {  	_ =	shalt  }
0x7a: {  	_ =	shalt  }
0x7b: {  	_ =	shalt  }
0x7c: {  	_ =	shalt  }
0x7d: {  	_ =	shalt  }
0x7e: {  	_ =	shalt  }
0x7f: {  	_ =	shalt  }
0x80: {  	_ =	shalt  }
0x81: {  	_ =	shalt  }
0x82: {  	_ =	shalt  }
0x83: {  	_ =	shalt  }
0x84: {  	_ =	shalt  }
0x85: {  	_ =	shalt  }
0x86: {  	_ =	shalt  }
0x87: {  	_ =	shalt  }
.Lfunc_end0:
.L_simem_size_0:
called_computation.6_lowered:
.L_overlay_start_0:
0x88: {  	s2 =	sld [smem:$0x3FD9]  }
0x89: {  	s3 =	sld [smem:$0x3FFE];
	_ =	sdelay $0x1  }
0x8a: {  	s1 =	srdreg.scid  }
0x8b: {  	s0 =	sand.u32 $0x1, s1  }
0x8c: {  	s17 =	sshll.u32 s0, $0xA;
	s2 =	sadd.s32 s3, s2  }
0x8d: {  	s2 =	sadd.s32 s2, s17  }
0x8e: {  	[smem:$0x3FB3] =	sst s2  }
0x8f: {  	_ = 	snop  }
0x90: {  	s2 =	sld [smem:$0x3FD0];
	(tm) =	ssettm $0x1  }
0x91: {  	s18 =	sld [smem:$0x3FFB];
	_ =	sdelay $0x3  }
0x92: {  	_ =	strace s18  }
0x93: {  	s3 =	sld [smem:$0x3FFC];
	_ =	sdelay $0x3  }
0x94: {  	_ =	strace s3  }
0x95: {  	s3 =	sld [smem:$0x3FFD];
	_ =	sdelay $0x3  }
0x96: {  	_ =	strace s3  }
0x97: {  	_ =	strace $0x8FFFFFFF  }
0x98: {  	s19 =	sld [smem:$0x3FDB];
	_ =	sdelay $0x1  }
0x99: {  	s4 =	simm.s32 $_scs_section_size  }
0x9a: {  	s5 =	simm.s32 $_size__tile_overlayer_lowered;
	s6 =	simm.s32 $_tile_overlayer_lowered  }
0x9b: {  	s22 =	simm.s32 $0x1BFF;
	s21 =	sshll.u32 s6, $0x1;
	s3 =	sadd.s32 s4, s19  }
0x9c: {  	s7 =	simm.s32 $0x0;
	s20 =	sshll.u32 s5, $0x1;
	s5 =	sadd.s32 s21, s3  }
0x9d: {  	[timem:s7], [sflag:s22] =	dma.local [hbm:s5], s20  }
0x9e: {  	_ =	swait.ge [sflag:s22], s20  }
0x9f: {  	s4 =	ssub.s32 $0x0, s20;
	[sflag:s22] =	ssyncset.done $0x0  }
0xa0: {  	[sflag:s22] =	ssyncadd.s32 s4;
	_ =	sdelay $0x1  }
0xa1: {  	s23 =	simm.s32 $0x1B8B  }
0xa2: {  	_ =	swait.ge [sflag:s23], $0x1  }
0xa3: {  	[sflag:s23] =	ssyncset.done $0x0  }
0xa4: {  	s25 =	simm.s32 $0x1B8E;
	s24 =	sld [smem:$0x3FFE];
	[sflag:s23] =	ssyncadd.s32 $0xFFFFFFFF  }
0xa5: {  	s26 =	simm.s32 $execute0_lowered;
	[smem:$0x3FD2] =	sst s25  }
0xa6: {  	s5 =	sshll.u32 s26, $0x1;
	_ =	strace $0x80000058;
	[dreg:$0x1] =	wrdreg $0xFFFFFFFF  }
0xa7: {  	s28 =	simm.s32 $_size_execute0_lowered;
	s3 =	sadd.s32 s3, s5;
	[dreg:$0x0] =	wrdreg $0x0  }
0xa8: {  	s5 =	sshll.u32 s28, $0x1;
	[dreg:$0x2] =	wrdreg s3  }
0xa9: {  	[dreg:$0x3] =	wrdreg s5  }
0xaa: {  	[dreg:$0x4] =	wrdreg $0xC0  }
0xab: {  	_ =	task [dreg:s7], $0x5FFFF  }
0xac: {  	[dreg:$0x1] =	wrdreg $0xFFFFFFFF  }
0xad: {  	[dreg:$0x0] =	wrdreg $0x60  }
0xae: {  	[dreg:$0x2] =	wrdreg s24  }
0xaf: {  	[dreg:$0x3] =	wrdreg s2  }
0xb0: {  	[dreg:$0x4] =	wrdreg $0x94000  }
0xb1: {  	[dreg:$0x5] =	wrdreg $0x9  }
0xb2: {  	_ =	task.clear_ibuf [dreg:s7], $0x6FFFF;
	_ =	strace $0x90000058  }
0xb3: {  	s29 =	simm.s32 $0x9;
	_ =	strace $0x8000005A  }
0xb4: {  	_ =	swait.ge [sflag:s29], $0x1  }
0xb5: {  	[sflag:s29] =	ssyncadd.s32 $0xFFFFFFFF  }
0xb6: {  	_ =	strace $0x9000005A  }
0xb7: {  	_ =	sfence  }
0xb8: {  	s30 =	sld [smem:$0x0];
	_ =	sdelay $0x2  }
0xb9: {  	s31 =	sshll.u32 s1, $0xD;
	s1 =	sshrl.u32 s1, $0x2  }
0xba: {  	s3 =	sand.u32 $0x4000, s31;
	s1 =	sadd.s32 s1, s30  }
0xbb: {  	s0 =	sor.u32 s3, s0;
	s1 =	sshll.u32 s1, $0x11  }
0xbc: {  	s0 =	sor.u32 s1, s0  }
0xbd: {  	s0 =	sadd.s32 $0x8F2B, s0  }
0xbe: {  	[sflag:s0] =	ssyncadd.remote.s32 $0x1  }
0xbf: {  	_ =	sfence.sel $0xFFFF  }
0xc0: {  	[dreg:$0x0] =	wrdreg $0xFFFFFFFF;
	(pc) =	sbr.abs _section_cstart, $3  }
0xc1: {  	[dreg:$0x1] =	wrdreg $0xFFFFFFFF  }
0xc2: {  	_ =	task.clear_ibuf [dreg:s7], $0x2FFFF;
	_ =	strace $0x9FFFFFFF  }
0xc3: {  	(tm) =	ssettm $0x7FFFFFFF  }
tec
execute0_lowered:
.L_overlay_start_1:
0x0: {  	(tag) =	ssettag $0x1  }
0x1: {  	s4 =	rddreg [dreg:$0x0]  }
0x2: {  	s5 =	rddreg [dreg:$0x1];
	s0 =	srdreg.scid  }
0x3: {  	s2 =	rddreg [dreg:$0x2];
	s1 =	stileid.u32;
	s3 =	simm.s32 $0x0  }
0x4: {  	s17 =	simm.s32 $0x1400;
	s18 =	simm.s32 $0x1;
	s19 =	simm.s32 $0x80  }
0x5: {  	s20 =	simm.s32 $0x5400;
	s21 =	simm.s32 $0x2;
	s22 =	simm.s32 $0x3  }
0x6: {  	s23 =	simm.s32 $0x4;
	s24 =	simm.s32 $0x0;
	s7 =	smul.u32 $0x14000, s1  }
0x7: {  	s9 =	sand.u32 $0x1, s0;
	s0 =	rddreg [dreg:$0x3];
	s8 =	smul.u32 $0x50000, s1  }
0x8: {  	[smem:$0x7FF] =	sst s3;
	s11 =	sadd.s32 $0x115400, s4;
	s15 =	smul.u32 $0x28000, s1  }
0x9: {  	s26 =	sshll.u32 s1, $0x1;
	s6 =	smul.u32 $0x140000, s9;
	_ =	strace $0x80000059  }
0xa: {  	s28 =	ssub.s32 $0x2, s9;
	s29 =	sor.u32 s9, s26;
	s16 =	smul.u32 $0x14000, s9  }
0xb: {  	s30 =	sshrl.u32 s28, $0x1;
	s10 =	smul.u32 $0x280, s29;
	s8 =	sshrl.u32 s8, $0x2  }
0xc: {  	s14 =	smul.u32 $0x14000, s29;
	s31 =	sadd.s32 s15, s11;
	s6 =	sadd.s32 s7, s6  }
0xd: {  	s13 =	ssub.s32 s28, s30;
	s15 =	sadd.s32 s16, s31;
	s16 =	simm.s32 $0x5  }
.Ltmp0:
0xe: {  	s6 =	sshrl.u32 s6, $0x3;
	s5 =	sadd.s32 s5, s10;
	(pc) =	sbr.rel .LBB2_1-.Ltmp0, $4  }
0xf: {  	s10 =	sadd.s32 s11, s14;
	s12 =	sadd.s32 s6, s4;
	s4 =	sadd.s32 s8, s2  }
0x10: {  	s15 =	sadd.s32 $0x2000, s15;
	s14 =	sadd.s32 $0x1000, s10;
	s6 =	sadd.s32 $0x4000, s4  }
0x11: {  	s7 =	sadd.s32 $0x8000, s4;
	s8 =	sadd.s32 $0xC000, s4;
	s9 =	sadd.s32 $0x10000, s4  }
0x12: {  	v0 =	vimm.f32 $0.0e+00;
	s11 =	sadd.s32 $0x96E00, s12;
	s12 =	smax.u32 s13, $0x1;
	s13 =	sadd.s32 $0x800, s10  }
.LBB2_6:
0x13: {  	_ =	swait.ge [sflag:s23], $0x4000  }
0x14: {  	s25 =	sshll.u32 s1, $0x6;
	s24 =	sadd.s32 $0x1, s24;
	[sflag:s23] =	ssyncset.done $0x0  }
0x15: {  	s26 =	sshrl.u32 s4, $0x3;
	p0 =	sne.s32 s24, s12;
	[sflag:s23] =	ssyncadd.s32 $0xFFFFC000  }
.Ltmp1:
0x16: {  	s25 =	sor.u32 $0x1C05, s25;
	[bflag:$0x0] =	sbarrier.arrive $0xFFFF;
	(pc) =	sbr.rel @!p0 .LBB2_7-.Ltmp1, $4  }
0x17: {  	[hbm:s11], [sflag:s25] =	dma.local [spmem:s26], $0x2800  }
0x18: {  	_ =	swait.ge [sflag:s16], $0x2800  }
0x19: {  	[sflag:s16] =	ssyncset.done $0x0  }
0x1a: {  	[sflag:s16] =	ssyncadd.s32 $0xFFFFD800  }
.LBB2_1:
0x1b: {  	[tilespmem:s3], [sflag:$0x5] =	stream.linear.gather [hbm4b:s5+s3], $0x1400, $0x38;
	[tilespmem:$0x1D400] =	vst v63  }
0x1c: {  	_ =	swait.ge [sflag:s16], $0x1400  }
0x1d: {  	[sflag:s16] =	ssyncset.done $0x0  }
0x1e: {  	s25 =	simm.s32 $0x0;
	s26 =	simm.s32 $0x200;
	[sflag:s16] =	ssyncadd.s32 $0xFFFFEC00  }
.LBB2_2:
0x1f: {  	p0 =	sne.s32 s26, $0xFE00;
	[tilespmem:s25+$0x1470] =	vst v0  }
0x20: {  	[tilespmem:s25+$0x1400] =	vst v0  }
0x21: {  	[tilespmem:s25+$0x1410] =	vst v0  }
.Ltmp2:
0x22: {  	[tilespmem:s25+$0x1420] =	vst v0;
	(pc) =	sbr.rel @p0 .LBB2_2-.Ltmp2, $4  }
0x23: {  	[tilespmem:s25+$0x1430] =	vst v0  }
0x24: {  	[tilespmem:s25+$0x1440] =	vst v0  }
0x25: {  	[tilespmem:s25+$0x1450] =	vst v0  }
0x26: {  	[tilespmem:s25+$0x1460] =	vst v0;
	s25 =	sshra.s32 s26, $0x2;
	s26 =	sadd.s32 $0x200, s26  }
0x27: {  	[tilespmem:s25+$0x1470] =	vst v0  }
0x28: {  	[tilespmem:s25+$0x1400] =	vst v0  }
0x29: {  	[tilespmem:s25+$0x1410] =	vst v0  }
0x2a: {  	[tilespmem:s25+$0x1420] =	vst v0  }
0x2b: {  	[tilespmem:s25+$0x1430] =	vst v0  }
0x2c: {  	[tilespmem:s25+$0x1440] =	vst v0  }
0x2d: {  	[tilespmem:s25+$0x1450] =	vst v0  }
0x2e: {  	[tilespmem:s25+$0x1460] =	vst v0  }
0x2f: {  	[spmem:s4] =	stream.linear.scatter [tilespmem:s17], [sflag:$0x5], $0x4000, $0x38;
	[tilespmem:$0x1D400] =	vst v63  }
0x30: {  	_ =	swait.ge [sflag:s16], $0x4000  }
0x31: {  	[sflag:s16] =	ssyncset.done $0x0  }
0x32: {  	[sflag:s16] =	ssyncadd.s32 $0xFFFFC000  }
0x33: {  	[spmem:s6] =	stream.linear.scatter [tilespmem:s17], [sflag:$0x5], $0x4000, $0x38;
	[tilespmem:$0x1D400] =	vst v63  }
0x34: {  	_ =	swait.ge [sflag:s16], $0x4000  }
0x35: {  	[sflag:s16] =	ssyncset.done $0x0  }
0x36: {  	[sflag:s16] =	ssyncadd.s32 $0xFFFFC000  }
0x37: {  	[spmem:s7] =	stream.linear.scatter [tilespmem:s17], [sflag:$0x5], $0x4000, $0x38;
	[tilespmem:$0x1D400] =	vst v63  }
0x38: {  	_ =	swait.ge [sflag:s16], $0x4000  }
0x39: {  	[sflag:s16] =	ssyncset.done $0x0  }
0x3a: {  	[sflag:s16] =	ssyncadd.s32 $0xFFFFC000  }
0x3b: {  	[spmem:s8] =	stream.linear.scatter [tilespmem:s17], [sflag:$0x5], $0x4000, $0x38;
	[tilespmem:$0x1D400] =	vst v63  }
0x3c: {  	_ =	swait.ge [sflag:s16], $0x4000  }
0x3d: {  	[sflag:s16] =	ssyncset.done $0x0  }
0x3e: {  	[sflag:s16] =	ssyncadd.s32 $0xFFFFC000  }
0x3f: {  	[spmem:s9] =	stream.linear.scatter [tilespmem:s17], [sflag:$0x5], $0x4000, $0x38;
	[tilespmem:$0x1D400] =	vst v63  }
0x40: {  	_ =	swait.ge [sflag:s16], $0x4000  }
0x41: {  	[sflag:s16] =	ssyncset.done $0x0  }
0x42: {  	[sflag:s16] =	ssyncadd.s32 $0xFFFFC000  }
0x43: {  	s25 =	simm.s32 $0x0;
	[bflag:$0x0] =	sbarrier.arrive $0xFFFF  }
0x44: {  	[tilespmem:s17], [sflag:$0x1] =	stream.linear.gather [hbm4b:s10+s25], $0x4000, $0x38;
	[tilespmem:$0x1D400] =	vst v63  }
0x45: {  	_ =	swait.ge [sflag:s18], $0x4000  }
0x46: {  	[sflag:s18] =	ssyncset.done $0x0  }
0x47: {  	[sflag:s18] =	ssyncadd.s32 $0xFFFFC000  }
0x48: {  	[spmem:s2] =	stream.indirect.scatter.add.f32 [tilespmem:s17], [sflag:$0x3], $0x80, s25, s19, $0xb8;
	[tilespmem:$0x1D400] =	vst v63  }
0x49: {  	_ = 	snop  }
0x4a: {  	[tilespmem:s20], [sflag:$0x2] =	stream.linear.gather [hbm4b:s13+s25], $0x4000, $0x38;
	[tilespmem:$0x1D400] =	vst v63  }
0x4b: {  	_ =	swait.ge [sflag:s21], $0x4000  }
0x4c: {  	[sflag:s21] =	ssyncset.done $0x0  }
0x4d: {  	[sflag:s21] =	ssyncadd.s32 $0xFFFFC000  }
0x4e: {  	[spmem:s2] =	stream.indirect.scatter.add.f32 [tilespmem:s20], [sflag:$0x4], $0x80, s19, s19, $0xb8;
	[tilespmem:$0x1D400] =	vst v63  }
0x4f: {  	_ =	swait.ge [sflag:s22], $0x4000  }
0x50: {  	[sflag:s22] =	ssyncset.done $0x0  }
0x51: {  	s26 =	smov.u32 s15;
	[sflag:s22] =	ssyncadd.s32 $0xFFFFC000  }
0x52: {  	[tilespmem:s17], [sflag:$0x1] =	stream.linear.gather [hbm4b:s14+s25], $0x4000, $0x38;
	[tilespmem:$0x1D400] =	vst v63  }
.LBB2_4:
0x53: {  	_ =	swait.ge [sflag:s18], $0x4000  }
0x54: {  	s28 =	sshra.s32 s25, $0x2;
	[sflag:s18] =	ssyncset.done $0x0  }
0x55: {  	s29 =	sadd.s32 $0x100, s28;
	[sflag:s18] =	ssyncadd.s32 $0xFFFFC000  }
0x56: {  	[spmem:s2] =	stream.indirect.scatter.add.f32 [tilespmem:s17], [sflag:$0x3], $0x80, s29, s19, $0xb8;
	[tilespmem:$0x1D400] =	vst v63  }
0x57: {  	_ =	swait.ge [sflag:s23], $0x4000  }
0x58: {  	[sflag:s23] =	ssyncset.done $0x0  }
0x59: {  	s31 =	sadd.s32 $0xFFFFF800, s26;
	[sflag:s23] =	ssyncadd.s32 $0xFFFFC000  }
0x5a: {  	[tilespmem:s20], [sflag:$0x2] =	stream.linear.gather [hbm4b:s31+s3], $0x4000, $0x38;
	[tilespmem:$0x1D400] =	vst v63  }
0x5b: {  	_ =	swait.ge [sflag:s21], $0x4000  }
0x5c: {  	p0 =	seq.s32 s25, $0x4800;
	[sflag:s21] =	ssyncset.done $0x0  }
.Ltmp3:
0x5d: {  	s28 =	sadd.s32 $0x180, s28;
	[sflag:s21] =	ssyncadd.s32 $0xFFFFC000;
	(pc) =	sbr.rel @p0 .LBB2_6-.Ltmp3, $4  }
0x5e: {  	[spmem:s2] =	stream.indirect.scatter.add.f32 [tilespmem:s20], [sflag:$0x4], $0x80, s28, s19, $0xb8;
	[tilespmem:$0x1D400] =	vst v63  }
0x5f: {  	_ =	swait.ge [sflag:s22], $0x4000  }
0x60: {  	[sflag:s22] =	ssyncset.done $0x0  }
0x61: {  	[sflag:s22] =	ssyncadd.s32 $0xFFFFC000  }
.Ltmp4:
0x62: {  	(pc) =	sbr.rel .LBB2_4-.Ltmp4, $3  }
0x63: {  	_ =	sdelay $0x1  }
0x64: {  	[tilespmem:s17], [sflag:$0x1] =	stream.linear.gather [hbm4b:s26+s3], $0x4000, $0x38;
	[tilespmem:$0x1D400] =	vst v63  }
0x65: {  	s25 =	sadd.s32 $0x400, s25;
	s26 =	sadd.s32 $0x1000, s26  }
.LBB2_7:
0x66: {  	_ =	sfence.sel $0x180000  }
0x67: {  	[bflag:$0x0] =	sbarrier.arrive $0xFFFF  }
0x68: {  	p0 =	sne.s32 s1, $0x0;
	_ =	strace $0x90000059  }
0x69: {  	s0 =	sadd.s32 @!p0 $0x100000, s0;
	[bflag:$0x2] =	sbarrier.arrive $0xFFFF  }
0x6a: {  	[sflag:s0] =	ssyncadd.tile.s32 @!p0 $0x1;
	_ =	shalt  }
.Lfunc_end2:
_tile_overlayer_lowered:
.L_overlay_start_2:
0x6b: {  	(tag) =	ssettag $0x2  }
0x6c: {  	s0 =	rddreg [dreg:$0x0];
	s2 =	stileid.u32  }
0x6d: {  	s1 =	rddreg [dreg:$0x1];
	p0 =	sne.s32 s2, $0x0  }
0x6e: {  	s3 =	rddreg [dreg:$0x2];
	[bflag:$0x3] =	sbarrier.arrive $0xFFFF;
	s2 =	simm.s32 @!p0 $0x1C05  }
0x6f: {  	[timem:s3], [sflag:s2] =	dma.local @!p0 [hbm:s0], s1  }
0x70: {  	s0 =	simm.s32 @!p0 $0x5  }
0x71: {  	_ =	swait.ge @!p0 [sflag:s0], s1  }
0x72: {  	s1 =	ssub.s32 @!p0 $0x0, s1;
	[sflag:s0] =	ssyncset.done @!p0 $0x0  }
0x73: {  	[sflag:s0] =	ssyncadd.s32 @!p0 s1  }
0x74: {  	[bflag:$0x3] =	sbarrier.arrive $0xFFFF  }
0x75: {  	_ =	shalt  }

// kernel: kernel.46.cloned.1.call-start
scs
__scs_entry_jumppad:
0x0: {  	(pc) =	sbr.rel $0x88, $3  }
0x1: {  	(tag) =	ssettag $0x0;
	lr =	simm.s32 $0x1  }
0x2: {  	[smem:$0x3F8C] =	sst lr;
	_ =	strace $0xD0000000  }
0x3: {  	_ = 	snop  }
0x4: {  	_ = 	snop  }
0x5: {  	_ = 	snop  }
0x6: {  	_ = 	snop  }
0x7: {  	_ = 	snop  }
__scs_overlays_trampoline_lowered:
0x8: {  	[smem:$0x3F9B] =	sst s0  }
0x9: {  	[smem:$0x3F9C] =	sst s1  }
0xa: {  	[smem:$0x3F9D] =	sst s2  }
0xb: {  	[smem:$0x3F9E] =	sst s3  }
0xc: {  	[smem:$0x3F9F] =	sst s4  }
0xd: {  	[smem:$0x3FA0] =	sst s5  }
0xe: {  	[smem:$0x3FA1] =	sst s6  }
0xf: {  	[smem:$0x3FA2] =	sst s7  }
0x10: {  	[smem:$0x3FA3] =	sst s8  }
0x11: {  	[smem:$0x3FA4] =	sst s9;
	s0 =	simm.s32 @!p0 $0x0  }
0x12: {  	s1 =	sld [smem:$0x3F8A];
	s0 =	simm.s32 @p0 $0x1  }
0x13: {  	[smem:$0x3FA5] =	sst s0;
	s0 =	simm.s32 @!p1 $0x0  }
0x14: {  	s2 =	sld [smem:$0x3F89];
	s0 =	simm.s32 @p1 $0x1  }
0x15: {  	[smem:$0x3FA6] =	sst s0;
	s0 =	simm.s32 @!p2 $0x0  }
0x16: {  	s3 =	sld [smem:$0x3FDB];
	s0 =	simm.s32 @p2 $0x1  }
0x17: {  	s4 =	simm.s32 $0x1BF5;
	[smem:$0x3FA8] =	sst s0  }
0x18: {  	s0 =	sld [smem:$0x3F8B];
	_ =	swait.ge [sflag:s4], $0x0  }
0x19: {  	s7 =	sld [smem:$0x3F8C]  }
0x1a: {  	s8 =	sadd.s32 $0xFFFFE003, lr  }
0x1b: {  	s9 =	sadd.s32 $0xFFFFFEF7, lr;
	s5 =	simm.s32 $0xFFFFFFFF;
	p2 =	slt.u32 s8, $0xFFFFF086  }
0x1c: {  	p1 =	slt.u32 s9, $0xF7A;
	s5 =	simm.s32 @!p2 $0x0  }
0x1d: {  	s5 =	simm.s32 @p1 $0x1;
	p0 =	seq.s32 s7, s2  }
0x1e: {  	s7 =	smul.u32 @!p0 $0xF7A, s2;
	p2 =	seq.s32 @!p0 s5, $0x0  }
0x1f: {  	s9 =	smul.u32 $0xF7A, s1;
	s8 =	simm.s32 @!p0 $0x1BF5;
	p2 =	por !p2, p0  }
0x20: {  	[sflag:s8] =	ssyncset.s32 @!p0 $0xFFFFF086;
	s6 =	sadd.s32 @!p0 s3, s7;
	s7 =	simm.s32 @!p0 $0x108  }
0x21: {  	s3 =	sadd.s32 s3, s9;
	s6 =	sadd.s32 @!p0 $0x88, s6;
	s7 =	simm.s32 @p2 $0x1082  }
0x22: {  	[simem:s7], [sflag:s8] =	dma.local @!p0 [hbm:s6], $0xF7A  }
0x23: {  	s9 =	sor.u32 $0xD0000000, s2;
	s6 =	simm.s32 $0x108;
	_ =	swait.ge @!p0 [sflag:s8], $0x0  }
0x24: {  	s3 =	sadd.s32 $0x88, s3;
	s6 =	simm.s32 @!p1 $0x1082;
	[sflag:s4] =	ssyncset.s32 $0xFFFFF086  }
0x25: {  	[simem:s6], [sflag:s4] =	dma.local [hbm:s3], $0xF7A  }
0x26: {  	[smem:$0x3F8C] =	sst s1;
	(tag) =	ssettag s2;
	_ =	strace s9  }
0x27: {  	s1 =	sld [smem:$0x3F9C]  }
0x28: {  	s2 =	sld [smem:$0x3F9D]  }
0x29: {  	s4 =	sld [smem:$0x3F9F]  }
0x2a: {  	p0 =	seq.s32 s5, $0x0;
	s5 =	sld [smem:$0x3FA0]  }
0x2b: {  	s6 =	sld [smem:$0x3FA1]  }
0x2c: {  	s7 =	sld [smem:$0x3FA2]  }
0x2d: {  	s3 =	simm.s32 $0x108;
	s8 =	sld [smem:$0x3FA3]  }
0x2e: {  	s3 =	simm.s32 @!p0 $0x1082;
	s9 =	sld [smem:$0x3FA4]  }
0x2f: {  	lr =	sadd.s32 s0, s3;
	s0 =	sld [smem:$0x3F9B]  }
0x30: {  	s3 =	sld [smem:$0x3F9E]  }
0x31: {  	[smem:$0x3FA7] =	sst s10  }
0x32: {  	s10 =	sld [smem:$0x3FA5];
	_ =	sdelay $0x3  }
0x33: {  	p0 =	seq.s32 s10, $0x1;
	s10 =	sld [smem:$0x3FA7];
	_ =	sdelay $0x3  }
0x34: {  	[smem:$0x3FA7] =	sst s10  }
0x35: {  	s10 =	sld [smem:$0x3FA6];
	_ =	sdelay $0x3  }
0x36: {  	p1 =	seq.s32 s10, $0x1;
	s10 =	sld [smem:$0x3FA7];
	_ =	sdelay $0x3  }
0x37: {  	[smem:$0x3FA7] =	sst s10  }
0x38: {  	s10 =	sld [smem:$0x3FA8]  }
0x39: {  	_ = 	snop;
	(pc) =	sbr.ind lr, $3  }
0x3a: {  	_ = 	snop  }
0x3b: {  	_ = 	snop  }
0x3c: {  	p2 =	seq.s32 s10, $0x1;
	s10 =	sld [smem:$0x3FA7]  }
0x3d: {  	_ =	shalt  }
0x3e: {  	_ =	shalt  }
0x3f: {  	_ =	shalt  }
0x40: {  	_ =	shalt  }
0x41: {  	_ =	shalt  }
0x42: {  	_ =	shalt  }
0x43: {  	_ =	shalt  }
0x44: {  	_ =	shalt  }
0x45: {  	_ =	shalt  }
0x46: {  	_ =	shalt  }
0x47: {  	_ =	shalt  }
0x48: {  	_ =	shalt  }
0x49: {  	_ =	shalt  }
0x4a: {  	_ =	shalt  }
0x4b: {  	_ =	shalt  }
0x4c: {  	_ =	shalt  }
0x4d: {  	_ =	shalt  }
0x4e: {  	_ =	shalt  }
0x4f: {  	_ =	shalt  }
0x50: {  	_ =	shalt  }
0x51: {  	_ =	shalt  }
0x52: {  	_ =	shalt  }
0x53: {  	_ =	shalt  }
0x54: {  	_ =	shalt  }
0x55: {  	_ =	shalt  }
0x56: {  	_ =	shalt  }
0x57: {  	_ =	shalt  }
0x58: {  	_ =	shalt  }
0x59: {  	_ =	shalt  }
0x5a: {  	_ =	shalt  }
0x5b: {  	_ =	shalt  }
0x5c: {  	_ =	shalt  }
0x5d: {  	_ =	shalt  }
0x5e: {  	_ =	shalt  }
0x5f: {  	_ =	shalt  }
0x60: {  	_ =	shalt  }
0x61: {  	_ =	shalt  }
0x62: {  	_ =	shalt  }
0x63: {  	_ =	shalt  }
0x64: {  	_ =	shalt  }
0x65: {  	_ =	shalt  }
0x66: {  	_ =	shalt  }
0x67: {  	_ =	shalt  }
0x68: {  	_ =	shalt  }
0x69: {  	_ =	shalt  }
0x6a: {  	_ =	shalt  }
0x6b: {  	_ =	shalt  }
0x6c: {  	_ =	shalt  }
0x6d: {  	_ =	shalt  }
0x6e: {  	_ =	shalt  }
0x6f: {  	_ =	shalt  }
0x70: {  	_ =	shalt  }
0x71: {  	_ =	shalt  }
0x72: {  	_ =	shalt  }
0x73: {  	_ =	shalt  }
0x74: {  	_ =	shalt  }
0x75: {  	_ =	shalt  }
0x76: {  	_ =	shalt  }
0x77: {  	_ =	shalt  }
0x78: {  	_ =	shalt  }
0x79: {  	_ =	shalt  }
0x7a: {  	_ =	shalt  }
0x7b: {  	_ =	shalt  }
0x7c: {  	_ =	shalt  }
0x7d: {  	_ =	shalt  }
0x7e: {  	_ =	shalt  }
0x7f: {  	_ =	shalt  }
0x80: {  	_ =	shalt  }
0x81: {  	_ =	shalt  }
0x82: {  	_ =	shalt  }
0x83: {  	_ =	shalt  }
0x84: {  	_ =	shalt  }
0x85: {  	_ =	shalt  }
0x86: {  	_ =	shalt  }
0x87: {  	_ =	shalt  }
.Lfunc_end0:
.L_simem_size_0:
called_computation.7_lowered:
.L_overlay_start_0:
0x88: {  	s2 =	sld [smem:$0x3FD9]  }
0x89: {  	s3 =	sld [smem:$0x3FFE];
	_ =	sdelay $0x1  }
0x8a: {  	s1 =	srdreg.scid  }
0x8b: {  	s0 =	sand.u32 $0x1, s1  }
0x8c: {  	s16 =	sshll.u32 s0, $0xA;
	s2 =	sadd.s32 s3, s2  }
0x8d: {  	s2 =	sadd.s32 s2, s16  }
0x8e: {  	[smem:$0x3FB3] =	sst s2  }
0x8f: {  	_ = 	snop  }
0x90: {  	(tm) =	ssettm $0x1  }
0x91: {  	s17 =	sld [smem:$0x3FFB];
	_ =	sdelay $0x3  }
0x92: {  	_ =	strace s17  }
0x93: {  	s2 =	sld [smem:$0x3FFC];
	_ =	sdelay $0x3  }
0x94: {  	_ =	strace s2  }
0x95: {  	s2 =	sld [smem:$0x3FFD];
	_ =	sdelay $0x3  }
0x96: {  	_ =	strace s2  }
0x97: {  	_ =	strace $0x8FFFFFFF  }
0x98: {  	s18 =	sld [smem:$0x3FDB];
	_ =	sdelay $0x1  }
0x99: {  	s19 =	simm.s32 $_scs_section_size  }
0x9a: {  	s4 =	simm.s32 $_size__tile_overlayer_lowered;
	s5 =	simm.s32 $_tile_overlayer_lowered  }
0x9b: {  	s22 =	simm.s32 $0x1BFF;
	s21 =	sshll.u32 s5, $0x1;
	s2 =	sadd.s32 s19, s18  }
0x9c: {  	s6 =	simm.s32 $0x0;
	s20 =	sshll.u32 s4, $0x1;
	s4 =	sadd.s32 s21, s2  }
0x9d: {  	[timem:s6], [sflag:s22] =	dma.local [hbm:s4], s20  }
0x9e: {  	_ =	swait.ge [sflag:s22], s20  }
0x9f: {  	s3 =	ssub.s32 $0x0, s20;
	[sflag:s22] =	ssyncset.done $0x0  }
0xa0: {  	[sflag:s22] =	ssyncadd.s32 s3;
	_ =	sdelay $0x1  }
0xa1: {  	s23 =	simm.s32 $0x1B8B  }
0xa2: {  	_ =	swait.ge [sflag:s23], $0x1  }
0xa3: {  	[sflag:s23] =	ssyncset.done $0x0  }
0xa4: {  	s25 =	simm.s32 $0x1B8E;
	s24 =	sld [smem:$0x3FFE];
	[sflag:s23] =	ssyncadd.s32 $0xFFFFFFFF  }
0xa5: {  	s26 =	simm.s32 $execute0_lowered;
	[smem:$0x3FD2] =	sst s25  }
0xa6: {  	s4 =	sshll.u32 s26, $0x1;
	_ =	strace $0x8000005B;
	[dreg:$0x1] =	wrdreg $0xFFFFFFFF  }
0xa7: {  	s28 =	simm.s32 $_size_execute0_lowered;
	s2 =	sadd.s32 s2, s4;
	[dreg:$0x0] =	wrdreg $0x0  }
0xa8: {  	s4 =	sshll.u32 s28, $0x1;
	[dreg:$0x2] =	wrdreg s2  }
0xa9: {  	[dreg:$0x3] =	wrdreg s4  }
0xaa: {  	[dreg:$0x4] =	wrdreg $0xC0  }
0xab: {  	_ =	task [dreg:s6], $0x5FFFF  }
0xac: {  	[dreg:$0x1] =	wrdreg $0xFFFFFFFF  }
0xad: {  	[dreg:$0x0] =	wrdreg $0x60  }
0xae: {  	[dreg:$0x2] =	wrdreg s24  }
0xaf: {  	[dreg:$0x3] =	wrdreg $0xA8000  }
0xb0: {  	[dreg:$0x4] =	wrdreg $0x9  }
0xb1: {  	_ =	task.clear_ibuf [dreg:s6], $0x5FFFF;
	_ =	strace $0x9000005B  }
0xb2: {  	s29 =	simm.s32 $0x9;
	_ =	strace $0x8000005D  }
0xb3: {  	_ =	swait.ge [sflag:s29], $0x1  }
0xb4: {  	[sflag:s29] =	ssyncadd.s32 $0xFFFFFFFF  }
0xb5: {  	_ =	strace $0x9000005D  }
0xb6: {  	_ =	sfence  }
0xb7: {  	s30 =	sld [smem:$0x0];
	_ =	sdelay $0x2  }
0xb8: {  	s31 =	sshll.u32 s1, $0xD;
	s1 =	sshrl.u32 s1, $0x2  }
0xb9: {  	s3 =	sand.u32 $0x4000, s31;
	s1 =	sadd.s32 s1, s30  }
0xba: {  	s0 =	sor.u32 s3, s0;
	s1 =	sshll.u32 s1, $0x11  }
0xbb: {  	s0 =	sor.u32 s1, s0  }
0xbc: {  	s0 =	sadd.s32 $0x8F2B, s0  }
0xbd: {  	[sflag:s0] =	ssyncadd.remote.s32 $0x1  }
0xbe: {  	_ =	sfence.sel $0xFFFF  }
0xbf: {  	[dreg:$0x0] =	wrdreg $0xFFFFFFFF;
	(pc) =	sbr.abs _section_cstart, $3  }
0xc0: {  	[dreg:$0x1] =	wrdreg $0xFFFFFFFF  }
0xc1: {  	_ =	task.clear_ibuf [dreg:s6], $0x2FFFF;
	_ =	strace $0x9FFFFFFF  }
0xc2: {  	(tm) =	ssettm $0x7FFFFFFF  }
0xc3: {  	_ =	shalt  }
tec
execute0_lowered:
.L_overlay_start_1:
0x0: {  	(tag) =	ssettag $0x1  }
0x1: {  	s4 =	rddreg [dreg:$0x0]  }
0x2: {  	s0 =	srdreg.scid;
	s2 =	rddreg [dreg:$0x1]  }
0x3: {  	s1 =	rddreg [dreg:$0x2];
	s5 =	sand.u32 $0x1, s0  }
0x4: {  	s3 =	simm.s32 $0x0;
	s0 =	stileid.u32;
	s6 =	smul.u32 $0x28000, s5  }
0x5: {  	s14 =	simm.s32 $0x80;
	s15 =	simm.s32 $0x2800;
	s7 =	smul.u32 $0x2800, s0  }
0x6: {  	s16 =	simm.s32 $0x6800;
	s17 =	simm.s32 $0x1;
	s22 =	smul.u32 $0x140000, s5  }
0x7: {  	s18 =	simm.s32 $0x2;
	s19 =	simm.s32 $0x0;
	s8 =	smul.u32 $0x14000, s0  }
0x8: {  	[smem:$0x7FF] =	sst s3;
	s12 =	sadd.s32 $0x663C00, s4;
	s9 =	smul.u32 $0x50000, s0  }
0x9: {  	_ =	strace $0x8000005C;
	s23 =	ssub.s32 $0x2, s5;
	s5 =	smul.u32 $0x1400000, s5  }
0xa: {  	s11 =	smul.u32 $0x140000, s0;
	s31 =	sshll.u32 s0, $0x6;
	s10 =	sshrl.u32 s23, $0x1  }
0xb: {  	s6 =	sadd.s32 s7, s6;
	s7 =	sadd.s32 s8, s22;
	s8 =	ssub.s32 s23, s10  }
0xc: {  	s24 =	sshrl.u32 s9, $0x2;
	s25 =	sadd.s32 s5, s11;
	s11 =	simm.s32 $0x3  }
0xd: {  	s6 =	sshrl.u32 s6, $0x3;
	s7 =	sshrl.u32 s7, $0x3;
	s13 =	sadd.s32 s24, s2  }
0xe: {  	s26 =	sshrl.u32 s25, $0x3;
	s28 =	sor.u32 $0x4000, s25;
	s29 =	sor.u32 $0xC000, s25  }
0xf: {  	s9 =	sor.u32 $0x8000, s25;
	s6 =	sadd.s32 s6, s4;
	s7 =	sadd.s32 s7, s4  }
0x10: {  	s10 =	sshrl.u32 s29, $0x3;
	s30 =	sshrl.u32 s9, $0x3;
	s13 =	sshrl.u32 s13, $0x3  }
0x11: {  	s4 =	sadd.s32 $0x8CE00, s6;
	s5 =	sadd.s32 $0x96E00, s7;
	s6 =	smax.u32 s8, $0x1  }
0x12: {  	s7 =	sadd.s32 s12, s26;
	s8 =	sshrl.u32 s28, $0x3;
	s9 =	sadd.s32 s10, s12  }
0x13: {  	s10 =	sadd.s32 s30, s12;
	s8 =	sadd.s32 s12, s8;
	s12 =	sor.u32 $0x1C03, s31  }
.LBB2_1:
0x14: {  	[tilespmem:s3], [sflag:$0x3] =	stream.linear.gather [hbm4b:s4+s3], $0x2800, $0x38;
	[tilespmem:$0x14800] =	vst v63  }
0x15: {  	_ =	swait.ge [sflag:s11], $0x2800  }
0x16: {  	[sflag:s11] =	ssyncset.done $0x0  }
0x17: {  	[sflag:s11] =	ssyncadd.s32 $0xFFFFD800  }
0x18: {  	[spmem:s13], [sflag:s12] =	dma.local [hbm:s5], $0x2800  }
0x19: {  	_ =	swait.ge [sflag:s11], $0x2800  }
0x1a: {  	[sflag:s11] =	ssyncset.done $0x0  }
0x1b: {  	[sflag:s11] =	ssyncadd.s32 $0xFFFFD800  }
0x1c: {  	[bflag:$0x0] =	sbarrier.arrive $0xFFFF  }
0x1d: {  	[tilespmem:s15], [sflag:$0x3] =	stream.indirect.gather [spmem:s2], $0x40, s3, s14, $0xb8;
	[tilespmem:$0x14800] =	vst v63  }
0x1e: {  	_ =	swait.ge [sflag:s11], $0x2000  }
0x1f: {  	[sflag:s11] =	ssyncset.done $0x0  }
0x20: {  	[sflag:s11] =	ssyncadd.s32 $0xFFFFE000  }
0x21: {  	[hbm4b:s7+s3] =	stream.linear.scatter [tilespmem:s15], [sflag:$0x1], $0x4000, $0x38;
	[tilespmem:$0x14800] =	vst v63  }
0x22: {  	_ = 	snop  }
0x23: {  	[tilespmem:s16], [sflag:$0x3] =	stream.indirect.gather [spmem:s2], $0x40, s14, s14, $0xb8;
	[tilespmem:$0x14800] =	vst v63  }
0x24: {  	_ =	swait.ge [sflag:s11], $0x2000  }
0x25: {  	[sflag:s11] =	ssyncset.done $0x0  }
0x26: {  	[sflag:s11] =	ssyncadd.s32 $0xFFFFE000  }
0x27: {  	[hbm4b:s8+s3] =	stream.linear.scatter [tilespmem:s16], [sflag:$0x2], $0x4000, $0x38;
	[tilespmem:$0x14800] =	vst v63  }
0x28: {  	_ =	swait.ge [sflag:s17], $0x4000  }
0x29: {  	[sflag:s17] =	ssyncset.done $0x0  }
0x2a: {  	s20 =	simm.s32 $0x100;
	[sflag:s17] =	ssyncadd.s32 $0xFFFFC000  }
0x2b: {  	[tilespmem:s15], [sflag:$0x3] =	stream.indirect.gather [spmem:s2], $0x40, s20, s14, $0xb8;
	[tilespmem:$0x14800] =	vst v63  }
0x2c: {  	_ =	swait.ge [sflag:s11], $0x2000  }
0x2d: {  	[sflag:s11] =	ssyncset.done $0x0  }
0x2e: {  	s30 =	sadd.s32 $0x0, s10;
	[sflag:s11] =	ssyncadd.s32 $0xFFFFE000  }
0x2f: {  	[hbm4b:s30+s3] =	stream.linear.scatter [tilespmem:s15], [sflag:$0x1], $0x4000, $0x38;
	[tilespmem:$0x14800] =	vst v63  }
0x30: {  	_ =	swait.ge [sflag:s18], $0x4000  }
0x31: {  	[sflag:s18] =	ssyncset.done $0x0  }
0x32: {  	s31 =	simm.s32 $0x180;
	[sflag:s18] =	ssyncadd.s32 $0xFFFFC000  }
0x33: {  	[tilespmem:s16], [sflag:$0x3] =	stream.indirect.gather [spmem:s2], $0x40, s31, s14, $0xb8;
	[tilespmem:$0x14800] =	vst v63  }
0x34: {  	_ =	swait.ge [sflag:s11], $0x2000  }
0x35: {  	s22 =	sadd.s32 $0x0, s9;
	[sflag:s11] =	ssyncset.done $0x0  }
0x36: {  	s21 =	simm.s32 $0x200;
	s20 =	simm.s32 $0x1000;
	[sflag:s11] =	ssyncadd.s32 $0xFFFFE000  }
.LBB2_2:
0x37: {  	[hbm4b:s22+s3] =	stream.linear.scatter [tilespmem:s16], [sflag:$0x2], $0x4000, $0x38;
	[tilespmem:$0x14800] =	vst v63  }
0x38: {  	s22 =	smov.u32 s20  }
0x39: {  	p0 =	sne.s32 s20, $0x26000;
	s20 =	sadd.s32 $0x1000, s20;
	_ =	swait.ge [sflag:s17], $0x4000  }
0x3a: {  	[sflag:s17] =	ssyncset.done $0x0  }
0x3b: {  	[sflag:s17] =	ssyncadd.s32 $0xFFFFC000  }
0x3c: {  	[tilespmem:s15], [sflag:$0x3] =	stream.indirect.gather [spmem:s2], $0x40, s21, s14, $0xb8;
	[tilespmem:$0x14800] =	vst v63  }
0x3d: {  	_ =	swait.ge [sflag:s11], $0x2000  }
0x3e: {  	[sflag:s11] =	ssyncset.done $0x0  }
0x3f: {  	s23 =	sadd.s32 s22, s10;
	[sflag:s11] =	ssyncadd.s32 $0xFFFFE000  }
0x40: {  	[hbm4b:s23+s3] =	stream.linear.scatter [tilespmem:s15], [sflag:$0x1], $0x4000, $0x38;
	[tilespmem:$0x14800] =	vst v63  }
0x41: {  	_ =	swait.ge [sflag:s18], $0x4000  }
0x42: {  	[sflag:s18] =	ssyncset.done $0x0  }
.Ltmp0:
0x43: {  	s23 =	sadd.s32 $0x80, s21;
	[sflag:s18] =	ssyncadd.s32 $0xFFFFC000;
	(pc) =	sbr.rel @p0 .LBB2_2-.Ltmp0, $4  }
0x44: {  	[tilespmem:s16], [sflag:$0x3] =	stream.indirect.gather [spmem:s2], $0x40, s23, s14, $0xb8;
	[tilespmem:$0x14800] =	vst v63  }
0x45: {  	_ =	swait.ge [sflag:s11], $0x2000  }
0x46: {  	[sflag:s11] =	ssyncset.done $0x0  }
0x47: {  	s22 =	sadd.s32 s22, s9;
	s21 =	sadd.s32 $0x100, s21;
	[sflag:s11] =	ssyncadd.s32 $0xFFFFE000  }
0x48: {  	[hbm4b:s22+s3] =	stream.linear.scatter [tilespmem:s16], [sflag:$0x2], $0x4000, $0x38;
	[tilespmem:$0x14800] =	vst v63  }
0x49: {  	s19 =	sadd.s32 $0x1, s19  }
0x4a: {  	_ =	swait.ge [sflag:s17], $0x4000;
	p0 =	sne.s32 s19, s6  }
.Ltmp1:
0x4b: {  	[sflag:s17] =	ssyncset.done $0x0;
	(pc) =	sbr.rel @p0 .LBB2_1-.Ltmp1, $4  }
0x4c: {  	[sflag:s17] =	ssyncadd.s32 $0xFFFFC000  }
0x4d: {  	_ =	swait.ge [sflag:s18], $0x4000  }
0x4e: {  	[sflag:s18] =	ssyncset.done $0x0  }
0x4f: {  	[sflag:s18] =	ssyncadd.s32 $0xFFFFC000  }
0x50: {  	_ =	sfence.sel $0x180000  }
0x51: {  	[bflag:$0x0] =	sbarrier.arrive $0xFFFF  }
0x52: {  	p0 =	sne.s32 s0, $0x0;
	_ =	strace $0x9000005C  }
0x53: {  	s0 =	sadd.s32 @!p0 $0x100000, s1;
	[bflag:$0x2] =	sbarrier.arrive $0xFFFF  }
0x54: {  	[sflag:s0] =	ssyncadd.tile.s32 @!p0 $0x1;
	_ =	shalt  }
.Lfunc_end2:
_tile_overlayer_lowered:
.L_overlay_start_2:
0x55: {  	(tag) =	ssettag $0x2  }
0x56: {  	s0 =	rddreg [dreg:$0x0];
	s2 =	stileid.u32  }
0x57: {  	s1 =	rddreg [dreg:$0x1];
	p0 =	sne.s32 s2, $0x0  }
0x58: {  	s3 =	rddreg [dreg:$0x2];
	[bflag:$0x3] =	sbarrier.arrive $0xFFFF;
	s2 =	simm.s32 @!p0 $0x1C03  }
0x59: {  	[timem:s3], [sflag:s2] =	dma.local @!p0 [hbm:s0], s1  }
0x5a: {  	s0 =	simm.s32 @!p0 $0x3  }
0x5b: {  	_ =	swait.ge @!p0 [sflag:s0], s1  }
0x5c: {  	s1 =	ssub.s32 @!p0 $0x0, s1;
	[sflag:s0] =	ssyncset.done @!p0 $0x0  }
0x5d: {  	[sflag:s0] =	ssyncadd.s32 @!p0 s1  }
0x5e: {  	[bflag:$0x3] =	sbarrier.arrive $0xFFFF  }
0x5f: {  	_ =	shalt  }

// kernel: kernel.49.cloned.1.call-start
scs
__scs_entry_jumppad:
0x0: {  	(pc) =	sbr.rel $0x88, $3  }
0x1: {  	(tag) =	ssettag $0x0;
	lr =	simm.s32 $0x1  }
0x2: {  	[smem:$0x3F8C] =	sst lr;
	_ =	strace $0xD0000000  }
0x3: {  	_ = 	snop  }
0x4: {  	_ = 	snop  }
0x5: {  	_ = 	snop  }
0x6: {  	_ = 	snop  }
0x7: {  	_ = 	snop  }
__scs_overlays_trampoline_lowered:
0x8: {  	[smem:$0x3F9B] =	sst s0  }
0x9: {  	[smem:$0x3F9C] =	sst s1  }
0xa: {  	[smem:$0x3F9D] =	sst s2  }
0xb: {  	[smem:$0x3F9E] =	sst s3  }
0xc: {  	[smem:$0x3F9F] =	sst s4  }
0xd: {  	[smem:$0x3FA0] =	sst s5  }
0xe: {  	[smem:$0x3FA1] =	sst s6  }
0xf: {  	[smem:$0x3FA2] =	sst s7  }
0x10: {  	[smem:$0x3FA3] =	sst s8  }
0x11: {  	[smem:$0x3FA4] =	sst s9;
	s0 =	simm.s32 @!p0 $0x0  }
0x12: {  	s1 =	sld [smem:$0x3F8A];
	s0 =	simm.s32 @p0 $0x1  }
0x13: {  	[smem:$0x3FA5] =	sst s0;
	s0 =	simm.s32 @!p1 $0x0  }
0x14: {  	s2 =	sld [smem:$0x3F89];
	s0 =	simm.s32 @p1 $0x1  }
0x15: {  	[smem:$0x3FA6] =	sst s0;
	s0 =	simm.s32 @!p2 $0x0  }
0x16: {  	s3 =	sld [smem:$0x3FDB];
	s0 =	simm.s32 @p2 $0x1  }
0x17: {  	s4 =	simm.s32 $0x1BF5;
	[smem:$0x3FA8] =	sst s0  }
0x18: {  	s0 =	sld [smem:$0x3F8B];
	_ =	swait.ge [sflag:s4], $0x0  }
0x19: {  	s7 =	sld [smem:$0x3F8C]  }
0x1a: {  	s8 =	sadd.s32 $0xFFFFE003, lr  }
0x1b: {  	s9 =	sadd.s32 $0xFFFFFEF7, lr;
	s5 =	simm.s32 $0xFFFFFFFF;
	p2 =	slt.u32 s8, $0xFFFFF086  }
0x1c: {  	p1 =	slt.u32 s9, $0xF7A;
	s5 =	simm.s32 @!p2 $0x0  }
0x1d: {  	s5 =	simm.s32 @p1 $0x1;
	p0 =	seq.s32 s7, s2  }
0x1e: {  	s7 =	smul.u32 @!p0 $0xF7A, s2;
	p2 =	seq.s32 @!p0 s5, $0x0  }
0x1f: {  	s9 =	smul.u32 $0xF7A, s1;
	s8 =	simm.s32 @!p0 $0x1BF5;
	p2 =	por !p2, p0  }
0x20: {  	[sflag:s8] =	ssyncset.s32 @!p0 $0xFFFFF086;
	s6 =	sadd.s32 @!p0 s3, s7;
	s7 =	simm.s32 @!p0 $0x108  }
0x21: {  	s3 =	sadd.s32 s3, s9;
	s6 =	sadd.s32 @!p0 $0x88, s6;
	s7 =	simm.s32 @p2 $0x1082  }
0x22: {  	[simem:s7], [sflag:s8] =	dma.local @!p0 [hbm:s6], $0xF7A  }
0x23: {  	s9 =	sor.u32 $0xD0000000, s2;
	s6 =	simm.s32 $0x108;
	_ =	swait.ge @!p0 [sflag:s8], $0x0  }
0x24: {  	s3 =	sadd.s32 $0x88, s3;
	s6 =	simm.s32 @!p1 $0x1082;
	[sflag:s4] =	ssyncset.s32 $0xFFFFF086  }
0x25: {  	[simem:s6], [sflag:s4] =	dma.local [hbm:s3], $0xF7A  }
0x26: {  	[smem:$0x3F8C] =	sst s1;
	(tag) =	ssettag s2;
	_ =	strace s9  }
0x27: {  	s1 =	sld [smem:$0x3F9C]  }
0x28: {  	s2 =	sld [smem:$0x3F9D]  }
0x29: {  	s4 =	sld [smem:$0x3F9F]  }
0x2a: {  	p0 =	seq.s32 s5, $0x0;
	s5 =	sld [smem:$0x3FA0]  }
0x2b: {  	s6 =	sld [smem:$0x3FA1]  }
0x2c: {  	s7 =	sld [smem:$0x3FA2]  }
0x2d: {  	s3 =	simm.s32 $0x108;
	s8 =	sld [smem:$0x3FA3]  }
0x2e: {  	s3 =	simm.s32 @!p0 $0x1082;
	s9 =	sld [smem:$0x3FA4]  }
0x2f: {  	lr =	sadd.s32 s0, s3;
	s0 =	sld [smem:$0x3F9B]  }
0x30: {  	s3 =	sld [smem:$0x3F9E]  }
0x31: {  	[smem:$0x3FA7] =	sst s10  }
0x32: {  	s10 =	sld [smem:$0x3FA5];
	_ =	sdelay $0x3  }
0x33: {  	p0 =	seq.s32 s10, $0x1;
	s10 =	sld [smem:$0x3FA7];
	_ =	sdelay $0x3  }
0x34: {  	[smem:$0x3FA7] =	sst s10  }
0x35: {  	s10 =	sld [smem:$0x3FA6];
	_ =	sdelay $0x3  }
0x36: {  	p1 =	seq.s32 s10, $0x1;
	s10 =	sld [smem:$0x3FA7];
	_ =	sdelay $0x3  }
0x37: {  	[smem:$0x3FA7] =	sst s10  }
0x38: {  	s10 =	sld [smem:$0x3FA8]  }
0x39: {  	_ = 	snop;
	(pc) =	sbr.ind lr, $3  }
0x3a: {  	_ = 	snop  }
0x3b: {  	_ = 	snop  }
0x3c: {  	p2 =	seq.s32 s10, $0x1;
	s10 =	sld [smem:$0x3FA7]  }
0x3d: {  	_ =	shalt  }
0x3e: {  	_ =	shalt  }
0x3f: {  	_ =	shalt  }
0x40: {  	_ =	shalt  }
0x41: {  	_ =	shalt  }
0x42: {  	_ =	shalt  }
0x43: {  	_ =	shalt  }
0x44: {  	_ =	shalt  }
0x45: {  	_ =	shalt  }
0x46: {  	_ =	shalt  }
0x47: {  	_ =	shalt  }
0x48: {  	_ =	shalt  }
0x49: {  	_ =	shalt  }
0x4a: {  	_ =	shalt  }
0x4b: {  	_ =	shalt  }
0x4c: {  	_ =	shalt  }
0x4d: {  	_ =	shalt  }
0x4e: {  	_ =	shalt  }
0x4f: {  	_ =	shalt  }
0x50: {  	_ =	shalt  }
0x51: {  	_ =	shalt  }
0x52: {  	_ =	shalt  }
0x53: {  	_ =	shalt  }
0x54: {  	_ =	shalt  }
0x55: {  	_ =	shalt  }
0x56: {  	_ =	shalt  }
0x57: {  	_ =	shalt  }
0x58: {  	_ =	shalt  }
0x59: {  	_ =	shalt  }
0x5a: {  	_ =	shalt  }
0x5b: {  	_ =	shalt  }
0x5c: {  	_ =	shalt  }
0x5d: {  	_ =	shalt  }
0x5e: {  	_ =	shalt  }
0x5f: {  	_ =	shalt  }
0x60: {  	_ =	shalt  }
0x61: {  	_ =	shalt  }
0x62: {  	_ =	shalt  }
0x63: {  	_ =	shalt  }
0x64: {  	_ =	shalt  }
0x65: {  	_ =	shalt  }
0x66: {  	_ =	shalt  }
0x67: {  	_ =	shalt  }
0x68: {  	_ =	shalt  }
0x69: {  	_ =	shalt  }
0x6a: {  	_ =	shalt  }
0x6b: {  	_ =	shalt  }
0x6c: {  	_ =	shalt  }
0x6d: {  	_ =	shalt  }
0x6e: {  	_ =	shalt  }
0x6f: {  	_ =	shalt  }
0x70: {  	_ =	shalt  }
0x71: {  	_ =	shalt  }
0x72: {  	_ =	shalt  }
0x73: {  	_ =	shalt  }
0x74: {  	_ =	shalt  }
0x75: {  	_ =	shalt  }
0x76: {  	_ =	shalt  }
0x77: {  	_ =	shalt  }
0x78: {  	_ =	shalt  }
0x79: {  	_ =	shalt  }
0x7a: {  	_ =	shalt  }
0x7b: {  	_ =	shalt  }
0x7c: {  	_ =	shalt  }
0x7d: {  	_ =	shalt  }
0x7e: {  	_ =	shalt  }
0x7f: {  	_ =	shalt  }
0x80: {  	_ =	shalt  }
0x81: {  	_ =	shalt  }
0x82: {  	_ =	shalt  }
0x83: {  	_ =	shalt  }
0x84: {  	_ =	shalt  }
0x85: {  	_ =	shalt  }
0x86: {  	_ =	shalt  }
0x87: {  	_ =	shalt  }
.Lfunc_end0:
.L_simem_size_0:
called_computation.8_lowered:
.L_overlay_start_0:
0x88: {  	s2 =	sld [smem:$0x3FD9]  }
0x89: {  	s3 =	sld [smem:$0x3FFE];
	_ =	sdelay $0x1  }
0x8a: {  	s1 =	srdreg.scid  }
0x8b: {  	s0 =	sand.u32 $0x1, s1  }
0x8c: {  	s17 =	sshll.u32 s0, $0xA;
	s2 =	sadd.s32 s3, s2  }
0x8d: {  	s2 =	sadd.s32 s2, s17  }
0x8e: {  	[smem:$0x3FB3] =	sst s2  }
0x8f: {  	_ = 	snop  }
0x90: {  	s2 =	sld [smem:$0x3FD0];
	(tm) =	ssettm $0x1  }
0x91: {  	s18 =	sld [smem:$0x3FFB];
	_ =	sdelay $0x3  }
0x92: {  	_ =	strace s18  }
0x93: {  	s3 =	sld [smem:$0x3FFC];
	_ =	sdelay $0x3  }
0x94: {  	_ =	strace s3  }
0x95: {  	s3 =	sld [smem:$0x3FFD];
	_ =	sdelay $0x3  }
0x96: {  	_ =	strace s3  }
0x97: {  	_ =	strace $0x8FFFFFFF  }
0x98: {  	s19 =	sld [smem:$0x3FDB];
	_ =	sdelay $0x1  }
0x99: {  	s4 =	simm.s32 $_scs_section_size  }
0x9a: {  	s5 =	simm.s32 $_size__tile_overlayer_lowered;
	s6 =	simm.s32 $_tile_overlayer_lowered  }
0x9b: {  	s22 =	simm.s32 $0x1BFF;
	s21 =	sshll.u32 s6, $0x1;
	s3 =	sadd.s32 s4, s19  }
0x9c: {  	s7 =	simm.s32 $0x0;
	s20 =	sshll.u32 s5, $0x1;
	s5 =	sadd.s32 s21, s3  }
0x9d: {  	[timem:s7], [sflag:s22] =	dma.local [hbm:s5], s20  }
0x9e: {  	_ =	swait.ge [sflag:s22], s20  }
0x9f: {  	s4 =	ssub.s32 $0x0, s20;
	[sflag:s22] =	ssyncset.done $0x0  }
0xa0: {  	[sflag:s22] =	ssyncadd.s32 s4;
	_ =	sdelay $0x1  }
0xa1: {  	s23 =	simm.s32 $0x1B8B  }
0xa2: {  	_ =	swait.ge [sflag:s23], $0x1  }
0xa3: {  	[sflag:s23] =	ssyncset.done $0x0  }
0xa4: {  	s25 =	simm.s32 $0x1B8E;
	s24 =	sld [smem:$0x3FFE];
	[sflag:s23] =	ssyncadd.s32 $0xFFFFFFFF  }
0xa5: {  	s26 =	simm.s32 $execute0_lowered;
	[smem:$0x3FD2] =	sst s25  }
0xa6: {  	s5 =	sshll.u32 s26, $0x1;
	_ =	strace $0x8000005E;
	[dreg:$0x1] =	wrdreg $0xFFFFFFFF  }
0xa7: {  	s28 =	simm.s32 $_size_execute0_lowered;
	s3 =	sadd.s32 s3, s5;
	[dreg:$0x0] =	wrdreg $0x0  }
0xa8: {  	s5 =	sshll.u32 s28, $0x1;
	[dreg:$0x2] =	wrdreg s3  }
0xa9: {  	[dreg:$0x3] =	wrdreg s5  }
0xaa: {  	[dreg:$0x4] =	wrdreg $0xC0  }
0xab: {  	_ =	task [dreg:s7], $0x5FFFF  }
0xac: {  	[dreg:$0x1] =	wrdreg $0xFFFFFFFF  }
0xad: {  	[dreg:$0x0] =	wrdreg $0x60  }
0xae: {  	[dreg:$0x2] =	wrdreg s24  }
0xaf: {  	[dreg:$0x3] =	wrdreg s2  }
0xb0: {  	[dreg:$0x4] =	wrdreg $0x94000  }
0xb1: {  	[dreg:$0x5] =	wrdreg $0x9  }
0xb2: {  	_ =	task.clear_ibuf [dreg:s7], $0x6FFFF;
	_ =	strace $0x9000005E  }
0xb3: {  	s29 =	simm.s32 $0x9;
	_ =	strace $0x80000060  }
0xb4: {  	_ =	swait.ge [sflag:s29], $0x1  }
0xb5: {  	[sflag:s29] =	ssyncadd.s32 $0xFFFFFFFF  }
0xb6: {  	_ =	strace $0x90000060  }
0xb7: {  	_ =	sfence  }
0xb8: {  	s30 =	sld [smem:$0x0];
	_ =	sdelay $0x2  }
0xb9: {  	s31 =	sshll.u32 s1, $0xD;
	s1 =	sshrl.u32 s1, $0x2  }
0xba: {  	s3 =	sand.u32 $0x4000, s31;
	s1 =	sadd.s32 s1, s30  }
0xbb: {  	s0 =	sor.u32 s3, s0;
	s1 =	sshll.u32 s1, $0x11  }
0xbc: {  	s0 =	sor.u32 s1, s0  }
0xbd: {  	s0 =	sadd.s32 $0x8F2B, s0  }
0xbe: {  	[sflag:s0] =	ssyncadd.remote.s32 $0x1  }
0xbf: {  	_ =	sfence.sel $0xFFFF  }
0xc0: {  	[dreg:$0x0] =	wrdreg $0xFFFFFFFF;
	(pc) =	sbr.abs _section_cstart, $3  }
0xc1: {  	[dreg:$0x1] =	wrdreg $0xFFFFFFFF  }
0xc2: {  	_ =	task.clear_ibuf [dreg:s7], $0x2FFFF;
	_ =	strace $0x9FFFFFFF  }
0xc3: {  	(tm) =	ssettm $0x7FFFFFFF  }
tec
execute0_lowered:
.L_overlay_start_1:
0x0: {  	(tag) =	ssettag $0x1  }
0x1: {  	s4 =	rddreg [dreg:$0x0]  }
0x2: {  	s5 =	rddreg [dreg:$0x1];
	s0 =	srdreg.scid  }
0x3: {  	s2 =	rddreg [dreg:$0x2];
	s1 =	stileid.u32;
	s3 =	simm.s32 $0x0  }
0x4: {  	s17 =	simm.s32 $0x1400;
	s18 =	simm.s32 $0x1;
	s19 =	simm.s32 $0x80  }
0x5: {  	s20 =	simm.s32 $0x5400;
	s21 =	simm.s32 $0x2;
	s22 =	simm.s32 $0x3  }
0x6: {  	s23 =	simm.s32 $0x4;
	s24 =	simm.s32 $0x0;
	s7 =	smul.u32 $0x14000, s1  }
0x7: {  	s9 =	sand.u32 $0x1, s0;
	s0 =	rddreg [dreg:$0x3];
	s8 =	smul.u32 $0x50000, s1  }
0x8: {  	[smem:$0x7FF] =	sst s3;
	s11 =	sadd.s32 $0x115400, s4;
	s15 =	smul.u32 $0x28000, s1  }
0x9: {  	s26 =	sshll.u32 s1, $0x1;
	s6 =	smul.u32 $0x140000, s9;
	_ =	strace $0x8000005F  }
0xa: {  	s28 =	ssub.s32 $0x2, s9;
	s29 =	sor.u32 s9, s26;
	s16 =	smul.u32 $0x14000, s9  }
0xb: {  	s30 =	sshrl.u32 s28, $0x1;
	s10 =	smul.u32 $0x280, s29;
	s8 =	sshrl.u32 s8, $0x2  }
0xc: {  	s14 =	smul.u32 $0x14000, s29;
	s31 =	sadd.s32 s15, s11;
	s6 =	sadd.s32 s7, s6  }
0xd: {  	s13 =	ssub.s32 s28, s30;
	s15 =	sadd.s32 s16, s31;
	s16 =	simm.s32 $0x5  }
.Ltmp0:
0xe: {  	s6 =	sshrl.u32 s6, $0x3;
	s5 =	sadd.s32 s5, s10;
	(pc) =	sbr.rel .LBB2_1-.Ltmp0, $4  }
0xf: {  	s10 =	sadd.s32 s11, s14;
	s12 =	sadd.s32 s6, s4;
	s4 =	sadd.s32 s8, s2  }
0x10: {  	s15 =	sadd.s32 $0x2000, s15;
	s14 =	sadd.s32 $0x1000, s10;
	s6 =	sadd.s32 $0x4000, s4  }
0x11: {  	s7 =	sadd.s32 $0x8000, s4;
	s8 =	sadd.s32 $0xC000, s4;
	s9 =	sadd.s32 $0x10000, s4  }
0x12: {  	v0 =	vimm.f32 $0.0e+00;
	s11 =	sadd.s32 $0x8C800, s12;
	s12 =	smax.u32 s13, $0x1;
	s13 =	sadd.s32 $0x800, s10  }
.LBB2_6:
0x13: {  	_ =	swait.ge [sflag:s23], $0x4000  }
0x14: {  	s25 =	sshll.u32 s1, $0x6;
	s24 =	sadd.s32 $0x1, s24;
	[sflag:s23] =	ssyncset.done $0x0  }
0x15: {  	s26 =	sshrl.u32 s4, $0x3;
	p0 =	sne.s32 s24, s12;
	[sflag:s23] =	ssyncadd.s32 $0xFFFFC000  }
.Ltmp1:
0x16: {  	s25 =	sor.u32 $0x1C05, s25;
	[bflag:$0x0] =	sbarrier.arrive $0xFFFF;
	(pc) =	sbr.rel @!p0 .LBB2_7-.Ltmp1, $4  }
0x17: {  	[hbm:s11], [sflag:s25] =	dma.local [spmem:s26], $0x2800  }
0x18: {  	_ =	swait.ge [sflag:s16], $0x2800  }
0x19: {  	[sflag:s16] =	ssyncset.done $0x0  }
0x1a: {  	[sflag:s16] =	ssyncadd.s32 $0xFFFFD800  }
.LBB2_1:
0x1b: {  	[tilespmem:s3], [sflag:$0x5] =	stream.linear.gather [hbm4b:s5+s3], $0x1400, $0x38;
	[tilespmem:$0x1D400] =	vst v63  }
0x1c: {  	_ =	swait.ge [sflag:s16], $0x1400  }
0x1d: {  	[sflag:s16] =	ssyncset.done $0x0  }
0x1e: {  	s25 =	simm.s32 $0x0;
	s26 =	simm.s32 $0x200;
	[sflag:s16] =	ssyncadd.s32 $0xFFFFEC00  }
.LBB2_2:
0x1f: {  	p0 =	sne.s32 s26, $0xFE00;
	[tilespmem:s25+$0x1470] =	vst v0  }
0x20: {  	[tilespmem:s25+$0x1400] =	vst v0  }
0x21: {  	[tilespmem:s25+$0x1410] =	vst v0  }
.Ltmp2:
0x22: {  	[tilespmem:s25+$0x1420] =	vst v0;
	(pc) =	sbr.rel @p0 .LBB2_2-.Ltmp2, $4  }
0x23: {  	[tilespmem:s25+$0x1430] =	vst v0  }
0x24: {  	[tilespmem:s25+$0x1440] =	vst v0  }
0x25: {  	[tilespmem:s25+$0x1450] =	vst v0  }
0x26: {  	[tilespmem:s25+$0x1460] =	vst v0;
	s25 =	sshra.s32 s26, $0x2;
	s26 =	sadd.s32 $0x200, s26  }
0x27: {  	[tilespmem:s25+$0x1470] =	vst v0  }
0x28: {  	[tilespmem:s25+$0x1400] =	vst v0  }
0x29: {  	[tilespmem:s25+$0x1410] =	vst v0  }
0x2a: {  	[tilespmem:s25+$0x1420] =	vst v0  }
0x2b: {  	[tilespmem:s25+$0x1430] =	vst v0  }
0x2c: {  	[tilespmem:s25+$0x1440] =	vst v0  }
0x2d: {  	[tilespmem:s25+$0x1450] =	vst v0  }
0x2e: {  	[tilespmem:s25+$0x1460] =	vst v0  }
0x2f: {  	[spmem:s4] =	stream.linear.scatter [tilespmem:s17], [sflag:$0x5], $0x4000, $0x38;
	[tilespmem:$0x1D400] =	vst v63  }
0x30: {  	_ =	swait.ge [sflag:s16], $0x4000  }
0x31: {  	[sflag:s16] =	ssyncset.done $0x0  }
0x32: {  	[sflag:s16] =	ssyncadd.s32 $0xFFFFC000  }
0x33: {  	[spmem:s6] =	stream.linear.scatter [tilespmem:s17], [sflag:$0x5], $0x4000, $0x38;
	[tilespmem:$0x1D400] =	vst v63  }
0x34: {  	_ =	swait.ge [sflag:s16], $0x4000  }
0x35: {  	[sflag:s16] =	ssyncset.done $0x0  }
0x36: {  	[sflag:s16] =	ssyncadd.s32 $0xFFFFC000  }
0x37: {  	[spmem:s7] =	stream.linear.scatter [tilespmem:s17], [sflag:$0x5], $0x4000, $0x38;
	[tilespmem:$0x1D400] =	vst v63  }
0x38: {  	_ =	swait.ge [sflag:s16], $0x4000  }
0x39: {  	[sflag:s16] =	ssyncset.done $0x0  }
0x3a: {  	[sflag:s16] =	ssyncadd.s32 $0xFFFFC000  }
0x3b: {  	[spmem:s8] =	stream.linear.scatter [tilespmem:s17], [sflag:$0x5], $0x4000, $0x38;
	[tilespmem:$0x1D400] =	vst v63  }
0x3c: {  	_ =	swait.ge [sflag:s16], $0x4000  }
0x3d: {  	[sflag:s16] =	ssyncset.done $0x0  }
0x3e: {  	[sflag:s16] =	ssyncadd.s32 $0xFFFFC000  }
0x3f: {  	[spmem:s9] =	stream.linear.scatter [tilespmem:s17], [sflag:$0x5], $0x4000, $0x38;
	[tilespmem:$0x1D400] =	vst v63  }
0x40: {  	_ =	swait.ge [sflag:s16], $0x4000  }
0x41: {  	[sflag:s16] =	ssyncset.done $0x0  }
0x42: {  	[sflag:s16] =	ssyncadd.s32 $0xFFFFC000  }
0x43: {  	s25 =	simm.s32 $0x0;
	[bflag:$0x0] =	sbarrier.arrive $0xFFFF  }
0x44: {  	[tilespmem:s17], [sflag:$0x1] =	stream.linear.gather [hbm4b:s10+s25], $0x4000, $0x38;
	[tilespmem:$0x1D400] =	vst v63  }
0x45: {  	_ =	swait.ge [sflag:s18], $0x4000  }
0x46: {  	[sflag:s18] =	ssyncset.done $0x0  }
0x47: {  	[sflag:s18] =	ssyncadd.s32 $0xFFFFC000  }
0x48: {  	[spmem:s2] =	stream.indirect.scatter.add.f32 [tilespmem:s17], [sflag:$0x3], $0x80, s25, s19, $0xb8;
	[tilespmem:$0x1D400] =	vst v63  }
0x49: {  	_ = 	snop  }
0x4a: {  	[tilespmem:s20], [sflag:$0x2] =	stream.linear.gather [hbm4b:s13+s25], $0x4000, $0x38;
	[tilespmem:$0x1D400] =	vst v63  }
0x4b: {  	_ =	swait.ge [sflag:s21], $0x4000  }
0x4c: {  	[sflag:s21] =	ssyncset.done $0x0  }
0x4d: {  	[sflag:s21] =	ssyncadd.s32 $0xFFFFC000  }
0x4e: {  	[spmem:s2] =	stream.indirect.scatter.add.f32 [tilespmem:s20], [sflag:$0x4], $0x80, s19, s19, $0xb8;
	[tilespmem:$0x1D400] =	vst v63  }
0x4f: {  	_ =	swait.ge [sflag:s22], $0x4000  }
0x50: {  	[sflag:s22] =	ssyncset.done $0x0  }
0x51: {  	s26 =	smov.u32 s15;
	[sflag:s22] =	ssyncadd.s32 $0xFFFFC000  }
0x52: {  	[tilespmem:s17], [sflag:$0x1] =	stream.linear.gather [hbm4b:s14+s25], $0x4000, $0x38;
	[tilespmem:$0x1D400] =	vst v63  }
.LBB2_4:
0x53: {  	_ =	swait.ge [sflag:s18], $0x4000  }
0x54: {  	s28 =	sshra.s32 s25, $0x2;
	[sflag:s18] =	ssyncset.done $0x0  }
0x55: {  	s29 =	sadd.s32 $0x100, s28;
	[sflag:s18] =	ssyncadd.s32 $0xFFFFC000  }
0x56: {  	[spmem:s2] =	stream.indirect.scatter.add.f32 [tilespmem:s17], [sflag:$0x3], $0x80, s29, s19, $0xb8;
	[tilespmem:$0x1D400] =	vst v63  }
0x57: {  	_ =	swait.ge [sflag:s23], $0x4000  }
0x58: {  	[sflag:s23] =	ssyncset.done $0x0  }
0x59: {  	s31 =	sadd.s32 $0xFFFFF800, s26;
	[sflag:s23] =	ssyncadd.s32 $0xFFFFC000  }
0x5a: {  	[tilespmem:s20], [sflag:$0x2] =	stream.linear.gather [hbm4b:s31+s3], $0x4000, $0x38;
	[tilespmem:$0x1D400] =	vst v63  }
0x5b: {  	_ =	swait.ge [sflag:s21], $0x4000  }
0x5c: {  	p0 =	seq.s32 s25, $0x4800;
	[sflag:s21] =	ssyncset.done $0x0  }
.Ltmp3:
0x5d: {  	s28 =	sadd.s32 $0x180, s28;
	[sflag:s21] =	ssyncadd.s32 $0xFFFFC000;
	(pc) =	sbr.rel @p0 .LBB2_6-.Ltmp3, $4  }
0x5e: {  	[spmem:s2] =	stream.indirect.scatter.add.f32 [tilespmem:s20], [sflag:$0x4], $0x80, s28, s19, $0xb8;
	[tilespmem:$0x1D400] =	vst v63  }
0x5f: {  	_ =	swait.ge [sflag:s22], $0x4000  }
0x60: {  	[sflag:s22] =	ssyncset.done $0x0  }
0x61: {  	[sflag:s22] =	ssyncadd.s32 $0xFFFFC000  }
.Ltmp4:
0x62: {  	(pc) =	sbr.rel .LBB2_4-.Ltmp4, $3  }
0x63: {  	_ =	sdelay $0x1  }
0x64: {  	[tilespmem:s17], [sflag:$0x1] =	stream.linear.gather [hbm4b:s26+s3], $0x4000, $0x38;
	[tilespmem:$0x1D400] =	vst v63  }
0x65: {  	s25 =	sadd.s32 $0x400, s25;
	s26 =	sadd.s32 $0x1000, s26  }
.LBB2_7:
0x66: {  	_ =	sfence.sel $0x180000  }
0x67: {  	[bflag:$0x0] =	sbarrier.arrive $0xFFFF  }
0x68: {  	p0 =	sne.s32 s1, $0x0;
	_ =	strace $0x9000005F  }
0x69: {  	s0 =	sadd.s32 @!p0 $0x100000, s0;
	[bflag:$0x2] =	sbarrier.arrive $0xFFFF  }
0x6a: {  	[sflag:s0] =	ssyncadd.tile.s32 @!p0 $0x1;
	_ =	shalt  }
.Lfunc_end2:
_tile_overlayer_lowered:
.L_overlay_start_2:
0x6b: {  	(tag) =	ssettag $0x2  }
0x6c: {  	s0 =	rddreg [dreg:$0x0];
	s2 =	stileid.u32  }
0x6d: {  	s1 =	rddreg [dreg:$0x1];
	p0 =	sne.s32 s2, $0x0  }
0x6e: {  	s3 =	rddreg [dreg:$0x2];
	[bflag:$0x3] =	sbarrier.arrive $0xFFFF;
	s2 =	simm.s32 @!p0 $0x1C05  }
0x6f: {  	[timem:s3], [sflag:s2] =	dma.local @!p0 [hbm:s0], s1  }
0x70: {  	s0 =	simm.s32 @!p0 $0x5  }
0x71: {  	_ =	swait.ge @!p0 [sflag:s0], s1  }
0x72: {  	s1 =	ssub.s32 @!p0 $0x0, s1;
	[sflag:s0] =	ssyncset.done @!p0 $0x0  }
0x73: {  	[sflag:s0] =	ssyncadd.s32 @!p0 s1  }
0x74: {  	[bflag:$0x3] =	sbarrier.arrive $0xFFFF  }
0x75: {  	_ =	shalt  }

</sc_bundles>
